<compile_context>
chip_gen: v7x
topology: tpu7x:2x2x1
jax: 0.10.2.dev20260603
libtpu: 0.0.44.dev20260713+nightly
codegen_flags: <defaults>
</compile_context>

<pallas_src>
import functools

import jax
import jax.numpy as jnp
from jax import lax
from jax.experimental import pallas as pl
from jax.experimental.pallas import tpu as pltpu
from jax.experimental.pallas import tpu_sc as plsc

NUM_CORES = 2
NUM_SUBCORES = 16
NW = NUM_CORES * NUM_SUBCORES

TOK_R = 4
K = 4
S = 2
NBUF = K + S

PAD_C = 56
PAD_D = 128


def _make_lookup(R, C, D):
    assert R % (NW * TOK_R) == 0
    rows_w = R // NW
    n = rows_w // TOK_R
    G = TOK_R * C
    mesh = plsc.VectorSubcoreMesh(core_axis_name="c", subcore_axis_name="s")

    @functools.partial(
        pl.kernel,
        out_type=jax.ShapeDtypeStruct((R * PAD_C, PAD_D), jnp.float32),
        mesh=mesh,
        scratch_types=(
            [pltpu.VMEM((rows_w * C,), jnp.int32),
             pltpu.VMEM((NBUF, G, D), jnp.float32)]
            + [pltpu.SemaphoreType.DMA] * (2 * NBUF)
        ),
        compiler_params=pltpu.CompilerParams(
            use_tc_tiling_on_sc=False, needs_layout_passes=False),
    )
    def lookup(ids_hbm, w_hbm, out_hbm, idx_v, rows_v, *sems):
        sem_g = sems[:NBUF]
        sem_s = sems[NBUF:]
        wid = lax.axis_index("s") * NUM_CORES + lax.axis_index("c")
        base = wid * rows_w
        pltpu.sync_copy(ids_hbm.at[pl.ds(base * C, rows_w * C)], idx_v)

        def gather_pair(j, b):
            idx = idx_v.at[pl.ds(j * G, G)]
            return w_hbm.at[idx], rows_v.at[b]

        def start_gather(j, b):
            src, dst = gather_pair(j, b)
            pltpu.async_copy(src, dst, sem_g[b])

        def wait_gather(j, b):
            src, dst = gather_pair(j, b)
            pltpu.make_async_copy(src, dst, sem_g[b]).wait()

        def store_pairs(j, b):
            for r in range(TOK_R):
                t = base + j * TOK_R + r
                yield (rows_v.at[b].at[pl.ds(r * C, C)],
                       out_hbm.at[pl.ds(t * PAD_C, C), pl.ds(0, D)])

        def start_store(j, b):
            for src, dst in store_pairs(j, b):
                pltpu.async_copy(src, dst, sem_s[b])

        def wait_store(j, b):
            for src, dst in store_pairs(j, b):
                pltpu.make_async_copy(src, dst, sem_s[b]).wait()

        def body(j, b, bf, first, last):
            if not first:
                wait_store(j - S, bf)
            if not last:
                start_gather(j + K, bf)
            wait_gather(j, b)
            start_store(j, b)

        for j in range(K):
            start_gather(j, j % NBUF)

        for j in range(S):
            body(j, j % NBUF, (j + K) % NBUF, first=True, last=False)

        n_steady = n - K - S
        n_groups, leftover = divmod(n_steady, NBUF)

        @pl.loop(0, n_groups)
        def _group(g):
            for i in range(NBUF):
                b = (S + i) % NBUF
                j = S + g * NBUF + i
                body(j, b, (S + i + K) % NBUF, first=False, last=False)

        for i in range(leftover):
            j = S + n_groups * NBUF + i
            body(j, j % NBUF, (j + K) % NBUF, first=False, last=False)

        for i in range(K):
            j = n - K + i
            body(j, j % NBUF, (j + K) % NBUF, first=False, last=True)

        for i in range(S):
            j = n - S + i
            wait_store(j, j % NBUF)

    return lookup


def kernel(token_ids, W):
    R, C = token_ids.shape
    D = W.shape[1]
    ids_flat = token_ids.reshape(-1).astype(jnp.int32)
    out_padded = _make_lookup(R, C, D)(ids_flat, W)
    return out_padded.reshape(R, PAD_C, PAD_D)[:, :C, :D]

# --- scband reference (transcript-rebuilt; emitter-appended) ---
"""Pipeline reference for scband-embedding-82987358093926 (READ-ONLY COPY).

The authoritative reference and input builder live on the scoring server;
editing this copy changes nothing except your own understanding.
"""

import jax, jax.numpy as jnp
import numpy as np

NUM_EMBEDDINGS = 1000000
EMBEDDING_DIM = 64

def setup_inputs(seed: int = 0) -> dict:
    key = jax.random.key(seed)
    k_idx, k_w = jax.random.split(key)
    token_ids = jax.random.randint(k_idx, (16384, 50), 0, NUM_EMBEDDINGS, dtype=jnp.int64 if jax.config.jax_enable_x64 else jnp.int32)
    # trunc_normal_(mean=0, std=1, a=-3, b=3) approximated by clipped standard normal
    W = jnp.clip(jax.random.normal(k_w, (NUM_EMBEDDINGS, EMBEDDING_DIM), dtype=jnp.float32), -3.0, 3.0)
    return {"token_ids": token_ids, "W": W}

def reference(token_ids, W):
    # Embedding.forward: self.weight[token_ids]
    return jnp.take(W, token_ids, axis=0)

if __name__ == "__main__":
    import jax
    _d = setup_inputs()
    print(jax.jit(kernel)(*tuple(_d.values())))

</pallas_src>

<mosaic_0001>
#map = affine_map<(d0, d1) -> (0)>
#map1 = affine_map<(d0, d1) -> (0, 0)>
module attributes {stable_mosaic.version = 14 : i64} {
  func.func @lookup(%arg0: i32, %arg1: i32, %arg2: memref<819200xi32, #tpu.memory_space<hbm>>, %arg3: memref<1000000x64xf32, #tpu.memory_space<hbm>>, %arg4: memref<917504x128xf32, #tpu.memory_space<hbm>>, %arg5: memref<25600xi32, #tpu.memory_space<vmem>>, %arg6: memref<6x200x64xf32, #tpu.memory_space<vmem>>, %arg7: memref<!tpu.dma_semaphore, #tpu.memory_space<semaphore_mem>>, %arg8: memref<!tpu.dma_semaphore, #tpu.memory_space<semaphore_mem>>, %arg9: memref<!tpu.dma_semaphore, #tpu.memory_space<semaphore_mem>>, %arg10: memref<!tpu.dma_semaphore, #tpu.memory_space<semaphore_mem>>, %arg11: memref<!tpu.dma_semaphore, #tpu.memory_space<semaphore_mem>>, %arg12: memref<!tpu.dma_semaphore, #tpu.memory_space<semaphore_mem>>, %arg13: memref<!tpu.dma_semaphore, #tpu.memory_space<semaphore_mem>>, %arg14: memref<!tpu.dma_semaphore, #tpu.memory_space<semaphore_mem>>, %arg15: memref<!tpu.dma_semaphore, #tpu.memory_space<semaphore_mem>>, %arg16: memref<!tpu.dma_semaphore, #tpu.memory_space<semaphore_mem>>, %arg17: memref<!tpu.dma_semaphore, #tpu.memory_space<semaphore_mem>>, %arg18: memref<!tpu.dma_semaphore, #tpu.memory_space<semaphore_mem>>) attributes {dimension_semantics = [#tpu.dimension_semantics<core_parallel>, #tpu.dimension_semantics<subcore_parallel>], iteration_bounds = array<i64: 2, 16>, scalar_prefetch = 0 : i64, scratch_operands = 14 : i64, tpu.core_type = #tpu.core_type<sc_vector_subcore>, window_params = [{transform_indices = #map}, {transform_indices = #map1}, {transform_indices = #map1}]} {
    %mul3A = arith.constant 2 : i32
    %mul3A_0 = arith.muli %arg1, %mul3A : i32
    %add3A = arith.addi %mul3A_0, %arg0 : i32
    %mul3A_1 = arith.constant 512 : i32
    %mul3A_2 = arith.muli %add3A, %mul3A_1 : i32
    %mul3A_3 = arith.constant 50 : i32
    %mul3A_4 = arith.muli %mul3A_2, %mul3A_3 : i32
    "tpu.region"() ({
      %run_scoped3A = tpu.sem_alloc : memref<!tpu.dma_semaphore, #tpu.memory_space<semaphore_mem>>
      %dma_start3A_1767 = tpu.memref_slice %arg2[%mul3A_4] : memref<819200xi32, #tpu.memory_space<hbm>> -> memref<25600xi32, #tpu.memory_space<hbm>>
      %dma_start3A_1768 = tpu.memref_slice %arg2[%mul3A_4] : memref<819200xi32, #tpu.memory_space<hbm>> -> memref<25600xi32, #tpu.memory_space<hbm>>
      tpu.enqueue_dma source(%dma_start3A_1768 : memref<25600xi32, #tpu.memory_space<hbm>>) target(%arg5 : memref<25600xi32, #tpu.memory_space<vmem>>) target_semaphore(%run_scoped3A : memref<!tpu.dma_semaphore, #tpu.memory_space<semaphore_mem>>)
      %dma_wait3A_1769 = tpu.memref_slice %arg2[%mul3A_4] : memref<819200xi32, #tpu.memory_space<hbm>> -> memref<25600xi32, #tpu.memory_space<hbm>>
      %dma_wait3A_1770 = tpu.memref_slice %arg2[%mul3A_4] : memref<819200xi32, #tpu.memory_space<hbm>> -> memref<25600xi32, #tpu.memory_space<hbm>>
      tpu.wait_dma2 semaphore(%run_scoped3A : memref<!tpu.dma_semaphore, #tpu.memory_space<semaphore_mem>>) src(%dma_wait3A_1770 : memref<25600xi32, #tpu.memory_space<hbm>>) dst(%arg5 : memref<25600xi32, #tpu.memory_space<vmem>>)
      tpu.yield
    }) : () -> ()
    %dma_start3A = arith.constant 0 : i32
    %dma_start3A_5 = arith.constant 0 : i32
    %dma_start3A_6 = arith.constant 0 : i32
    %dma_start3A_7 = tpu.memref_slice %arg6[%dma_start3A, %dma_start3A_5, %dma_start3A_6] : memref<6x200x64xf32, #tpu.memory_space<vmem>> -> memref<1x200x64xf32, #tpu.memory_space<vmem>>
    %dma_start3A_8 = tpu.memref_squeeze %dma_start3A_7 : memref<1x200x64xf32, #tpu.memory_space<vmem>> -> memref<200x64xf32, #tpu.memory_space<vmem>>
    %dma_start3A_9 = arith.constant 0 : i32
    %dma_start3A_10 = tpu.memref_slice %arg5[%dma_start3A_9] : memref<25600xi32, #tpu.memory_space<vmem>> -> memref<200xi32, #tpu.memory_space<vmem>>
    %dma_start3A_11 = arith.constant 0 : i32
    %dma_start3A_12 = arith.constant 0 : i32
    %dma_start3A_13 = tpu.memref_slice %arg3[%dma_start3A_11, %dma_start3A_12] : memref<1000000x64xf32, #tpu.memory_space<hbm>> -> memref<1000000x64xf32, #tpu.memory_space<hbm>>
    tpu.enqueue_indirect_dma source(%dma_start3A_13 : memref<1000000x64xf32, #tpu.memory_space<hbm>>) target(%dma_start3A_8 : memref<200x64xf32, #tpu.memory_space<vmem>>) offsets(%dma_start3A_10 : memref<200xi32, #tpu.memory_space<vmem>>) semaphore(%arg7 : memref<!tpu.dma_semaphore, #tpu.memory_space<semaphore_mem>>)
    %dma_start3A_14 = arith.constant 1 : i32
    %dma_start3A_15 = arith.constant 0 : i32
    %dma_start3A_16 = arith.constant 0 : i32
    %dma_start3A_17 = tpu.memref_slice %arg6[%dma_start3A_14, %dma_start3A_15, %dma_start3A_16] : memref<6x200x64xf32, #tpu.memory_space<vmem>> -> memref<1x200x64xf32, #tpu.memory_space<vmem>>
    %dma_start3A_18 = tpu.memref_squeeze %dma_start3A_17 : memref<1x200x64xf32, #tpu.memory_space<vmem>> -> memref<200x64xf32, #tpu.memory_space<vmem>>
    %dma_start3A_19 = arith.constant 200 : i32
    %dma_start3A_20 = tpu.memref_slice %arg5[%dma_start3A_19] : memref<25600xi32, #tpu.memory_space<vmem>> -> memref<200xi32, #tpu.memory_space<vmem>>
    %dma_start3A_21 = arith.constant 0 : i32
    %dma_start3A_22 = arith.constant 0 : i32
    %dma_start3A_23 = tpu.memref_slice %arg3[%dma_start3A_21, %dma_start3A_22] : memref<1000000x64xf32, #tpu.memory_space<hbm>> -> memref<1000000x64xf32, #tpu.memory_space<hbm>>
    tpu.enqueue_indirect_dma source(%dma_start3A_23 : memref<1000000x64xf32, #tpu.memory_space<hbm>>) target(%dma_start3A_18 : memref<200x64xf32, #tpu.memory_space<vmem>>) offsets(%dma_start3A_20 : memref<200xi32, #tpu.memory_space<vmem>>) semaphore(%arg8 : memref<!tpu.dma_semaphore, #tpu.memory_space<semaphore_mem>>)
    %dma_start3A_24 = arith.constant 2 : i32
    %dma_start3A_25 = arith.constant 0 : i32
    %dma_start3A_26 = arith.constant 0 : i32
    %dma_start3A_27 = tpu.memref_slice %arg6[%dma_start3A_24, %dma_start3A_25, %dma_start3A_26] : memref<6x200x64xf32, #tpu.memory_space<vmem>> -> memref<1x200x64xf32, #tpu.memory_space<vmem>>
    %dma_start3A_28 = tpu.memref_squeeze %dma_start3A_27 : memref<1x200x64xf32, #tpu.memory_space<vmem>> -> memref<200x64xf32, #tpu.memory_space<vmem>>
    %dma_start3A_29 = arith.constant 400 : i32
    %dma_start3A_30 = tpu.memref_slice %arg5[%dma_start3A_29] : memref<25600xi32, #tpu.memory_space<vmem>> -> memref<200xi32, #tpu.memory_space<vmem>>
    %dma_start3A_31 = arith.constant 0 : i32
    %dma_start3A_32 = arith.constant 0 : i32
    %dma_start3A_33 = tpu.memref_slice %arg3[%dma_start3A_31, %dma_start3A_32] : memref<1000000x64xf32, #tpu.memory_space<hbm>> -> memref<1000000x64xf32, #tpu.memory_space<hbm>>
    tpu.enqueue_indirect_dma source(%dma_start3A_33 : memref<1000000x64xf32, #tpu.memory_space<hbm>>) target(%dma_start3A_28 : memref<200x64xf32, #tpu.memory_space<vmem>>) offsets(%dma_start3A_30 : memref<200xi32, #tpu.memory_space<vmem>>) semaphore(%arg9 : memref<!tpu.dma_semaphore, #tpu.memory_space<semaphore_mem>>)
    %dma_start3A_34 = arith.constant 3 : i32
    %dma_start3A_35 = arith.constant 0 : i32
    %dma_start3A_36 = arith.constant 0 : i32
    %dma_start3A_37 = tpu.memref_slice %arg6[%dma_start3A_34, %dma_start3A_35, %dma_start3A_36] : memref<6x200x64xf32, #tpu.memory_space<vmem>> -> memref<1x200x64xf32, #tpu.memory_space<vmem>>
    %dma_start3A_38 = tpu.memref_squeeze %dma_start3A_37 : memref<1x200x64xf32, #tpu.memory_space<vmem>> -> memref<200x64xf32, #tpu.memory_space<vmem>>
    %dma_start3A_39 = arith.constant 600 : i32
    %dma_start3A_40 = tpu.memref_slice %arg5[%dma_start3A_39] : memref<25600xi32, #tpu.memory_space<vmem>> -> memref<200xi32, #tpu.memory_space<vmem>>
    %dma_start3A_41 = arith.constant 0 : i32
    %dma_start3A_42 = arith.constant 0 : i32
    %dma_start3A_43 = tpu.memref_slice %arg3[%dma_start3A_41, %dma_start3A_42] : memref<1000000x64xf32, #tpu.memory_space<hbm>> -> memref<1000000x64xf32, #tpu.memory_space<hbm>>
    tpu.enqueue_indirect_dma source(%dma_start3A_43 : memref<1000000x64xf32, #tpu.memory_space<hbm>>) target(%dma_start3A_38 : memref<200x64xf32, #tpu.memory_space<vmem>>) offsets(%dma_start3A_40 : memref<200xi32, #tpu.memory_space<vmem>>) semaphore(%arg10 : memref<!tpu.dma_semaphore, #tpu.memory_space<semaphore_mem>>)
    %dma_start3A_44 = arith.constant 4 : i32
    %dma_start3A_45 = arith.constant 0 : i32
    %dma_start3A_46 = arith.constant 0 : i32
    %dma_start3A_47 = tpu.memref_slice %arg6[%dma_start3A_44, %dma_start3A_45, %dma_start3A_46] : memref<6x200x64xf32, #tpu.memory_space<vmem>> -> memref<1x200x64xf32, #tpu.memory_space<vmem>>
    %dma_start3A_48 = tpu.memref_squeeze %dma_start3A_47 : memref<1x200x64xf32, #tpu.memory_space<vmem>> -> memref<200x64xf32, #tpu.memory_space<vmem>>
    %dma_start3A_49 = arith.constant 800 : i32
    %dma_start3A_50 = tpu.memref_slice %arg5[%dma_start3A_49] : memref<25600xi32, #tpu.memory_space<vmem>> -> memref<200xi32, #tpu.memory_space<vmem>>
    %dma_start3A_51 = arith.constant 0 : i32
    %dma_start3A_52 = arith.constant 0 : i32
    %dma_start3A_53 = tpu.memref_slice %arg3[%dma_start3A_51, %dma_start3A_52] : memref<1000000x64xf32, #tpu.memory_space<hbm>> -> memref<1000000x64xf32, #tpu.memory_space<hbm>>
    tpu.enqueue_indirect_dma source(%dma_start3A_53 : memref<1000000x64xf32, #tpu.memory_space<hbm>>) target(%dma_start3A_48 : memref<200x64xf32, #tpu.memory_space<vmem>>) offsets(%dma_start3A_50 : memref<200xi32, #tpu.memory_space<vmem>>) semaphore(%arg11 : memref<!tpu.dma_semaphore, #tpu.memory_space<semaphore_mem>>)
    %dma_wait3A = arith.constant 0 : i32
    %dma_wait3A_54 = arith.constant 0 : i32
    %dma_wait3A_55 = arith.constant 0 : i32
    %dma_wait3A_56 = tpu.memref_slice %arg6[%dma_wait3A, %dma_wait3A_54, %dma_wait3A_55] : memref<6x200x64xf32, #tpu.memory_space<vmem>> -> memref<1x200x64xf32, #tpu.memory_space<vmem>>
    %dma_wait3A_57 = tpu.memref_squeeze %dma_wait3A_56 : memref<1x200x64xf32, #tpu.memory_space<vmem>> -> memref<200x64xf32, #tpu.memory_space<vmem>>
    %dma_wait3A_58 = arith.constant 0 : i32
    %dma_wait3A_59 = tpu.memref_slice %arg5[%dma_wait3A_58] : memref<25600xi32, #tpu.memory_space<vmem>> -> memref<200xi32, #tpu.memory_space<vmem>>
    %dma_wait3A_60 = arith.constant 0 : i32
    %dma_wait3A_61 = arith.constant 0 : i32
    %dma_wait3A_62 = tpu.memref_slice %arg3[%dma_wait3A_60, %dma_wait3A_61] : memref<1000000x64xf32, #tpu.memory_space<hbm>> -> memref<1000000x64xf32, #tpu.memory_space<hbm>>
    tpu.wait_indirect_dma semaphore(%arg7 : memref<!tpu.dma_semaphore, #tpu.memory_space<semaphore_mem>>) src(%dma_wait3A_62 : memref<1000000x64xf32, #tpu.memory_space<hbm>>) dst(%dma_wait3A_57 : memref<200x64xf32, #tpu.memory_space<vmem>>)
    %add3A_63 = arith.constant 0 : i32
    %add3A_64 = arith.addi %mul3A_2, %add3A_63 : i32
    %add3A_65 = arith.constant 0 : i32
    %add3A_66 = arith.addi %add3A_64, %add3A_65 : i32
    %mul3A_67 = arith.constant 56 : i32
    %mul3A_68 = arith.muli %add3A_66, %mul3A_67 : i32
    %dma_start3A_69 = arith.constant 0 : i32
    %dma_start3A_70 = arith.constant 0 : i32
    %dma_start3A_71 = arith.constant 0 : i32
    %dma_start3A_72 = tpu.memref_slice %arg6[%dma_start3A_69, %dma_start3A_70, %dma_start3A_71] : memref<6x200x64xf32, #tpu.memory_space<vmem>> -> memref<1x200x64xf32, #tpu.memory_space<vmem>>
    %dma_start3A_73 = tpu.memref_squeeze %dma_start3A_72 : memref<1x200x64xf32, #tpu.memory_space<vmem>> -> memref<200x64xf32, #tpu.memory_space<vmem>>
    %dma_start3A_74 = arith.constant 0 : i32
    %dma_start3A_75 = arith.constant 0 : i32
    %dma_start3A_76 = tpu.memref_slice %dma_start3A_73[%dma_start3A_74, %dma_start3A_75] : memref<200x64xf32, #tpu.memory_space<vmem>> -> memref<50x64xf32, #tpu.memory_space<vmem>>
    %dma_start3A_77 = arith.constant 0 : i32
    %dma_start3A_78 = tpu.memref_slice %arg4[%mul3A_68, %dma_start3A_77] : memref<917504x128xf32, #tpu.memory_space<hbm>> -> memref<50x64xf32, #tpu.memory_space<hbm>>
    %dma_start3A_79 = arith.constant 0 : i32
    %dma_start3A_80 = tpu.memref_slice %arg4[%mul3A_68, %dma_start3A_79] : memref<917504x128xf32, #tpu.memory_space<hbm>> -> memref<50x64xf32, #tpu.memory_space<hbm>>
    %dma_start3A_81 = arith.constant 0 : i32
    %dma_start3A_82 = arith.constant 0 : i32
    %dma_start3A_83 = tpu.memref_slice %arg6[%dma_start3A_69, %dma_start3A_81, %dma_start3A_82] : memref<6x200x64xf32, #tpu.memory_space<vmem>> -> memref<1x200x64xf32, #tpu.memory_space<vmem>>
    %dma_start3A_84 = tpu.memref_squeeze %dma_start3A_83 : memref<1x200x64xf32, #tpu.memory_space<vmem>> -> memref<200x64xf32, #tpu.memory_space<vmem>>
    %dma_start3A_85 = arith.constant 0 : i32
    %dma_start3A_86 = arith.constant 0 : i32
    %dma_start3A_87 = tpu.memref_slice %dma_start3A_84[%dma_start3A_85, %dma_start3A_86] : memref<200x64xf32, #tpu.memory_space<vmem>> -> memref<50x64xf32, #tpu.memory_space<vmem>>
    tpu.enqueue_dma source(%dma_start3A_87 : memref<50x64xf32, #tpu.memory_space<vmem>>) target(%dma_start3A_80 : memref<50x64xf32, #tpu.memory_space<hbm>>) target_semaphore(%arg13 : memref<!tpu.dma_semaphore, #tpu.memory_space<semaphore_mem>>)
    %add3A_88 = arith.constant 0 : i32
    %add3A_89 = arith.addi %mul3A_2, %add3A_88 : i32
    %add3A_90 = arith.constant 1 : i32
    %add3A_91 = arith.addi %add3A_89, %add3A_90 : i32
    %mul3A_92 = arith.constant 56 : i32
    %mul3A_93 = arith.muli %add3A_91, %mul3A_92 : i32
    %dma_start3A_94 = arith.constant 0 : i32
    %dma_start3A_95 = arith.constant 0 : i32
    %dma_start3A_96 = arith.constant 0 : i32
    %dma_start3A_97 = tpu.memref_slice %arg6[%dma_start3A_94, %dma_start3A_95, %dma_start3A_96] : memref<6x200x64xf32, #tpu.memory_space<vmem>> -> memref<1x200x64xf32, #tpu.memory_space<vmem>>
    %dma_start3A_98 = tpu.memref_squeeze %dma_start3A_97 : memref<1x200x64xf32, #tpu.memory_space<vmem>> -> memref<200x64xf32, #tpu.memory_space<vmem>>
    %dma_start3A_99 = arith.constant 50 : i32
    %dma_start3A_100 = arith.constant 0 : i32
    %dma_start3A_101 = tpu.memref_slice %dma_start3A_98[%dma_start3A_99, %dma_start3A_100] : memref<200x64xf32, #tpu.memory_space<vmem>> -> memref<50x64xf32, #tpu.memory_space<vmem>>
    %dma_start3A_102 = arith.constant 0 : i32
    %dma_start3A_103 = tpu.memref_slice %arg4[%mul3A_93, %dma_start3A_102] : memref<917504x128xf32, #tpu.memory_space<hbm>> -> memref<50x64xf32, #tpu.memory_space<hbm>>
    %dma_start3A_104 = arith.constant 0 : i32
    %dma_start3A_105 = tpu.memref_slice %arg4[%mul3A_93, %dma_start3A_104] : memref<917504x128xf32, #tpu.memory_space<hbm>> -> memref<50x64xf32, #tpu.memory_space<hbm>>
    %dma_start3A_106 = arith.constant 0 : i32
    %dma_start3A_107 = arith.constant 0 : i32
    %dma_start3A_108 = tpu.memref_slice %arg6[%dma_start3A_94, %dma_start3A_106, %dma_start3A_107] : memref<6x200x64xf32, #tpu.memory_space<vmem>> -> memref<1x200x64xf32, #tpu.memory_space<vmem>>
    %dma_start3A_109 = tpu.memref_squeeze %dma_start3A_108 : memref<1x200x64xf32, #tpu.memory_space<vmem>> -> memref<200x64xf32, #tpu.memory_space<vmem>>
    %dma_start3A_110 = arith.constant 50 : i32
    %dma_start3A_111 = arith.constant 0 : i32
    %dma_start3A_112 = tpu.memref_slice %dma_start3A_109[%dma_start3A_110, %dma_start3A_111] : memref<200x64xf32, #tpu.memory_space<vmem>> -> memref<50x64xf32, #tpu.memory_space<vmem>>
    tpu.enqueue_dma source(%dma_start3A_112 : memref<50x64xf32, #tpu.memory_space<vmem>>) target(%dma_start3A_105 : memref<50x64xf32, #tpu.memory_space<hbm>>) target_semaphore(%arg13 : memref<!tpu.dma_semaphore, #tpu.memory_space<semaphore_mem>>)
    %add3A_113 = arith.constant 0 : i32
    %add3A_114 = arith.addi %mul3A_2, %add3A_113 : i32
    %add3A_115 = arith.constant 2 : i32
    %add3A_116 = arith.addi %add3A_114, %add3A_115 : i32
    %mul3A_117 = arith.constant 56 : i32
    %mul3A_118 = arith.muli %add3A_116, %mul3A_117 : i32
    %dma_start3A_119 = arith.constant 0 : i32
    %dma_start3A_120 = arith.constant 0 : i32
    %dma_start3A_121 = arith.constant 0 : i32
    %dma_start3A_122 = tpu.memref_slice %arg6[%dma_start3A_119, %dma_start3A_120, %dma_start3A_121] : memref<6x200x64xf32, #tpu.memory_space<vmem>> -> memref<1x200x64xf32, #tpu.memory_space<vmem>>
    %dma_start3A_123 = tpu.memref_squeeze %dma_start3A_122 : memref<1x200x64xf32, #tpu.memory_space<vmem>> -> memref<200x64xf32, #tpu.memory_space<vmem>>
    %dma_start3A_124 = arith.constant 100 : i32
    %dma_start3A_125 = arith.constant 0 : i32
    %dma_start3A_126 = tpu.memref_slice %dma_start3A_123[%dma_start3A_124, %dma_start3A_125] : memref<200x64xf32, #tpu.memory_space<vmem>> -> memref<50x64xf32, #tpu.memory_space<vmem>>
    %dma_start3A_127 = arith.constant 0 : i32
    %dma_start3A_128 = tpu.memref_slice %arg4[%mul3A_118, %dma_start3A_127] : memref<917504x128xf32, #tpu.memory_space<hbm>> -> memref<50x64xf32, #tpu.memory_space<hbm>>
    %dma_start3A_129 = arith.constant 0 : i32
    %dma_start3A_130 = tpu.memref_slice %arg4[%mul3A_118, %dma_start3A_129] : memref<917504x128xf32, #tpu.memory_space<hbm>> -> memref<50x64xf32, #tpu.memory_space<hbm>>
    %dma_start3A_131 = arith.constant 0 : i32
    %dma_start3A_132 = arith.constant 0 : i32
    %dma_start3A_133 = tpu.memref_slice %arg6[%dma_start3A_119, %dma_start3A_131, %dma_start3A_132] : memref<6x200x64xf32, #tpu.memory_space<vmem>> -> memref<1x200x64xf32, #tpu.memory_space<vmem>>
    %dma_start3A_134 = tpu.memref_squeeze %dma_start3A_133 : memref<1x200x64xf32, #tpu.memory_space<vmem>> -> memref<200x64xf32, #tpu.memory_space<vmem>>
    %dma_start3A_135 = arith.constant 100 : i32
    %dma_start3A_136 = arith.constant 0 : i32
    %dma_start3A_137 = tpu.memref_slice %dma_start3A_134[%dma_start3A_135, %dma_start3A_136] : memref<200x64xf32, #tpu.memory_space<vmem>> -> memref<50x64xf32, #tpu.memory_space<vmem>>
    tpu.enqueue_dma source(%dma_start3A_137 : memref<50x64xf32, #tpu.memory_space<vmem>>) target(%dma_start3A_130 : memref<50x64xf32, #tpu.memory_space<hbm>>) target_semaphore(%arg13 : memref<!tpu.dma_semaphore, #tpu.memory_space<semaphore_mem>>)
    %add3A_138 = arith.constant 0 : i32
    %add3A_139 = arith.addi %mul3A_2, %add3A_138 : i32
    %add3A_140 = arith.constant 3 : i32
    %add3A_141 = arith.addi %add3A_139, %add3A_140 : i32
    %mul3A_142 = arith.constant 56 : i32
    %mul3A_143 = arith.muli %add3A_141, %mul3A_142 : i32
    %dma_start3A_144 = arith.constant 0 : i32
    %dma_start3A_145 = arith.constant 0 : i32
    %dma_start3A_146 = arith.constant 0 : i32
    %dma_start3A_147 = tpu.memref_slice %arg6[%dma_start3A_144, %dma_start3A_145, %dma_start3A_146] : memref<6x200x64xf32, #tpu.memory_space<vmem>> -> memref<1x200x64xf32, #tpu.memory_space<vmem>>
    %dma_start3A_148 = tpu.memref_squeeze %dma_start3A_147 : memref<1x200x64xf32, #tpu.memory_space<vmem>> -> memref<200x64xf32, #tpu.memory_space<vmem>>
    %dma_start3A_149 = arith.constant 150 : i32
    %dma_start3A_150 = arith.constant 0 : i32
    %dma_start3A_151 = tpu.memref_slice %dma_start3A_148[%dma_start3A_149, %dma_start3A_150] : memref<200x64xf32, #tpu.memory_space<vmem>> -> memref<50x64xf32, #tpu.memory_space<vmem>>
    %dma_start3A_152 = arith.constant 0 : i32
    %dma_start3A_153 = tpu.memref_slice %arg4[%mul3A_143, %dma_start3A_152] : memref<917504x128xf32, #tpu.memory_space<hbm>> -> memref<50x64xf32, #tpu.memory_space<hbm>>
    %dma_start3A_154 = arith.constant 0 : i32
    %dma_start3A_155 = tpu.memref_slice %arg4[%mul3A_143, %dma_start3A_154] : memref<917504x128xf32, #tpu.memory_space<hbm>> -> memref<50x64xf32, #tpu.memory_space<hbm>>
    %dma_start3A_156 = arith.constant 0 : i32
    %dma_start3A_157 = arith.constant 0 : i32
    %dma_start3A_158 = tpu.memref_slice %arg6[%dma_start3A_144, %dma_start3A_156, %dma_start3A_157] : memref<6x200x64xf32, #tpu.memory_space<vmem>> -> memref<1x200x64xf32, #tpu.memory_space<vmem>>
    %dma_start3A_159 = tpu.memref_squeeze %dma_start3A_158 : memref<1x200x64xf32, #tpu.memory_space<vmem>> -> memref<200x64xf32, #tpu.memory_space<vmem>>
    %dma_start3A_160 = arith.constant 150 : i32
    %dma_start3A_161 = arith.constant 0 : i32
    %dma_start3A_162 = tpu.memref_slice %dma_start3A_159[%dma_start3A_160, %dma_start3A_161] : memref<200x64xf32, #tpu.memory_space<vmem>> -> memref<50x64xf32, #tpu.memory_space<vmem>>
    tpu.enqueue_dma source(%dma_start3A_162 : memref<50x64xf32, #tpu.memory_space<vmem>>) target(%dma_start3A_155 : memref<50x64xf32, #tpu.memory_space<hbm>>) target_semaphore(%arg13 : memref<!tpu.dma_semaphore, #tpu.memory_space<semaphore_mem>>)
    %dma_start3A_163 = arith.constant 5 : i32
    %dma_start3A_164 = arith.constant 0 : i32
    %dma_start3A_165 = arith.constant 0 : i32
    %dma_start3A_166 = tpu.memref_slice %arg6[%dma_start3A_163, %dma_start3A_164, %dma_start3A_165] : memref<6x200x64xf32, #tpu.memory_space<vmem>> -> memref<1x200x64xf32, #tpu.memory_space<vmem>>
    %dma_start3A_167 = tpu.memref_squeeze %dma_start3A_166 : memref<1x200x64xf32, #tpu.memory_space<vmem>> -> memref<200x64xf32, #tpu.memory_space<vmem>>
    %dma_start3A_168 = arith.constant 1000 : i32
    %dma_start3A_169 = tpu.memref_slice %arg5[%dma_start3A_168] : memref<25600xi32, #tpu.memory_space<vmem>> -> memref<200xi32, #tpu.memory_space<vmem>>
    %dma_start3A_170 = arith.constant 0 : i32
    %dma_start3A_171 = arith.constant 0 : i32
    %dma_start3A_172 = tpu.memref_slice %arg3[%dma_start3A_170, %dma_start3A_171] : memref<1000000x64xf32, #tpu.memory_space<hbm>> -> memref<1000000x64xf32, #tpu.memory_space<hbm>>
    tpu.enqueue_indirect_dma source(%dma_start3A_172 : memref<1000000x64xf32, #tpu.memory_space<hbm>>) target(%dma_start3A_167 : memref<200x64xf32, #tpu.memory_space<vmem>>) offsets(%dma_start3A_169 : memref<200xi32, #tpu.memory_space<vmem>>) semaphore(%arg12 : memref<!tpu.dma_semaphore, #tpu.memory_space<semaphore_mem>>)
    %dma_wait3A_173 = arith.constant 1 : i32
    %dma_wait3A_174 = arith.constant 0 : i32
    %dma_wait3A_175 = arith.constant 0 : i32
    %dma_wait3A_176 = tpu.memref_slice %arg6[%dma_wait3A_173, %dma_wait3A_174, %dma_wait3A_175] : memref<6x200x64xf32, #tpu.memory_space<vmem>> -> memref<1x200x64xf32, #tpu.memory_space<vmem>>
    %dma_wait3A_177 = tpu.memref_squeeze %dma_wait3A_176 : memref<1x200x64xf32, #tpu.memory_space<vmem>> -> memref<200x64xf32, #tpu.memory_space<vmem>>
    %dma_wait3A_178 = arith.constant 200 : i32
    %dma_wait3A_179 = tpu.memref_slice %arg5[%dma_wait3A_178] : memref<25600xi32, #tpu.memory_space<vmem>> -> memref<200xi32, #tpu.memory_space<vmem>>
    %dma_wait3A_180 = arith.constant 0 : i32
    %dma_wait3A_181 = arith.constant 0 : i32
    %dma_wait3A_182 = tpu.memref_slice %arg3[%dma_wait3A_180, %dma_wait3A_181] : memref<1000000x64xf32, #tpu.memory_space<hbm>> -> memref<1000000x64xf32, #tpu.memory_space<hbm>>
    tpu.wait_indirect_dma semaphore(%arg8 : memref<!tpu.dma_semaphore, #tpu.memory_space<semaphore_mem>>) src(%dma_wait3A_182 : memref<1000000x64xf32, #tpu.memory_space<hbm>>) dst(%dma_wait3A_177 : memref<200x64xf32, #tpu.memory_space<vmem>>)
    %add3A_183 = arith.constant 4 : i32
    %add3A_184 = arith.addi %mul3A_2, %add3A_183 : i32
    %add3A_185 = arith.constant 0 : i32
    %add3A_186 = arith.addi %add3A_184, %add3A_185 : i32
    %mul3A_187 = arith.constant 56 : i32
    %mul3A_188 = arith.muli %add3A_186, %mul3A_187 : i32
    %dma_start3A_189 = arith.constant 1 : i32
    %dma_start3A_190 = arith.constant 0 : i32
    %dma_start3A_191 = arith.constant 0 : i32
    %dma_start3A_192 = tpu.memref_slice %arg6[%dma_start3A_189, %dma_start3A_190, %dma_start3A_191] : memref<6x200x64xf32, #tpu.memory_space<vmem>> -> memref<1x200x64xf32, #tpu.memory_space<vmem>>
    %dma_start3A_193 = tpu.memref_squeeze %dma_start3A_192 : memref<1x200x64xf32, #tpu.memory_space<vmem>> -> memref<200x64xf32, #tpu.memory_space<vmem>>
    %dma_start3A_194 = arith.constant 0 : i32
    %dma_start3A_195 = arith.constant 0 : i32
    %dma_start3A_196 = tpu.memref_slice %dma_start3A_193[%dma_start3A_194, %dma_start3A_195] : memref<200x64xf32, #tpu.memory_space<vmem>> -> memref<50x64xf32, #tpu.memory_space<vmem>>
    %dma_start3A_197 = arith.constant 0 : i32
    %dma_start3A_198 = tpu.memref_slice %arg4[%mul3A_188, %dma_start3A_197] : memref<917504x128xf32, #tpu.memory_space<hbm>> -> memref<50x64xf32, #tpu.memory_space<hbm>>
    %dma_start3A_199 = arith.constant 0 : i32
    %dma_start3A_200 = tpu.memref_slice %arg4[%mul3A_188, %dma_start3A_199] : memref<917504x128xf32, #tpu.memory_space<hbm>> -> memref<50x64xf32, #tpu.memory_space<hbm>>
    %dma_start3A_201 = arith.constant 0 : i32
    %dma_start3A_202 = arith.constant 0 : i32
    %dma_start3A_203 = tpu.memref_slice %arg6[%dma_start3A_189, %dma_start3A_201, %dma_start3A_202] : memref<6x200x64xf32, #tpu.memory_space<vmem>> -> memref<1x200x64xf32, #tpu.memory_space<vmem>>
    %dma_start3A_204 = tpu.memref_squeeze %dma_start3A_203 : memref<1x200x64xf32, #tpu.memory_space<vmem>> -> memref<200x64xf32, #tpu.memory_space<vmem>>
    %dma_start3A_205 = arith.constant 0 : i32
    %dma_start3A_206 = arith.constant 0 : i32
    %dma_start3A_207 = tpu.memref_slice %dma_start3A_204[%dma_start3A_205, %dma_start3A_206] : memref<200x64xf32, #tpu.memory_space<vmem>> -> memref<50x64xf32, #tpu.memory_space<vmem>>
    tpu.enqueue_dma source(%dma_start3A_207 : memref<50x64xf32, #tpu.memory_space<vmem>>) target(%dma_start3A_200 : memref<50x64xf32, #tpu.memory_space<hbm>>) target_semaphore(%arg14 : memref<!tpu.dma_semaphore, #tpu.memory_space<semaphore_mem>>)
    %add3A_208 = arith.constant 4 : i32
    %add3A_209 = arith.addi %mul3A_2, %add3A_208 : i32
    %add3A_210 = arith.constant 1 : i32
    %add3A_211 = arith.addi %add3A_209, %add3A_210 : i32
    %mul3A_212 = arith.constant 56 : i32
    %mul3A_213 = arith.muli %add3A_211, %mul3A_212 : i32
    %dma_start3A_214 = arith.constant 1 : i32
    %dma_start3A_215 = arith.constant 0 : i32
    %dma_start3A_216 = arith.constant 0 : i32
    %dma_start3A_217 = tpu.memref_slice %arg6[%dma_start3A_214, %dma_start3A_215, %dma_start3A_216] : memref<6x200x64xf32, #tpu.memory_space<vmem>> -> memref<1x200x64xf32, #tpu.memory_space<vmem>>
    %dma_start3A_218 = tpu.memref_squeeze %dma_start3A_217 : memref<1x200x64xf32, #tpu.memory_space<vmem>> -> memref<200x64xf32, #tpu.memory_space<vmem>>
    %dma_start3A_219 = arith.constant 50 : i32
    %dma_start3A_220 = arith.constant 0 : i32
    %dma_start3A_221 = tpu.memref_slice %dma_start3A_218[%dma_start3A_219, %dma_start3A_220] : memref<200x64xf32, #tpu.memory_space<vmem>> -> memref<50x64xf32, #tpu.memory_space<vmem>>
    %dma_start3A_222 = arith.constant 0 : i32
    %dma_start3A_223 = tpu.memref_slice %arg4[%mul3A_213, %dma_start3A_222] : memref<917504x128xf32, #tpu.memory_space<hbm>> -> memref<50x64xf32, #tpu.memory_space<hbm>>
    %dma_start3A_224 = arith.constant 0 : i32
    %dma_start3A_225 = tpu.memref_slice %arg4[%mul3A_213, %dma_start3A_224] : memref<917504x128xf32, #tpu.memory_space<hbm>> -> memref<50x64xf32, #tpu.memory_space<hbm>>
    %dma_start3A_226 = arith.constant 0 : i32
    %dma_start3A_227 = arith.constant 0 : i32
    %dma_start3A_228 = tpu.memref_slice %arg6[%dma_start3A_214, %dma_start3A_226, %dma_start3A_227] : memref<6x200x64xf32, #tpu.memory_space<vmem>> -> memref<1x200x64xf32, #tpu.memory_space<vmem>>
    %dma_start3A_229 = tpu.memref_squeeze %dma_start3A_228 : memref<1x200x64xf32, #tpu.memory_space<vmem>> -> memref<200x64xf32, #tpu.memory_space<vmem>>
    %dma_start3A_230 = arith.constant 50 : i32
    %dma_start3A_231 = arith.constant 0 : i32
    %dma_start3A_232 = tpu.memref_slice %dma_start3A_229[%dma_start3A_230, %dma_start3A_231] : memref<200x64xf32, #tpu.memory_space<vmem>> -> memref<50x64xf32, #tpu.memory_space<vmem>>
    tpu.enqueue_dma source(%dma_start3A_232 : memref<50x64xf32, #tpu.memory_space<vmem>>) target(%dma_start3A_225 : memref<50x64xf32, #tpu.memory_space<hbm>>) target_semaphore(%arg14 : memref<!tpu.dma_semaphore, #tpu.memory_space<semaphore_mem>>)
    %add3A_233 = arith.constant 4 : i32
    %add3A_234 = arith.addi %mul3A_2, %add3A_233 : i32
    %add3A_235 = arith.constant 2 : i32
    %add3A_236 = arith.addi %add3A_234, %add3A_235 : i32
    %mul3A_237 = arith.constant 56 : i32
    %mul3A_238 = arith.muli %add3A_236, %mul3A_237 : i32
    %dma_start3A_239 = arith.constant 1 : i32
    %dma_start3A_240 = arith.constant 0 : i32
    %dma_start3A_241 = arith.constant 0 : i32
    %dma_start3A_242 = tpu.memref_slice %arg6[%dma_start3A_239, %dma_start3A_240, %dma_start3A_241] : memref<6x200x64xf32, #tpu.memory_space<vmem>> -> memref<1x200x64xf32, #tpu.memory_space<vmem>>
    %dma_start3A_243 = tpu.memref_squeeze %dma_start3A_242 : memref<1x200x64xf32, #tpu.memory_space<vmem>> -> memref<200x64xf32, #tpu.memory_space<vmem>>
    %dma_start3A_244 = arith.constant 100 : i32
    %dma_start3A_245 = arith.constant 0 : i32
    %dma_start3A_246 = tpu.memref_slice %dma_start3A_243[%dma_start3A_244, %dma_start3A_245] : memref<200x64xf32, #tpu.memory_space<vmem>> -> memref<50x64xf32, #tpu.memory_space<vmem>>
    %dma_start3A_247 = arith.constant 0 : i32
    %dma_start3A_248 = tpu.memref_slice %arg4[%mul3A_238, %dma_start3A_247] : memref<917504x128xf32, #tpu.memory_space<hbm>> -> memref<50x64xf32, #tpu.memory_space<hbm>>
    %dma_start3A_249 = arith.constant 0 : i32
    %dma_start3A_250 = tpu.memref_slice %arg4[%mul3A_238, %dma_start3A_249] : memref<917504x128xf32, #tpu.memory_space<hbm>> -> memref<50x64xf32, #tpu.memory_space<hbm>>
    %dma_start3A_251 = arith.constant 0 : i32
    %dma_start3A_252 = arith.constant 0 : i32
    %dma_start3A_253 = tpu.memref_slice %arg6[%dma_start3A_239, %dma_start3A_251, %dma_start3A_252] : memref<6x200x64xf32, #tpu.memory_space<vmem>> -> memref<1x200x64xf32, #tpu.memory_space<vmem>>
    %dma_start3A_254 = tpu.memref_squeeze %dma_start3A_253 : memref<1x200x64xf32, #tpu.memory_space<vmem>> -> memref<200x64xf32, #tpu.memory_space<vmem>>
    %dma_start3A_255 = arith.constant 100 : i32
    %dma_start3A_256 = arith.constant 0 : i32
    %dma_start3A_257 = tpu.memref_slice %dma_start3A_254[%dma_start3A_255, %dma_start3A_256] : memref<200x64xf32, #tpu.memory_space<vmem>> -> memref<50x64xf32, #tpu.memory_space<vmem>>
    tpu.enqueue_dma source(%dma_start3A_257 : memref<50x64xf32, #tpu.memory_space<vmem>>) target(%dma_start3A_250 : memref<50x64xf32, #tpu.memory_space<hbm>>) target_semaphore(%arg14 : memref<!tpu.dma_semaphore, #tpu.memory_space<semaphore_mem>>)
    %add3A_258 = arith.constant 4 : i32
    %add3A_259 = arith.addi %mul3A_2, %add3A_258 : i32
    %add3A_260 = arith.constant 3 : i32
    %add3A_261 = arith.addi %add3A_259, %add3A_260 : i32
    %mul3A_262 = arith.constant 56 : i32
    %mul3A_263 = arith.muli %add3A_261, %mul3A_262 : i32
    %dma_start3A_264 = arith.constant 1 : i32
    %dma_start3A_265 = arith.constant 0 : i32
    %dma_start3A_266 = arith.constant 0 : i32
    %dma_start3A_267 = tpu.memref_slice %arg6[%dma_start3A_264, %dma_start3A_265, %dma_start3A_266] : memref<6x200x64xf32, #tpu.memory_space<vmem>> -> memref<1x200x64xf32, #tpu.memory_space<vmem>>
    %dma_start3A_268 = tpu.memref_squeeze %dma_start3A_267 : memref<1x200x64xf32, #tpu.memory_space<vmem>> -> memref<200x64xf32, #tpu.memory_space<vmem>>
    %dma_start3A_269 = arith.constant 150 : i32
    %dma_start3A_270 = arith.constant 0 : i32
    %dma_start3A_271 = tpu.memref_slice %dma_start3A_268[%dma_start3A_269, %dma_start3A_270] : memref<200x64xf32, #tpu.memory_space<vmem>> -> memref<50x64xf32, #tpu.memory_space<vmem>>
    %dma_start3A_272 = arith.constant 0 : i32
    %dma_start3A_273 = tpu.memref_slice %arg4[%mul3A_263, %dma_start3A_272] : memref<917504x128xf32, #tpu.memory_space<hbm>> -> memref<50x64xf32, #tpu.memory_space<hbm>>
    %dma_start3A_274 = arith.constant 0 : i32
    %dma_start3A_275 = tpu.memref_slice %arg4[%mul3A_263, %dma_start3A_274] : memref<917504x128xf32, #tpu.memory_space<hbm>> -> memref<50x64xf32, #tpu.memory_space<hbm>>
    %dma_start3A_276 = arith.constant 0 : i32
    %dma_start3A_277 = arith.constant 0 : i32
    %dma_start3A_278 = tpu.memref_slice %arg6[%dma_start3A_264, %dma_start3A_276, %dma_start3A_277] : memref<6x200x64xf32, #tpu.memory_space<vmem>> -> memref<1x200x64xf32, #tpu.memory_space<vmem>>
    %dma_start3A_279 = tpu.memref_squeeze %dma_start3A_278 : memref<1x200x64xf32, #tpu.memory_space<vmem>> -> memref<200x64xf32, #tpu.memory_space<vmem>>
    %dma_start3A_280 = arith.constant 150 : i32
    %dma_start3A_281 = arith.constant 0 : i32
    %dma_start3A_282 = tpu.memref_slice %dma_start3A_279[%dma_start3A_280, %dma_start3A_281] : memref<200x64xf32, #tpu.memory_space<vmem>> -> memref<50x64xf32, #tpu.memory_space<vmem>>
    tpu.enqueue_dma source(%dma_start3A_282 : memref<50x64xf32, #tpu.memory_space<vmem>>) target(%dma_start3A_275 : memref<50x64xf32, #tpu.memory_space<hbm>>) target_semaphore(%arg14 : memref<!tpu.dma_semaphore, #tpu.memory_space<semaphore_mem>>)
    %scan3A = arith.constant 0 : i32
    %scan3A_283 = arith.constant 20 : i32
    %scan3A_284 = arith.addi %scan3A, %scan3A_283 : i32
    %scan3A_285 = arith.constant 1 : i32
    scf.for %scan3A_1767 = %scan3A to %scan3A_284 step %scan3A_285  : i32 {
      %mul3A_1768 = arith.constant 1 : i32
      %mul3A_1769 = arith.muli %scan3A_1767, %mul3A_1768 : i32
      %add3A_1770 = arith.constant 0 : i32
      %add3A_1771 = arith.addi %add3A_1770, %mul3A_1769 : i32
      %mul3A_1772 = arith.constant 6 : i32
      %mul3A_1773 = arith.muli %add3A_1771, %mul3A_1772 : i32
      %add3A_1774 = arith.constant 2 : i32
      %add3A_1775 = arith.addi %add3A_1774, %mul3A_1773 : i32
      %add3A_1776 = arith.constant 0 : i32
      %add3A_1777 = arith.addi %add3A_1775, %add3A_1776 : i32
      %sub3A = arith.constant 2 : i32
      %sub3A_1778 = arith.subi %add3A_1777, %sub3A : i32
      %mul3A_1779 = arith.constant 4 : i32
      %mul3A_1780 = arith.muli %sub3A_1778, %mul3A_1779 : i32
      %add3A_1781 = arith.addi %mul3A_2, %mul3A_1780 : i32
      %add3A_1782 = arith.constant 0 : i32
      %add3A_1783 = arith.addi %add3A_1781, %add3A_1782 : i32
      %mul3A_1784 = arith.constant 56 : i32
      %mul3A_1785 = arith.muli %add3A_1783, %mul3A_1784 : i32
      %dma_wait3A_1786 = arith.constant 0 : i32
      %dma_wait3A_1787 = arith.constant 0 : i32
      %dma_wait3A_1788 = arith.constant 0 : i32
      %dma_wait3A_1789 = tpu.memref_slice %arg6[%dma_wait3A_1786, %dma_wait3A_1787, %dma_wait3A_1788] : memref<6x200x64xf32, #tpu.memory_space<vmem>> -> memref<1x200x64xf32, #tpu.memory_space<vmem>>
      %dma_wait3A_1790 = tpu.memref_squeeze %dma_wait3A_1789 : memref<1x200x64xf32, #tpu.memory_space<vmem>> -> memref<200x64xf32, #tpu.memory_space<vmem>>
      %dma_wait3A_1791 = arith.constant 0 : i32
      %dma_wait3A_1792 = arith.constant 0 : i32
      %dma_wait3A_1793 = tpu.memref_slice %dma_wait3A_1790[%dma_wait3A_1791, %dma_wait3A_1792] : memref<200x64xf32, #tpu.memory_space<vmem>> -> memref<50x64xf32, #tpu.memory_space<vmem>>
      %dma_wait3A_1794 = arith.constant 0 : i32
      %dma_wait3A_1795 = tpu.memref_slice %arg4[%mul3A_1785, %dma_wait3A_1794] : memref<917504x128xf32, #tpu.memory_space<hbm>> -> memref<50x64xf32, #tpu.memory_space<hbm>>
      %dma_wait3A_1796 = arith.constant 0 : i32
      %dma_wait3A_1797 = tpu.memref_slice %arg4[%mul3A_1785, %dma_wait3A_1796] : memref<917504x128xf32, #tpu.memory_space<hbm>> -> memref<50x64xf32, #tpu.memory_space<hbm>>
      %dma_wait3A_1798 = arith.constant 0 : i32
      %dma_wait3A_1799 = arith.constant 0 : i32
      %dma_wait3A_1800 = tpu.memref_slice %arg6[%dma_wait3A_1786, %dma_wait3A_1798, %dma_wait3A_1799] : memref<6x200x64xf32, #tpu.memory_space<vmem>> -> memref<1x200x64xf32, #tpu.memory_space<vmem>>
      %dma_wait3A_1801 = tpu.memref_squeeze %dma_wait3A_1800 : memref<1x200x64xf32, #tpu.memory_space<vmem>> -> memref<200x64xf32, #tpu.memory_space<vmem>>
      %dma_wait3A_1802 = arith.constant 0 : i32
      %dma_wait3A_1803 = arith.constant 0 : i32
      %dma_wait3A_1804 = tpu.memref_slice %dma_wait3A_1801[%dma_wait3A_1802, %dma_wait3A_1803] : memref<200x64xf32, #tpu.memory_space<vmem>> -> memref<50x64xf32, #tpu.memory_space<vmem>>
      tpu.wait_dma2 semaphore(%arg13 : memref<!tpu.dma_semaphore, #tpu.memory_space<semaphore_mem>>) src(%dma_wait3A_1804 : memref<50x64xf32, #tpu.memory_space<vmem>>) dst(%dma_wait3A_1797 : memref<50x64xf32, #tpu.memory_space<hbm>>)
      %mul3A_1805 = arith.constant 4 : i32
      %mul3A_1806 = arith.muli %sub3A_1778, %mul3A_1805 : i32
      %add3A_1807 = arith.addi %mul3A_2, %mul3A_1806 : i32
      %add3A_1808 = arith.constant 1 : i32
      %add3A_1809 = arith.addi %add3A_1807, %add3A_1808 : i32
      %mul3A_1810 = arith.constant 56 : i32
      %mul3A_1811 = arith.muli %add3A_1809, %mul3A_1810 : i32
      %dma_wait3A_1812 = arith.constant 0 : i32
      %dma_wait3A_1813 = arith.constant 0 : i32
      %dma_wait3A_1814 = arith.constant 0 : i32
      %dma_wait3A_1815 = tpu.memref_slice %arg6[%dma_wait3A_1812, %dma_wait3A_1813, %dma_wait3A_1814] : memref<6x200x64xf32, #tpu.memory_space<vmem>> -> memref<1x200x64xf32, #tpu.memory_space<vmem>>
      %dma_wait3A_1816 = tpu.memref_squeeze %dma_wait3A_1815 : memref<1x200x64xf32, #tpu.memory_space<vmem>> -> memref<200x64xf32, #tpu.memory_space<vmem>>
      %dma_wait3A_1817 = arith.constant 50 : i32
      %dma_wait3A_1818 = arith.constant 0 : i32
      %dma_wait3A_1819 = tpu.memref_slice %dma_wait3A_1816[%dma_wait3A_1817, %dma_wait3A_1818] : memref<200x64xf32, #tpu.memory_space<vmem>> -> memref<50x64xf32, #tpu.memory_space<vmem>>
      %dma_wait3A_1820 = arith.constant 0 : i32
      %dma_wait3A_1821 = tpu.memref_slice %arg4[%mul3A_1811, %dma_wait3A_1820] : memref<917504x128xf32, #tpu.memory_space<hbm>> -> memref<50x64xf32, #tpu.memory_space<hbm>>
      %dma_wait3A_1822 = arith.constant 0 : i32
      %dma_wait3A_1823 = tpu.memref_slice %arg4[%mul3A_1811, %dma_wait3A_1822] : memref<917504x128xf32, #tpu.memory_space<hbm>> -> memref<50x64xf32, #tpu.memory_space<hbm>>
      %dma_wait3A_1824 = arith.constant 0 : i32
      %dma_wait3A_1825 = arith.constant 0 : i32
      %dma_wait3A_1826 = tpu.memref_slice %arg6[%dma_wait3A_1812, %dma_wait3A_1824, %dma_wait3A_1825] : memref<6x200x64xf32, #tpu.memory_space<vmem>> -> memref<1x200x64xf32, #tpu.memory_space<vmem>>
      %dma_wait3A_1827 = tpu.memref_squeeze %dma_wait3A_1826 : memref<1x200x64xf32, #tpu.memory_space<vmem>> -> memref<200x64xf32, #tpu.memory_space<vmem>>
      %dma_wait3A_1828 = arith.constant 50 : i32
      %dma_wait3A_1829 = arith.constant 0 : i32
      %dma_wait3A_1830 = tpu.memref_slice %dma_wait3A_1827[%dma_wait3A_1828, %dma_wait3A_1829] : memref<200x64xf32, #tpu.memory_space<vmem>> -> memref<50x64xf32, #tpu.memory_space<vmem>>
      tpu.wait_dma2 semaphore(%arg13 : memref<!tpu.dma_semaphore, #tpu.memory_space<semaphore_mem>>) src(%dma_wait3A_1830 : memref<50x64xf32, #tpu.memory_space<vmem>>) dst(%dma_wait3A_1823 : memref<50x64xf32, #tpu.memory_space<hbm>>)
      %mul3A_1831 = arith.constant 4 : i32
      %mul3A_1832 = arith.muli %sub3A_1778, %mul3A_1831 : i32
      %add3A_1833 = arith.addi %mul3A_2, %mul3A_1832 : i32
      %add3A_1834 = arith.constant 2 : i32
      %add3A_1835 = arith.addi %add3A_1833, %add3A_1834 : i32
      %mul3A_1836 = arith.constant 56 : i32
      %mul3A_1837 = arith.muli %add3A_1835, %mul3A_1836 : i32
      %dma_wait3A_1838 = arith.constant 0 : i32
      %dma_wait3A_1839 = arith.constant 0 : i32
      %dma_wait3A_1840 = arith.constant 0 : i32
      %dma_wait3A_1841 = tpu.memref_slice %arg6[%dma_wait3A_1838, %dma_wait3A_1839, %dma_wait3A_1840] : memref<6x200x64xf32, #tpu.memory_space<vmem>> -> memref<1x200x64xf32, #tpu.memory_space<vmem>>
      %dma_wait3A_1842 = tpu.memref_squeeze %dma_wait3A_1841 : memref<1x200x64xf32, #tpu.memory_space<vmem>> -> memref<200x64xf32, #tpu.memory_space<vmem>>
      %dma_wait3A_1843 = arith.constant 100 : i32
      %dma_wait3A_1844 = arith.constant 0 : i32
      %dma_wait3A_1845 = tpu.memref_slice %dma_wait3A_1842[%dma_wait3A_1843, %dma_wait3A_1844] : memref<200x64xf32, #tpu.memory_space<vmem>> -> memref<50x64xf32, #tpu.memory_space<vmem>>
      %dma_wait3A_1846 = arith.constant 0 : i32
      %dma_wait3A_1847 = tpu.memref_slice %arg4[%mul3A_1837, %dma_wait3A_1846] : memref<917504x128xf32, #tpu.memory_space<hbm>> -> memref<50x64xf32, #tpu.memory_space<hbm>>
      %dma_wait3A_1848 = arith.constant 0 : i32
      %dma_wait3A_1849 = tpu.memref_slice %arg4[%mul3A_1837, %dma_wait3A_1848] : memref<917504x128xf32, #tpu.memory_space<hbm>> -> memref<50x64xf32, #tpu.memory_space<hbm>>
      %dma_wait3A_1850 = arith.constant 0 : i32
      %dma_wait3A_1851 = arith.constant 0 : i32
      %dma_wait3A_1852 = tpu.memref_slice %arg6[%dma_wait3A_1838, %dma_wait3A_1850, %dma_wait3A_1851] : memref<6x200x64xf32, #tpu.memory_space<vmem>> -> memref<1x200x64xf32, #tpu.memory_space<vmem>>
      %dma_wait3A_1853 = tpu.memref_squeeze %dma_wait3A_1852 : memref<1x200x64xf32, #tpu.memory_space<vmem>> -> memref<200x64xf32, #tpu.memory_space<vmem>>
      %dma_wait3A_1854 = arith.constant 100 : i32
      %dma_wait3A_1855 = arith.constant 0 : i32
      %dma_wait3A_1856 = tpu.memref_slice %dma_wait3A_1853[%dma_wait3A_1854, %dma_wait3A_1855] : memref<200x64xf32, #tpu.memory_space<vmem>> -> memref<50x64xf32, #tpu.memory_space<vmem>>
      tpu.wait_dma2 semaphore(%arg13 : memref<!tpu.dma_semaphore, #tpu.memory_space<semaphore_mem>>) src(%dma_wait3A_1856 : memref<50x64xf32, #tpu.memory_space<vmem>>) dst(%dma_wait3A_1849 : memref<50x64xf32, #tpu.memory_space<hbm>>)
      %mul3A_1857 = arith.constant 4 : i32
      %mul3A_1858 = arith.muli %sub3A_1778, %mul3A_1857 : i32
      %add3A_1859 = arith.addi %mul3A_2, %mul3A_1858 : i32
      %add3A_1860 = arith.constant 3 : i32
      %add3A_1861 = arith.addi %add3A_1859, %add3A_1860 : i32
      %mul3A_1862 = arith.constant 56 : i32
      %mul3A_1863 = arith.muli %add3A_1861, %mul3A_1862 : i32
      %dma_wait3A_1864 = arith.constant 0 : i32
      %dma_wait3A_1865 = arith.constant 0 : i32
      %dma_wait3A_1866 = arith.constant 0 : i32
      %dma_wait3A_1867 = tpu.memref_slice %arg6[%dma_wait3A_1864, %dma_wait3A_1865, %dma_wait3A_1866] : memref<6x200x64xf32, #tpu.memory_space<vmem>> -> memref<1x200x64xf32, #tpu.memory_space<vmem>>
      %dma_wait3A_1868 = tpu.memref_squeeze %dma_wait3A_1867 : memref<1x200x64xf32, #tpu.memory_space<vmem>> -> memref<200x64xf32, #tpu.memory_space<vmem>>
      %dma_wait3A_1869 = arith.constant 150 : i32
      %dma_wait3A_1870 = arith.constant 0 : i32
      %dma_wait3A_1871 = tpu.memref_slice %dma_wait3A_1868[%dma_wait3A_1869, %dma_wait3A_1870] : memref<200x64xf32, #tpu.memory_space<vmem>> -> memref<50x64xf32, #tpu.memory_space<vmem>>
      %dma_wait3A_1872 = arith.constant 0 : i32
      %dma_wait3A_1873 = tpu.memref_slice %arg4[%mul3A_1863, %dma_wait3A_1872] : memref<917504x128xf32, #tpu.memory_space<hbm>> -> memref<50x64xf32, #tpu.memory_space<hbm>>
      %dma_wait3A_1874 = arith.constant 0 : i32
      %dma_wait3A_1875 = tpu.memref_slice %arg4[%mul3A_1863, %dma_wait3A_1874] : memref<917504x128xf32, #tpu.memory_space<hbm>> -> memref<50x64xf32, #tpu.memory_space<hbm>>
      %dma_wait3A_1876 = arith.constant 0 : i32
      %dma_wait3A_1877 = arith.constant 0 : i32
      %dma_wait3A_1878 = tpu.memref_slice %arg6[%dma_wait3A_1864, %dma_wait3A_1876, %dma_wait3A_1877] : memref<6x200x64xf32, #tpu.memory_space<vmem>> -> memref<1x200x64xf32, #tpu.memory_space<vmem>>
      %dma_wait3A_1879 = tpu.memref_squeeze %dma_wait3A_1878 : memref<1x200x64xf32, #tpu.memory_space<vmem>> -> memref<200x64xf32, #tpu.memory_space<vmem>>
      %dma_wait3A_1880 = arith.constant 150 : i32
      %dma_wait3A_1881 = arith.constant 0 : i32
      %dma_wait3A_1882 = tpu.memref_slice %dma_wait3A_1879[%dma_wait3A_1880, %dma_wait3A_1881] : memref<200x64xf32, #tpu.memory_space<vmem>> -> memref<50x64xf32, #tpu.memory_space<vmem>>
      tpu.wait_dma2 semaphore(%arg13 : memref<!tpu.dma_semaphore, #tpu.memory_space<semaphore_mem>>) src(%dma_wait3A_1882 : memref<50x64xf32, #tpu.memory_space<vmem>>) dst(%dma_wait3A_1875 : memref<50x64xf32, #tpu.memory_space<hbm>>)
      %add3A_1883 = arith.constant 4 : i32
      %add3A_1884 = arith.addi %add3A_1777, %add3A_1883 : i32
      %mul3A_1885 = arith.constant 200 : i32
      %mul3A_1886 = arith.muli %add3A_1884, %mul3A_1885 : i32
      %dma_start3A_1887 = arith.constant 0 : i32
      %dma_start3A_1888 = arith.constant 0 : i32
      %dma_start3A_1889 = arith.constant 0 : i32
      %dma_start3A_1890 = tpu.memref_slice %arg6[%dma_start3A_1887, %dma_start3A_1888, %dma_start3A_1889] : memref<6x200x64xf32, #tpu.memory_space<vmem>> -> memref<1x200x64xf32, #tpu.memory_space<vmem>>
      %dma_start3A_1891 = tpu.memref_squeeze %dma_start3A_1890 : memref<1x200x64xf32, #tpu.memory_space<vmem>> -> memref<200x64xf32, #tpu.memory_space<vmem>>
      %dma_start3A_1892 = tpu.memref_slice %arg5[%mul3A_1886] : memref<25600xi32, #tpu.memory_space<vmem>> -> memref<200xi32, #tpu.memory_space<vmem>>
      %dma_start3A_1893 = arith.constant 0 : i32
      %dma_start3A_1894 = arith.constant 0 : i32
      %dma_start3A_1895 = tpu.memref_slice %arg3[%dma_start3A_1893, %dma_start3A_1894] : memref<1000000x64xf32, #tpu.memory_space<hbm>> -> memref<1000000x64xf32, #tpu.memory_space<hbm>>
      tpu.enqueue_indirect_dma source(%dma_start3A_1895 : memref<1000000x64xf32, #tpu.memory_space<hbm>>) target(%dma_start3A_1891 : memref<200x64xf32, #tpu.memory_space<vmem>>) offsets(%dma_start3A_1892 : memref<200xi32, #tpu.memory_space<vmem>>) semaphore(%arg7 : memref<!tpu.dma_semaphore, #tpu.memory_space<semaphore_mem>>)
      %mul3A_1896 = arith.constant 200 : i32
      %mul3A_1897 = arith.muli %add3A_1777, %mul3A_1896 : i32
      %dma_wait3A_1898 = arith.constant 2 : i32
      %dma_wait3A_1899 = arith.constant 0 : i32
      %dma_wait3A_1900 = arith.constant 0 : i32
      %dma_wait3A_1901 = tpu.memref_slice %arg6[%dma_wait3A_1898, %dma_wait3A_1899, %dma_wait3A_1900] : memref<6x200x64xf32, #tpu.memory_space<vmem>> -> memref<1x200x64xf32, #tpu.memory_space<vmem>>
      %dma_wait3A_1902 = tpu.memref_squeeze %dma_wait3A_1901 : memref<1x200x64xf32, #tpu.memory_space<vmem>> -> memref<200x64xf32, #tpu.memory_space<vmem>>
      %dma_wait3A_1903 = tpu.memref_slice %arg5[%mul3A_1897] : memref<25600xi32, #tpu.memory_space<vmem>> -> memref<200xi32, #tpu.memory_space<vmem>>
      %dma_wait3A_1904 = arith.constant 0 : i32
      %dma_wait3A_1905 = arith.constant 0 : i32
      %dma_wait3A_1906 = tpu.memref_slice %arg3[%dma_wait3A_1904, %dma_wait3A_1905] : memref<1000000x64xf32, #tpu.memory_space<hbm>> -> memref<1000000x64xf32, #tpu.memory_space<hbm>>
      tpu.wait_indirect_dma semaphore(%arg9 : memref<!tpu.dma_semaphore, #tpu.memory_space<semaphore_mem>>) src(%dma_wait3A_1906 : memref<1000000x64xf32, #tpu.memory_space<hbm>>) dst(%dma_wait3A_1902 : memref<200x64xf32, #tpu.memory_space<vmem>>)
      %mul3A_1907 = arith.constant 4 : i32
      %mul3A_1908 = arith.muli %add3A_1777, %mul3A_1907 : i32
      %add3A_1909 = arith.addi %mul3A_2, %mul3A_1908 : i32
      %add3A_1910 = arith.constant 0 : i32
      %add3A_1911 = arith.addi %add3A_1909, %add3A_1910 : i32
      %mul3A_1912 = arith.constant 56 : i32
      %mul3A_1913 = arith.muli %add3A_1911, %mul3A_1912 : i32
      %dma_start3A_1914 = arith.constant 2 : i32
      %dma_start3A_1915 = arith.constant 0 : i32
      %dma_start3A_1916 = arith.constant 0 : i32
      %dma_start3A_1917 = tpu.memref_slice %arg6[%dma_start3A_1914, %dma_start3A_1915, %dma_start3A_1916] : memref<6x200x64xf32, #tpu.memory_space<vmem>> -> memref<1x200x64xf32, #tpu.memory_space<vmem>>
      %dma_start3A_1918 = tpu.memref_squeeze %dma_start3A_1917 : memref<1x200x64xf32, #tpu.memory_space<vmem>> -> memref<200x64xf32, #tpu.memory_space<vmem>>
      %dma_start3A_1919 = arith.constant 0 : i32
      %dma_start3A_1920 = arith.constant 0 : i32
      %dma_start3A_1921 = tpu.memref_slice %dma_start3A_1918[%dma_start3A_1919, %dma_start3A_1920] : memref<200x64xf32, #tpu.memory_space<vmem>> -> memref<50x64xf32, #tpu.memory_space<vmem>>
      %dma_start3A_1922 = arith.constant 0 : i32
      %dma_start3A_1923 = tpu.memref_slice %arg4[%mul3A_1913, %dma_start3A_1922] : memref<917504x128xf32, #tpu.memory_space<hbm>> -> memref<50x64xf32, #tpu.memory_space<hbm>>
      %dma_start3A_1924 = arith.constant 0 : i32
      %dma_start3A_1925 = tpu.memref_slice %arg4[%mul3A_1913, %dma_start3A_1924] : memref<917504x128xf32, #tpu.memory_space<hbm>> -> memref<50x64xf32, #tpu.memory_space<hbm>>
      %dma_start3A_1926 = arith.constant 0 : i32
      %dma_start3A_1927 = arith.constant 0 : i32
      %dma_start3A_1928 = tpu.memref_slice %arg6[%dma_start3A_1914, %dma_start3A_1926, %dma_start3A_1927] : memref<6x200x64xf32, #tpu.memory_space<vmem>> -> memref<1x200x64xf32, #tpu.memory_space<vmem>>
      %dma_start3A_1929 = tpu.memref_squeeze %dma_start3A_1928 : memref<1x200x64xf32, #tpu.memory_space<vmem>> -> memref<200x64xf32, #tpu.memory_space<vmem>>
      %dma_start3A_1930 = arith.constant 0 : i32
      %dma_start3A_1931 = arith.constant 0 : i32
      %dma_start3A_1932 = tpu.memref_slice %dma_start3A_1929[%dma_start3A_1930, %dma_start3A_1931] : memref<200x64xf32, #tpu.memory_space<vmem>> -> memref<50x64xf32, #tpu.memory_space<vmem>>
      tpu.enqueue_dma source(%dma_start3A_1932 : memref<50x64xf32, #tpu.memory_space<vmem>>) target(%dma_start3A_1925 : memref<50x64xf32, #tpu.memory_space<hbm>>) target_semaphore(%arg15 : memref<!tpu.dma_semaphore, #tpu.memory_space<semaphore_mem>>)
      %mul3A_1933 = arith.constant 4 : i32
      %mul3A_1934 = arith.muli %add3A_1777, %mul3A_1933 : i32
      %add3A_1935 = arith.addi %mul3A_2, %mul3A_1934 : i32
      %add3A_1936 = arith.constant 1 : i32
      %add3A_1937 = arith.addi %add3A_1935, %add3A_1936 : i32
      %mul3A_1938 = arith.constant 56 : i32
      %mul3A_1939 = arith.muli %add3A_1937, %mul3A_1938 : i32
      %dma_start3A_1940 = arith.constant 2 : i32
      %dma_start3A_1941 = arith.constant 0 : i32
      %dma_start3A_1942 = arith.constant 0 : i32
      %dma_start3A_1943 = tpu.memref_slice %arg6[%dma_start3A_1940, %dma_start3A_1941, %dma_start3A_1942] : memref<6x200x64xf32, #tpu.memory_space<vmem>> -> memref<1x200x64xf32, #tpu.memory_space<vmem>>
      %dma_start3A_1944 = tpu.memref_squeeze %dma_start3A_1943 : memref<1x200x64xf32, #tpu.memory_space<vmem>> -> memref<200x64xf32, #tpu.memory_space<vmem>>
      %dma_start3A_1945 = arith.constant 50 : i32
      %dma_start3A_1946 = arith.constant 0 : i32
      %dma_start3A_1947 = tpu.memref_slice %dma_start3A_1944[%dma_start3A_1945, %dma_start3A_1946] : memref<200x64xf32, #tpu.memory_space<vmem>> -> memref<50x64xf32, #tpu.memory_space<vmem>>
      %dma_start3A_1948 = arith.constant 0 : i32
      %dma_start3A_1949 = tpu.memref_slice %arg4[%mul3A_1939, %dma_start3A_1948] : memref<917504x128xf32, #tpu.memory_space<hbm>> -> memref<50x64xf32, #tpu.memory_space<hbm>>
      %dma_start3A_1950 = arith.constant 0 : i32
      %dma_start3A_1951 = tpu.memref_slice %arg4[%mul3A_1939, %dma_start3A_1950] : memref<917504x128xf32, #tpu.memory_space<hbm>> -> memref<50x64xf32, #tpu.memory_space<hbm>>
      %dma_start3A_1952 = arith.constant 0 : i32
      %dma_start3A_1953 = arith.constant 0 : i32
      %dma_start3A_1954 = tpu.memref_slice %arg6[%dma_start3A_1940, %dma_start3A_1952, %dma_start3A_1953] : memref<6x200x64xf32, #tpu.memory_space<vmem>> -> memref<1x200x64xf32, #tpu.memory_space<vmem>>
      %dma_start3A_1955 = tpu.memref_squeeze %dma_start3A_1954 : memref<1x200x64xf32, #tpu.memory_space<vmem>> -> memref<200x64xf32, #tpu.memory_space<vmem>>
      %dma_start3A_1956 = arith.constant 50 : i32
      %dma_start3A_1957 = arith.constant 0 : i32
      %dma_start3A_1958 = tpu.memref_slice %dma_start3A_1955[%dma_start3A_1956, %dma_start3A_1957] : memref<200x64xf32, #tpu.memory_space<vmem>> -> memref<50x64xf32, #tpu.memory_space<vmem>>
      tpu.enqueue_dma source(%dma_start3A_1958 : memref<50x64xf32, #tpu.memory_space<vmem>>) target(%dma_start3A_1951 : memref<50x64xf32, #tpu.memory_space<hbm>>) target_semaphore(%arg15 : memref<!tpu.dma_semaphore, #tpu.memory_space<semaphore_mem>>)
      %mul3A_1959 = arith.constant 4 : i32
      %mul3A_1960 = arith.muli %add3A_1777, %mul3A_1959 : i32
      %add3A_1961 = arith.addi %mul3A_2, %mul3A_1960 : i32
      %add3A_1962 = arith.constant 2 : i32
      %add3A_1963 = arith.addi %add3A_1961, %add3A_1962 : i32
      %mul3A_1964 = arith.constant 56 : i32
      %mul3A_1965 = arith.muli %add3A_1963, %mul3A_1964 : i32
      %dma_start3A_1966 = arith.constant 2 : i32
      %dma_start3A_1967 = arith.constant 0 : i32
      %dma_start3A_1968 = arith.constant 0 : i32
      %dma_start3A_1969 = tpu.memref_slice %arg6[%dma_start3A_1966, %dma_start3A_1967, %dma_start3A_1968] : memref<6x200x64xf32, #tpu.memory_space<vmem>> -> memref<1x200x64xf32, #tpu.memory_space<vmem>>
      %dma_start3A_1970 = tpu.memref_squeeze %dma_start3A_1969 : memref<1x200x64xf32, #tpu.memory_space<vmem>> -> memref<200x64xf32, #tpu.memory_space<vmem>>
      %dma_start3A_1971 = arith.constant 100 : i32
      %dma_start3A_1972 = arith.constant 0 : i32
      %dma_start3A_1973 = tpu.memref_slice %dma_start3A_1970[%dma_start3A_1971, %dma_start3A_1972] : memref<200x64xf32, #tpu.memory_space<vmem>> -> memref<50x64xf32, #tpu.memory_space<vmem>>
      %dma_start3A_1974 = arith.constant 0 : i32
      %dma_start3A_1975 = tpu.memref_slice %arg4[%mul3A_1965, %dma_start3A_1974] : memref<917504x128xf32, #tpu.memory_space<hbm>> -> memref<50x64xf32, #tpu.memory_space<hbm>>
      %dma_start3A_1976 = arith.constant 0 : i32
      %dma_start3A_1977 = tpu.memref_slice %arg4[%mul3A_1965, %dma_start3A_1976] : memref<917504x128xf32, #tpu.memory_space<hbm>> -> memref<50x64xf32, #tpu.memory_space<hbm>>
      %dma_start3A_1978 = arith.constant 0 : i32
      %dma_start3A_1979 = arith.constant 0 : i32
      %dma_start3A_1980 = tpu.memref_slice %arg6[%dma_start3A_1966, %dma_start3A_1978, %dma_start3A_1979] : memref<6x200x64xf32, #tpu.memory_space<vmem>> -> memref<1x200x64xf32, #tpu.memory_space<vmem>>
      %dma_start3A_1981 = tpu.memref_squeeze %dma_start3A_1980 : memref<1x200x64xf32, #tpu.memory_space<vmem>> -> memref<200x64xf32, #tpu.memory_space<vmem>>
      %dma_start3A_1982 = arith.constant 100 : i32
      %dma_start3A_1983 = arith.constant 0 : i32
      %dma_start3A_1984 = tpu.memref_slice %dma_start3A_1981[%dma_start3A_1982, %dma_start3A_1983] : memref<200x64xf32, #tpu.memory_space<vmem>> -> memref<50x64xf32, #tpu.memory_space<vmem>>
      tpu.enqueue_dma source(%dma_start3A_1984 : memref<50x64xf32, #tpu.memory_space<vmem>>) target(%dma_start3A_1977 : memref<50x64xf32, #tpu.memory_space<hbm>>) target_semaphore(%arg15 : memref<!tpu.dma_semaphore, #tpu.memory_space<semaphore_mem>>)
      %mul3A_1985 = arith.constant 4 : i32
      %mul3A_1986 = arith.muli %add3A_1777, %mul3A_1985 : i32
      %add3A_1987 = arith.addi %mul3A_2, %mul3A_1986 : i32
      %add3A_1988 = arith.constant 3 : i32
      %add3A_1989 = arith.addi %add3A_1987, %add3A_1988 : i32
      %mul3A_1990 = arith.constant 56 : i32
      %mul3A_1991 = arith.muli %add3A_1989, %mul3A_1990 : i32
      %dma_start3A_1992 = arith.constant 2 : i32
      %dma_start3A_1993 = arith.constant 0 : i32
      %dma_start3A_1994 = arith.constant 0 : i32
      %dma_start3A_1995 = tpu.memref_slice %arg6[%dma_start3A_1992, %dma_start3A_1993, %dma_start3A_1994] : memref<6x200x64xf32, #tpu.memory_space<vmem>> -> memref<1x200x64xf32, #tpu.memory_space<vmem>>
      %dma_start3A_1996 = tpu.memref_squeeze %dma_start3A_1995 : memref<1x200x64xf32, #tpu.memory_space<vmem>> -> memref<200x64xf32, #tpu.memory_space<vmem>>
      %dma_start3A_1997 = arith.constant 150 : i32
      %dma_start3A_1998 = arith.constant 0 : i32
      %dma_start3A_1999 = tpu.memref_slice %dma_start3A_1996[%dma_start3A_1997, %dma_start3A_1998] : memref<200x64xf32, #tpu.memory_space<vmem>> -> memref<50x64xf32, #tpu.memory_space<vmem>>
      %dma_start3A_2000 = arith.constant 0 : i32
      %dma_start3A_2001 = tpu.memref_slice %arg4[%mul3A_1991, %dma_start3A_2000] : memref<917504x128xf32, #tpu.memory_space<hbm>> -> memref<50x64xf32, #tpu.memory_space<hbm>>
      %dma_start3A_2002 = arith.constant 0 : i32
      %dma_start3A_2003 = tpu.memref_slice %arg4[%mul3A_1991, %dma_start3A_2002] : memref<917504x128xf32, #tpu.memory_space<hbm>> -> memref<50x64xf32, #tpu.memory_space<hbm>>
      %dma_start3A_2004 = arith.constant 0 : i32
      %dma_start3A_2005 = arith.constant 0 : i32
      %dma_start3A_2006 = tpu.memref_slice %arg6[%dma_start3A_1992, %dma_start3A_2004, %dma_start3A_2005] : memref<6x200x64xf32, #tpu.memory_space<vmem>> -> memref<1x200x64xf32, #tpu.memory_space<vmem>>
      %dma_start3A_2007 = tpu.memref_squeeze %dma_start3A_2006 : memref<1x200x64xf32, #tpu.memory_space<vmem>> -> memref<200x64xf32, #tpu.memory_space<vmem>>
      %dma_start3A_2008 = arith.constant 150 : i32
      %dma_start3A_2009 = arith.constant 0 : i32
      %dma_start3A_2010 = tpu.memref_slice %dma_start3A_2007[%dma_start3A_2008, %dma_start3A_2009] : memref<200x64xf32, #tpu.memory_space<vmem>> -> memref<50x64xf32, #tpu.memory_space<vmem>>
      tpu.enqueue_dma source(%dma_start3A_2010 : memref<50x64xf32, #tpu.memory_space<vmem>>) target(%dma_start3A_2003 : memref<50x64xf32, #tpu.memory_space<hbm>>) target_semaphore(%arg15 : memref<!tpu.dma_semaphore, #tpu.memory_space<semaphore_mem>>)
      %mul3A_2011 = arith.constant 6 : i32
      %mul3A_2012 = arith.muli %add3A_1771, %mul3A_2011 : i32
      %add3A_2013 = arith.constant 2 : i32
      %add3A_2014 = arith.addi %add3A_2013, %mul3A_2012 : i32
      %add3A_2015 = arith.constant 1 : i32
      %add3A_2016 = arith.addi %add3A_2014, %add3A_2015 : i32
      %sub3A_2017 = arith.constant 2 : i32
      %sub3A_2018 = arith.subi %add3A_2016, %sub3A_2017 : i32
      %mul3A_2019 = arith.constant 4 : i32
      %mul3A_2020 = arith.muli %sub3A_2018, %mul3A_2019 : i32
      %add3A_2021 = arith.addi %mul3A_2, %mul3A_2020 : i32
      %add3A_2022 = arith.constant 0 : i32
      %add3A_2023 = arith.addi %add3A_2021, %add3A_2022 : i32
      %mul3A_2024 = arith.constant 56 : i32
      %mul3A_2025 = arith.muli %add3A_2023, %mul3A_2024 : i32
      %dma_wait3A_2026 = arith.constant 1 : i32
      %dma_wait3A_2027 = arith.constant 0 : i32
      %dma_wait3A_2028 = arith.constant 0 : i32
      %dma_wait3A_2029 = tpu.memref_slice %arg6[%dma_wait3A_2026, %dma_wait3A_2027, %dma_wait3A_2028] : memref<6x200x64xf32, #tpu.memory_space<vmem>> -> memref<1x200x64xf32, #tpu.memory_space<vmem>>
      %dma_wait3A_2030 = tpu.memref_squeeze %dma_wait3A_2029 : memref<1x200x64xf32, #tpu.memory_space<vmem>> -> memref<200x64xf32, #tpu.memory_space<vmem>>
      %dma_wait3A_2031 = arith.constant 0 : i32
      %dma_wait3A_2032 = arith.constant 0 : i32
      %dma_wait3A_2033 = tpu.memref_slice %dma_wait3A_2030[%dma_wait3A_2031, %dma_wait3A_2032] : memref<200x64xf32, #tpu.memory_space<vmem>> -> memref<50x64xf32, #tpu.memory_space<vmem>>
      %dma_wait3A_2034 = arith.constant 0 : i32
      %dma_wait3A_2035 = tpu.memref_slice %arg4[%mul3A_2025, %dma_wait3A_2034] : memref<917504x128xf32, #tpu.memory_space<hbm>> -> memref<50x64xf32, #tpu.memory_space<hbm>>
      %dma_wait3A_2036 = arith.constant 0 : i32
      %dma_wait3A_2037 = tpu.memref_slice %arg4[%mul3A_2025, %dma_wait3A_2036] : memref<917504x128xf32, #tpu.memory_space<hbm>> -> memref<50x64xf32, #tpu.memory_space<hbm>>
      %dma_wait3A_2038 = arith.constant 0 : i32
      %dma_wait3A_2039 = arith.constant 0 : i32
      %dma_wait3A_2040 = tpu.memref_slice %arg6[%dma_wait3A_2026, %dma_wait3A_2038, %dma_wait3A_2039] : memref<6x200x64xf32, #tpu.memory_space<vmem>> -> memref<1x200x64xf32, #tpu.memory_space<vmem>>
      %dma_wait3A_2041 = tpu.memref_squeeze %dma_wait3A_2040 : memref<1x200x64xf32, #tpu.memory_space<vmem>> -> memref<200x64xf32, #tpu.memory_space<vmem>>
      %dma_wait3A_2042 = arith.constant 0 : i32
      %dma_wait3A_2043 = arith.constant 0 : i32
      %dma_wait3A_2044 = tpu.memref_slice %dma_wait3A_2041[%dma_wait3A_2042, %dma_wait3A_2043] : memref<200x64xf32, #tpu.memory_space<vmem>> -> memref<50x64xf32, #tpu.memory_space<vmem>>
      tpu.wait_dma2 semaphore(%arg14 : memref<!tpu.dma_semaphore, #tpu.memory_space<semaphore_mem>>) src(%dma_wait3A_2044 : memref<50x64xf32, #tpu.memory_space<vmem>>) dst(%dma_wait3A_2037 : memref<50x64xf32, #tpu.memory_space<hbm>>)
      %mul3A_2045 = arith.constant 4 : i32
      %mul3A_2046 = arith.muli %sub3A_2018, %mul3A_2045 : i32
      %add3A_2047 = arith.addi %mul3A_2, %mul3A_2046 : i32
      %add3A_2048 = arith.constant 1 : i32
      %add3A_2049 = arith.addi %add3A_2047, %add3A_2048 : i32
      %mul3A_2050 = arith.constant 56 : i32
      %mul3A_2051 = arith.muli %add3A_2049, %mul3A_2050 : i32
      %dma_wait3A_2052 = arith.constant 1 : i32
      %dma_wait3A_2053 = arith.constant 0 : i32
      %dma_wait3A_2054 = arith.constant 0 : i32
      %dma_wait3A_2055 = tpu.memref_slice %arg6[%dma_wait3A_2052, %dma_wait3A_2053, %dma_wait3A_2054] : memref<6x200x64xf32, #tpu.memory_space<vmem>> -> memref<1x200x64xf32, #tpu.memory_space<vmem>>
      %dma_wait3A_2056 = tpu.memref_squeeze %dma_wait3A_2055 : memref<1x200x64xf32, #tpu.memory_space<vmem>> -> memref<200x64xf32, #tpu.memory_space<vmem>>
      %dma_wait3A_2057 = arith.constant 50 : i32
      %dma_wait3A_2058 = arith.constant 0 : i32
      %dma_wait3A_2059 = tpu.memref_slice %dma_wait3A_2056[%dma_wait3A_2057, %dma_wait3A_2058] : memref<200x64xf32, #tpu.memory_space<vmem>> -> memref<50x64xf32, #tpu.memory_space<vmem>>
      %dma_wait3A_2060 = arith.constant 0 : i32
      %dma_wait3A_2061 = tpu.memref_slice %arg4[%mul3A_2051, %dma_wait3A_2060] : memref<917504x128xf32, #tpu.memory_space<hbm>> -> memref<50x64xf32, #tpu.memory_space<hbm>>
      %dma_wait3A_2062 = arith.constant 0 : i32
      %dma_wait3A_2063 = tpu.memref_slice %arg4[%mul3A_2051, %dma_wait3A_2062] : memref<917504x128xf32, #tpu.memory_space<hbm>> -> memref<50x64xf32, #tpu.memory_space<hbm>>
      %dma_wait3A_2064 = arith.constant 0 : i32
      %dma_wait3A_2065 = arith.constant 0 : i32
      %dma_wait3A_2066 = tpu.memref_slice %arg6[%dma_wait3A_2052, %dma_wait3A_2064, %dma_wait3A_2065] : memref<6x200x64xf32, #tpu.memory_space<vmem>> -> memref<1x200x64xf32, #tpu.memory_space<vmem>>
      %dma_wait3A_2067 = tpu.memref_squeeze %dma_wait3A_2066 : memref<1x200x64xf32, #tpu.memory_space<vmem>> -> memref<200x64xf32, #tpu.memory_space<vmem>>
      %dma_wait3A_2068 = arith.constant 50 : i32
      %dma_wait3A_2069 = arith.constant 0 : i32
      %dma_wait3A_2070 = tpu.memref_slice %dma_wait3A_2067[%dma_wait3A_2068, %dma_wait3A_2069] : memref<200x64xf32, #tpu.memory_space<vmem>> -> memref<50x64xf32, #tpu.memory_space<vmem>>
      tpu.wait_dma2 semaphore(%arg14 : memref<!tpu.dma_semaphore, #tpu.memory_space<semaphore_mem>>) src(%dma_wait3A_2070 : memref<50x64xf32, #tpu.memory_space<vmem>>) dst(%dma_wait3A_2063 : memref<50x64xf32, #tpu.memory_space<hbm>>)
      %mul3A_2071 = arith.constant 4 : i32
      %mul3A_2072 = arith.muli %sub3A_2018, %mul3A_2071 : i32
      %add3A_2073 = arith.addi %mul3A_2, %mul3A_2072 : i32
      %add3A_2074 = arith.constant 2 : i32
      %add3A_2075 = arith.addi %add3A_2073, %add3A_2074 : i32
      %mul3A_2076 = arith.constant 56 : i32
      %mul3A_2077 = arith.muli %add3A_2075, %mul3A_2076 : i32
      %dma_wait3A_2078 = arith.constant 1 : i32
      %dma_wait3A_2079 = arith.constant 0 : i32
      %dma_wait3A_2080 = arith.constant 0 : i32
      %dma_wait3A_2081 = tpu.memref_slice %arg6[%dma_wait3A_2078, %dma_wait3A_2079, %dma_wait3A_2080] : memref<6x200x64xf32, #tpu.memory_space<vmem>> -> memref<1x200x64xf32, #tpu.memory_space<vmem>>
      %dma_wait3A_2082 = tpu.memref_squeeze %dma_wait3A_2081 : memref<1x200x64xf32, #tpu.memory_space<vmem>> -> memref<200x64xf32, #tpu.memory_space<vmem>>
      %dma_wait3A_2083 = arith.constant 100 : i32
      %dma_wait3A_2084 = arith.constant 0 : i32
      %dma_wait3A_2085 = tpu.memref_slice %dma_wait3A_2082[%dma_wait3A_2083, %dma_wait3A_2084] : memref<200x64xf32, #tpu.memory_space<vmem>> -> memref<50x64xf32, #tpu.memory_space<vmem>>
      %dma_wait3A_2086 = arith.constant 0 : i32
      %dma_wait3A_2087 = tpu.memref_slice %arg4[%mul3A_2077, %dma_wait3A_2086] : memref<917504x128xf32, #tpu.memory_space<hbm>> -> memref<50x64xf32, #tpu.memory_space<hbm>>
      %dma_wait3A_2088 = arith.constant 0 : i32
      %dma_wait3A_2089 = tpu.memref_slice %arg4[%mul3A_2077, %dma_wait3A_2088] : memref<917504x128xf32, #tpu.memory_space<hbm>> -> memref<50x64xf32, #tpu.memory_space<hbm>>
      %dma_wait3A_2090 = arith.constant 0 : i32
      %dma_wait3A_2091 = arith.constant 0 : i32
      %dma_wait3A_2092 = tpu.memref_slice %arg6[%dma_wait3A_2078, %dma_wait3A_2090, %dma_wait3A_2091] : memref<6x200x64xf32, #tpu.memory_space<vmem>> -> memref<1x200x64xf32, #tpu.memory_space<vmem>>
      %dma_wait3A_2093 = tpu.memref_squeeze %dma_wait3A_2092 : memref<1x200x64xf32, #tpu.memory_space<vmem>> -> memref<200x64xf32, #tpu.memory_space<vmem>>
      %dma_wait3A_2094 = arith.constant 100 : i32
      %dma_wait3A_2095 = arith.constant 0 : i32
      %dma_wait3A_2096 = tpu.memref_slice %dma_wait3A_2093[%dma_wait3A_2094, %dma_wait3A_2095] : memref<200x64xf32, #tpu.memory_space<vmem>> -> memref<50x64xf32, #tpu.memory_space<vmem>>
      tpu.wait_dma2 semaphore(%arg14 : memref<!tpu.dma_semaphore, #tpu.memory_space<semaphore_mem>>) src(%dma_wait3A_2096 : memref<50x64xf32, #tpu.memory_space<vmem>>) dst(%dma_wait3A_2089 : memref<50x64xf32, #tpu.memory_space<hbm>>)
      %mul3A_2097 = arith.constant 4 : i32
      %mul3A_2098 = arith.muli %sub3A_2018, %mul3A_2097 : i32
      %add3A_2099 = arith.addi %mul3A_2, %mul3A_2098 : i32
      %add3A_2100 = arith.constant 3 : i32
      %add3A_2101 = arith.addi %add3A_2099, %add3A_2100 : i32
      %mul3A_2102 = arith.constant 56 : i32
      %mul3A_2103 = arith.muli %add3A_2101, %mul3A_2102 : i32
      %dma_wait3A_2104 = arith.constant 1 : i32
      %dma_wait3A_2105 = arith.constant 0 : i32
      %dma_wait3A_2106 = arith.constant 0 : i32
      %dma_wait3A_2107 = tpu.memref_slice %arg6[%dma_wait3A_2104, %dma_wait3A_2105, %dma_wait3A_2106] : memref<6x200x64xf32, #tpu.memory_space<vmem>> -> memref<1x200x64xf32, #tpu.memory_space<vmem>>
      %dma_wait3A_2108 = tpu.memref_squeeze %dma_wait3A_2107 : memref<1x200x64xf32, #tpu.memory_space<vmem>> -> memref<200x64xf32, #tpu.memory_space<vmem>>
      %dma_wait3A_2109 = arith.constant 150 : i32
      %dma_wait3A_2110 = arith.constant 0 : i32
      %dma_wait3A_2111 = tpu.memref_slice %dma_wait3A_2108[%dma_wait3A_2109, %dma_wait3A_2110] : memref<200x64xf32, #tpu.memory_space<vmem>> -> memref<50x64xf32, #tpu.memory_space<vmem>>
      %dma_wait3A_2112 = arith.constant 0 : i32
      %dma_wait3A_2113 = tpu.memref_slice %arg4[%mul3A_2103, %dma_wait3A_2112] : memref<917504x128xf32, #tpu.memory_space<hbm>> -> memref<50x64xf32, #tpu.memory_space<hbm>>
      %dma_wait3A_2114 = arith.constant 0 : i32
      %dma_wait3A_2115 = tpu.memref_slice %arg4[%mul3A_2103, %dma_wait3A_2114] : memref<917504x128xf32, #tpu.memory_space<hbm>> -> memref<50x64xf32, #tpu.memory_space<hbm>>
      %dma_wait3A_2116 = arith.constant 0 : i32
      %dma_wait3A_2117 = arith.constant 0 : i32
      %dma_wait3A_2118 = tpu.memref_slice %arg6[%dma_wait3A_2104, %dma_wait3A_2116, %dma_wait3A_2117] : memref<6x200x64xf32, #tpu.memory_space<vmem>> -> memref<1x200x64xf32, #tpu.memory_space<vmem>>
      %dma_wait3A_2119 = tpu.memref_squeeze %dma_wait3A_2118 : memref<1x200x64xf32, #tpu.memory_space<vmem>> -> memref<200x64xf32, #tpu.memory_space<vmem>>
      %dma_wait3A_2120 = arith.constant 150 : i32
      %dma_wait3A_2121 = arith.constant 0 : i32
      %dma_wait3A_2122 = tpu.memref_slice %dma_wait3A_2119[%dma_wait3A_2120, %dma_wait3A_2121] : memref<200x64xf32, #tpu.memory_space<vmem>> -> memref<50x64xf32, #tpu.memory_space<vmem>>
      tpu.wait_dma2 semaphore(%arg14 : memref<!tpu.dma_semaphore, #tpu.memory_space<semaphore_mem>>) src(%dma_wait3A_2122 : memref<50x64xf32, #tpu.memory_space<vmem>>) dst(%dma_wait3A_2115 : memref<50x64xf32, #tpu.memory_space<hbm>>)
      %add3A_2123 = arith.constant 4 : i32
      %add3A_2124 = arith.addi %add3A_2016, %add3A_2123 : i32
      %mul3A_2125 = arith.constant 200 : i32
      %mul3A_2126 = arith.muli %add3A_2124, %mul3A_2125 : i32
      %dma_start3A_2127 = arith.constant 1 : i32
      %dma_start3A_2128 = arith.constant 0 : i32
      %dma_start3A_2129 = arith.constant 0 : i32
      %dma_start3A_2130 = tpu.memref_slice %arg6[%dma_start3A_2127, %dma_start3A_2128, %dma_start3A_2129] : memref<6x200x64xf32, #tpu.memory_space<vmem>> -> memref<1x200x64xf32, #tpu.memory_space<vmem>>
      %dma_start3A_2131 = tpu.memref_squeeze %dma_start3A_2130 : memref<1x200x64xf32, #tpu.memory_space<vmem>> -> memref<200x64xf32, #tpu.memory_space<vmem>>
      %dma_start3A_2132 = tpu.memref_slice %arg5[%mul3A_2126] : memref<25600xi32, #tpu.memory_space<vmem>> -> memref<200xi32, #tpu.memory_space<vmem>>
      %dma_start3A_2133 = arith.constant 0 : i32
      %dma_start3A_2134 = arith.constant 0 : i32
      %dma_start3A_2135 = tpu.memref_slice %arg3[%dma_start3A_2133, %dma_start3A_2134] : memref<1000000x64xf32, #tpu.memory_space<hbm>> -> memref<1000000x64xf32, #tpu.memory_space<hbm>>
      tpu.enqueue_indirect_dma source(%dma_start3A_2135 : memref<1000000x64xf32, #tpu.memory_space<hbm>>) target(%dma_start3A_2131 : memref<200x64xf32, #tpu.memory_space<vmem>>) offsets(%dma_start3A_2132 : memref<200xi32, #tpu.memory_space<vmem>>) semaphore(%arg8 : memref<!tpu.dma_semaphore, #tpu.memory_space<semaphore_mem>>)
      %mul3A_2136 = arith.constant 200 : i32
      %mul3A_2137 = arith.muli %add3A_2016, %mul3A_2136 : i32
      %dma_wait3A_2138 = arith.constant 3 : i32
      %dma_wait3A_2139 = arith.constant 0 : i32
      %dma_wait3A_2140 = arith.constant 0 : i32
      %dma_wait3A_2141 = tpu.memref_slice %arg6[%dma_wait3A_2138, %dma_wait3A_2139, %dma_wait3A_2140] : memref<6x200x64xf32, #tpu.memory_space<vmem>> -> memref<1x200x64xf32, #tpu.memory_space<vmem>>
      %dma_wait3A_2142 = tpu.memref_squeeze %dma_wait3A_2141 : memref<1x200x64xf32, #tpu.memory_space<vmem>> -> memref<200x64xf32, #tpu.memory_space<vmem>>
      %dma_wait3A_2143 = tpu.memref_slice %arg5[%mul3A_2137] : memref<25600xi32, #tpu.memory_space<vmem>> -> memref<200xi32, #tpu.memory_space<vmem>>
      %dma_wait3A_2144 = arith.constant 0 : i32
      %dma_wait3A_2145 = arith.constant 0 : i32
      %dma_wait3A_2146 = tpu.memref_slice %arg3[%dma_wait3A_2144, %dma_wait3A_2145] : memref<1000000x64xf32, #tpu.memory_space<hbm>> -> memref<1000000x64xf32, #tpu.memory_space<hbm>>
      tpu.wait_indirect_dma semaphore(%arg10 : memref<!tpu.dma_semaphore, #tpu.memory_space<semaphore_mem>>) src(%dma_wait3A_2146 : memref<1000000x64xf32, #tpu.memory_space<hbm>>) dst(%dma_wait3A_2142 : memref<200x64xf32, #tpu.memory_space<vmem>>)
      %mul3A_2147 = arith.constant 4 : i32
      %mul3A_2148 = arith.muli %add3A_2016, %mul3A_2147 : i32
      %add3A_2149 = arith.addi %mul3A_2, %mul3A_2148 : i32
      %add3A_2150 = arith.constant 0 : i32
      %add3A_2151 = arith.addi %add3A_2149, %add3A_2150 : i32
      %mul3A_2152 = arith.constant 56 : i32
      %mul3A_2153 = arith.muli %add3A_2151, %mul3A_2152 : i32
      %dma_start3A_2154 = arith.constant 3 : i32
      %dma_start3A_2155 = arith.constant 0 : i32
      %dma_start3A_2156 = arith.constant 0 : i32
      %dma_start3A_2157 = tpu.memref_slice %arg6[%dma_start3A_2154, %dma_start3A_2155, %dma_start3A_2156] : memref<6x200x64xf32, #tpu.memory_space<vmem>> -> memref<1x200x64xf32, #tpu.memory_space<vmem>>
      %dma_start3A_2158 = tpu.memref_squeeze %dma_start3A_2157 : memref<1x200x64xf32, #tpu.memory_space<vmem>> -> memref<200x64xf32, #tpu.memory_space<vmem>>
      %dma_start3A_2159 = arith.constant 0 : i32
      %dma_start3A_2160 = arith.constant 0 : i32
      %dma_start3A_2161 = tpu.memref_slice %dma_start3A_2158[%dma_start3A_2159, %dma_start3A_2160] : memref<200x64xf32, #tpu.memory_space<vmem>> -> memref<50x64xf32, #tpu.memory_space<vmem>>
      %dma_start3A_2162 = arith.constant 0 : i32
      %dma_start3A_2163 = tpu.memref_slice %arg4[%mul3A_2153, %dma_start3A_2162] : memref<917504x128xf32, #tpu.memory_space<hbm>> -> memref<50x64xf32, #tpu.memory_space<hbm>>
      %dma_start3A_2164 = arith.constant 0 : i32
      %dma_start3A_2165 = tpu.memref_slice %arg4[%mul3A_2153, %dma_start3A_2164] : memref<917504x128xf32, #tpu.memory_space<hbm>> -> memref<50x64xf32, #tpu.memory_space<hbm>>
      %dma_start3A_2166 = arith.constant 0 : i32
      %dma_start3A_2167 = arith.constant 0 : i32
      %dma_start3A_2168 = tpu.memref_slice %arg6[%dma_start3A_2154, %dma_start3A_2166, %dma_start3A_2167] : memref<6x200x64xf32, #tpu.memory_space<vmem>> -> memref<1x200x64xf32, #tpu.memory_space<vmem>>
      %dma_start3A_2169 = tpu.memref_squeeze %dma_start3A_2168 : memref<1x200x64xf32, #tpu.memory_space<vmem>> -> memref<200x64xf32, #tpu.memory_space<vmem>>
      %dma_start3A_2170 = arith.constant 0 : i32
      %dma_start3A_2171 = arith.constant 0 : i32
      %dma_start3A_2172 = tpu.memref_slice %dma_start3A_2169[%dma_start3A_2170, %dma_start3A_2171] : memref<200x64xf32, #tpu.memory_space<vmem>> -> memref<50x64xf32, #tpu.memory_space<vmem>>
      tpu.enqueue_dma source(%dma_start3A_2172 : memref<50x64xf32, #tpu.memory_space<vmem>>) target(%dma_start3A_2165 : memref<50x64xf32, #tpu.memory_space<hbm>>) target_semaphore(%arg16 : memref<!tpu.dma_semaphore, #tpu.memory_space<semaphore_mem>>)
      %mul3A_2173 = arith.constant 4 : i32
      %mul3A_2174 = arith.muli %add3A_2016, %mul3A_2173 : i32
      %add3A_2175 = arith.addi %mul3A_2, %mul3A_2174 : i32
      %add3A_2176 = arith.constant 1 : i32
      %add3A_2177 = arith.addi %add3A_2175, %add3A_2176 : i32
      %mul3A_2178 = arith.constant 56 : i32
      %mul3A_2179 = arith.muli %add3A_2177, %mul3A_2178 : i32
      %dma_start3A_2180 = arith.constant 3 : i32
      %dma_start3A_2181 = arith.constant 0 : i32
      %dma_start3A_2182 = arith.constant 0 : i32
      %dma_start3A_2183 = tpu.memref_slice %arg6[%dma_start3A_2180, %dma_start3A_2181, %dma_start3A_2182] : memref<6x200x64xf32, #tpu.memory_space<vmem>> -> memref<1x200x64xf32, #tpu.memory_space<vmem>>
      %dma_start3A_2184 = tpu.memref_squeeze %dma_start3A_2183 : memref<1x200x64xf32, #tpu.memory_space<vmem>> -> memref<200x64xf32, #tpu.memory_space<vmem>>
      %dma_start3A_2185 = arith.constant 50 : i32
      %dma_start3A_2186 = arith.constant 0 : i32
      %dma_start3A_2187 = tpu.memref_slice %dma_start3A_2184[%dma_start3A_2185, %dma_start3A_2186] : memref<200x64xf32, #tpu.memory_space<vmem>> -> memref<50x64xf32, #tpu.memory_space<vmem>>
      %dma_start3A_2188 = arith.constant 0 : i32
      %dma_start3A_2189 = tpu.memref_slice %arg4[%mul3A_2179, %dma_start3A_2188] : memref<917504x128xf32, #tpu.memory_space<hbm>> -> memref<50x64xf32, #tpu.memory_space<hbm>>
      %dma_start3A_2190 = arith.constant 0 : i32
      %dma_start3A_2191 = tpu.memref_slice %arg4[%mul3A_2179, %dma_start3A_2190] : memref<917504x128xf32, #tpu.memory_space<hbm>> -> memref<50x64xf32, #tpu.memory_space<hbm>>
      %dma_start3A_2192 = arith.constant 0 : i32
      %dma_start3A_2193 = arith.constant 0 : i32
      %dma_start3A_2194 = tpu.memref_slice %arg6[%dma_start3A_2180, %dma_start3A_2192, %dma_start3A_2193] : memref<6x200x64xf32, #tpu.memory_space<vmem>> -> memref<1x200x64xf32, #tpu.memory_space<vmem>>
      %dma_start3A_2195 = tpu.memref_squeeze %dma_start3A_2194 : memref<1x200x64xf32, #tpu.memory_space<vmem>> -> memref<200x64xf32, #tpu.memory_space<vmem>>
      %dma_start3A_2196 = arith.constant 50 : i32
      %dma_start3A_2197 = arith.constant 0 : i32
      %dma_start3A_2198 = tpu.memref_slice %dma_start3A_2195[%dma_start3A_2196, %dma_start3A_2197] : memref<200x64xf32, #tpu.memory_space<vmem>> -> memref<50x64xf32, #tpu.memory_space<vmem>>
      tpu.enqueue_dma source(%dma_start3A_2198 : memref<50x64xf32, #tpu.memory_space<vmem>>) target(%dma_start3A_2191 : memref<50x64xf32, #tpu.memory_space<hbm>>) target_semaphore(%arg16 : memref<!tpu.dma_semaphore, #tpu.memory_space<semaphore_mem>>)
      %mul3A_2199 = arith.constant 4 : i32
      %mul3A_2200 = arith.muli %add3A_2016, %mul3A_2199 : i32
      %add3A_2201 = arith.addi %mul3A_2, %mul3A_2200 : i32
      %add3A_2202 = arith.constant 2 : i32
      %add3A_2203 = arith.addi %add3A_2201, %add3A_2202 : i32
      %mul3A_2204 = arith.constant 56 : i32
      %mul3A_2205 = arith.muli %add3A_2203, %mul3A_2204 : i32
      %dma_start3A_2206 = arith.constant 3 : i32
      %dma_start3A_2207 = arith.constant 0 : i32
      %dma_start3A_2208 = arith.constant 0 : i32
      %dma_start3A_2209 = tpu.memref_slice %arg6[%dma_start3A_2206, %dma_start3A_2207, %dma_start3A_2208] : memref<6x200x64xf32, #tpu.memory_space<vmem>> -> memref<1x200x64xf32, #tpu.memory_space<vmem>>
      %dma_start3A_2210 = tpu.memref_squeeze %dma_start3A_2209 : memref<1x200x64xf32, #tpu.memory_space<vmem>> -> memref<200x64xf32, #tpu.memory_space<vmem>>
      %dma_start3A_2211 = arith.constant 100 : i32
      %dma_start3A_2212 = arith.constant 0 : i32
      %dma_start3A_2213 = tpu.memref_slice %dma_start3A_2210[%dma_start3A_2211, %dma_start3A_2212] : memref<200x64xf32, #tpu.memory_space<vmem>> -> memref<50x64xf32, #tpu.memory_space<vmem>>
      %dma_start3A_2214 = arith.constant 0 : i32
      %dma_start3A_2215 = tpu.memref_slice %arg4[%mul3A_2205, %dma_start3A_2214] : memref<917504x128xf32, #tpu.memory_space<hbm>> -> memref<50x64xf32, #tpu.memory_space<hbm>>
      %dma_start3A_2216 = arith.constant 0 : i32
      %dma_start3A_2217 = tpu.memref_slice %arg4[%mul3A_2205, %dma_start3A_2216] : memref<917504x128xf32, #tpu.memory_space<hbm>> -> memref<50x64xf32, #tpu.memory_space<hbm>>
      %dma_start3A_2218 = arith.constant 0 : i32
      %dma_start3A_2219 = arith.constant 0 : i32
      %dma_start3A_2220 = tpu.memref_slice %arg6[%dma_start3A_2206, %dma_start3A_2218, %dma_start3A_2219] : memref<6x200x64xf32, #tpu.memory_space<vmem>> -> memref<1x200x64xf32, #tpu.memory_space<vmem>>
      %dma_start3A_2221 = tpu.memref_squeeze %dma_start3A_2220 : memref<1x200x64xf32, #tpu.memory_space<vmem>> -> memref<200x64xf32, #tpu.memory_space<vmem>>
      %dma_start3A_2222 = arith.constant 100 : i32
      %dma_start3A_2223 = arith.constant 0 : i32
      %dma_start3A_2224 = tpu.memref_slice %dma_start3A_2221[%dma_start3A_2222, %dma_start3A_2223] : memref<200x64xf32, #tpu.memory_space<vmem>> -> memref<50x64xf32, #tpu.memory_space<vmem>>
      tpu.enqueue_dma source(%dma_start3A_2224 : memref<50x64xf32, #tpu.memory_space<vmem>>) target(%dma_start3A_2217 : memref<50x64xf32, #tpu.memory_space<hbm>>) target_semaphore(%arg16 : memref<!tpu.dma_semaphore, #tpu.memory_space<semaphore_mem>>)
      %mul3A_2225 = arith.constant 4 : i32
      %mul3A_2226 = arith.muli %add3A_2016, %mul3A_2225 : i32
      %add3A_2227 = arith.addi %mul3A_2, %mul3A_2226 : i32
      %add3A_2228 = arith.constant 3 : i32
      %add3A_2229 = arith.addi %add3A_2227, %add3A_2228 : i32
      %mul3A_2230 = arith.constant 56 : i32
      %mul3A_2231 = arith.muli %add3A_2229, %mul3A_2230 : i32
      %dma_start3A_2232 = arith.constant 3 : i32
      %dma_start3A_2233 = arith.constant 0 : i32
      %dma_start3A_2234 = arith.constant 0 : i32
      %dma_start3A_2235 = tpu.memref_slice %arg6[%dma_start3A_2232, %dma_start3A_2233, %dma_start3A_2234] : memref<6x200x64xf32, #tpu.memory_space<vmem>> -> memref<1x200x64xf32, #tpu.memory_space<vmem>>
      %dma_start3A_2236 = tpu.memref_squeeze %dma_start3A_2235 : memref<1x200x64xf32, #tpu.memory_space<vmem>> -> memref<200x64xf32, #tpu.memory_space<vmem>>
      %dma_start3A_2237 = arith.constant 150 : i32
      %dma_start3A_2238 = arith.constant 0 : i32
      %dma_start3A_2239 = tpu.memref_slice %dma_start3A_2236[%dma_start3A_2237, %dma_start3A_2238] : memref<200x64xf32, #tpu.memory_space<vmem>> -> memref<50x64xf32, #tpu.memory_space<vmem>>
      %dma_start3A_2240 = arith.constant 0 : i32
      %dma_start3A_2241 = tpu.memref_slice %arg4[%mul3A_2231, %dma_start3A_2240] : memref<917504x128xf32, #tpu.memory_space<hbm>> -> memref<50x64xf32, #tpu.memory_space<hbm>>
      %dma_start3A_2242 = arith.constant 0 : i32
      %dma_start3A_2243 = tpu.memref_slice %arg4[%mul3A_2231, %dma_start3A_2242] : memref<917504x128xf32, #tpu.memory_space<hbm>> -> memref<50x64xf32, #tpu.memory_space<hbm>>
      %dma_start3A_2244 = arith.constant 0 : i32
      %dma_start3A_2245 = arith.constant 0 : i32
      %dma_start3A_2246 = tpu.memref_slice %arg6[%dma_start3A_2232, %dma_start3A_2244, %dma_start3A_2245] : memref<6x200x64xf32, #tpu.memory_space<vmem>> -> memref<1x200x64xf32, #tpu.memory_space<vmem>>
      %dma_start3A_2247 = tpu.memref_squeeze %dma_start3A_2246 : memref<1x200x64xf32, #tpu.memory_space<vmem>> -> memref<200x64xf32, #tpu.memory_space<vmem>>
      %dma_start3A_2248 = arith.constant 150 : i32
      %dma_start3A_2249 = arith.constant 0 : i32
      %dma_start3A_2250 = tpu.memref_slice %dma_start3A_2247[%dma_start3A_2248, %dma_start3A_2249] : memref<200x64xf32, #tpu.memory_space<vmem>> -> memref<50x64xf32, #tpu.memory_space<vmem>>
      tpu.enqueue_dma source(%dma_start3A_2250 : memref<50x64xf32, #tpu.memory_space<vmem>>) target(%dma_start3A_2243 : memref<50x64xf32, #tpu.memory_space<hbm>>) target_semaphore(%arg16 : memref<!tpu.dma_semaphore, #tpu.memory_space<semaphore_mem>>)
      %mul3A_2251 = arith.constant 6 : i32
      %mul3A_2252 = arith.muli %add3A_1771, %mul3A_2251 : i32
      %add3A_2253 = arith.constant 2 : i32
      %add3A_2254 = arith.addi %add3A_2253, %mul3A_2252 : i32
      %add3A_2255 = arith.constant 2 : i32
      %add3A_2256 = arith.addi %add3A_2254, %add3A_2255 : i32
      %sub3A_2257 = arith.constant 2 : i32
      %sub3A_2258 = arith.subi %add3A_2256, %sub3A_2257 : i32
      %mul3A_2259 = arith.constant 4 : i32
      %mul3A_2260 = arith.muli %sub3A_2258, %mul3A_2259 : i32
      %add3A_2261 = arith.addi %mul3A_2, %mul3A_2260 : i32
      %add3A_2262 = arith.constant 0 : i32
      %add3A_2263 = arith.addi %add3A_2261, %add3A_2262 : i32
      %mul3A_2264 = arith.constant 56 : i32
      %mul3A_2265 = arith.muli %add3A_2263, %mul3A_2264 : i32
      %dma_wait3A_2266 = arith.constant 2 : i32
      %dma_wait3A_2267 = arith.constant 0 : i32
      %dma_wait3A_2268 = arith.constant 0 : i32
      %dma_wait3A_2269 = tpu.memref_slice %arg6[%dma_wait3A_2266, %dma_wait3A_2267, %dma_wait3A_2268] : memref<6x200x64xf32, #tpu.memory_space<vmem>> -> memref<1x200x64xf32, #tpu.memory_space<vmem>>
      %dma_wait3A_2270 = tpu.memref_squeeze %dma_wait3A_2269 : memref<1x200x64xf32, #tpu.memory_space<vmem>> -> memref<200x64xf32, #tpu.memory_space<vmem>>
      %dma_wait3A_2271 = arith.constant 0 : i32
      %dma_wait3A_2272 = arith.constant 0 : i32
      %dma_wait3A_2273 = tpu.memref_slice %dma_wait3A_2270[%dma_wait3A_2271, %dma_wait3A_2272] : memref<200x64xf32, #tpu.memory_space<vmem>> -> memref<50x64xf32, #tpu.memory_space<vmem>>
      %dma_wait3A_2274 = arith.constant 0 : i32
      %dma_wait3A_2275 = tpu.memref_slice %arg4[%mul3A_2265, %dma_wait3A_2274] : memref<917504x128xf32, #tpu.memory_space<hbm>> -> memref<50x64xf32, #tpu.memory_space<hbm>>
      %dma_wait3A_2276 = arith.constant 0 : i32
      %dma_wait3A_2277 = tpu.memref_slice %arg4[%mul3A_2265, %dma_wait3A_2276] : memref<917504x128xf32, #tpu.memory_space<hbm>> -> memref<50x64xf32, #tpu.memory_space<hbm>>
      %dma_wait3A_2278 = arith.constant 0 : i32
      %dma_wait3A_2279 = arith.constant 0 : i32
      %dma_wait3A_2280 = tpu.memref_slice %arg6[%dma_wait3A_2266, %dma_wait3A_2278, %dma_wait3A_2279] : memref<6x200x64xf32, #tpu.memory_space<vmem>> -> memref<1x200x64xf32, #tpu.memory_space<vmem>>
      %dma_wait3A_2281 = tpu.memref_squeeze %dma_wait3A_2280 : memref<1x200x64xf32, #tpu.memory_space<vmem>> -> memref<200x64xf32, #tpu.memory_space<vmem>>
      %dma_wait3A_2282 = arith.constant 0 : i32
      %dma_wait3A_2283 = arith.constant 0 : i32
      %dma_wait3A_2284 = tpu.memref_slice %dma_wait3A_2281[%dma_wait3A_2282, %dma_wait3A_2283] : memref<200x64xf32, #tpu.memory_space<vmem>> -> memref<50x64xf32, #tpu.memory_space<vmem>>
      tpu.wait_dma2 semaphore(%arg15 : memref<!tpu.dma_semaphore, #tpu.memory_space<semaphore_mem>>) src(%dma_wait3A_2284 : memref<50x64xf32, #tpu.memory_space<vmem>>) dst(%dma_wait3A_2277 : memref<50x64xf32, #tpu.memory_space<hbm>>)
      %mul3A_2285 = arith.constant 4 : i32
      %mul3A_2286 = arith.muli %sub3A_2258, %mul3A_2285 : i32
      %add3A_2287 = arith.addi %mul3A_2, %mul3A_2286 : i32
      %add3A_2288 = arith.constant 1 : i32
      %add3A_2289 = arith.addi %add3A_2287, %add3A_2288 : i32
      %mul3A_2290 = arith.constant 56 : i32
      %mul3A_2291 = arith.muli %add3A_2289, %mul3A_2290 : i32
      %dma_wait3A_2292 = arith.constant 2 : i32
      %dma_wait3A_2293 = arith.constant 0 : i32
      %dma_wait3A_2294 = arith.constant 0 : i32
      %dma_wait3A_2295 = tpu.memref_slice %arg6[%dma_wait3A_2292, %dma_wait3A_2293, %dma_wait3A_2294] : memref<6x200x64xf32, #tpu.memory_space<vmem>> -> memref<1x200x64xf32, #tpu.memory_space<vmem>>
      %dma_wait3A_2296 = tpu.memref_squeeze %dma_wait3A_2295 : memref<1x200x64xf32, #tpu.memory_space<vmem>> -> memref<200x64xf32, #tpu.memory_space<vmem>>
      %dma_wait3A_2297 = arith.constant 50 : i32
      %dma_wait3A_2298 = arith.constant 0 : i32
      %dma_wait3A_2299 = tpu.memref_slice %dma_wait3A_2296[%dma_wait3A_2297, %dma_wait3A_2298] : memref<200x64xf32, #tpu.memory_space<vmem>> -> memref<50x64xf32, #tpu.memory_space<vmem>>
      %dma_wait3A_2300 = arith.constant 0 : i32
      %dma_wait3A_2301 = tpu.memref_slice %arg4[%mul3A_2291, %dma_wait3A_2300] : memref<917504x128xf32, #tpu.memory_space<hbm>> -> memref<50x64xf32, #tpu.memory_space<hbm>>
      %dma_wait3A_2302 = arith.constant 0 : i32
      %dma_wait3A_2303 = tpu.memref_slice %arg4[%mul3A_2291, %dma_wait3A_2302] : memref<917504x128xf32, #tpu.memory_space<hbm>> -> memref<50x64xf32, #tpu.memory_space<hbm>>
      %dma_wait3A_2304 = arith.constant 0 : i32
      %dma_wait3A_2305 = arith.constant 0 : i32
      %dma_wait3A_2306 = tpu.memref_slice %arg6[%dma_wait3A_2292, %dma_wait3A_2304, %dma_wait3A_2305] : memref<6x200x64xf32, #tpu.memory_space<vmem>> -> memref<1x200x64xf32, #tpu.memory_space<vmem>>
      %dma_wait3A_2307 = tpu.memref_squeeze %dma_wait3A_2306 : memref<1x200x64xf32, #tpu.memory_space<vmem>> -> memref<200x64xf32, #tpu.memory_space<vmem>>
      %dma_wait3A_2308 = arith.constant 50 : i32
      %dma_wait3A_2309 = arith.constant 0 : i32
      %dma_wait3A_2310 = tpu.memref_slice %dma_wait3A_2307[%dma_wait3A_2308, %dma_wait3A_2309] : memref<200x64xf32, #tpu.memory_space<vmem>> -> memref<50x64xf32, #tpu.memory_space<vmem>>
      tpu.wait_dma2 semaphore(%arg15 : memref<!tpu.dma_semaphore, #tpu.memory_space<semaphore_mem>>) src(%dma_wait3A_2310 : memref<50x64xf32, #tpu.memory_space<vmem>>) dst(%dma_wait3A_2303 : memref<50x64xf32, #tpu.memory_space<hbm>>)
      %mul3A_2311 = arith.constant 4 : i32
      %mul3A_2312 = arith.muli %sub3A_2258, %mul3A_2311 : i32
      %add3A_2313 = arith.addi %mul3A_2, %mul3A_2312 : i32
      %add3A_2314 = arith.constant 2 : i32
      %add3A_2315 = arith.addi %add3A_2313, %add3A_2314 : i32
      %mul3A_2316 = arith.constant 56 : i32
      %mul3A_2317 = arith.muli %add3A_2315, %mul3A_2316 : i32
      %dma_wait3A_2318 = arith.constant 2 : i32
      %dma_wait3A_2319 = arith.constant 0 : i32
      %dma_wait3A_2320 = arith.constant 0 : i32
      %dma_wait3A_2321 = tpu.memref_slice %arg6[%dma_wait3A_2318, %dma_wait3A_2319, %dma_wait3A_2320] : memref<6x200x64xf32, #tpu.memory_space<vmem>> -> memref<1x200x64xf32, #tpu.memory_space<vmem>>
      %dma_wait3A_2322 = tpu.memref_squeeze %dma_wait3A_2321 : memref<1x200x64xf32, #tpu.memory_space<vmem>> -> memref<200x64xf32, #tpu.memory_space<vmem>>
      %dma_wait3A_2323 = arith.constant 100 : i32
      %dma_wait3A_2324 = arith.constant 0 : i32
      %dma_wait3A_2325 = tpu.memref_slice %dma_wait3A_2322[%dma_wait3A_2323, %dma_wait3A_2324] : memref<200x64xf32, #tpu.memory_space<vmem>> -> memref<50x64xf32, #tpu.memory_space<vmem>>
      %dma_wait3A_2326 = arith.constant 0 : i32
      %dma_wait3A_2327 = tpu.memref_slice %arg4[%mul3A_2317, %dma_wait3A_2326] : memref<917504x128xf32, #tpu.memory_space<hbm>> -> memref<50x64xf32, #tpu.memory_space<hbm>>
      %dma_wait3A_2328 = arith.constant 0 : i32
      %dma_wait3A_2329 = tpu.memref_slice %arg4[%mul3A_2317, %dma_wait3A_2328] : memref<917504x128xf32, #tpu.memory_space<hbm>> -> memref<50x64xf32, #tpu.memory_space<hbm>>
      %dma_wait3A_2330 = arith.constant 0 : i32
      %dma_wait3A_2331 = arith.constant 0 : i32
      %dma_wait3A_2332 = tpu.memref_slice %arg6[%dma_wait3A_2318, %dma_wait3A_2330, %dma_wait3A_2331] : memref<6x200x64xf32, #tpu.memory_space<vmem>> -> memref<1x200x64xf32, #tpu.memory_space<vmem>>
      %dma_wait3A_2333 = tpu.memref_squeeze %dma_wait3A_2332 : memref<1x200x64xf32, #tpu.memory_space<vmem>> -> memref<200x64xf32, #tpu.memory_space<vmem>>
      %dma_wait3A_2334 = arith.constant 100 : i32
      %dma_wait3A_2335 = arith.constant 0 : i32
      %dma_wait3A_2336 = tpu.memref_slice %dma_wait3A_2333[%dma_wait3A_2334, %dma_wait3A_2335] : memref<200x64xf32, #tpu.memory_space<vmem>> -> memref<50x64xf32, #tpu.memory_space<vmem>>
      tpu.wait_dma2 semaphore(%arg15 : memref<!tpu.dma_semaphore, #tpu.memory_space<semaphore_mem>>) src(%dma_wait3A_2336 : memref<50x64xf32, #tpu.memory_space<vmem>>) dst(%dma_wait3A_2329 : memref<50x64xf32, #tpu.memory_space<hbm>>)
      %mul3A_2337 = arith.constant 4 : i32
      %mul3A_2338 = arith.muli %sub3A_2258, %mul3A_2337 : i32
      %add3A_2339 = arith.addi %mul3A_2, %mul3A_2338 : i32
      %add3A_2340 = arith.constant 3 : i32
      %add3A_2341 = arith.addi %add3A_2339, %add3A_2340 : i32
      %mul3A_2342 = arith.constant 56 : i32
      %mul3A_2343 = arith.muli %add3A_2341, %mul3A_2342 : i32
      %dma_wait3A_2344 = arith.constant 2 : i32
      %dma_wait3A_2345 = arith.constant 0 : i32
      %dma_wait3A_2346 = arith.constant 0 : i32
      %dma_wait3A_2347 = tpu.memref_slice %arg6[%dma_wait3A_2344, %dma_wait3A_2345, %dma_wait3A_2346] : memref<6x200x64xf32, #tpu.memory_space<vmem>> -> memref<1x200x64xf32, #tpu.memory_space<vmem>>
      %dma_wait3A_2348 = tpu.memref_squeeze %dma_wait3A_2347 : memref<1x200x64xf32, #tpu.memory_space<vmem>> -> memref<200x64xf32, #tpu.memory_space<vmem>>
      %dma_wait3A_2349 = arith.constant 150 : i32
      %dma_wait3A_2350 = arith.constant 0 : i32
      %dma_wait3A_2351 = tpu.memref_slice %dma_wait3A_2348[%dma_wait3A_2349, %dma_wait3A_2350] : memref<200x64xf32, #tpu.memory_space<vmem>> -> memref<50x64xf32, #tpu.memory_space<vmem>>
      %dma_wait3A_2352 = arith.constant 0 : i32
      %dma_wait3A_2353 = tpu.memref_slice %arg4[%mul3A_2343, %dma_wait3A_2352] : memref<917504x128xf32, #tpu.memory_space<hbm>> -> memref<50x64xf32, #tpu.memory_space<hbm>>
      %dma_wait3A_2354 = arith.constant 0 : i32
      %dma_wait3A_2355 = tpu.memref_slice %arg4[%mul3A_2343, %dma_wait3A_2354] : memref<917504x128xf32, #tpu.memory_space<hbm>> -> memref<50x64xf32, #tpu.memory_space<hbm>>
      %dma_wait3A_2356 = arith.constant 0 : i32
      %dma_wait3A_2357 = arith.constant 0 : i32
      %dma_wait3A_2358 = tpu.memref_slice %arg6[%dma_wait3A_2344, %dma_wait3A_2356, %dma_wait3A_2357] : memref<6x200x64xf32, #tpu.memory_space<vmem>> -> memref<1x200x64xf32, #tpu.memory_space<vmem>>
      %dma_wait3A_2359 = tpu.memref_squeeze %dma_wait3A_2358 : memref<1x200x64xf32, #tpu.memory_space<vmem>> -> memref<200x64xf32, #tpu.memory_space<vmem>>
      %dma_wait3A_2360 = arith.constant 150 : i32
      %dma_wait3A_2361 = arith.constant 0 : i32
      %dma_wait3A_2362 = tpu.memref_slice %dma_wait3A_2359[%dma_wait3A_2360, %dma_wait3A_2361] : memref<200x64xf32, #tpu.memory_space<vmem>> -> memref<50x64xf32, #tpu.memory_space<vmem>>
      tpu.wait_dma2 semaphore(%arg15 : memref<!tpu.dma_semaphore, #tpu.memory_space<semaphore_mem>>) src(%dma_wait3A_2362 : memref<50x64xf32, #tpu.memory_space<vmem>>) dst(%dma_wait3A_2355 : memref<50x64xf32, #tpu.memory_space<hbm>>)
      %add3A_2363 = arith.constant 4 : i32
      %add3A_2364 = arith.addi %add3A_2256, %add3A_2363 : i32
      %mul3A_2365 = arith.constant 200 : i32
      %mul3A_2366 = arith.muli %add3A_2364, %mul3A_2365 : i32
      %dma_start3A_2367 = arith.constant 2 : i32
      %dma_start3A_2368 = arith.constant 0 : i32
      %dma_start3A_2369 = arith.constant 0 : i32
      %dma_start3A_2370 = tpu.memref_slice %arg6[%dma_start3A_2367, %dma_start3A_2368, %dma_start3A_2369] : memref<6x200x64xf32, #tpu.memory_space<vmem>> -> memref<1x200x64xf32, #tpu.memory_space<vmem>>
      %dma_start3A_2371 = tpu.memref_squeeze %dma_start3A_2370 : memref<1x200x64xf32, #tpu.memory_space<vmem>> -> memref<200x64xf32, #tpu.memory_space<vmem>>
      %dma_start3A_2372 = tpu.memref_slice %arg5[%mul3A_2366] : memref<25600xi32, #tpu.memory_space<vmem>> -> memref<200xi32, #tpu.memory_space<vmem>>
      %dma_start3A_2373 = arith.constant 0 : i32
      %dma_start3A_2374 = arith.constant 0 : i32
      %dma_start3A_2375 = tpu.memref_slice %arg3[%dma_start3A_2373, %dma_start3A_2374] : memref<1000000x64xf32, #tpu.memory_space<hbm>> -> memref<1000000x64xf32, #tpu.memory_space<hbm>>
      tpu.enqueue_indirect_dma source(%dma_start3A_2375 : memref<1000000x64xf32, #tpu.memory_space<hbm>>) target(%dma_start3A_2371 : memref<200x64xf32, #tpu.memory_space<vmem>>) offsets(%dma_start3A_2372 : memref<200xi32, #tpu.memory_space<vmem>>) semaphore(%arg9 : memref<!tpu.dma_semaphore, #tpu.memory_space<semaphore_mem>>)
      %mul3A_2376 = arith.constant 200 : i32
      %mul3A_2377 = arith.muli %add3A_2256, %mul3A_2376 : i32
      %dma_wait3A_2378 = arith.constant 4 : i32
      %dma_wait3A_2379 = arith.constant 0 : i32
      %dma_wait3A_2380 = arith.constant 0 : i32
      %dma_wait3A_2381 = tpu.memref_slice %arg6[%dma_wait3A_2378, %dma_wait3A_2379, %dma_wait3A_2380] : memref<6x200x64xf32, #tpu.memory_space<vmem>> -> memref<1x200x64xf32, #tpu.memory_space<vmem>>
      %dma_wait3A_2382 = tpu.memref_squeeze %dma_wait3A_2381 : memref<1x200x64xf32, #tpu.memory_space<vmem>> -> memref<200x64xf32, #tpu.memory_space<vmem>>
      %dma_wait3A_2383 = tpu.memref_slice %arg5[%mul3A_2377] : memref<25600xi32, #tpu.memory_space<vmem>> -> memref<200xi32, #tpu.memory_space<vmem>>
      %dma_wait3A_2384 = arith.constant 0 : i32
      %dma_wait3A_2385 = arith.constant 0 : i32
      %dma_wait3A_2386 = tpu.memref_slice %arg3[%dma_wait3A_2384, %dma_wait3A_2385] : memref<1000000x64xf32, #tpu.memory_space<hbm>> -> memref<1000000x64xf32, #tpu.memory_space<hbm>>
      tpu.wait_indirect_dma semaphore(%arg11 : memref<!tpu.dma_semaphore, #tpu.memory_space<semaphore_mem>>) src(%dma_wait3A_2386 : memref<1000000x64xf32, #tpu.memory_space<hbm>>) dst(%dma_wait3A_2382 : memref<200x64xf32, #tpu.memory_space<vmem>>)
      %mul3A_2387 = arith.constant 4 : i32
      %mul3A_2388 = arith.muli %add3A_2256, %mul3A_2387 : i32
      %add3A_2389 = arith.addi %mul3A_2, %mul3A_2388 : i32
      %add3A_2390 = arith.constant 0 : i32
      %add3A_2391 = arith.addi %add3A_2389, %add3A_2390 : i32
      %mul3A_2392 = arith.constant 56 : i32
      %mul3A_2393 = arith.muli %add3A_2391, %mul3A_2392 : i32
      %dma_start3A_2394 = arith.constant 4 : i32
      %dma_start3A_2395 = arith.constant 0 : i32
      %dma_start3A_2396 = arith.constant 0 : i32
      %dma_start3A_2397 = tpu.memref_slice %arg6[%dma_start3A_2394, %dma_start3A_2395, %dma_start3A_2396] : memref<6x200x64xf32, #tpu.memory_space<vmem>> -> memref<1x200x64xf32, #tpu.memory_space<vmem>>
      %dma_start3A_2398 = tpu.memref_squeeze %dma_start3A_2397 : memref<1x200x64xf32, #tpu.memory_space<vmem>> -> memref<200x64xf32, #tpu.memory_space<vmem>>
      %dma_start3A_2399 = arith.constant 0 : i32
      %dma_start3A_2400 = arith.constant 0 : i32
      %dma_start3A_2401 = tpu.memref_slice %dma_start3A_2398[%dma_start3A_2399, %dma_start3A_2400] : memref<200x64xf32, #tpu.memory_space<vmem>> -> memref<50x64xf32, #tpu.memory_space<vmem>>
      %dma_start3A_2402 = arith.constant 0 : i32
      %dma_start3A_2403 = tpu.memref_slice %arg4[%mul3A_2393, %dma_start3A_2402] : memref<917504x128xf32, #tpu.memory_space<hbm>> -> memref<50x64xf32, #tpu.memory_space<hbm>>
      %dma_start3A_2404 = arith.constant 0 : i32
      %dma_start3A_2405 = tpu.memref_slice %arg4[%mul3A_2393, %dma_start3A_2404] : memref<917504x128xf32, #tpu.memory_space<hbm>> -> memref<50x64xf32, #tpu.memory_space<hbm>>
      %dma_start3A_2406 = arith.constant 0 : i32
      %dma_start3A_2407 = arith.constant 0 : i32
      %dma_start3A_2408 = tpu.memref_slice %arg6[%dma_start3A_2394, %dma_start3A_2406, %dma_start3A_2407] : memref<6x200x64xf32, #tpu.memory_space<vmem>> -> memref<1x200x64xf32, #tpu.memory_space<vmem>>
      %dma_start3A_2409 = tpu.memref_squeeze %dma_start3A_2408 : memref<1x200x64xf32, #tpu.memory_space<vmem>> -> memref<200x64xf32, #tpu.memory_space<vmem>>
      %dma_start3A_2410 = arith.constant 0 : i32
      %dma_start3A_2411 = arith.constant 0 : i32
      %dma_start3A_2412 = tpu.memref_slice %dma_start3A_2409[%dma_start3A_2410, %dma_start3A_2411] : memref<200x64xf32, #tpu.memory_space<vmem>> -> memref<50x64xf32, #tpu.memory_space<vmem>>
      tpu.enqueue_dma source(%dma_start3A_2412 : memref<50x64xf32, #tpu.memory_space<vmem>>) target(%dma_start3A_2405 : memref<50x64xf32, #tpu.memory_space<hbm>>) target_semaphore(%arg17 : memref<!tpu.dma_semaphore, #tpu.memory_space<semaphore_mem>>)
      %mul3A_2413 = arith.constant 4 : i32
      %mul3A_2414 = arith.muli %add3A_2256, %mul3A_2413 : i32
      %add3A_2415 = arith.addi %mul3A_2, %mul3A_2414 : i32
      %add3A_2416 = arith.constant 1 : i32
      %add3A_2417 = arith.addi %add3A_2415, %add3A_2416 : i32
      %mul3A_2418 = arith.constant 56 : i32
      %mul3A_2419 = arith.muli %add3A_2417, %mul3A_2418 : i32
      %dma_start3A_2420 = arith.constant 4 : i32
      %dma_start3A_2421 = arith.constant 0 : i32
      %dma_start3A_2422 = arith.constant 0 : i32
      %dma_start3A_2423 = tpu.memref_slice %arg6[%dma_start3A_2420, %dma_start3A_2421, %dma_start3A_2422] : memref<6x200x64xf32, #tpu.memory_space<vmem>> -> memref<1x200x64xf32, #tpu.memory_space<vmem>>
      %dma_start3A_2424 = tpu.memref_squeeze %dma_start3A_2423 : memref<1x200x64xf32, #tpu.memory_space<vmem>> -> memref<200x64xf32, #tpu.memory_space<vmem>>
      %dma_start3A_2425 = arith.constant 50 : i32
      %dma_start3A_2426 = arith.constant 0 : i32
      %dma_start3A_2427 = tpu.memref_slice %dma_start3A_2424[%dma_start3A_2425, %dma_start3A_2426] : memref<200x64xf32, #tpu.memory_space<vmem>> -> memref<50x64xf32, #tpu.memory_space<vmem>>
      %dma_start3A_2428 = arith.constant 0 : i32
      %dma_start3A_2429 = tpu.memref_slice %arg4[%mul3A_2419, %dma_start3A_2428] : memref<917504x128xf32, #tpu.memory_space<hbm>> -> memref<50x64xf32, #tpu.memory_space<hbm>>
      %dma_start3A_2430 = arith.constant 0 : i32
      %dma_start3A_2431 = tpu.memref_slice %arg4[%mul3A_2419, %dma_start3A_2430] : memref<917504x128xf32, #tpu.memory_space<hbm>> -> memref<50x64xf32, #tpu.memory_space<hbm>>
      %dma_start3A_2432 = arith.constant 0 : i32
      %dma_start3A_2433 = arith.constant 0 : i32
      %dma_start3A_2434 = tpu.memref_slice %arg6[%dma_start3A_2420, %dma_start3A_2432, %dma_start3A_2433] : memref<6x200x64xf32, #tpu.memory_space<vmem>> -> memref<1x200x64xf32, #tpu.memory_space<vmem>>
      %dma_start3A_2435 = tpu.memref_squeeze %dma_start3A_2434 : memref<1x200x64xf32, #tpu.memory_space<vmem>> -> memref<200x64xf32, #tpu.memory_space<vmem>>
      %dma_start3A_2436 = arith.constant 50 : i32
      %dma_start3A_2437 = arith.constant 0 : i32
      %dma_start3A_2438 = tpu.memref_slice %dma_start3A_2435[%dma_start3A_2436, %dma_start3A_2437] : memref<200x64xf32, #tpu.memory_space<vmem>> -> memref<50x64xf32, #tpu.memory_space<vmem>>
      tpu.enqueue_dma source(%dma_start3A_2438 : memref<50x64xf32, #tpu.memory_space<vmem>>) target(%dma_start3A_2431 : memref<50x64xf32, #tpu.memory_space<hbm>>) target_semaphore(%arg17 : memref<!tpu.dma_semaphore, #tpu.memory_space<semaphore_mem>>)
      %mul3A_2439 = arith.constant 4 : i32
      %mul3A_2440 = arith.muli %add3A_2256, %mul3A_2439 : i32
      %add3A_2441 = arith.addi %mul3A_2, %mul3A_2440 : i32
      %add3A_2442 = arith.constant 2 : i32
      %add3A_2443 = arith.addi %add3A_2441, %add3A_2442 : i32
      %mul3A_2444 = arith.constant 56 : i32
      %mul3A_2445 = arith.muli %add3A_2443, %mul3A_2444 : i32
      %dma_start3A_2446 = arith.constant 4 : i32
      %dma_start3A_2447 = arith.constant 0 : i32
      %dma_start3A_2448 = arith.constant 0 : i32
      %dma_start3A_2449 = tpu.memref_slice %arg6[%dma_start3A_2446, %dma_start3A_2447, %dma_start3A_2448] : memref<6x200x64xf32, #tpu.memory_space<vmem>> -> memref<1x200x64xf32, #tpu.memory_space<vmem>>
      %dma_start3A_2450 = tpu.memref_squeeze %dma_start3A_2449 : memref<1x200x64xf32, #tpu.memory_space<vmem>> -> memref<200x64xf32, #tpu.memory_space<vmem>>
      %dma_start3A_2451 = arith.constant 100 : i32
      %dma_start3A_2452 = arith.constant 0 : i32
      %dma_start3A_2453 = tpu.memref_slice %dma_start3A_2450[%dma_start3A_2451, %dma_start3A_2452] : memref<200x64xf32, #tpu.memory_space<vmem>> -> memref<50x64xf32, #tpu.memory_space<vmem>>
      %dma_start3A_2454 = arith.constant 0 : i32
      %dma_start3A_2455 = tpu.memref_slice %arg4[%mul3A_2445, %dma_start3A_2454] : memref<917504x128xf32, #tpu.memory_space<hbm>> -> memref<50x64xf32, #tpu.memory_space<hbm>>
      %dma_start3A_2456 = arith.constant 0 : i32
      %dma_start3A_2457 = tpu.memref_slice %arg4[%mul3A_2445, %dma_start3A_2456] : memref<917504x128xf32, #tpu.memory_space<hbm>> -> memref<50x64xf32, #tpu.memory_space<hbm>>
      %dma_start3A_2458 = arith.constant 0 : i32
      %dma_start3A_2459 = arith.constant 0 : i32
      %dma_start3A_2460 = tpu.memref_slice %arg6[%dma_start3A_2446, %dma_start3A_2458, %dma_start3A_2459] : memref<6x200x64xf32, #tpu.memory_space<vmem>> -> memref<1x200x64xf32, #tpu.memory_space<vmem>>
      %dma_start3A_2461 = tpu.memref_squeeze %dma_start3A_2460 : memref<1x200x64xf32, #tpu.memory_space<vmem>> -> memref<200x64xf32, #tpu.memory_space<vmem>>
      %dma_start3A_2462 = arith.constant 100 : i32
      %dma_start3A_2463 = arith.constant 0 : i32
      %dma_start3A_2464 = tpu.memref_slice %dma_start3A_2461[%dma_start3A_2462, %dma_start3A_2463] : memref<200x64xf32, #tpu.memory_space<vmem>> -> memref<50x64xf32, #tpu.memory_space<vmem>>
      tpu.enqueue_dma source(%dma_start3A_2464 : memref<50x64xf32, #tpu.memory_space<vmem>>) target(%dma_start3A_2457 : memref<50x64xf32, #tpu.memory_space<hbm>>) target_semaphore(%arg17 : memref<!tpu.dma_semaphore, #tpu.memory_space<semaphore_mem>>)
      %mul3A_2465 = arith.constant 4 : i32
      %mul3A_2466 = arith.muli %add3A_2256, %mul3A_2465 : i32
      %add3A_2467 = arith.addi %mul3A_2, %mul3A_2466 : i32
      %add3A_2468 = arith.constant 3 : i32
      %add3A_2469 = arith.addi %add3A_2467, %add3A_2468 : i32
      %mul3A_2470 = arith.constant 56 : i32
      %mul3A_2471 = arith.muli %add3A_2469, %mul3A_2470 : i32
      %dma_start3A_2472 = arith.constant 4 : i32
      %dma_start3A_2473 = arith.constant 0 : i32
      %dma_start3A_2474 = arith.constant 0 : i32
      %dma_start3A_2475 = tpu.memref_slice %arg6[%dma_start3A_2472, %dma_start3A_2473, %dma_start3A_2474] : memref<6x200x64xf32, #tpu.memory_space<vmem>> -> memref<1x200x64xf32, #tpu.memory_space<vmem>>
      %dma_start3A_2476 = tpu.memref_squeeze %dma_start3A_2475 : memref<1x200x64xf32, #tpu.memory_space<vmem>> -> memref<200x64xf32, #tpu.memory_space<vmem>>
      %dma_start3A_2477 = arith.constant 150 : i32
      %dma_start3A_2478 = arith.constant 0 : i32
      %dma_start3A_2479 = tpu.memref_slice %dma_start3A_2476[%dma_start3A_2477, %dma_start3A_2478] : memref<200x64xf32, #tpu.memory_space<vmem>> -> memref<50x64xf32, #tpu.memory_space<vmem>>
      %dma_start3A_2480 = arith.constant 0 : i32
      %dma_start3A_2481 = tpu.memref_slice %arg4[%mul3A_2471, %dma_start3A_2480] : memref<917504x128xf32, #tpu.memory_space<hbm>> -> memref<50x64xf32, #tpu.memory_space<hbm>>
      %dma_start3A_2482 = arith.constant 0 : i32
      %dma_start3A_2483 = tpu.memref_slice %arg4[%mul3A_2471, %dma_start3A_2482] : memref<917504x128xf32, #tpu.memory_space<hbm>> -> memref<50x64xf32, #tpu.memory_space<hbm>>
      %dma_start3A_2484 = arith.constant 0 : i32
      %dma_start3A_2485 = arith.constant 0 : i32
      %dma_start3A_2486 = tpu.memref_slice %arg6[%dma_start3A_2472, %dma_start3A_2484, %dma_start3A_2485] : memref<6x200x64xf32, #tpu.memory_space<vmem>> -> memref<1x200x64xf32, #tpu.memory_space<vmem>>
      %dma_start3A_2487 = tpu.memref_squeeze %dma_start3A_2486 : memref<1x200x64xf32, #tpu.memory_space<vmem>> -> memref<200x64xf32, #tpu.memory_space<vmem>>
      %dma_start3A_2488 = arith.constant 150 : i32
      %dma_start3A_2489 = arith.constant 0 : i32
      %dma_start3A_2490 = tpu.memref_slice %dma_start3A_2487[%dma_start3A_2488, %dma_start3A_2489] : memref<200x64xf32, #tpu.memory_space<vmem>> -> memref<50x64xf32, #tpu.memory_space<vmem>>
      tpu.enqueue_dma source(%dma_start3A_2490 : memref<50x64xf32, #tpu.memory_space<vmem>>) target(%dma_start3A_2483 : memref<50x64xf32, #tpu.memory_space<hbm>>) target_semaphore(%arg17 : memref<!tpu.dma_semaphore, #tpu.memory_space<semaphore_mem>>)
      %mul3A_2491 = arith.constant 6 : i32
      %mul3A_2492 = arith.muli %add3A_1771, %mul3A_2491 : i32
      %add3A_2493 = arith.constant 2 : i32
      %add3A_2494 = arith.addi %add3A_2493, %mul3A_2492 : i32
      %add3A_2495 = arith.constant 3 : i32
      %add3A_2496 = arith.addi %add3A_2494, %add3A_2495 : i32
      %sub3A_2497 = arith.constant 2 : i32
      %sub3A_2498 = arith.subi %add3A_2496, %sub3A_2497 : i32
      %mul3A_2499 = arith.constant 4 : i32
      %mul3A_2500 = arith.muli %sub3A_2498, %mul3A_2499 : i32
      %add3A_2501 = arith.addi %mul3A_2, %mul3A_2500 : i32
      %add3A_2502 = arith.constant 0 : i32
      %add3A_2503 = arith.addi %add3A_2501, %add3A_2502 : i32
      %mul3A_2504 = arith.constant 56 : i32
      %mul3A_2505 = arith.muli %add3A_2503, %mul3A_2504 : i32
      %dma_wait3A_2506 = arith.constant 3 : i32
      %dma_wait3A_2507 = arith.constant 0 : i32
      %dma_wait3A_2508 = arith.constant 0 : i32
      %dma_wait3A_2509 = tpu.memref_slice %arg6[%dma_wait3A_2506, %dma_wait3A_2507, %dma_wait3A_2508] : memref<6x200x64xf32, #tpu.memory_space<vmem>> -> memref<1x200x64xf32, #tpu.memory_space<vmem>>
      %dma_wait3A_2510 = tpu.memref_squeeze %dma_wait3A_2509 : memref<1x200x64xf32, #tpu.memory_space<vmem>> -> memref<200x64xf32, #tpu.memory_space<vmem>>
      %dma_wait3A_2511 = arith.constant 0 : i32
      %dma_wait3A_2512 = arith.constant 0 : i32
      %dma_wait3A_2513 = tpu.memref_slice %dma_wait3A_2510[%dma_wait3A_2511, %dma_wait3A_2512] : memref<200x64xf32, #tpu.memory_space<vmem>> -> memref<50x64xf32, #tpu.memory_space<vmem>>
      %dma_wait3A_2514 = arith.constant 0 : i32
      %dma_wait3A_2515 = tpu.memref_slice %arg4[%mul3A_2505, %dma_wait3A_2514] : memref<917504x128xf32, #tpu.memory_space<hbm>> -> memref<50x64xf32, #tpu.memory_space<hbm>>
      %dma_wait3A_2516 = arith.constant 0 : i32
      %dma_wait3A_2517 = tpu.memref_slice %arg4[%mul3A_2505, %dma_wait3A_2516] : memref<917504x128xf32, #tpu.memory_space<hbm>> -> memref<50x64xf32, #tpu.memory_space<hbm>>
      %dma_wait3A_2518 = arith.constant 0 : i32
      %dma_wait3A_2519 = arith.constant 0 : i32
      %dma_wait3A_2520 = tpu.memref_slice %arg6[%dma_wait3A_2506, %dma_wait3A_2518, %dma_wait3A_2519] : memref<6x200x64xf32, #tpu.memory_space<vmem>> -> memref<1x200x64xf32, #tpu.memory_space<vmem>>
      %dma_wait3A_2521 = tpu.memref_squeeze %dma_wait3A_2520 : memref<1x200x64xf32, #tpu.memory_space<vmem>> -> memref<200x64xf32, #tpu.memory_space<vmem>>
      %dma_wait3A_2522 = arith.constant 0 : i32
      %dma_wait3A_2523 = arith.constant 0 : i32
      %dma_wait3A_2524 = tpu.memref_slice %dma_wait3A_2521[%dma_wait3A_2522, %dma_wait3A_2523] : memref<200x64xf32, #tpu.memory_space<vmem>> -> memref<50x64xf32, #tpu.memory_space<vmem>>
      tpu.wait_dma2 semaphore(%arg16 : memref<!tpu.dma_semaphore, #tpu.memory_space<semaphore_mem>>) src(%dma_wait3A_2524 : memref<50x64xf32, #tpu.memory_space<vmem>>) dst(%dma_wait3A_2517 : memref<50x64xf32, #tpu.memory_space<hbm>>)
      %mul3A_2525 = arith.constant 4 : i32
      %mul3A_2526 = arith.muli %sub3A_2498, %mul3A_2525 : i32
      %add3A_2527 = arith.addi %mul3A_2, %mul3A_2526 : i32
      %add3A_2528 = arith.constant 1 : i32
      %add3A_2529 = arith.addi %add3A_2527, %add3A_2528 : i32
      %mul3A_2530 = arith.constant 56 : i32
      %mul3A_2531 = arith.muli %add3A_2529, %mul3A_2530 : i32
      %dma_wait3A_2532 = arith.constant 3 : i32
      %dma_wait3A_2533 = arith.constant 0 : i32
      %dma_wait3A_2534 = arith.constant 0 : i32
      %dma_wait3A_2535 = tpu.memref_slice %arg6[%dma_wait3A_2532, %dma_wait3A_2533, %dma_wait3A_2534] : memref<6x200x64xf32, #tpu.memory_space<vmem>> -> memref<1x200x64xf32, #tpu.memory_space<vmem>>
      %dma_wait3A_2536 = tpu.memref_squeeze %dma_wait3A_2535 : memref<1x200x64xf32, #tpu.memory_space<vmem>> -> memref<200x64xf32, #tpu.memory_space<vmem>>
      %dma_wait3A_2537 = arith.constant 50 : i32
      %dma_wait3A_2538 = arith.constant 0 : i32
      %dma_wait3A_2539 = tpu.memref_slice %dma_wait3A_2536[%dma_wait3A_2537, %dma_wait3A_2538] : memref<200x64xf32, #tpu.memory_space<vmem>> -> memref<50x64xf32, #tpu.memory_space<vmem>>
      %dma_wait3A_2540 = arith.constant 0 : i32
      %dma_wait3A_2541 = tpu.memref_slice %arg4[%mul3A_2531, %dma_wait3A_2540] : memref<917504x128xf32, #tpu.memory_space<hbm>> -> memref<50x64xf32, #tpu.memory_space<hbm>>
      %dma_wait3A_2542 = arith.constant 0 : i32
      %dma_wait3A_2543 = tpu.memref_slice %arg4[%mul3A_2531, %dma_wait3A_2542] : memref<917504x128xf32, #tpu.memory_space<hbm>> -> memref<50x64xf32, #tpu.memory_space<hbm>>
      %dma_wait3A_2544 = arith.constant 0 : i32
      %dma_wait3A_2545 = arith.constant 0 : i32
      %dma_wait3A_2546 = tpu.memref_slice %arg6[%dma_wait3A_2532, %dma_wait3A_2544, %dma_wait3A_2545] : memref<6x200x64xf32, #tpu.memory_space<vmem>> -> memref<1x200x64xf32, #tpu.memory_space<vmem>>
      %dma_wait3A_2547 = tpu.memref_squeeze %dma_wait3A_2546 : memref<1x200x64xf32, #tpu.memory_space<vmem>> -> memref<200x64xf32, #tpu.memory_space<vmem>>
      %dma_wait3A_2548 = arith.constant 50 : i32
      %dma_wait3A_2549 = arith.constant 0 : i32
      %dma_wait3A_2550 = tpu.memref_slice %dma_wait3A_2547[%dma_wait3A_2548, %dma_wait3A_2549] : memref<200x64xf32, #tpu.memory_space<vmem>> -> memref<50x64xf32, #tpu.memory_space<vmem>>
      tpu.wait_dma2 semaphore(%arg16 : memref<!tpu.dma_semaphore, #tpu.memory_space<semaphore_mem>>) src(%dma_wait3A_2550 : memref<50x64xf32, #tpu.memory_space<vmem>>) dst(%dma_wait3A_2543 : memref<50x64xf32, #tpu.memory_space<hbm>>)
      %mul3A_2551 = arith.constant 4 : i32
      %mul3A_2552 = arith.muli %sub3A_2498, %mul3A_2551 : i32
      %add3A_2553 = arith.addi %mul3A_2, %mul3A_2552 : i32
      %add3A_2554 = arith.constant 2 : i32
      %add3A_2555 = arith.addi %add3A_2553, %add3A_2554 : i32
      %mul3A_2556 = arith.constant 56 : i32
      %mul3A_2557 = arith.muli %add3A_2555, %mul3A_2556 : i32
      %dma_wait3A_2558 = arith.constant 3 : i32
      %dma_wait3A_2559 = arith.constant 0 : i32
      %dma_wait3A_2560 = arith.constant 0 : i32
      %dma_wait3A_2561 = tpu.memref_slice %arg6[%dma_wait3A_2558, %dma_wait3A_2559, %dma_wait3A_2560] : memref<6x200x64xf32, #tpu.memory_space<vmem>> -> memref<1x200x64xf32, #tpu.memory_space<vmem>>
      %dma_wait3A_2562 = tpu.memref_squeeze %dma_wait3A_2561 : memref<1x200x64xf32, #tpu.memory_space<vmem>> -> memref<200x64xf32, #tpu.memory_space<vmem>>
      %dma_wait3A_2563 = arith.constant 100 : i32
      %dma_wait3A_2564 = arith.constant 0 : i32
      %dma_wait3A_2565 = tpu.memref_slice %dma_wait3A_2562[%dma_wait3A_2563, %dma_wait3A_2564] : memref<200x64xf32, #tpu.memory_space<vmem>> -> memref<50x64xf32, #tpu.memory_space<vmem>>
      %dma_wait3A_2566 = arith.constant 0 : i32
      %dma_wait3A_2567 = tpu.memref_slice %arg4[%mul3A_2557, %dma_wait3A_2566] : memref<917504x128xf32, #tpu.memory_space<hbm>> -> memref<50x64xf32, #tpu.memory_space<hbm>>
      %dma_wait3A_2568 = arith.constant 0 : i32
      %dma_wait3A_2569 = tpu.memref_slice %arg4[%mul3A_2557, %dma_wait3A_2568] : memref<917504x128xf32, #tpu.memory_space<hbm>> -> memref<50x64xf32, #tpu.memory_space<hbm>>
      %dma_wait3A_2570 = arith.constant 0 : i32
      %dma_wait3A_2571 = arith.constant 0 : i32
      %dma_wait3A_2572 = tpu.memref_slice %arg6[%dma_wait3A_2558, %dma_wait3A_2570, %dma_wait3A_2571] : memref<6x200x64xf32, #tpu.memory_space<vmem>> -> memref<1x200x64xf32, #tpu.memory_space<vmem>>
      %dma_wait3A_2573 = tpu.memref_squeeze %dma_wait3A_2572 : memref<1x200x64xf32, #tpu.memory_space<vmem>> -> memref<200x64xf32, #tpu.memory_space<vmem>>
      %dma_wait3A_2574 = arith.constant 100 : i32
      %dma_wait3A_2575 = arith.constant 0 : i32
      %dma_wait3A_2576 = tpu.memref_slice %dma_wait3A_2573[%dma_wait3A_2574, %dma_wait3A_2575] : memref<200x64xf32, #tpu.memory_space<vmem>> -> memref<50x64xf32, #tpu.memory_space<vmem>>
      tpu.wait_dma2 semaphore(%arg16 : memref<!tpu.dma_semaphore, #tpu.memory_space<semaphore_mem>>) src(%dma_wait3A_2576 : memref<50x64xf32, #tpu.memory_space<vmem>>) dst(%dma_wait3A_2569 : memref<50x64xf32, #tpu.memory_space<hbm>>)
      %mul3A_2577 = arith.constant 4 : i32
      %mul3A_2578 = arith.muli %sub3A_2498, %mul3A_2577 : i32
      %add3A_2579 = arith.addi %mul3A_2, %mul3A_2578 : i32
      %add3A_2580 = arith.constant 3 : i32
      %add3A_2581 = arith.addi %add3A_2579, %add3A_2580 : i32
      %mul3A_2582 = arith.constant 56 : i32
      %mul3A_2583 = arith.muli %add3A_2581, %mul3A_2582 : i32
      %dma_wait3A_2584 = arith.constant 3 : i32
      %dma_wait3A_2585 = arith.constant 0 : i32
      %dma_wait3A_2586 = arith.constant 0 : i32
      %dma_wait3A_2587 = tpu.memref_slice %arg6[%dma_wait3A_2584, %dma_wait3A_2585, %dma_wait3A_2586] : memref<6x200x64xf32, #tpu.memory_space<vmem>> -> memref<1x200x64xf32, #tpu.memory_space<vmem>>
      %dma_wait3A_2588 = tpu.memref_squeeze %dma_wait3A_2587 : memref<1x200x64xf32, #tpu.memory_space<vmem>> -> memref<200x64xf32, #tpu.memory_space<vmem>>
      %dma_wait3A_2589 = arith.constant 150 : i32
      %dma_wait3A_2590 = arith.constant 0 : i32
      %dma_wait3A_2591 = tpu.memref_slice %dma_wait3A_2588[%dma_wait3A_2589, %dma_wait3A_2590] : memref<200x64xf32, #tpu.memory_space<vmem>> -> memref<50x64xf32, #tpu.memory_space<vmem>>
      %dma_wait3A_2592 = arith.constant 0 : i32
      %dma_wait3A_2593 = tpu.memref_slice %arg4[%mul3A_2583, %dma_wait3A_2592] : memref<917504x128xf32, #tpu.memory_space<hbm>> -> memref<50x64xf32, #tpu.memory_space<hbm>>
      %dma_wait3A_2594 = arith.constant 0 : i32
      %dma_wait3A_2595 = tpu.memref_slice %arg4[%mul3A_2583, %dma_wait3A_2594] : memref<917504x128xf32, #tpu.memory_space<hbm>> -> memref<50x64xf32, #tpu.memory_space<hbm>>
      %dma_wait3A_2596 = arith.constant 0 : i32
      %dma_wait3A_2597 = arith.constant 0 : i32
      %dma_wait3A_2598 = tpu.memref_slice %arg6[%dma_wait3A_2584, %dma_wait3A_2596, %dma_wait3A_2597] : memref<6x200x64xf32, #tpu.memory_space<vmem>> -> memref<1x200x64xf32, #tpu.memory_space<vmem>>
      %dma_wait3A_2599 = tpu.memref_squeeze %dma_wait3A_2598 : memref<1x200x64xf32, #tpu.memory_space<vmem>> -> memref<200x64xf32, #tpu.memory_space<vmem>>
      %dma_wait3A_2600 = arith.constant 150 : i32
      %dma_wait3A_2601 = arith.constant 0 : i32
      %dma_wait3A_2602 = tpu.memref_slice %dma_wait3A_2599[%dma_wait3A_2600, %dma_wait3A_2601] : memref<200x64xf32, #tpu.memory_space<vmem>> -> memref<50x64xf32, #tpu.memory_space<vmem>>
      tpu.wait_dma2 semaphore(%arg16 : memref<!tpu.dma_semaphore, #tpu.memory_space<semaphore_mem>>) src(%dma_wait3A_2602 : memref<50x64xf32, #tpu.memory_space<vmem>>) dst(%dma_wait3A_2595 : memref<50x64xf32, #tpu.memory_space<hbm>>)
      %add3A_2603 = arith.constant 4 : i32
      %add3A_2604 = arith.addi %add3A_2496, %add3A_2603 : i32
      %mul3A_2605 = arith.constant 200 : i32
      %mul3A_2606 = arith.muli %add3A_2604, %mul3A_2605 : i32
      %dma_start3A_2607 = arith.constant 3 : i32
      %dma_start3A_2608 = arith.constant 0 : i32
      %dma_start3A_2609 = arith.constant 0 : i32
      %dma_start3A_2610 = tpu.memref_slice %arg6[%dma_start3A_2607, %dma_start3A_2608, %dma_start3A_2609] : memref<6x200x64xf32, #tpu.memory_space<vmem>> -> memref<1x200x64xf32, #tpu.memory_space<vmem>>
      %dma_start3A_2611 = tpu.memref_squeeze %dma_start3A_2610 : memref<1x200x64xf32, #tpu.memory_space<vmem>> -> memref<200x64xf32, #tpu.memory_space<vmem>>
      %dma_start3A_2612 = tpu.memref_slice %arg5[%mul3A_2606] : memref<25600xi32, #tpu.memory_space<vmem>> -> memref<200xi32, #tpu.memory_space<vmem>>
      %dma_start3A_2613 = arith.constant 0 : i32
      %dma_start3A_2614 = arith.constant 0 : i32
      %dma_start3A_2615 = tpu.memref_slice %arg3[%dma_start3A_2613, %dma_start3A_2614] : memref<1000000x64xf32, #tpu.memory_space<hbm>> -> memref<1000000x64xf32, #tpu.memory_space<hbm>>
      tpu.enqueue_indirect_dma source(%dma_start3A_2615 : memref<1000000x64xf32, #tpu.memory_space<hbm>>) target(%dma_start3A_2611 : memref<200x64xf32, #tpu.memory_space<vmem>>) offsets(%dma_start3A_2612 : memref<200xi32, #tpu.memory_space<vmem>>) semaphore(%arg10 : memref<!tpu.dma_semaphore, #tpu.memory_space<semaphore_mem>>)
      %mul3A_2616 = arith.constant 200 : i32
      %mul3A_2617 = arith.muli %add3A_2496, %mul3A_2616 : i32
      %dma_wait3A_2618 = arith.constant 5 : i32
      %dma_wait3A_2619 = arith.constant 0 : i32
      %dma_wait3A_2620 = arith.constant 0 : i32
      %dma_wait3A_2621 = tpu.memref_slice %arg6[%dma_wait3A_2618, %dma_wait3A_2619, %dma_wait3A_2620] : memref<6x200x64xf32, #tpu.memory_space<vmem>> -> memref<1x200x64xf32, #tpu.memory_space<vmem>>
      %dma_wait3A_2622 = tpu.memref_squeeze %dma_wait3A_2621 : memref<1x200x64xf32, #tpu.memory_space<vmem>> -> memref<200x64xf32, #tpu.memory_space<vmem>>
      %dma_wait3A_2623 = tpu.memref_slice %arg5[%mul3A_2617] : memref<25600xi32, #tpu.memory_space<vmem>> -> memref<200xi32, #tpu.memory_space<vmem>>
      %dma_wait3A_2624 = arith.constant 0 : i32
      %dma_wait3A_2625 = arith.constant 0 : i32
      %dma_wait3A_2626 = tpu.memref_slice %arg3[%dma_wait3A_2624, %dma_wait3A_2625] : memref<1000000x64xf32, #tpu.memory_space<hbm>> -> memref<1000000x64xf32, #tpu.memory_space<hbm>>
      tpu.wait_indirect_dma semaphore(%arg12 : memref<!tpu.dma_semaphore, #tpu.memory_space<semaphore_mem>>) src(%dma_wait3A_2626 : memref<1000000x64xf32, #tpu.memory_space<hbm>>) dst(%dma_wait3A_2622 : memref<200x64xf32, #tpu.memory_space<vmem>>)
      %mul3A_2627 = arith.constant 4 : i32
      %mul3A_2628 = arith.muli %add3A_2496, %mul3A_2627 : i32
      %add3A_2629 = arith.addi %mul3A_2, %mul3A_2628 : i32
      %add3A_2630 = arith.constant 0 : i32
      %add3A_2631 = arith.addi %add3A_2629, %add3A_2630 : i32
      %mul3A_2632 = arith.constant 56 : i32
      %mul3A_2633 = arith.muli %add3A_2631, %mul3A_2632 : i32
      %dma_start3A_2634 = arith.constant 5 : i32
      %dma_start3A_2635 = arith.constant 0 : i32
      %dma_start3A_2636 = arith.constant 0 : i32
      %dma_start3A_2637 = tpu.memref_slice %arg6[%dma_start3A_2634, %dma_start3A_2635, %dma_start3A_2636] : memref<6x200x64xf32, #tpu.memory_space<vmem>> -> memref<1x200x64xf32, #tpu.memory_space<vmem>>
      %dma_start3A_2638 = tpu.memref_squeeze %dma_start3A_2637 : memref<1x200x64xf32, #tpu.memory_space<vmem>> -> memref<200x64xf32, #tpu.memory_space<vmem>>
      %dma_start3A_2639 = arith.constant 0 : i32
      %dma_start3A_2640 = arith.constant 0 : i32
      %dma_start3A_2641 = tpu.memref_slice %dma_start3A_2638[%dma_start3A_2639, %dma_start3A_2640] : memref<200x64xf32, #tpu.memory_space<vmem>> -> memref<50x64xf32, #tpu.memory_space<vmem>>
      %dma_start3A_2642 = arith.constant 0 : i32
      %dma_start3A_2643 = tpu.memref_slice %arg4[%mul3A_2633, %dma_start3A_2642] : memref<917504x128xf32, #tpu.memory_space<hbm>> -> memref<50x64xf32, #tpu.memory_space<hbm>>
      %dma_start3A_2644 = arith.constant 0 : i32
      %dma_start3A_2645 = tpu.memref_slice %arg4[%mul3A_2633, %dma_start3A_2644] : memref<917504x128xf32, #tpu.memory_space<hbm>> -> memref<50x64xf32, #tpu.memory_space<hbm>>
      %dma_start3A_2646 = arith.constant 0 : i32
      %dma_start3A_2647 = arith.constant 0 : i32
      %dma_start3A_2648 = tpu.memref_slice %arg6[%dma_start3A_2634, %dma_start3A_2646, %dma_start3A_2647] : memref<6x200x64xf32, #tpu.memory_space<vmem>> -> memref<1x200x64xf32, #tpu.memory_space<vmem>>
      %dma_start3A_2649 = tpu.memref_squeeze %dma_start3A_2648 : memref<1x200x64xf32, #tpu.memory_space<vmem>> -> memref<200x64xf32, #tpu.memory_space<vmem>>
      %dma_start3A_2650 = arith.constant 0 : i32
      %dma_start3A_2651 = arith.constant 0 : i32
      %dma_start3A_2652 = tpu.memref_slice %dma_start3A_2649[%dma_start3A_2650, %dma_start3A_2651] : memref<200x64xf32, #tpu.memory_space<vmem>> -> memref<50x64xf32, #tpu.memory_space<vmem>>
      tpu.enqueue_dma source(%dma_start3A_2652 : memref<50x64xf32, #tpu.memory_space<vmem>>) target(%dma_start3A_2645 : memref<50x64xf32, #tpu.memory_space<hbm>>) target_semaphore(%arg18 : memref<!tpu.dma_semaphore, #tpu.memory_space<semaphore_mem>>)
      %mul3A_2653 = arith.constant 4 : i32
      %mul3A_2654 = arith.muli %add3A_2496, %mul3A_2653 : i32
      %add3A_2655 = arith.addi %mul3A_2, %mul3A_2654 : i32
      %add3A_2656 = arith.constant 1 : i32
      %add3A_2657 = arith.addi %add3A_2655, %add3A_2656 : i32
      %mul3A_2658 = arith.constant 56 : i32
      %mul3A_2659 = arith.muli %add3A_2657, %mul3A_2658 : i32
      %dma_start3A_2660 = arith.constant 5 : i32
      %dma_start3A_2661 = arith.constant 0 : i32
      %dma_start3A_2662 = arith.constant 0 : i32
      %dma_start3A_2663 = tpu.memref_slice %arg6[%dma_start3A_2660, %dma_start3A_2661, %dma_start3A_2662] : memref<6x200x64xf32, #tpu.memory_space<vmem>> -> memref<1x200x64xf32, #tpu.memory_space<vmem>>
      %dma_start3A_2664 = tpu.memref_squeeze %dma_start3A_2663 : memref<1x200x64xf32, #tpu.memory_space<vmem>> -> memref<200x64xf32, #tpu.memory_space<vmem>>
      %dma_start3A_2665 = arith.constant 50 : i32
      %dma_start3A_2666 = arith.constant 0 : i32
      %dma_start3A_2667 = tpu.memref_slice %dma_start3A_2664[%dma_start3A_2665, %dma_start3A_2666] : memref<200x64xf32, #tpu.memory_space<vmem>> -> memref<50x64xf32, #tpu.memory_space<vmem>>
      %dma_start3A_2668 = arith.constant 0 : i32
      %dma_start3A_2669 = tpu.memref_slice %arg4[%mul3A_2659, %dma_start3A_2668] : memref<917504x128xf32, #tpu.memory_space<hbm>> -> memref<50x64xf32, #tpu.memory_space<hbm>>
      %dma_start3A_2670 = arith.constant 0 : i32
      %dma_start3A_2671 = tpu.memref_slice %arg4[%mul3A_2659, %dma_start3A_2670] : memref<917504x128xf32, #tpu.memory_space<hbm>> -> memref<50x64xf32, #tpu.memory_space<hbm>>
      %dma_start3A_2672 = arith.constant 0 : i32
      %dma_start3A_2673 = arith.constant 0 : i32
      %dma_start3A_2674 = tpu.memref_slice %arg6[%dma_start3A_2660, %dma_start3A_2672, %dma_start3A_2673] : memref<6x200x64xf32, #tpu.memory_space<vmem>> -> memref<1x200x64xf32, #tpu.memory_space<vmem>>
      %dma_start3A_2675 = tpu.memref_squeeze %dma_start3A_2674 : memref<1x200x64xf32, #tpu.memory_space<vmem>> -> memref<200x64xf32, #tpu.memory_space<vmem>>
      %dma_start3A_2676 = arith.constant 50 : i32
      %dma_start3A_2677 = arith.constant 0 : i32
      %dma_start3A_2678 = tpu.memref_slice %dma_start3A_2675[%dma_start3A_2676, %dma_start3A_2677] : memref<200x64xf32, #tpu.memory_space<vmem>> -> memref<50x64xf32, #tpu.memory_space<vmem>>
      tpu.enqueue_dma source(%dma_start3A_2678 : memref<50x64xf32, #tpu.memory_space<vmem>>) target(%dma_start3A_2671 : memref<50x64xf32, #tpu.memory_space<hbm>>) target_semaphore(%arg18 : memref<!tpu.dma_semaphore, #tpu.memory_space<semaphore_mem>>)
      %mul3A_2679 = arith.constant 4 : i32
      %mul3A_2680 = arith.muli %add3A_2496, %mul3A_2679 : i32
      %add3A_2681 = arith.addi %mul3A_2, %mul3A_2680 : i32
      %add3A_2682 = arith.constant 2 : i32
      %add3A_2683 = arith.addi %add3A_2681, %add3A_2682 : i32
      %mul3A_2684 = arith.constant 56 : i32
      %mul3A_2685 = arith.muli %add3A_2683, %mul3A_2684 : i32
      %dma_start3A_2686 = arith.constant 5 : i32
      %dma_start3A_2687 = arith.constant 0 : i32
      %dma_start3A_2688 = arith.constant 0 : i32
      %dma_start3A_2689 = tpu.memref_slice %arg6[%dma_start3A_2686, %dma_start3A_2687, %dma_start3A_2688] : memref<6x200x64xf32, #tpu.memory_space<vmem>> -> memref<1x200x64xf32, #tpu.memory_space<vmem>>
      %dma_start3A_2690 = tpu.memref_squeeze %dma_start3A_2689 : memref<1x200x64xf32, #tpu.memory_space<vmem>> -> memref<200x64xf32, #tpu.memory_space<vmem>>
      %dma_start3A_2691 = arith.constant 100 : i32
      %dma_start3A_2692 = arith.constant 0 : i32
      %dma_start3A_2693 = tpu.memref_slice %dma_start3A_2690[%dma_start3A_2691, %dma_start3A_2692] : memref<200x64xf32, #tpu.memory_space<vmem>> -> memref<50x64xf32, #tpu.memory_space<vmem>>
      %dma_start3A_2694 = arith.constant 0 : i32
      %dma_start3A_2695 = tpu.memref_slice %arg4[%mul3A_2685, %dma_start3A_2694] : memref<917504x128xf32, #tpu.memory_space<hbm>> -> memref<50x64xf32, #tpu.memory_space<hbm>>
      %dma_start3A_2696 = arith.constant 0 : i32
      %dma_start3A_2697 = tpu.memref_slice %arg4[%mul3A_2685, %dma_start3A_2696] : memref<917504x128xf32, #tpu.memory_space<hbm>> -> memref<50x64xf32, #tpu.memory_space<hbm>>
      %dma_start3A_2698 = arith.constant 0 : i32
      %dma_start3A_2699 = arith.constant 0 : i32
      %dma_start3A_2700 = tpu.memref_slice %arg6[%dma_start3A_2686, %dma_start3A_2698, %dma_start3A_2699] : memref<6x200x64xf32, #tpu.memory_space<vmem>> -> memref<1x200x64xf32, #tpu.memory_space<vmem>>
      %dma_start3A_2701 = tpu.memref_squeeze %dma_start3A_2700 : memref<1x200x64xf32, #tpu.memory_space<vmem>> -> memref<200x64xf32, #tpu.memory_space<vmem>>
      %dma_start3A_2702 = arith.constant 100 : i32
      %dma_start3A_2703 = arith.constant 0 : i32
      %dma_start3A_2704 = tpu.memref_slice %dma_start3A_2701[%dma_start3A_2702, %dma_start3A_2703] : memref<200x64xf32, #tpu.memory_space<vmem>> -> memref<50x64xf32, #tpu.memory_space<vmem>>
      tpu.enqueue_dma source(%dma_start3A_2704 : memref<50x64xf32, #tpu.memory_space<vmem>>) target(%dma_start3A_2697 : memref<50x64xf32, #tpu.memory_space<hbm>>) target_semaphore(%arg18 : memref<!tpu.dma_semaphore, #tpu.memory_space<semaphore_mem>>)
      %mul3A_2705 = arith.constant 4 : i32
      %mul3A_2706 = arith.muli %add3A_2496, %mul3A_2705 : i32
      %add3A_2707 = arith.addi %mul3A_2, %mul3A_2706 : i32
      %add3A_2708 = arith.constant 3 : i32
      %add3A_2709 = arith.addi %add3A_2707, %add3A_2708 : i32
      %mul3A_2710 = arith.constant 56 : i32
      %mul3A_2711 = arith.muli %add3A_2709, %mul3A_2710 : i32
      %dma_start3A_2712 = arith.constant 5 : i32
      %dma_start3A_2713 = arith.constant 0 : i32
      %dma_start3A_2714 = arith.constant 0 : i32
      %dma_start3A_2715 = tpu.memref_slice %arg6[%dma_start3A_2712, %dma_start3A_2713, %dma_start3A_2714] : memref<6x200x64xf32, #tpu.memory_space<vmem>> -> memref<1x200x64xf32, #tpu.memory_space<vmem>>
      %dma_start3A_2716 = tpu.memref_squeeze %dma_start3A_2715 : memref<1x200x64xf32, #tpu.memory_space<vmem>> -> memref<200x64xf32, #tpu.memory_space<vmem>>
      %dma_start3A_2717 = arith.constant 150 : i32
      %dma_start3A_2718 = arith.constant 0 : i32
      %dma_start3A_2719 = tpu.memref_slice %dma_start3A_2716[%dma_start3A_2717, %dma_start3A_2718] : memref<200x64xf32, #tpu.memory_space<vmem>> -> memref<50x64xf32, #tpu.memory_space<vmem>>
      %dma_start3A_2720 = arith.constant 0 : i32
      %dma_start3A_2721 = tpu.memref_slice %arg4[%mul3A_2711, %dma_start3A_2720] : memref<917504x128xf32, #tpu.memory_space<hbm>> -> memref<50x64xf32, #tpu.memory_space<hbm>>
      %dma_start3A_2722 = arith.constant 0 : i32
      %dma_start3A_2723 = tpu.memref_slice %arg4[%mul3A_2711, %dma_start3A_2722] : memref<917504x128xf32, #tpu.memory_space<hbm>> -> memref<50x64xf32, #tpu.memory_space<hbm>>
      %dma_start3A_2724 = arith.constant 0 : i32
      %dma_start3A_2725 = arith.constant 0 : i32
      %dma_start3A_2726 = tpu.memref_slice %arg6[%dma_start3A_2712, %dma_start3A_2724, %dma_start3A_2725] : memref<6x200x64xf32, #tpu.memory_space<vmem>> -> memref<1x200x64xf32, #tpu.memory_space<vmem>>
      %dma_start3A_2727 = tpu.memref_squeeze %dma_start3A_2726 : memref<1x200x64xf32, #tpu.memory_space<vmem>> -> memref<200x64xf32, #tpu.memory_space<vmem>>
      %dma_start3A_2728 = arith.constant 150 : i32
      %dma_start3A_2729 = arith.constant 0 : i32
      %dma_start3A_2730 = tpu.memref_slice %dma_start3A_2727[%dma_start3A_2728, %dma_start3A_2729] : memref<200x64xf32, #tpu.memory_space<vmem>> -> memref<50x64xf32, #tpu.memory_space<vmem>>
      tpu.enqueue_dma source(%dma_start3A_2730 : memref<50x64xf32, #tpu.memory_space<vmem>>) target(%dma_start3A_2723 : memref<50x64xf32, #tpu.memory_space<hbm>>) target_semaphore(%arg18 : memref<!tpu.dma_semaphore, #tpu.memory_space<semaphore_mem>>)
      %mul3A_2731 = arith.constant 6 : i32
      %mul3A_2732 = arith.muli %add3A_1771, %mul3A_2731 : i32
      %add3A_2733 = arith.constant 2 : i32
      %add3A_2734 = arith.addi %add3A_2733, %mul3A_2732 : i32
      %add3A_2735 = arith.constant 4 : i32
      %add3A_2736 = arith.addi %add3A_2734, %add3A_2735 : i32
      %sub3A_2737 = arith.constant 2 : i32
      %sub3A_2738 = arith.subi %add3A_2736, %sub3A_2737 : i32
      %mul3A_2739 = arith.constant 4 : i32
      %mul3A_2740 = arith.muli %sub3A_2738, %mul3A_2739 : i32
      %add3A_2741 = arith.addi %mul3A_2, %mul3A_2740 : i32
      %add3A_2742 = arith.constant 0 : i32
      %add3A_2743 = arith.addi %add3A_2741, %add3A_2742 : i32
      %mul3A_2744 = arith.constant 56 : i32
      %mul3A_2745 = arith.muli %add3A_2743, %mul3A_2744 : i32
      %dma_wait3A_2746 = arith.constant 4 : i32
      %dma_wait3A_2747 = arith.constant 0 : i32
      %dma_wait3A_2748 = arith.constant 0 : i32
      %dma_wait3A_2749 = tpu.memref_slice %arg6[%dma_wait3A_2746, %dma_wait3A_2747, %dma_wait3A_2748] : memref<6x200x64xf32, #tpu.memory_space<vmem>> -> memref<1x200x64xf32, #tpu.memory_space<vmem>>
      %dma_wait3A_2750 = tpu.memref_squeeze %dma_wait3A_2749 : memref<1x200x64xf32, #tpu.memory_space<vmem>> -> memref<200x64xf32, #tpu.memory_space<vmem>>
      %dma_wait3A_2751 = arith.constant 0 : i32
      %dma_wait3A_2752 = arith.constant 0 : i32
      %dma_wait3A_2753 = tpu.memref_slice %dma_wait3A_2750[%dma_wait3A_2751, %dma_wait3A_2752] : memref<200x64xf32, #tpu.memory_space<vmem>> -> memref<50x64xf32, #tpu.memory_space<vmem>>
      %dma_wait3A_2754 = arith.constant 0 : i32
      %dma_wait3A_2755 = tpu.memref_slice %arg4[%mul3A_2745, %dma_wait3A_2754] : memref<917504x128xf32, #tpu.memory_space<hbm>> -> memref<50x64xf32, #tpu.memory_space<hbm>>
      %dma_wait3A_2756 = arith.constant 0 : i32
      %dma_wait3A_2757 = tpu.memref_slice %arg4[%mul3A_2745, %dma_wait3A_2756] : memref<917504x128xf32, #tpu.memory_space<hbm>> -> memref<50x64xf32, #tpu.memory_space<hbm>>
      %dma_wait3A_2758 = arith.constant 0 : i32
      %dma_wait3A_2759 = arith.constant 0 : i32
      %dma_wait3A_2760 = tpu.memref_slice %arg6[%dma_wait3A_2746, %dma_wait3A_2758, %dma_wait3A_2759] : memref<6x200x64xf32, #tpu.memory_space<vmem>> -> memref<1x200x64xf32, #tpu.memory_space<vmem>>
      %dma_wait3A_2761 = tpu.memref_squeeze %dma_wait3A_2760 : memref<1x200x64xf32, #tpu.memory_space<vmem>> -> memref<200x64xf32, #tpu.memory_space<vmem>>
      %dma_wait3A_2762 = arith.constant 0 : i32
      %dma_wait3A_2763 = arith.constant 0 : i32
      %dma_wait3A_2764 = tpu.memref_slice %dma_wait3A_2761[%dma_wait3A_2762, %dma_wait3A_2763] : memref<200x64xf32, #tpu.memory_space<vmem>> -> memref<50x64xf32, #tpu.memory_space<vmem>>
      tpu.wait_dma2 semaphore(%arg17 : memref<!tpu.dma_semaphore, #tpu.memory_space<semaphore_mem>>) src(%dma_wait3A_2764 : memref<50x64xf32, #tpu.memory_space<vmem>>) dst(%dma_wait3A_2757 : memref<50x64xf32, #tpu.memory_space<hbm>>)
      %mul3A_2765 = arith.constant 4 : i32
      %mul3A_2766 = arith.muli %sub3A_2738, %mul3A_2765 : i32
      %add3A_2767 = arith.addi %mul3A_2, %mul3A_2766 : i32
      %add3A_2768 = arith.constant 1 : i32
      %add3A_2769 = arith.addi %add3A_2767, %add3A_2768 : i32
      %mul3A_2770 = arith.constant 56 : i32
      %mul3A_2771 = arith.muli %add3A_2769, %mul3A_2770 : i32
      %dma_wait3A_2772 = arith.constant 4 : i32
      %dma_wait3A_2773 = arith.constant 0 : i32
      %dma_wait3A_2774 = arith.constant 0 : i32
      %dma_wait3A_2775 = tpu.memref_slice %arg6[%dma_wait3A_2772, %dma_wait3A_2773, %dma_wait3A_2774] : memref<6x200x64xf32, #tpu.memory_space<vmem>> -> memref<1x200x64xf32, #tpu.memory_space<vmem>>
      %dma_wait3A_2776 = tpu.memref_squeeze %dma_wait3A_2775 : memref<1x200x64xf32, #tpu.memory_space<vmem>> -> memref<200x64xf32, #tpu.memory_space<vmem>>
      %dma_wait3A_2777 = arith.constant 50 : i32
      %dma_wait3A_2778 = arith.constant 0 : i32
      %dma_wait3A_2779 = tpu.memref_slice %dma_wait3A_2776[%dma_wait3A_2777, %dma_wait3A_2778] : memref<200x64xf32, #tpu.memory_space<vmem>> -> memref<50x64xf32, #tpu.memory_space<vmem>>
      %dma_wait3A_2780 = arith.constant 0 : i32
      %dma_wait3A_2781 = tpu.memref_slice %arg4[%mul3A_2771, %dma_wait3A_2780] : memref<917504x128xf32, #tpu.memory_space<hbm>> -> memref<50x64xf32, #tpu.memory_space<hbm>>
      %dma_wait3A_2782 = arith.constant 0 : i32
      %dma_wait3A_2783 = tpu.memref_slice %arg4[%mul3A_2771, %dma_wait3A_2782] : memref<917504x128xf32, #tpu.memory_space<hbm>> -> memref<50x64xf32, #tpu.memory_space<hbm>>
      %dma_wait3A_2784 = arith.constant 0 : i32
      %dma_wait3A_2785 = arith.constant 0 : i32
      %dma_wait3A_2786 = tpu.memref_slice %arg6[%dma_wait3A_2772, %dma_wait3A_2784, %dma_wait3A_2785] : memref<6x200x64xf32, #tpu.memory_space<vmem>> -> memref<1x200x64xf32, #tpu.memory_space<vmem>>
      %dma_wait3A_2787 = tpu.memref_squeeze %dma_wait3A_2786 : memref<1x200x64xf32, #tpu.memory_space<vmem>> -> memref<200x64xf32, #tpu.memory_space<vmem>>
      %dma_wait3A_2788 = arith.constant 50 : i32
      %dma_wait3A_2789 = arith.constant 0 : i32
      %dma_wait3A_2790 = tpu.memref_slice %dma_wait3A_2787[%dma_wait3A_2788, %dma_wait3A_2789] : memref<200x64xf32, #tpu.memory_space<vmem>> -> memref<50x64xf32, #tpu.memory_space<vmem>>
      tpu.wait_dma2 semaphore(%arg17 : memref<!tpu.dma_semaphore, #tpu.memory_space<semaphore_mem>>) src(%dma_wait3A_2790 : memref<50x64xf32, #tpu.memory_space<vmem>>) dst(%dma_wait3A_2783 : memref<50x64xf32, #tpu.memory_space<hbm>>)
      %mul3A_2791 = arith.constant 4 : i32
      %mul3A_2792 = arith.muli %sub3A_2738, %mul3A_2791 : i32
      %add3A_2793 = arith.addi %mul3A_2, %mul3A_2792 : i32
      %add3A_2794 = arith.constant 2 : i32
      %add3A_2795 = arith.addi %add3A_2793, %add3A_2794 : i32
      %mul3A_2796 = arith.constant 56 : i32
      %mul3A_2797 = arith.muli %add3A_2795, %mul3A_2796 : i32
      %dma_wait3A_2798 = arith.constant 4 : i32
      %dma_wait3A_2799 = arith.constant 0 : i32
      %dma_wait3A_2800 = arith.constant 0 : i32
      %dma_wait3A_2801 = tpu.memref_slice %arg6[%dma_wait3A_2798, %dma_wait3A_2799, %dma_wait3A_2800] : memref<6x200x64xf32, #tpu.memory_space<vmem>> -> memref<1x200x64xf32, #tpu.memory_space<vmem>>
      %dma_wait3A_2802 = tpu.memref_squeeze %dma_wait3A_2801 : memref<1x200x64xf32, #tpu.memory_space<vmem>> -> memref<200x64xf32, #tpu.memory_space<vmem>>
      %dma_wait3A_2803 = arith.constant 100 : i32
      %dma_wait3A_2804 = arith.constant 0 : i32
      %dma_wait3A_2805 = tpu.memref_slice %dma_wait3A_2802[%dma_wait3A_2803, %dma_wait3A_2804] : memref<200x64xf32, #tpu.memory_space<vmem>> -> memref<50x64xf32, #tpu.memory_space<vmem>>
      %dma_wait3A_2806 = arith.constant 0 : i32
      %dma_wait3A_2807 = tpu.memref_slice %arg4[%mul3A_2797, %dma_wait3A_2806] : memref<917504x128xf32, #tpu.memory_space<hbm>> -> memref<50x64xf32, #tpu.memory_space<hbm>>
      %dma_wait3A_2808 = arith.constant 0 : i32
      %dma_wait3A_2809 = tpu.memref_slice %arg4[%mul3A_2797, %dma_wait3A_2808] : memref<917504x128xf32, #tpu.memory_space<hbm>> -> memref<50x64xf32, #tpu.memory_space<hbm>>
      %dma_wait3A_2810 = arith.constant 0 : i32
      %dma_wait3A_2811 = arith.constant 0 : i32
      %dma_wait3A_2812 = tpu.memref_slice %arg6[%dma_wait3A_2798, %dma_wait3A_2810, %dma_wait3A_2811] : memref<6x200x64xf32, #tpu.memory_space<vmem>> -> memref<1x200x64xf32, #tpu.memory_space<vmem>>
      %dma_wait3A_2813 = tpu.memref_squeeze %dma_wait3A_2812 : memref<1x200x64xf32, #tpu.memory_space<vmem>> -> memref<200x64xf32, #tpu.memory_space<vmem>>
      %dma_wait3A_2814 = arith.constant 100 : i32
      %dma_wait3A_2815 = arith.constant 0 : i32
      %dma_wait3A_2816 = tpu.memref_slice %dma_wait3A_2813[%dma_wait3A_2814, %dma_wait3A_2815] : memref<200x64xf32, #tpu.memory_space<vmem>> -> memref<50x64xf32, #tpu.memory_space<vmem>>
      tpu.wait_dma2 semaphore(%arg17 : memref<!tpu.dma_semaphore, #tpu.memory_space<semaphore_mem>>) src(%dma_wait3A_2816 : memref<50x64xf32, #tpu.memory_space<vmem>>) dst(%dma_wait3A_2809 : memref<50x64xf32, #tpu.memory_space<hbm>>)
      %mul3A_2817 = arith.constant 4 : i32
      %mul3A_2818 = arith.muli %sub3A_2738, %mul3A_2817 : i32
      %add3A_2819 = arith.addi %mul3A_2, %mul3A_2818 : i32
      %add3A_2820 = arith.constant 3 : i32
      %add3A_2821 = arith.addi %add3A_2819, %add3A_2820 : i32
      %mul3A_2822 = arith.constant 56 : i32
      %mul3A_2823 = arith.muli %add3A_2821, %mul3A_2822 : i32
      %dma_wait3A_2824 = arith.constant 4 : i32
      %dma_wait3A_2825 = arith.constant 0 : i32
      %dma_wait3A_2826 = arith.constant 0 : i32
      %dma_wait3A_2827 = tpu.memref_slice %arg6[%dma_wait3A_2824, %dma_wait3A_2825, %dma_wait3A_2826] : memref<6x200x64xf32, #tpu.memory_space<vmem>> -> memref<1x200x64xf32, #tpu.memory_space<vmem>>
      %dma_wait3A_2828 = tpu.memref_squeeze %dma_wait3A_2827 : memref<1x200x64xf32, #tpu.memory_space<vmem>> -> memref<200x64xf32, #tpu.memory_space<vmem>>
      %dma_wait3A_2829 = arith.constant 150 : i32
      %dma_wait3A_2830 = arith.constant 0 : i32
      %dma_wait3A_2831 = tpu.memref_slice %dma_wait3A_2828[%dma_wait3A_2829, %dma_wait3A_2830] : memref<200x64xf32, #tpu.memory_space<vmem>> -> memref<50x64xf32, #tpu.memory_space<vmem>>
      %dma_wait3A_2832 = arith.constant 0 : i32
      %dma_wait3A_2833 = tpu.memref_slice %arg4[%mul3A_2823, %dma_wait3A_2832] : memref<917504x128xf32, #tpu.memory_space<hbm>> -> memref<50x64xf32, #tpu.memory_space<hbm>>
      %dma_wait3A_2834 = arith.constant 0 : i32
      %dma_wait3A_2835 = tpu.memref_slice %arg4[%mul3A_2823, %dma_wait3A_2834] : memref<917504x128xf32, #tpu.memory_space<hbm>> -> memref<50x64xf32, #tpu.memory_space<hbm>>
      %dma_wait3A_2836 = arith.constant 0 : i32
      %dma_wait3A_2837 = arith.constant 0 : i32
      %dma_wait3A_2838 = tpu.memref_slice %arg6[%dma_wait3A_2824, %dma_wait3A_2836, %dma_wait3A_2837] : memref<6x200x64xf32, #tpu.memory_space<vmem>> -> memref<1x200x64xf32, #tpu.memory_space<vmem>>
      %dma_wait3A_2839 = tpu.memref_squeeze %dma_wait3A_2838 : memref<1x200x64xf32, #tpu.memory_space<vmem>> -> memref<200x64xf32, #tpu.memory_space<vmem>>
      %dma_wait3A_2840 = arith.constant 150 : i32
      %dma_wait3A_2841 = arith.constant 0 : i32
      %dma_wait3A_2842 = tpu.memref_slice %dma_wait3A_2839[%dma_wait3A_2840, %dma_wait3A_2841] : memref<200x64xf32, #tpu.memory_space<vmem>> -> memref<50x64xf32, #tpu.memory_space<vmem>>
      tpu.wait_dma2 semaphore(%arg17 : memref<!tpu.dma_semaphore, #tpu.memory_space<semaphore_mem>>) src(%dma_wait3A_2842 : memref<50x64xf32, #tpu.memory_space<vmem>>) dst(%dma_wait3A_2835 : memref<50x64xf32, #tpu.memory_space<hbm>>)
      %add3A_2843 = arith.constant 4 : i32
      %add3A_2844 = arith.addi %add3A_2736, %add3A_2843 : i32
      %mul3A_2845 = arith.constant 200 : i32
      %mul3A_2846 = arith.muli %add3A_2844, %mul3A_2845 : i32
      %dma_start3A_2847 = arith.constant 4 : i32
      %dma_start3A_2848 = arith.constant 0 : i32
      %dma_start3A_2849 = arith.constant 0 : i32
      %dma_start3A_2850 = tpu.memref_slice %arg6[%dma_start3A_2847, %dma_start3A_2848, %dma_start3A_2849] : memref<6x200x64xf32, #tpu.memory_space<vmem>> -> memref<1x200x64xf32, #tpu.memory_space<vmem>>
      %dma_start3A_2851 = tpu.memref_squeeze %dma_start3A_2850 : memref<1x200x64xf32, #tpu.memory_space<vmem>> -> memref<200x64xf32, #tpu.memory_space<vmem>>
      %dma_start3A_2852 = tpu.memref_slice %arg5[%mul3A_2846] : memref<25600xi32, #tpu.memory_space<vmem>> -> memref<200xi32, #tpu.memory_space<vmem>>
      %dma_start3A_2853 = arith.constant 0 : i32
      %dma_start3A_2854 = arith.constant 0 : i32
      %dma_start3A_2855 = tpu.memref_slice %arg3[%dma_start3A_2853, %dma_start3A_2854] : memref<1000000x64xf32, #tpu.memory_space<hbm>> -> memref<1000000x64xf32, #tpu.memory_space<hbm>>
      tpu.enqueue_indirect_dma source(%dma_start3A_2855 : memref<1000000x64xf32, #tpu.memory_space<hbm>>) target(%dma_start3A_2851 : memref<200x64xf32, #tpu.memory_space<vmem>>) offsets(%dma_start3A_2852 : memref<200xi32, #tpu.memory_space<vmem>>) semaphore(%arg11 : memref<!tpu.dma_semaphore, #tpu.memory_space<semaphore_mem>>)
      %mul3A_2856 = arith.constant 200 : i32
      %mul3A_2857 = arith.muli %add3A_2736, %mul3A_2856 : i32
      %dma_wait3A_2858 = arith.constant 0 : i32
      %dma_wait3A_2859 = arith.constant 0 : i32
      %dma_wait3A_2860 = arith.constant 0 : i32
      %dma_wait3A_2861 = tpu.memref_slice %arg6[%dma_wait3A_2858, %dma_wait3A_2859, %dma_wait3A_2860] : memref<6x200x64xf32, #tpu.memory_space<vmem>> -> memref<1x200x64xf32, #tpu.memory_space<vmem>>
      %dma_wait3A_2862 = tpu.memref_squeeze %dma_wait3A_2861 : memref<1x200x64xf32, #tpu.memory_space<vmem>> -> memref<200x64xf32, #tpu.memory_space<vmem>>
      %dma_wait3A_2863 = tpu.memref_slice %arg5[%mul3A_2857] : memref<25600xi32, #tpu.memory_space<vmem>> -> memref<200xi32, #tpu.memory_space<vmem>>
      %dma_wait3A_2864 = arith.constant 0 : i32
      %dma_wait3A_2865 = arith.constant 0 : i32
      %dma_wait3A_2866 = tpu.memref_slice %arg3[%dma_wait3A_2864, %dma_wait3A_2865] : memref<1000000x64xf32, #tpu.memory_space<hbm>> -> memref<1000000x64xf32, #tpu.memory_space<hbm>>
      tpu.wait_indirect_dma semaphore(%arg7 : memref<!tpu.dma_semaphore, #tpu.memory_space<semaphore_mem>>) src(%dma_wait3A_2866 : memref<1000000x64xf32, #tpu.memory_space<hbm>>) dst(%dma_wait3A_2862 : memref<200x64xf32, #tpu.memory_space<vmem>>)
      %mul3A_2867 = arith.constant 4 : i32
      %mul3A_2868 = arith.muli %add3A_2736, %mul3A_2867 : i32
      %add3A_2869 = arith.addi %mul3A_2, %mul3A_2868 : i32
      %add3A_2870 = arith.constant 0 : i32
      %add3A_2871 = arith.addi %add3A_2869, %add3A_2870 : i32
      %mul3A_2872 = arith.constant 56 : i32
      %mul3A_2873 = arith.muli %add3A_2871, %mul3A_2872 : i32
      %dma_start3A_2874 = arith.constant 0 : i32
      %dma_start3A_2875 = arith.constant 0 : i32
      %dma_start3A_2876 = arith.constant 0 : i32
      %dma_start3A_2877 = tpu.memref_slice %arg6[%dma_start3A_2874, %dma_start3A_2875, %dma_start3A_2876] : memref<6x200x64xf32, #tpu.memory_space<vmem>> -> memref<1x200x64xf32, #tpu.memory_space<vmem>>
      %dma_start3A_2878 = tpu.memref_squeeze %dma_start3A_2877 : memref<1x200x64xf32, #tpu.memory_space<vmem>> -> memref<200x64xf32, #tpu.memory_space<vmem>>
      %dma_start3A_2879 = arith.constant 0 : i32
      %dma_start3A_2880 = arith.constant 0 : i32
      %dma_start3A_2881 = tpu.memref_slice %dma_start3A_2878[%dma_start3A_2879, %dma_start3A_2880] : memref<200x64xf32, #tpu.memory_space<vmem>> -> memref<50x64xf32, #tpu.memory_space<vmem>>
      %dma_start3A_2882 = arith.constant 0 : i32
      %dma_start3A_2883 = tpu.memref_slice %arg4[%mul3A_2873, %dma_start3A_2882] : memref<917504x128xf32, #tpu.memory_space<hbm>> -> memref<50x64xf32, #tpu.memory_space<hbm>>
      %dma_start3A_2884 = arith.constant 0 : i32
      %dma_start3A_2885 = tpu.memref_slice %arg4[%mul3A_2873, %dma_start3A_2884] : memref<917504x128xf32, #tpu.memory_space<hbm>> -> memref<50x64xf32, #tpu.memory_space<hbm>>
      %dma_start3A_2886 = arith.constant 0 : i32
      %dma_start3A_2887 = arith.constant 0 : i32
      %dma_start3A_2888 = tpu.memref_slice %arg6[%dma_start3A_2874, %dma_start3A_2886, %dma_start3A_2887] : memref<6x200x64xf32, #tpu.memory_space<vmem>> -> memref<1x200x64xf32, #tpu.memory_space<vmem>>
      %dma_start3A_2889 = tpu.memref_squeeze %dma_start3A_2888 : memref<1x200x64xf32, #tpu.memory_space<vmem>> -> memref<200x64xf32, #tpu.memory_space<vmem>>
      %dma_start3A_2890 = arith.constant 0 : i32
      %dma_start3A_2891 = arith.constant 0 : i32
      %dma_start3A_2892 = tpu.memref_slice %dma_start3A_2889[%dma_start3A_2890, %dma_start3A_2891] : memref<200x64xf32, #tpu.memory_space<vmem>> -> memref<50x64xf32, #tpu.memory_space<vmem>>
      tpu.enqueue_dma source(%dma_start3A_2892 : memref<50x64xf32, #tpu.memory_space<vmem>>) target(%dma_start3A_2885 : memref<50x64xf32, #tpu.memory_space<hbm>>) target_semaphore(%arg13 : memref<!tpu.dma_semaphore, #tpu.memory_space<semaphore_mem>>)
      %mul3A_2893 = arith.constant 4 : i32
      %mul3A_2894 = arith.muli %add3A_2736, %mul3A_2893 : i32
      %add3A_2895 = arith.addi %mul3A_2, %mul3A_2894 : i32
      %add3A_2896 = arith.constant 1 : i32
      %add3A_2897 = arith.addi %add3A_2895, %add3A_2896 : i32
      %mul3A_2898 = arith.constant 56 : i32
      %mul3A_2899 = arith.muli %add3A_2897, %mul3A_2898 : i32
      %dma_start3A_2900 = arith.constant 0 : i32
      %dma_start3A_2901 = arith.constant 0 : i32
      %dma_start3A_2902 = arith.constant 0 : i32
      %dma_start3A_2903 = tpu.memref_slice %arg6[%dma_start3A_2900, %dma_start3A_2901, %dma_start3A_2902] : memref<6x200x64xf32, #tpu.memory_space<vmem>> -> memref<1x200x64xf32, #tpu.memory_space<vmem>>
      %dma_start3A_2904 = tpu.memref_squeeze %dma_start3A_2903 : memref<1x200x64xf32, #tpu.memory_space<vmem>> -> memref<200x64xf32, #tpu.memory_space<vmem>>
      %dma_start3A_2905 = arith.constant 50 : i32
      %dma_start3A_2906 = arith.constant 0 : i32
      %dma_start3A_2907 = tpu.memref_slice %dma_start3A_2904[%dma_start3A_2905, %dma_start3A_2906] : memref<200x64xf32, #tpu.memory_space<vmem>> -> memref<50x64xf32, #tpu.memory_space<vmem>>
      %dma_start3A_2908 = arith.constant 0 : i32
      %dma_start3A_2909 = tpu.memref_slice %arg4[%mul3A_2899, %dma_start3A_2908] : memref<917504x128xf32, #tpu.memory_space<hbm>> -> memref<50x64xf32, #tpu.memory_space<hbm>>
      %dma_start3A_2910 = arith.constant 0 : i32
      %dma_start3A_2911 = tpu.memref_slice %arg4[%mul3A_2899, %dma_start3A_2910] : memref<917504x128xf32, #tpu.memory_space<hbm>> -> memref<50x64xf32, #tpu.memory_space<hbm>>
      %dma_start3A_2912 = arith.constant 0 : i32
      %dma_start3A_2913 = arith.constant 0 : i32
      %dma_start3A_2914 = tpu.memref_slice %arg6[%dma_start3A_2900, %dma_start3A_2912, %dma_start3A_2913] : memref<6x200x64xf32, #tpu.memory_space<vmem>> -> memref<1x200x64xf32, #tpu.memory_space<vmem>>
      %dma_start3A_2915 = tpu.memref_squeeze %dma_start3A_2914 : memref<1x200x64xf32, #tpu.memory_space<vmem>> -> memref<200x64xf32, #tpu.memory_space<vmem>>
      %dma_start3A_2916 = arith.constant 50 : i32
      %dma_start3A_2917 = arith.constant 0 : i32
      %dma_start3A_2918 = tpu.memref_slice %dma_start3A_2915[%dma_start3A_2916, %dma_start3A_2917] : memref<200x64xf32, #tpu.memory_space<vmem>> -> memref<50x64xf32, #tpu.memory_space<vmem>>
      tpu.enqueue_dma source(%dma_start3A_2918 : memref<50x64xf32, #tpu.memory_space<vmem>>) target(%dma_start3A_2911 : memref<50x64xf32, #tpu.memory_space<hbm>>) target_semaphore(%arg13 : memref<!tpu.dma_semaphore, #tpu.memory_space<semaphore_mem>>)
      %mul3A_2919 = arith.constant 4 : i32
      %mul3A_2920 = arith.muli %add3A_2736, %mul3A_2919 : i32
      %add3A_2921 = arith.addi %mul3A_2, %mul3A_2920 : i32
      %add3A_2922 = arith.constant 2 : i32
      %add3A_2923 = arith.addi %add3A_2921, %add3A_2922 : i32
      %mul3A_2924 = arith.constant 56 : i32
      %mul3A_2925 = arith.muli %add3A_2923, %mul3A_2924 : i32
      %dma_start3A_2926 = arith.constant 0 : i32
      %dma_start3A_2927 = arith.constant 0 : i32
      %dma_start3A_2928 = arith.constant 0 : i32
      %dma_start3A_2929 = tpu.memref_slice %arg6[%dma_start3A_2926, %dma_start3A_2927, %dma_start3A_2928] : memref<6x200x64xf32, #tpu.memory_space<vmem>> -> memref<1x200x64xf32, #tpu.memory_space<vmem>>
      %dma_start3A_2930 = tpu.memref_squeeze %dma_start3A_2929 : memref<1x200x64xf32, #tpu.memory_space<vmem>> -> memref<200x64xf32, #tpu.memory_space<vmem>>
      %dma_start3A_2931 = arith.constant 100 : i32
      %dma_start3A_2932 = arith.constant 0 : i32
      %dma_start3A_2933 = tpu.memref_slice %dma_start3A_2930[%dma_start3A_2931, %dma_start3A_2932] : memref<200x64xf32, #tpu.memory_space<vmem>> -> memref<50x64xf32, #tpu.memory_space<vmem>>
      %dma_start3A_2934 = arith.constant 0 : i32
      %dma_start3A_2935 = tpu.memref_slice %arg4[%mul3A_2925, %dma_start3A_2934] : memref<917504x128xf32, #tpu.memory_space<hbm>> -> memref<50x64xf32, #tpu.memory_space<hbm>>
      %dma_start3A_2936 = arith.constant 0 : i32
      %dma_start3A_2937 = tpu.memref_slice %arg4[%mul3A_2925, %dma_start3A_2936] : memref<917504x128xf32, #tpu.memory_space<hbm>> -> memref<50x64xf32, #tpu.memory_space<hbm>>
      %dma_start3A_2938 = arith.constant 0 : i32
      %dma_start3A_2939 = arith.constant 0 : i32
      %dma_start3A_2940 = tpu.memref_slice %arg6[%dma_start3A_2926, %dma_start3A_2938, %dma_start3A_2939] : memref<6x200x64xf32, #tpu.memory_space<vmem>> -> memref<1x200x64xf32, #tpu.memory_space<vmem>>
      %dma_start3A_2941 = tpu.memref_squeeze %dma_start3A_2940 : memref<1x200x64xf32, #tpu.memory_space<vmem>> -> memref<200x64xf32, #tpu.memory_space<vmem>>
      %dma_start3A_2942 = arith.constant 100 : i32
      %dma_start3A_2943 = arith.constant 0 : i32
      %dma_start3A_2944 = tpu.memref_slice %dma_start3A_2941[%dma_start3A_2942, %dma_start3A_2943] : memref<200x64xf32, #tpu.memory_space<vmem>> -> memref<50x64xf32, #tpu.memory_space<vmem>>
      tpu.enqueue_dma source(%dma_start3A_2944 : memref<50x64xf32, #tpu.memory_space<vmem>>) target(%dma_start3A_2937 : memref<50x64xf32, #tpu.memory_space<hbm>>) target_semaphore(%arg13 : memref<!tpu.dma_semaphore, #tpu.memory_space<semaphore_mem>>)
      %mul3A_2945 = arith.constant 4 : i32
      %mul3A_2946 = arith.muli %add3A_2736, %mul3A_2945 : i32
      %add3A_2947 = arith.addi %mul3A_2, %mul3A_2946 : i32
      %add3A_2948 = arith.constant 3 : i32
      %add3A_2949 = arith.addi %add3A_2947, %add3A_2948 : i32
      %mul3A_2950 = arith.constant 56 : i32
      %mul3A_2951 = arith.muli %add3A_2949, %mul3A_2950 : i32
      %dma_start3A_2952 = arith.constant 0 : i32
      %dma_start3A_2953 = arith.constant 0 : i32
      %dma_start3A_2954 = arith.constant 0 : i32
      %dma_start3A_2955 = tpu.memref_slice %arg6[%dma_start3A_2952, %dma_start3A_2953, %dma_start3A_2954] : memref<6x200x64xf32, #tpu.memory_space<vmem>> -> memref<1x200x64xf32, #tpu.memory_space<vmem>>
      %dma_start3A_2956 = tpu.memref_squeeze %dma_start3A_2955 : memref<1x200x64xf32, #tpu.memory_space<vmem>> -> memref<200x64xf32, #tpu.memory_space<vmem>>
      %dma_start3A_2957 = arith.constant 150 : i32
      %dma_start3A_2958 = arith.constant 0 : i32
      %dma_start3A_2959 = tpu.memref_slice %dma_start3A_2956[%dma_start3A_2957, %dma_start3A_2958] : memref<200x64xf32, #tpu.memory_space<vmem>> -> memref<50x64xf32, #tpu.memory_space<vmem>>
      %dma_start3A_2960 = arith.constant 0 : i32
      %dma_start3A_2961 = tpu.memref_slice %arg4[%mul3A_2951, %dma_start3A_2960] : memref<917504x128xf32, #tpu.memory_space<hbm>> -> memref<50x64xf32, #tpu.memory_space<hbm>>
      %dma_start3A_2962 = arith.constant 0 : i32
      %dma_start3A_2963 = tpu.memref_slice %arg4[%mul3A_2951, %dma_start3A_2962] : memref<917504x128xf32, #tpu.memory_space<hbm>> -> memref<50x64xf32, #tpu.memory_space<hbm>>
      %dma_start3A_2964 = arith.constant 0 : i32
      %dma_start3A_2965 = arith.constant 0 : i32
      %dma_start3A_2966 = tpu.memref_slice %arg6[%dma_start3A_2952, %dma_start3A_2964, %dma_start3A_2965] : memref<6x200x64xf32, #tpu.memory_space<vmem>> -> memref<1x200x64xf32, #tpu.memory_space<vmem>>
      %dma_start3A_2967 = tpu.memref_squeeze %dma_start3A_2966 : memref<1x200x64xf32, #tpu.memory_space<vmem>> -> memref<200x64xf32, #tpu.memory_space<vmem>>
      %dma_start3A_2968 = arith.constant 150 : i32
      %dma_start3A_2969 = arith.constant 0 : i32
      %dma_start3A_2970 = tpu.memref_slice %dma_start3A_2967[%dma_start3A_2968, %dma_start3A_2969] : memref<200x64xf32, #tpu.memory_space<vmem>> -> memref<50x64xf32, #tpu.memory_space<vmem>>
      tpu.enqueue_dma source(%dma_start3A_2970 : memref<50x64xf32, #tpu.memory_space<vmem>>) target(%dma_start3A_2963 : memref<50x64xf32, #tpu.memory_space<hbm>>) target_semaphore(%arg13 : memref<!tpu.dma_semaphore, #tpu.memory_space<semaphore_mem>>)
      %mul3A_2971 = arith.constant 6 : i32
      %mul3A_2972 = arith.muli %add3A_1771, %mul3A_2971 : i32
      %add3A_2973 = arith.constant 2 : i32
      %add3A_2974 = arith.addi %add3A_2973, %mul3A_2972 : i32
      %add3A_2975 = arith.constant 5 : i32
      %add3A_2976 = arith.addi %add3A_2974, %add3A_2975 : i32
      %sub3A_2977 = arith.constant 2 : i32
      %sub3A_2978 = arith.subi %add3A_2976, %sub3A_2977 : i32
      %mul3A_2979 = arith.constant 4 : i32
      %mul3A_2980 = arith.muli %sub3A_2978, %mul3A_2979 : i32
      %add3A_2981 = arith.addi %mul3A_2, %mul3A_2980 : i32
      %add3A_2982 = arith.constant 0 : i32
      %add3A_2983 = arith.addi %add3A_2981, %add3A_2982 : i32
      %mul3A_2984 = arith.constant 56 : i32
      %mul3A_2985 = arith.muli %add3A_2983, %mul3A_2984 : i32
      %dma_wait3A_2986 = arith.constant 5 : i32
      %dma_wait3A_2987 = arith.constant 0 : i32
      %dma_wait3A_2988 = arith.constant 0 : i32
      %dma_wait3A_2989 = tpu.memref_slice %arg6[%dma_wait3A_2986, %dma_wait3A_2987, %dma_wait3A_2988] : memref<6x200x64xf32, #tpu.memory_space<vmem>> -> memref<1x200x64xf32, #tpu.memory_space<vmem>>
      %dma_wait3A_2990 = tpu.memref_squeeze %dma_wait3A_2989 : memref<1x200x64xf32, #tpu.memory_space<vmem>> -> memref<200x64xf32, #tpu.memory_space<vmem>>
      %dma_wait3A_2991 = arith.constant 0 : i32
      %dma_wait3A_2992 = arith.constant 0 : i32
      %dma_wait3A_2993 = tpu.memref_slice %dma_wait3A_2990[%dma_wait3A_2991, %dma_wait3A_2992] : memref<200x64xf32, #tpu.memory_space<vmem>> -> memref<50x64xf32, #tpu.memory_space<vmem>>
      %dma_wait3A_2994 = arith.constant 0 : i32
      %dma_wait3A_2995 = tpu.memref_slice %arg4[%mul3A_2985, %dma_wait3A_2994] : memref<917504x128xf32, #tpu.memory_space<hbm>> -> memref<50x64xf32, #tpu.memory_space<hbm>>
      %dma_wait3A_2996 = arith.constant 0 : i32
      %dma_wait3A_2997 = tpu.memref_slice %arg4[%mul3A_2985, %dma_wait3A_2996] : memref<917504x128xf32, #tpu.memory_space<hbm>> -> memref<50x64xf32, #tpu.memory_space<hbm>>
      %dma_wait3A_2998 = arith.constant 0 : i32
      %dma_wait3A_2999 = arith.constant 0 : i32
      %dma_wait3A_3000 = tpu.memref_slice %arg6[%dma_wait3A_2986, %dma_wait3A_2998, %dma_wait3A_2999] : memref<6x200x64xf32, #tpu.memory_space<vmem>> -> memref<1x200x64xf32, #tpu.memory_space<vmem>>
      %dma_wait3A_3001 = tpu.memref_squeeze %dma_wait3A_3000 : memref<1x200x64xf32, #tpu.memory_space<vmem>> -> memref<200x64xf32, #tpu.memory_space<vmem>>
      %dma_wait3A_3002 = arith.constant 0 : i32
      %dma_wait3A_3003 = arith.constant 0 : i32
      %dma_wait3A_3004 = tpu.memref_slice %dma_wait3A_3001[%dma_wait3A_3002, %dma_wait3A_3003] : memref<200x64xf32, #tpu.memory_space<vmem>> -> memref<50x64xf32, #tpu.memory_space<vmem>>
      tpu.wait_dma2 semaphore(%arg18 : memref<!tpu.dma_semaphore, #tpu.memory_space<semaphore_mem>>) src(%dma_wait3A_3004 : memref<50x64xf32, #tpu.memory_space<vmem>>) dst(%dma_wait3A_2997 : memref<50x64xf32, #tpu.memory_space<hbm>>)
      %mul3A_3005 = arith.constant 4 : i32
      %mul3A_3006 = arith.muli %sub3A_2978, %mul3A_3005 : i32
      %add3A_3007 = arith.addi %mul3A_2, %mul3A_3006 : i32
      %add3A_3008 = arith.constant 1 : i32
      %add3A_3009 = arith.addi %add3A_3007, %add3A_3008 : i32
      %mul3A_3010 = arith.constant 56 : i32
      %mul3A_3011 = arith.muli %add3A_3009, %mul3A_3010 : i32
      %dma_wait3A_3012 = arith.constant 5 : i32
      %dma_wait3A_3013 = arith.constant 0 : i32
      %dma_wait3A_3014 = arith.constant 0 : i32
      %dma_wait3A_3015 = tpu.memref_slice %arg6[%dma_wait3A_3012, %dma_wait3A_3013, %dma_wait3A_3014] : memref<6x200x64xf32, #tpu.memory_space<vmem>> -> memref<1x200x64xf32, #tpu.memory_space<vmem>>
      %dma_wait3A_3016 = tpu.memref_squeeze %dma_wait3A_3015 : memref<1x200x64xf32, #tpu.memory_space<vmem>> -> memref<200x64xf32, #tpu.memory_space<vmem>>
      %dma_wait3A_3017 = arith.constant 50 : i32
      %dma_wait3A_3018 = arith.constant 0 : i32
      %dma_wait3A_3019 = tpu.memref_slice %dma_wait3A_3016[%dma_wait3A_3017, %dma_wait3A_3018] : memref<200x64xf32, #tpu.memory_space<vmem>> -> memref<50x64xf32, #tpu.memory_space<vmem>>
      %dma_wait3A_3020 = arith.constant 0 : i32
      %dma_wait3A_3021 = tpu.memref_slice %arg4[%mul3A_3011, %dma_wait3A_3020] : memref<917504x128xf32, #tpu.memory_space<hbm>> -> memref<50x64xf32, #tpu.memory_space<hbm>>
      %dma_wait3A_3022 = arith.constant 0 : i32
      %dma_wait3A_3023 = tpu.memref_slice %arg4[%mul3A_3011, %dma_wait3A_3022] : memref<917504x128xf32, #tpu.memory_space<hbm>> -> memref<50x64xf32, #tpu.memory_space<hbm>>
      %dma_wait3A_3024 = arith.constant 0 : i32
      %dma_wait3A_3025 = arith.constant 0 : i32
      %dma_wait3A_3026 = tpu.memref_slice %arg6[%dma_wait3A_3012, %dma_wait3A_3024, %dma_wait3A_3025] : memref<6x200x64xf32, #tpu.memory_space<vmem>> -> memref<1x200x64xf32, #tpu.memory_space<vmem>>
      %dma_wait3A_3027 = tpu.memref_squeeze %dma_wait3A_3026 : memref<1x200x64xf32, #tpu.memory_space<vmem>> -> memref<200x64xf32, #tpu.memory_space<vmem>>
      %dma_wait3A_3028 = arith.constant 50 : i32
      %dma_wait3A_3029 = arith.constant 0 : i32
      %dma_wait3A_3030 = tpu.memref_slice %dma_wait3A_3027[%dma_wait3A_3028, %dma_wait3A_3029] : memref<200x64xf32, #tpu.memory_space<vmem>> -> memref<50x64xf32, #tpu.memory_space<vmem>>
      tpu.wait_dma2 semaphore(%arg18 : memref<!tpu.dma_semaphore, #tpu.memory_space<semaphore_mem>>) src(%dma_wait3A_3030 : memref<50x64xf32, #tpu.memory_space<vmem>>) dst(%dma_wait3A_3023 : memref<50x64xf32, #tpu.memory_space<hbm>>)
      %mul3A_3031 = arith.constant 4 : i32
      %mul3A_3032 = arith.muli %sub3A_2978, %mul3A_3031 : i32
      %add3A_3033 = arith.addi %mul3A_2, %mul3A_3032 : i32
      %add3A_3034 = arith.constant 2 : i32
      %add3A_3035 = arith.addi %add3A_3033, %add3A_3034 : i32
      %mul3A_3036 = arith.constant 56 : i32
      %mul3A_3037 = arith.muli %add3A_3035, %mul3A_3036 : i32
      %dma_wait3A_3038 = arith.constant 5 : i32
      %dma_wait3A_3039 = arith.constant 0 : i32
      %dma_wait3A_3040 = arith.constant 0 : i32
      %dma_wait3A_3041 = tpu.memref_slice %arg6[%dma_wait3A_3038, %dma_wait3A_3039, %dma_wait3A_3040] : memref<6x200x64xf32, #tpu.memory_space<vmem>> -> memref<1x200x64xf32, #tpu.memory_space<vmem>>
      %dma_wait3A_3042 = tpu.memref_squeeze %dma_wait3A_3041 : memref<1x200x64xf32, #tpu.memory_space<vmem>> -> memref<200x64xf32, #tpu.memory_space<vmem>>
      %dma_wait3A_3043 = arith.constant 100 : i32
      %dma_wait3A_3044 = arith.constant 0 : i32
      %dma_wait3A_3045 = tpu.memref_slice %dma_wait3A_3042[%dma_wait3A_3043, %dma_wait3A_3044] : memref<200x64xf32, #tpu.memory_space<vmem>> -> memref<50x64xf32, #tpu.memory_space<vmem>>
      %dma_wait3A_3046 = arith.constant 0 : i32
      %dma_wait3A_3047 = tpu.memref_slice %arg4[%mul3A_3037, %dma_wait3A_3046] : memref<917504x128xf32, #tpu.memory_space<hbm>> -> memref<50x64xf32, #tpu.memory_space<hbm>>
      %dma_wait3A_3048 = arith.constant 0 : i32
      %dma_wait3A_3049 = tpu.memref_slice %arg4[%mul3A_3037, %dma_wait3A_3048] : memref<917504x128xf32, #tpu.memory_space<hbm>> -> memref<50x64xf32, #tpu.memory_space<hbm>>
      %dma_wait3A_3050 = arith.constant 0 : i32
      %dma_wait3A_3051 = arith.constant 0 : i32
      %dma_wait3A_3052 = tpu.memref_slice %arg6[%dma_wait3A_3038, %dma_wait3A_3050, %dma_wait3A_3051] : memref<6x200x64xf32, #tpu.memory_space<vmem>> -> memref<1x200x64xf32, #tpu.memory_space<vmem>>
      %dma_wait3A_3053 = tpu.memref_squeeze %dma_wait3A_3052 : memref<1x200x64xf32, #tpu.memory_space<vmem>> -> memref<200x64xf32, #tpu.memory_space<vmem>>
      %dma_wait3A_3054 = arith.constant 100 : i32
      %dma_wait3A_3055 = arith.constant 0 : i32
      %dma_wait3A_3056 = tpu.memref_slice %dma_wait3A_3053[%dma_wait3A_3054, %dma_wait3A_3055] : memref<200x64xf32, #tpu.memory_space<vmem>> -> memref<50x64xf32, #tpu.memory_space<vmem>>
      tpu.wait_dma2 semaphore(%arg18 : memref<!tpu.dma_semaphore, #tpu.memory_space<semaphore_mem>>) src(%dma_wait3A_3056 : memref<50x64xf32, #tpu.memory_space<vmem>>) dst(%dma_wait3A_3049 : memref<50x64xf32, #tpu.memory_space<hbm>>)
      %mul3A_3057 = arith.constant 4 : i32
      %mul3A_3058 = arith.muli %sub3A_2978, %mul3A_3057 : i32
      %add3A_3059 = arith.addi %mul3A_2, %mul3A_3058 : i32
      %add3A_3060 = arith.constant 3 : i32
      %add3A_3061 = arith.addi %add3A_3059, %add3A_3060 : i32
      %mul3A_3062 = arith.constant 56 : i32
      %mul3A_3063 = arith.muli %add3A_3061, %mul3A_3062 : i32
      %dma_wait3A_3064 = arith.constant 5 : i32
      %dma_wait3A_3065 = arith.constant 0 : i32
      %dma_wait3A_3066 = arith.constant 0 : i32
      %dma_wait3A_3067 = tpu.memref_slice %arg6[%dma_wait3A_3064, %dma_wait3A_3065, %dma_wait3A_3066] : memref<6x200x64xf32, #tpu.memory_space<vmem>> -> memref<1x200x64xf32, #tpu.memory_space<vmem>>
      %dma_wait3A_3068 = tpu.memref_squeeze %dma_wait3A_3067 : memref<1x200x64xf32, #tpu.memory_space<vmem>> -> memref<200x64xf32, #tpu.memory_space<vmem>>
      %dma_wait3A_3069 = arith.constant 150 : i32
      %dma_wait3A_3070 = arith.constant 0 : i32
      %dma_wait3A_3071 = tpu.memref_slice %dma_wait3A_3068[%dma_wait3A_3069, %dma_wait3A_3070] : memref<200x64xf32, #tpu.memory_space<vmem>> -> memref<50x64xf32, #tpu.memory_space<vmem>>
      %dma_wait3A_3072 = arith.constant 0 : i32
      %dma_wait3A_3073 = tpu.memref_slice %arg4[%mul3A_3063, %dma_wait3A_3072] : memref<917504x128xf32, #tpu.memory_space<hbm>> -> memref<50x64xf32, #tpu.memory_space<hbm>>
      %dma_wait3A_3074 = arith.constant 0 : i32
      %dma_wait3A_3075 = tpu.memref_slice %arg4[%mul3A_3063, %dma_wait3A_3074] : memref<917504x128xf32, #tpu.memory_space<hbm>> -> memref<50x64xf32, #tpu.memory_space<hbm>>
      %dma_wait3A_3076 = arith.constant 0 : i32
      %dma_wait3A_3077 = arith.constant 0 : i32
      %dma_wait3A_3078 = tpu.memref_slice %arg6[%dma_wait3A_3064, %dma_wait3A_3076, %dma_wait3A_3077] : memref<6x200x64xf32, #tpu.memory_space<vmem>> -> memref<1x200x64xf32, #tpu.memory_space<vmem>>
      %dma_wait3A_3079 = tpu.memref_squeeze %dma_wait3A_3078 : memref<1x200x64xf32, #tpu.memory_space<vmem>> -> memref<200x64xf32, #tpu.memory_space<vmem>>
      %dma_wait3A_3080 = arith.constant 150 : i32
      %dma_wait3A_3081 = arith.constant 0 : i32
      %dma_wait3A_3082 = tpu.memref_slice %dma_wait3A_3079[%dma_wait3A_3080, %dma_wait3A_3081] : memref<200x64xf32, #tpu.memory_space<vmem>> -> memref<50x64xf32, #tpu.memory_space<vmem>>
      tpu.wait_dma2 semaphore(%arg18 : memref<!tpu.dma_semaphore, #tpu.memory_space<semaphore_mem>>) src(%dma_wait3A_3082 : memref<50x64xf32, #tpu.memory_space<vmem>>) dst(%dma_wait3A_3075 : memref<50x64xf32, #tpu.memory_space<hbm>>)
      %add3A_3083 = arith.constant 4 : i32
      %add3A_3084 = arith.addi %add3A_2976, %add3A_3083 : i32
      %mul3A_3085 = arith.constant 200 : i32
      %mul3A_3086 = arith.muli %add3A_3084, %mul3A_3085 : i32
      %dma_start3A_3087 = arith.constant 5 : i32
      %dma_start3A_3088 = arith.constant 0 : i32
      %dma_start3A_3089 = arith.constant 0 : i32
      %dma_start3A_3090 = tpu.memref_slice %arg6[%dma_start3A_3087, %dma_start3A_3088, %dma_start3A_3089] : memref<6x200x64xf32, #tpu.memory_space<vmem>> -> memref<1x200x64xf32, #tpu.memory_space<vmem>>
      %dma_start3A_3091 = tpu.memref_squeeze %dma_start3A_3090 : memref<1x200x64xf32, #tpu.memory_space<vmem>> -> memref<200x64xf32, #tpu.memory_space<vmem>>
      %dma_start3A_3092 = tpu.memref_slice %arg5[%mul3A_3086] : memref<25600xi32, #tpu.memory_space<vmem>> -> memref<200xi32, #tpu.memory_space<vmem>>
      %dma_start3A_3093 = arith.constant 0 : i32
      %dma_start3A_3094 = arith.constant 0 : i32
      %dma_start3A_3095 = tpu.memref_slice %arg3[%dma_start3A_3093, %dma_start3A_3094] : memref<1000000x64xf32, #tpu.memory_space<hbm>> -> memref<1000000x64xf32, #tpu.memory_space<hbm>>
      tpu.enqueue_indirect_dma source(%dma_start3A_3095 : memref<1000000x64xf32, #tpu.memory_space<hbm>>) target(%dma_start3A_3091 : memref<200x64xf32, #tpu.memory_space<vmem>>) offsets(%dma_start3A_3092 : memref<200xi32, #tpu.memory_space<vmem>>) semaphore(%arg12 : memref<!tpu.dma_semaphore, #tpu.memory_space<semaphore_mem>>)
      %mul3A_3096 = arith.constant 200 : i32
      %mul3A_3097 = arith.muli %add3A_2976, %mul3A_3096 : i32
      %dma_wait3A_3098 = arith.constant 1 : i32
      %dma_wait3A_3099 = arith.constant 0 : i32
      %dma_wait3A_3100 = arith.constant 0 : i32
      %dma_wait3A_3101 = tpu.memref_slice %arg6[%dma_wait3A_3098, %dma_wait3A_3099, %dma_wait3A_3100] : memref<6x200x64xf32, #tpu.memory_space<vmem>> -> memref<1x200x64xf32, #tpu.memory_space<vmem>>
      %dma_wait3A_3102 = tpu.memref_squeeze %dma_wait3A_3101 : memref<1x200x64xf32, #tpu.memory_space<vmem>> -> memref<200x64xf32, #tpu.memory_space<vmem>>
      %dma_wait3A_3103 = tpu.memref_slice %arg5[%mul3A_3097] : memref<25600xi32, #tpu.memory_space<vmem>> -> memref<200xi32, #tpu.memory_space<vmem>>
      %dma_wait3A_3104 = arith.constant 0 : i32
      %dma_wait3A_3105 = arith.constant 0 : i32
      %dma_wait3A_3106 = tpu.memref_slice %arg3[%dma_wait3A_3104, %dma_wait3A_3105] : memref<1000000x64xf32, #tpu.memory_space<hbm>> -> memref<1000000x64xf32, #tpu.memory_space<hbm>>
      tpu.wait_indirect_dma semaphore(%arg8 : memref<!tpu.dma_semaphore, #tpu.memory_space<semaphore_mem>>) src(%dma_wait3A_3106 : memref<1000000x64xf32, #tpu.memory_space<hbm>>) dst(%dma_wait3A_3102 : memref<200x64xf32, #tpu.memory_space<vmem>>)
      %mul3A_3107 = arith.constant 4 : i32
      %mul3A_3108 = arith.muli %add3A_2976, %mul3A_3107 : i32
      %add3A_3109 = arith.addi %mul3A_2, %mul3A_3108 : i32
      %add3A_3110 = arith.constant 0 : i32
      %add3A_3111 = arith.addi %add3A_3109, %add3A_3110 : i32
      %mul3A_3112 = arith.constant 56 : i32
      %mul3A_3113 = arith.muli %add3A_3111, %mul3A_3112 : i32
      %dma_start3A_3114 = arith.constant 1 : i32
      %dma_start3A_3115 = arith.constant 0 : i32
      %dma_start3A_3116 = arith.constant 0 : i32
      %dma_start3A_3117 = tpu.memref_slice %arg6[%dma_start3A_3114, %dma_start3A_3115, %dma_start3A_3116] : memref<6x200x64xf32, #tpu.memory_space<vmem>> -> memref<1x200x64xf32, #tpu.memory_space<vmem>>
      %dma_start3A_3118 = tpu.memref_squeeze %dma_start3A_3117 : memref<1x200x64xf32, #tpu.memory_space<vmem>> -> memref<200x64xf32, #tpu.memory_space<vmem>>
      %dma_start3A_3119 = arith.constant 0 : i32
      %dma_start3A_3120 = arith.constant 0 : i32
      %dma_start3A_3121 = tpu.memref_slice %dma_start3A_3118[%dma_start3A_3119, %dma_start3A_3120] : memref<200x64xf32, #tpu.memory_space<vmem>> -> memref<50x64xf32, #tpu.memory_space<vmem>>
      %dma_start3A_3122 = arith.constant 0 : i32
      %dma_start3A_3123 = tpu.memref_slice %arg4[%mul3A_3113, %dma_start3A_3122] : memref<917504x128xf32, #tpu.memory_space<hbm>> -> memref<50x64xf32, #tpu.memory_space<hbm>>
      %dma_start3A_3124 = arith.constant 0 : i32
      %dma_start3A_3125 = tpu.memref_slice %arg4[%mul3A_3113, %dma_start3A_3124] : memref<917504x128xf32, #tpu.memory_space<hbm>> -> memref<50x64xf32, #tpu.memory_space<hbm>>
      %dma_start3A_3126 = arith.constant 0 : i32
      %dma_start3A_3127 = arith.constant 0 : i32
      %dma_start3A_3128 = tpu.memref_slice %arg6[%dma_start3A_3114, %dma_start3A_3126, %dma_start3A_3127] : memref<6x200x64xf32, #tpu.memory_space<vmem>> -> memref<1x200x64xf32, #tpu.memory_space<vmem>>
      %dma_start3A_3129 = tpu.memref_squeeze %dma_start3A_3128 : memref<1x200x64xf32, #tpu.memory_space<vmem>> -> memref<200x64xf32, #tpu.memory_space<vmem>>
      %dma_start3A_3130 = arith.constant 0 : i32
      %dma_start3A_3131 = arith.constant 0 : i32
      %dma_start3A_3132 = tpu.memref_slice %dma_start3A_3129[%dma_start3A_3130, %dma_start3A_3131] : memref<200x64xf32, #tpu.memory_space<vmem>> -> memref<50x64xf32, #tpu.memory_space<vmem>>
      tpu.enqueue_dma source(%dma_start3A_3132 : memref<50x64xf32, #tpu.memory_space<vmem>>) target(%dma_start3A_3125 : memref<50x64xf32, #tpu.memory_space<hbm>>) target_semaphore(%arg14 : memref<!tpu.dma_semaphore, #tpu.memory_space<semaphore_mem>>)
      %mul3A_3133 = arith.constant 4 : i32
      %mul3A_3134 = arith.muli %add3A_2976, %mul3A_3133 : i32
      %add3A_3135 = arith.addi %mul3A_2, %mul3A_3134 : i32
      %add3A_3136 = arith.constant 1 : i32
      %add3A_3137 = arith.addi %add3A_3135, %add3A_3136 : i32
      %mul3A_3138 = arith.constant 56 : i32
      %mul3A_3139 = arith.muli %add3A_3137, %mul3A_3138 : i32
      %dma_start3A_3140 = arith.constant 1 : i32
      %dma_start3A_3141 = arith.constant 0 : i32
      %dma_start3A_3142 = arith.constant 0 : i32
      %dma_start3A_3143 = tpu.memref_slice %arg6[%dma_start3A_3140, %dma_start3A_3141, %dma_start3A_3142] : memref<6x200x64xf32, #tpu.memory_space<vmem>> -> memref<1x200x64xf32, #tpu.memory_space<vmem>>
      %dma_start3A_3144 = tpu.memref_squeeze %dma_start3A_3143 : memref<1x200x64xf32, #tpu.memory_space<vmem>> -> memref<200x64xf32, #tpu.memory_space<vmem>>
      %dma_start3A_3145 = arith.constant 50 : i32
      %dma_start3A_3146 = arith.constant 0 : i32
      %dma_start3A_3147 = tpu.memref_slice %dma_start3A_3144[%dma_start3A_3145, %dma_start3A_3146] : memref<200x64xf32, #tpu.memory_space<vmem>> -> memref<50x64xf32, #tpu.memory_space<vmem>>
      %dma_start3A_3148 = arith.constant 0 : i32
      %dma_start3A_3149 = tpu.memref_slice %arg4[%mul3A_3139, %dma_start3A_3148] : memref<917504x128xf32, #tpu.memory_space<hbm>> -> memref<50x64xf32, #tpu.memory_space<hbm>>
      %dma_start3A_3150 = arith.constant 0 : i32
      %dma_start3A_3151 = tpu.memref_slice %arg4[%mul3A_3139, %dma_start3A_3150] : memref<917504x128xf32, #tpu.memory_space<hbm>> -> memref<50x64xf32, #tpu.memory_space<hbm>>
      %dma_start3A_3152 = arith.constant 0 : i32
      %dma_start3A_3153 = arith.constant 0 : i32
      %dma_start3A_3154 = tpu.memref_slice %arg6[%dma_start3A_3140, %dma_start3A_3152, %dma_start3A_3153] : memref<6x200x64xf32, #tpu.memory_space<vmem>> -> memref<1x200x64xf32, #tpu.memory_space<vmem>>
      %dma_start3A_3155 = tpu.memref_squeeze %dma_start3A_3154 : memref<1x200x64xf32, #tpu.memory_space<vmem>> -> memref<200x64xf32, #tpu.memory_space<vmem>>
      %dma_start3A_3156 = arith.constant 50 : i32
      %dma_start3A_3157 = arith.constant 0 : i32
      %dma_start3A_3158 = tpu.memref_slice %dma_start3A_3155[%dma_start3A_3156, %dma_start3A_3157] : memref<200x64xf32, #tpu.memory_space<vmem>> -> memref<50x64xf32, #tpu.memory_space<vmem>>
      tpu.enqueue_dma source(%dma_start3A_3158 : memref<50x64xf32, #tpu.memory_space<vmem>>) target(%dma_start3A_3151 : memref<50x64xf32, #tpu.memory_space<hbm>>) target_semaphore(%arg14 : memref<!tpu.dma_semaphore, #tpu.memory_space<semaphore_mem>>)
      %mul3A_3159 = arith.constant 4 : i32
      %mul3A_3160 = arith.muli %add3A_2976, %mul3A_3159 : i32
      %add3A_3161 = arith.addi %mul3A_2, %mul3A_3160 : i32
      %add3A_3162 = arith.constant 2 : i32
      %add3A_3163 = arith.addi %add3A_3161, %add3A_3162 : i32
      %mul3A_3164 = arith.constant 56 : i32
      %mul3A_3165 = arith.muli %add3A_3163, %mul3A_3164 : i32
      %dma_start3A_3166 = arith.constant 1 : i32
      %dma_start3A_3167 = arith.constant 0 : i32
      %dma_start3A_3168 = arith.constant 0 : i32
      %dma_start3A_3169 = tpu.memref_slice %arg6[%dma_start3A_3166, %dma_start3A_3167, %dma_start3A_3168] : memref<6x200x64xf32, #tpu.memory_space<vmem>> -> memref<1x200x64xf32, #tpu.memory_space<vmem>>
      %dma_start3A_3170 = tpu.memref_squeeze %dma_start3A_3169 : memref<1x200x64xf32, #tpu.memory_space<vmem>> -> memref<200x64xf32, #tpu.memory_space<vmem>>
      %dma_start3A_3171 = arith.constant 100 : i32
      %dma_start3A_3172 = arith.constant 0 : i32
      %dma_start3A_3173 = tpu.memref_slice %dma_start3A_3170[%dma_start3A_3171, %dma_start3A_3172] : memref<200x64xf32, #tpu.memory_space<vmem>> -> memref<50x64xf32, #tpu.memory_space<vmem>>
      %dma_start3A_3174 = arith.constant 0 : i32
      %dma_start3A_3175 = tpu.memref_slice %arg4[%mul3A_3165, %dma_start3A_3174] : memref<917504x128xf32, #tpu.memory_space<hbm>> -> memref<50x64xf32, #tpu.memory_space<hbm>>
      %dma_start3A_3176 = arith.constant 0 : i32
      %dma_start3A_3177 = tpu.memref_slice %arg4[%mul3A_3165, %dma_start3A_3176] : memref<917504x128xf32, #tpu.memory_space<hbm>> -> memref<50x64xf32, #tpu.memory_space<hbm>>
      %dma_start3A_3178 = arith.constant 0 : i32
      %dma_start3A_3179 = arith.constant 0 : i32
      %dma_start3A_3180 = tpu.memref_slice %arg6[%dma_start3A_3166, %dma_start3A_3178, %dma_start3A_3179] : memref<6x200x64xf32, #tpu.memory_space<vmem>> -> memref<1x200x64xf32, #tpu.memory_space<vmem>>
      %dma_start3A_3181 = tpu.memref_squeeze %dma_start3A_3180 : memref<1x200x64xf32, #tpu.memory_space<vmem>> -> memref<200x64xf32, #tpu.memory_space<vmem>>
      %dma_start3A_3182 = arith.constant 100 : i32
      %dma_start3A_3183 = arith.constant 0 : i32
      %dma_start3A_3184 = tpu.memref_slice %dma_start3A_3181[%dma_start3A_3182, %dma_start3A_3183] : memref<200x64xf32, #tpu.memory_space<vmem>> -> memref<50x64xf32, #tpu.memory_space<vmem>>
      tpu.enqueue_dma source(%dma_start3A_3184 : memref<50x64xf32, #tpu.memory_space<vmem>>) target(%dma_start3A_3177 : memref<50x64xf32, #tpu.memory_space<hbm>>) target_semaphore(%arg14 : memref<!tpu.dma_semaphore, #tpu.memory_space<semaphore_mem>>)
      %mul3A_3185 = arith.constant 4 : i32
      %mul3A_3186 = arith.muli %add3A_2976, %mul3A_3185 : i32
      %add3A_3187 = arith.addi %mul3A_2, %mul3A_3186 : i32
      %add3A_3188 = arith.constant 3 : i32
      %add3A_3189 = arith.addi %add3A_3187, %add3A_3188 : i32
      %mul3A_3190 = arith.constant 56 : i32
      %mul3A_3191 = arith.muli %add3A_3189, %mul3A_3190 : i32
      %dma_start3A_3192 = arith.constant 1 : i32
      %dma_start3A_3193 = arith.constant 0 : i32
      %dma_start3A_3194 = arith.constant 0 : i32
      %dma_start3A_3195 = tpu.memref_slice %arg6[%dma_start3A_3192, %dma_start3A_3193, %dma_start3A_3194] : memref<6x200x64xf32, #tpu.memory_space<vmem>> -> memref<1x200x64xf32, #tpu.memory_space<vmem>>
      %dma_start3A_3196 = tpu.memref_squeeze %dma_start3A_3195 : memref<1x200x64xf32, #tpu.memory_space<vmem>> -> memref<200x64xf32, #tpu.memory_space<vmem>>
      %dma_start3A_3197 = arith.constant 150 : i32
      %dma_start3A_3198 = arith.constant 0 : i32
      %dma_start3A_3199 = tpu.memref_slice %dma_start3A_3196[%dma_start3A_3197, %dma_start3A_3198] : memref<200x64xf32, #tpu.memory_space<vmem>> -> memref<50x64xf32, #tpu.memory_space<vmem>>
      %dma_start3A_3200 = arith.constant 0 : i32
      %dma_start3A_3201 = tpu.memref_slice %arg4[%mul3A_3191, %dma_start3A_3200] : memref<917504x128xf32, #tpu.memory_space<hbm>> -> memref<50x64xf32, #tpu.memory_space<hbm>>
      %dma_start3A_3202 = arith.constant 0 : i32
      %dma_start3A_3203 = tpu.memref_slice %arg4[%mul3A_3191, %dma_start3A_3202] : memref<917504x128xf32, #tpu.memory_space<hbm>> -> memref<50x64xf32, #tpu.memory_space<hbm>>
      %dma_start3A_3204 = arith.constant 0 : i32
      %dma_start3A_3205 = arith.constant 0 : i32
      %dma_start3A_3206 = tpu.memref_slice %arg6[%dma_start3A_3192, %dma_start3A_3204, %dma_start3A_3205] : memref<6x200x64xf32, #tpu.memory_space<vmem>> -> memref<1x200x64xf32, #tpu.memory_space<vmem>>
      %dma_start3A_3207 = tpu.memref_squeeze %dma_start3A_3206 : memref<1x200x64xf32, #tpu.memory_space<vmem>> -> memref<200x64xf32, #tpu.memory_space<vmem>>
      %dma_start3A_3208 = arith.constant 150 : i32
      %dma_start3A_3209 = arith.constant 0 : i32
      %dma_start3A_3210 = tpu.memref_slice %dma_start3A_3207[%dma_start3A_3208, %dma_start3A_3209] : memref<200x64xf32, #tpu.memory_space<vmem>> -> memref<50x64xf32, #tpu.memory_space<vmem>>
      tpu.enqueue_dma source(%dma_start3A_3210 : memref<50x64xf32, #tpu.memory_space<vmem>>) target(%dma_start3A_3203 : memref<50x64xf32, #tpu.memory_space<hbm>>) target_semaphore(%arg14 : memref<!tpu.dma_semaphore, #tpu.memory_space<semaphore_mem>>)
    }
    %scan3A_286 = arith.constant 20 : i32
    %add3A_287 = arith.constant 480 : i32
    %add3A_288 = arith.addi %mul3A_2, %add3A_287 : i32
    %add3A_289 = arith.constant 0 : i32
    %add3A_290 = arith.addi %add3A_288, %add3A_289 : i32
    %mul3A_291 = arith.constant 56 : i32
    %mul3A_292 = arith.muli %add3A_290, %mul3A_291 : i32
    %dma_wait3A_293 = arith.constant 0 : i32
    %dma_wait3A_294 = arith.constant 0 : i32
    %dma_wait3A_295 = arith.constant 0 : i32
    %dma_wait3A_296 = tpu.memref_slice %arg6[%dma_wait3A_293, %dma_wait3A_294, %dma_wait3A_295] : memref<6x200x64xf32, #tpu.memory_space<vmem>> -> memref<1x200x64xf32, #tpu.memory_space<vmem>>
    %dma_wait3A_297 = tpu.memref_squeeze %dma_wait3A_296 : memref<1x200x64xf32, #tpu.memory_space<vmem>> -> memref<200x64xf32, #tpu.memory_space<vmem>>
    %dma_wait3A_298 = arith.constant 0 : i32
    %dma_wait3A_299 = arith.constant 0 : i32
    %dma_wait3A_300 = tpu.memref_slice %dma_wait3A_297[%dma_wait3A_298, %dma_wait3A_299] : memref<200x64xf32, #tpu.memory_space<vmem>> -> memref<50x64xf32, #tpu.memory_space<vmem>>
    %dma_wait3A_301 = arith.constant 0 : i32
    %dma_wait3A_302 = tpu.memref_slice %arg4[%mul3A_292, %dma_wait3A_301] : memref<917504x128xf32, #tpu.memory_space<hbm>> -> memref<50x64xf32, #tpu.memory_space<hbm>>
    %dma_wait3A_303 = arith.constant 0 : i32
    %dma_wait3A_304 = tpu.memref_slice %arg4[%mul3A_292, %dma_wait3A_303] : memref<917504x128xf32, #tpu.memory_space<hbm>> -> memref<50x64xf32, #tpu.memory_space<hbm>>
    %dma_wait3A_305 = arith.constant 0 : i32
    %dma_wait3A_306 = arith.constant 0 : i32
    %dma_wait3A_307 = tpu.memref_slice %arg6[%dma_wait3A_293, %dma_wait3A_305, %dma_wait3A_306] : memref<6x200x64xf32, #tpu.memory_space<vmem>> -> memref<1x200x64xf32, #tpu.memory_space<vmem>>
    %dma_wait3A_308 = tpu.memref_squeeze %dma_wait3A_307 : memref<1x200x64xf32, #tpu.memory_space<vmem>> -> memref<200x64xf32, #tpu.memory_space<vmem>>
    %dma_wait3A_309 = arith.constant 0 : i32
    %dma_wait3A_310 = arith.constant 0 : i32
    %dma_wait3A_311 = tpu.memref_slice %dma_wait3A_308[%dma_wait3A_309, %dma_wait3A_310] : memref<200x64xf32, #tpu.memory_space<vmem>> -> memref<50x64xf32, #tpu.memory_space<vmem>>
    tpu.wait_dma2 semaphore(%arg13 : memref<!tpu.dma_semaphore, #tpu.memory_space<semaphore_mem>>) src(%dma_wait3A_311 : memref<50x64xf32, #tpu.memory_space<vmem>>) dst(%dma_wait3A_304 : memref<50x64xf32, #tpu.memory_space<hbm>>)
    %add3A_312 = arith.constant 480 : i32
    %add3A_313 = arith.addi %mul3A_2, %add3A_312 : i32
    %add3A_314 = arith.constant 1 : i32
    %add3A_315 = arith.addi %add3A_313, %add3A_314 : i32
    %mul3A_316 = arith.constant 56 : i32
    %mul3A_317 = arith.muli %add3A_315, %mul3A_316 : i32
    %dma_wait3A_318 = arith.constant 0 : i32
    %dma_wait3A_319 = arith.constant 0 : i32
    %dma_wait3A_320 = arith.constant 0 : i32
    %dma_wait3A_321 = tpu.memref_slice %arg6[%dma_wait3A_318, %dma_wait3A_319, %dma_wait3A_320] : memref<6x200x64xf32, #tpu.memory_space<vmem>> -> memref<1x200x64xf32, #tpu.memory_space<vmem>>
    %dma_wait3A_322 = tpu.memref_squeeze %dma_wait3A_321 : memref<1x200x64xf32, #tpu.memory_space<vmem>> -> memref<200x64xf32, #tpu.memory_space<vmem>>
    %dma_wait3A_323 = arith.constant 50 : i32
    %dma_wait3A_324 = arith.constant 0 : i32
    %dma_wait3A_325 = tpu.memref_slice %dma_wait3A_322[%dma_wait3A_323, %dma_wait3A_324] : memref<200x64xf32, #tpu.memory_space<vmem>> -> memref<50x64xf32, #tpu.memory_space<vmem>>
    %dma_wait3A_326 = arith.constant 0 : i32
    %dma_wait3A_327 = tpu.memref_slice %arg4[%mul3A_317, %dma_wait3A_326] : memref<917504x128xf32, #tpu.memory_space<hbm>> -> memref<50x64xf32, #tpu.memory_space<hbm>>
    %dma_wait3A_328 = arith.constant 0 : i32
    %dma_wait3A_329 = tpu.memref_slice %arg4[%mul3A_317, %dma_wait3A_328] : memref<917504x128xf32, #tpu.memory_space<hbm>> -> memref<50x64xf32, #tpu.memory_space<hbm>>
    %dma_wait3A_330 = arith.constant 0 : i32
    %dma_wait3A_331 = arith.constant 0 : i32
    %dma_wait3A_332 = tpu.memref_slice %arg6[%dma_wait3A_318, %dma_wait3A_330, %dma_wait3A_331] : memref<6x200x64xf32, #tpu.memory_space<vmem>> -> memref<1x200x64xf32, #tpu.memory_space<vmem>>
    %dma_wait3A_333 = tpu.memref_squeeze %dma_wait3A_332 : memref<1x200x64xf32, #tpu.memory_space<vmem>> -> memref<200x64xf32, #tpu.memory_space<vmem>>
    %dma_wait3A_334 = arith.constant 50 : i32
    %dma_wait3A_335 = arith.constant 0 : i32
    %dma_wait3A_336 = tpu.memref_slice %dma_wait3A_333[%dma_wait3A_334, %dma_wait3A_335] : memref<200x64xf32, #tpu.memory_space<vmem>> -> memref<50x64xf32, #tpu.memory_space<vmem>>
    tpu.wait_dma2 semaphore(%arg13 : memref<!tpu.dma_semaphore, #tpu.memory_space<semaphore_mem>>) src(%dma_wait3A_336 : memref<50x64xf32, #tpu.memory_space<vmem>>) dst(%dma_wait3A_329 : memref<50x64xf32, #tpu.memory_space<hbm>>)
    %add3A_337 = arith.constant 480 : i32
    %add3A_338 = arith.addi %mul3A_2, %add3A_337 : i32
    %add3A_339 = arith.constant 2 : i32
    %add3A_340 = arith.addi %add3A_338, %add3A_339 : i32
    %mul3A_341 = arith.constant 56 : i32
    %mul3A_342 = arith.muli %add3A_340, %mul3A_341 : i32
    %dma_wait3A_343 = arith.constant 0 : i32
    %dma_wait3A_344 = arith.constant 0 : i32
    %dma_wait3A_345 = arith.constant 0 : i32
    %dma_wait3A_346 = tpu.memref_slice %arg6[%dma_wait3A_343, %dma_wait3A_344, %dma_wait3A_345] : memref<6x200x64xf32, #tpu.memory_space<vmem>> -> memref<1x200x64xf32, #tpu.memory_space<vmem>>
    %dma_wait3A_347 = tpu.memref_squeeze %dma_wait3A_346 : memref<1x200x64xf32, #tpu.memory_space<vmem>> -> memref<200x64xf32, #tpu.memory_space<vmem>>
    %dma_wait3A_348 = arith.constant 100 : i32
    %dma_wait3A_349 = arith.constant 0 : i32
    %dma_wait3A_350 = tpu.memref_slice %dma_wait3A_347[%dma_wait3A_348, %dma_wait3A_349] : memref<200x64xf32, #tpu.memory_space<vmem>> -> memref<50x64xf32, #tpu.memory_space<vmem>>
    %dma_wait3A_351 = arith.constant 0 : i32
    %dma_wait3A_352 = tpu.memref_slice %arg4[%mul3A_342, %dma_wait3A_351] : memref<917504x128xf32, #tpu.memory_space<hbm>> -> memref<50x64xf32, #tpu.memory_space<hbm>>
    %dma_wait3A_353 = arith.constant 0 : i32
    %dma_wait3A_354 = tpu.memref_slice %arg4[%mul3A_342, %dma_wait3A_353] : memref<917504x128xf32, #tpu.memory_space<hbm>> -> memref<50x64xf32, #tpu.memory_space<hbm>>
    %dma_wait3A_355 = arith.constant 0 : i32
    %dma_wait3A_356 = arith.constant 0 : i32
    %dma_wait3A_357 = tpu.memref_slice %arg6[%dma_wait3A_343, %dma_wait3A_355, %dma_wait3A_356] : memref<6x200x64xf32, #tpu.memory_space<vmem>> -> memref<1x200x64xf32, #tpu.memory_space<vmem>>
    %dma_wait3A_358 = tpu.memref_squeeze %dma_wait3A_357 : memref<1x200x64xf32, #tpu.memory_space<vmem>> -> memref<200x64xf32, #tpu.memory_space<vmem>>
    %dma_wait3A_359 = arith.constant 100 : i32
    %dma_wait3A_360 = arith.constant 0 : i32
    %dma_wait3A_361 = tpu.memref_slice %dma_wait3A_358[%dma_wait3A_359, %dma_wait3A_360] : memref<200x64xf32, #tpu.memory_space<vmem>> -> memref<50x64xf32, #tpu.memory_space<vmem>>
    tpu.wait_dma2 semaphore(%arg13 : memref<!tpu.dma_semaphore, #tpu.memory_space<semaphore_mem>>) src(%dma_wait3A_361 : memref<50x64xf32, #tpu.memory_space<vmem>>) dst(%dma_wait3A_354 : memref<50x64xf32, #tpu.memory_space<hbm>>)
    %add3A_362 = arith.constant 480 : i32
    %add3A_363 = arith.addi %mul3A_2, %add3A_362 : i32
    %add3A_364 = arith.constant 3 : i32
    %add3A_365 = arith.addi %add3A_363, %add3A_364 : i32
    %mul3A_366 = arith.constant 56 : i32
    %mul3A_367 = arith.muli %add3A_365, %mul3A_366 : i32
    %dma_wait3A_368 = arith.constant 0 : i32
    %dma_wait3A_369 = arith.constant 0 : i32
    %dma_wait3A_370 = arith.constant 0 : i32
    %dma_wait3A_371 = tpu.memref_slice %arg6[%dma_wait3A_368, %dma_wait3A_369, %dma_wait3A_370] : memref<6x200x64xf32, #tpu.memory_space<vmem>> -> memref<1x200x64xf32, #tpu.memory_space<vmem>>
    %dma_wait3A_372 = tpu.memref_squeeze %dma_wait3A_371 : memref<1x200x64xf32, #tpu.memory_space<vmem>> -> memref<200x64xf32, #tpu.memory_space<vmem>>
    %dma_wait3A_373 = arith.constant 150 : i32
    %dma_wait3A_374 = arith.constant 0 : i32
    %dma_wait3A_375 = tpu.memref_slice %dma_wait3A_372[%dma_wait3A_373, %dma_wait3A_374] : memref<200x64xf32, #tpu.memory_space<vmem>> -> memref<50x64xf32, #tpu.memory_space<vmem>>
    %dma_wait3A_376 = arith.constant 0 : i32
    %dma_wait3A_377 = tpu.memref_slice %arg4[%mul3A_367, %dma_wait3A_376] : memref<917504x128xf32, #tpu.memory_space<hbm>> -> memref<50x64xf32, #tpu.memory_space<hbm>>
    %dma_wait3A_378 = arith.constant 0 : i32
    %dma_wait3A_379 = tpu.memref_slice %arg4[%mul3A_367, %dma_wait3A_378] : memref<917504x128xf32, #tpu.memory_space<hbm>> -> memref<50x64xf32, #tpu.memory_space<hbm>>
    %dma_wait3A_380 = arith.constant 0 : i32
    %dma_wait3A_381 = arith.constant 0 : i32
    %dma_wait3A_382 = tpu.memref_slice %arg6[%dma_wait3A_368, %dma_wait3A_380, %dma_wait3A_381] : memref<6x200x64xf32, #tpu.memory_space<vmem>> -> memref<1x200x64xf32, #tpu.memory_space<vmem>>
    %dma_wait3A_383 = tpu.memref_squeeze %dma_wait3A_382 : memref<1x200x64xf32, #tpu.memory_space<vmem>> -> memref<200x64xf32, #tpu.memory_space<vmem>>
    %dma_wait3A_384 = arith.constant 150 : i32
    %dma_wait3A_385 = arith.constant 0 : i32
    %dma_wait3A_386 = tpu.memref_slice %dma_wait3A_383[%dma_wait3A_384, %dma_wait3A_385] : memref<200x64xf32, #tpu.memory_space<vmem>> -> memref<50x64xf32, #tpu.memory_space<vmem>>
    tpu.wait_dma2 semaphore(%arg13 : memref<!tpu.dma_semaphore, #tpu.memory_space<semaphore_mem>>) src(%dma_wait3A_386 : memref<50x64xf32, #tpu.memory_space<vmem>>) dst(%dma_wait3A_379 : memref<50x64xf32, #tpu.memory_space<hbm>>)
    %dma_start3A_387 = arith.constant 0 : i32
    %dma_start3A_388 = arith.constant 0 : i32
    %dma_start3A_389 = arith.constant 0 : i32
    %dma_start3A_390 = tpu.memref_slice %arg6[%dma_start3A_387, %dma_start3A_388, %dma_start3A_389] : memref<6x200x64xf32, #tpu.memory_space<vmem>> -> memref<1x200x64xf32, #tpu.memory_space<vmem>>
    %dma_start3A_391 = tpu.memref_squeeze %dma_start3A_390 : memref<1x200x64xf32, #tpu.memory_space<vmem>> -> memref<200x64xf32, #tpu.memory_space<vmem>>
    %dma_start3A_392 = arith.constant 25200 : i32
    %dma_start3A_393 = tpu.memref_slice %arg5[%dma_start3A_392] : memref<25600xi32, #tpu.memory_space<vmem>> -> memref<200xi32, #tpu.memory_space<vmem>>
    %dma_start3A_394 = arith.constant 0 : i32
    %dma_start3A_395 = arith.constant 0 : i32
    %dma_start3A_396 = tpu.memref_slice %arg3[%dma_start3A_394, %dma_start3A_395] : memref<1000000x64xf32, #tpu.memory_space<hbm>> -> memref<1000000x64xf32, #tpu.memory_space<hbm>>
    tpu.enqueue_indirect_dma source(%dma_start3A_396 : memref<1000000x64xf32, #tpu.memory_space<hbm>>) target(%dma_start3A_391 : memref<200x64xf32, #tpu.memory_space<vmem>>) offsets(%dma_start3A_393 : memref<200xi32, #tpu.memory_space<vmem>>) semaphore(%arg7 : memref<!tpu.dma_semaphore, #tpu.memory_space<semaphore_mem>>)
    %dma_wait3A_397 = arith.constant 2 : i32
    %dma_wait3A_398 = arith.constant 0 : i32
    %dma_wait3A_399 = arith.constant 0 : i32
    %dma_wait3A_400 = tpu.memref_slice %arg6[%dma_wait3A_397, %dma_wait3A_398, %dma_wait3A_399] : memref<6x200x64xf32, #tpu.memory_space<vmem>> -> memref<1x200x64xf32, #tpu.memory_space<vmem>>
    %dma_wait3A_401 = tpu.memref_squeeze %dma_wait3A_400 : memref<1x200x64xf32, #tpu.memory_space<vmem>> -> memref<200x64xf32, #tpu.memory_space<vmem>>
    %dma_wait3A_402 = arith.constant 24400 : i32
    %dma_wait3A_403 = tpu.memref_slice %arg5[%dma_wait3A_402] : memref<25600xi32, #tpu.memory_space<vmem>> -> memref<200xi32, #tpu.memory_space<vmem>>
    %dma_wait3A_404 = arith.constant 0 : i32
    %dma_wait3A_405 = arith.constant 0 : i32
    %dma_wait3A_406 = tpu.memref_slice %arg3[%dma_wait3A_404, %dma_wait3A_405] : memref<1000000x64xf32, #tpu.memory_space<hbm>> -> memref<1000000x64xf32, #tpu.memory_space<hbm>>
    tpu.wait_indirect_dma semaphore(%arg9 : memref<!tpu.dma_semaphore, #tpu.memory_space<semaphore_mem>>) src(%dma_wait3A_406 : memref<1000000x64xf32, #tpu.memory_space<hbm>>) dst(%dma_wait3A_401 : memref<200x64xf32, #tpu.memory_space<vmem>>)
    %add3A_407 = arith.constant 488 : i32
    %add3A_408 = arith.addi %mul3A_2, %add3A_407 : i32
    %add3A_409 = arith.constant 0 : i32
    %add3A_410 = arith.addi %add3A_408, %add3A_409 : i32
    %mul3A_411 = arith.constant 56 : i32
    %mul3A_412 = arith.muli %add3A_410, %mul3A_411 : i32
    %dma_start3A_413 = arith.constant 2 : i32
    %dma_start3A_414 = arith.constant 0 : i32
    %dma_start3A_415 = arith.constant 0 : i32
    %dma_start3A_416 = tpu.memref_slice %arg6[%dma_start3A_413, %dma_start3A_414, %dma_start3A_415] : memref<6x200x64xf32, #tpu.memory_space<vmem>> -> memref<1x200x64xf32, #tpu.memory_space<vmem>>
    %dma_start3A_417 = tpu.memref_squeeze %dma_start3A_416 : memref<1x200x64xf32, #tpu.memory_space<vmem>> -> memref<200x64xf32, #tpu.memory_space<vmem>>
    %dma_start3A_418 = arith.constant 0 : i32
    %dma_start3A_419 = arith.constant 0 : i32
    %dma_start3A_420 = tpu.memref_slice %dma_start3A_417[%dma_start3A_418, %dma_start3A_419] : memref<200x64xf32, #tpu.memory_space<vmem>> -> memref<50x64xf32, #tpu.memory_space<vmem>>
    %dma_start3A_421 = arith.constant 0 : i32
    %dma_start3A_422 = tpu.memref_slice %arg4[%mul3A_412, %dma_start3A_421] : memref<917504x128xf32, #tpu.memory_space<hbm>> -> memref<50x64xf32, #tpu.memory_space<hbm>>
    %dma_start3A_423 = arith.constant 0 : i32
    %dma_start3A_424 = tpu.memref_slice %arg4[%mul3A_412, %dma_start3A_423] : memref<917504x128xf32, #tpu.memory_space<hbm>> -> memref<50x64xf32, #tpu.memory_space<hbm>>
    %dma_start3A_425 = arith.constant 0 : i32
    %dma_start3A_426 = arith.constant 0 : i32
    %dma_start3A_427 = tpu.memref_slice %arg6[%dma_start3A_413, %dma_start3A_425, %dma_start3A_426] : memref<6x200x64xf32, #tpu.memory_space<vmem>> -> memref<1x200x64xf32, #tpu.memory_space<vmem>>
    %dma_start3A_428 = tpu.memref_squeeze %dma_start3A_427 : memref<1x200x64xf32, #tpu.memory_space<vmem>> -> memref<200x64xf32, #tpu.memory_space<vmem>>
    %dma_start3A_429 = arith.constant 0 : i32
    %dma_start3A_430 = arith.constant 0 : i32
    %dma_start3A_431 = tpu.memref_slice %dma_start3A_428[%dma_start3A_429, %dma_start3A_430] : memref<200x64xf32, #tpu.memory_space<vmem>> -> memref<50x64xf32, #tpu.memory_space<vmem>>
    tpu.enqueue_dma source(%dma_start3A_431 : memref<50x64xf32, #tpu.memory_space<vmem>>) target(%dma_start3A_424 : memref<50x64xf32, #tpu.memory_space<hbm>>) target_semaphore(%arg15 : memref<!tpu.dma_semaphore, #tpu.memory_space<semaphore_mem>>)
    %add3A_432 = arith.constant 488 : i32
    %add3A_433 = arith.addi %mul3A_2, %add3A_432 : i32
    %add3A_434 = arith.constant 1 : i32
    %add3A_435 = arith.addi %add3A_433, %add3A_434 : i32
    %mul3A_436 = arith.constant 56 : i32
    %mul3A_437 = arith.muli %add3A_435, %mul3A_436 : i32
    %dma_start3A_438 = arith.constant 2 : i32
    %dma_start3A_439 = arith.constant 0 : i32
    %dma_start3A_440 = arith.constant 0 : i32
    %dma_start3A_441 = tpu.memref_slice %arg6[%dma_start3A_438, %dma_start3A_439, %dma_start3A_440] : memref<6x200x64xf32, #tpu.memory_space<vmem>> -> memref<1x200x64xf32, #tpu.memory_space<vmem>>
    %dma_start3A_442 = tpu.memref_squeeze %dma_start3A_441 : memref<1x200x64xf32, #tpu.memory_space<vmem>> -> memref<200x64xf32, #tpu.memory_space<vmem>>
    %dma_start3A_443 = arith.constant 50 : i32
    %dma_start3A_444 = arith.constant 0 : i32
    %dma_start3A_445 = tpu.memref_slice %dma_start3A_442[%dma_start3A_443, %dma_start3A_444] : memref<200x64xf32, #tpu.memory_space<vmem>> -> memref<50x64xf32, #tpu.memory_space<vmem>>
    %dma_start3A_446 = arith.constant 0 : i32
    %dma_start3A_447 = tpu.memref_slice %arg4[%mul3A_437, %dma_start3A_446] : memref<917504x128xf32, #tpu.memory_space<hbm>> -> memref<50x64xf32, #tpu.memory_space<hbm>>
    %dma_start3A_448 = arith.constant 0 : i32
    %dma_start3A_449 = tpu.memref_slice %arg4[%mul3A_437, %dma_start3A_448] : memref<917504x128xf32, #tpu.memory_space<hbm>> -> memref<50x64xf32, #tpu.memory_space<hbm>>
    %dma_start3A_450 = arith.constant 0 : i32
    %dma_start3A_451 = arith.constant 0 : i32
    %dma_start3A_452 = tpu.memref_slice %arg6[%dma_start3A_438, %dma_start3A_450, %dma_start3A_451] : memref<6x200x64xf32, #tpu.memory_space<vmem>> -> memref<1x200x64xf32, #tpu.memory_space<vmem>>
    %dma_start3A_453 = tpu.memref_squeeze %dma_start3A_452 : memref<1x200x64xf32, #tpu.memory_space<vmem>> -> memref<200x64xf32, #tpu.memory_space<vmem>>
    %dma_start3A_454 = arith.constant 50 : i32
    %dma_start3A_455 = arith.constant 0 : i32
    %dma_start3A_456 = tpu.memref_slice %dma_start3A_453[%dma_start3A_454, %dma_start3A_455] : memref<200x64xf32, #tpu.memory_space<vmem>> -> memref<50x64xf32, #tpu.memory_space<vmem>>
    tpu.enqueue_dma source(%dma_start3A_456 : memref<50x64xf32, #tpu.memory_space<vmem>>) target(%dma_start3A_449 : memref<50x64xf32, #tpu.memory_space<hbm>>) target_semaphore(%arg15 : memref<!tpu.dma_semaphore, #tpu.memory_space<semaphore_mem>>)
    %add3A_457 = arith.constant 488 : i32
    %add3A_458 = arith.addi %mul3A_2, %add3A_457 : i32
    %add3A_459 = arith.constant 2 : i32
    %add3A_460 = arith.addi %add3A_458, %add3A_459 : i32
    %mul3A_461 = arith.constant 56 : i32
    %mul3A_462 = arith.muli %add3A_460, %mul3A_461 : i32
    %dma_start3A_463 = arith.constant 2 : i32
    %dma_start3A_464 = arith.constant 0 : i32
    %dma_start3A_465 = arith.constant 0 : i32
    %dma_start3A_466 = tpu.memref_slice %arg6[%dma_start3A_463, %dma_start3A_464, %dma_start3A_465] : memref<6x200x64xf32, #tpu.memory_space<vmem>> -> memref<1x200x64xf32, #tpu.memory_space<vmem>>
    %dma_start3A_467 = tpu.memref_squeeze %dma_start3A_466 : memref<1x200x64xf32, #tpu.memory_space<vmem>> -> memref<200x64xf32, #tpu.memory_space<vmem>>
    %dma_start3A_468 = arith.constant 100 : i32
    %dma_start3A_469 = arith.constant 0 : i32
    %dma_start3A_470 = tpu.memref_slice %dma_start3A_467[%dma_start3A_468, %dma_start3A_469] : memref<200x64xf32, #tpu.memory_space<vmem>> -> memref<50x64xf32, #tpu.memory_space<vmem>>
    %dma_start3A_471 = arith.constant 0 : i32
    %dma_start3A_472 = tpu.memref_slice %arg4[%mul3A_462, %dma_start3A_471] : memref<917504x128xf32, #tpu.memory_space<hbm>> -> memref<50x64xf32, #tpu.memory_space<hbm>>
    %dma_start3A_473 = arith.constant 0 : i32
    %dma_start3A_474 = tpu.memref_slice %arg4[%mul3A_462, %dma_start3A_473] : memref<917504x128xf32, #tpu.memory_space<hbm>> -> memref<50x64xf32, #tpu.memory_space<hbm>>
    %dma_start3A_475 = arith.constant 0 : i32
    %dma_start3A_476 = arith.constant 0 : i32
    %dma_start3A_477 = tpu.memref_slice %arg6[%dma_start3A_463, %dma_start3A_475, %dma_start3A_476] : memref<6x200x64xf32, #tpu.memory_space<vmem>> -> memref<1x200x64xf32, #tpu.memory_space<vmem>>
    %dma_start3A_478 = tpu.memref_squeeze %dma_start3A_477 : memref<1x200x64xf32, #tpu.memory_space<vmem>> -> memref<200x64xf32, #tpu.memory_space<vmem>>
    %dma_start3A_479 = arith.constant 100 : i32
    %dma_start3A_480 = arith.constant 0 : i32
    %dma_start3A_481 = tpu.memref_slice %dma_start3A_478[%dma_start3A_479, %dma_start3A_480] : memref<200x64xf32, #tpu.memory_space<vmem>> -> memref<50x64xf32, #tpu.memory_space<vmem>>
    tpu.enqueue_dma source(%dma_start3A_481 : memref<50x64xf32, #tpu.memory_space<vmem>>) target(%dma_start3A_474 : memref<50x64xf32, #tpu.memory_space<hbm>>) target_semaphore(%arg15 : memref<!tpu.dma_semaphore, #tpu.memory_space<semaphore_mem>>)
    %add3A_482 = arith.constant 488 : i32
    %add3A_483 = arith.addi %mul3A_2, %add3A_482 : i32
    %add3A_484 = arith.constant 3 : i32
    %add3A_485 = arith.addi %add3A_483, %add3A_484 : i32
    %mul3A_486 = arith.constant 56 : i32
    %mul3A_487 = arith.muli %add3A_485, %mul3A_486 : i32
    %dma_start3A_488 = arith.constant 2 : i32
    %dma_start3A_489 = arith.constant 0 : i32
    %dma_start3A_490 = arith.constant 0 : i32
    %dma_start3A_491 = tpu.memref_slice %arg6[%dma_start3A_488, %dma_start3A_489, %dma_start3A_490] : memref<6x200x64xf32, #tpu.memory_space<vmem>> -> memref<1x200x64xf32, #tpu.memory_space<vmem>>
    %dma_start3A_492 = tpu.memref_squeeze %dma_start3A_491 : memref<1x200x64xf32, #tpu.memory_space<vmem>> -> memref<200x64xf32, #tpu.memory_space<vmem>>
    %dma_start3A_493 = arith.constant 150 : i32
    %dma_start3A_494 = arith.constant 0 : i32
    %dma_start3A_495 = tpu.memref_slice %dma_start3A_492[%dma_start3A_493, %dma_start3A_494] : memref<200x64xf32, #tpu.memory_space<vmem>> -> memref<50x64xf32, #tpu.memory_space<vmem>>
    %dma_start3A_496 = arith.constant 0 : i32
    %dma_start3A_497 = tpu.memref_slice %arg4[%mul3A_487, %dma_start3A_496] : memref<917504x128xf32, #tpu.memory_space<hbm>> -> memref<50x64xf32, #tpu.memory_space<hbm>>
    %dma_start3A_498 = arith.constant 0 : i32
    %dma_start3A_499 = tpu.memref_slice %arg4[%mul3A_487, %dma_start3A_498] : memref<917504x128xf32, #tpu.memory_space<hbm>> -> memref<50x64xf32, #tpu.memory_space<hbm>>
    %dma_start3A_500 = arith.constant 0 : i32
    %dma_start3A_501 = arith.constant 0 : i32
    %dma_start3A_502 = tpu.memref_slice %arg6[%dma_start3A_488, %dma_start3A_500, %dma_start3A_501] : memref<6x200x64xf32, #tpu.memory_space<vmem>> -> memref<1x200x64xf32, #tpu.memory_space<vmem>>
    %dma_start3A_503 = tpu.memref_squeeze %dma_start3A_502 : memref<1x200x64xf32, #tpu.memory_space<vmem>> -> memref<200x64xf32, #tpu.memory_space<vmem>>
    %dma_start3A_504 = arith.constant 150 : i32
    %dma_start3A_505 = arith.constant 0 : i32
    %dma_start3A_506 = tpu.memref_slice %dma_start3A_503[%dma_start3A_504, %dma_start3A_505] : memref<200x64xf32, #tpu.memory_space<vmem>> -> memref<50x64xf32, #tpu.memory_space<vmem>>
    tpu.enqueue_dma source(%dma_start3A_506 : memref<50x64xf32, #tpu.memory_space<vmem>>) target(%dma_start3A_499 : memref<50x64xf32, #tpu.memory_space<hbm>>) target_semaphore(%arg15 : memref<!tpu.dma_semaphore, #tpu.memory_space<semaphore_mem>>)
    %add3A_507 = arith.constant 484 : i32
    %add3A_508 = arith.addi %mul3A_2, %add3A_507 : i32
    %add3A_509 = arith.constant 0 : i32
    %add3A_510 = arith.addi %add3A_508, %add3A_509 : i32
    %mul3A_511 = arith.constant 56 : i32
    %mul3A_512 = arith.muli %add3A_510, %mul3A_511 : i32
    %dma_wait3A_513 = arith.constant 1 : i32
    %dma_wait3A_514 = arith.constant 0 : i32
    %dma_wait3A_515 = arith.constant 0 : i32
    %dma_wait3A_516 = tpu.memref_slice %arg6[%dma_wait3A_513, %dma_wait3A_514, %dma_wait3A_515] : memref<6x200x64xf32, #tpu.memory_space<vmem>> -> memref<1x200x64xf32, #tpu.memory_space<vmem>>
    %dma_wait3A_517 = tpu.memref_squeeze %dma_wait3A_516 : memref<1x200x64xf32, #tpu.memory_space<vmem>> -> memref<200x64xf32, #tpu.memory_space<vmem>>
    %dma_wait3A_518 = arith.constant 0 : i32
    %dma_wait3A_519 = arith.constant 0 : i32
    %dma_wait3A_520 = tpu.memref_slice %dma_wait3A_517[%dma_wait3A_518, %dma_wait3A_519] : memref<200x64xf32, #tpu.memory_space<vmem>> -> memref<50x64xf32, #tpu.memory_space<vmem>>
    %dma_wait3A_521 = arith.constant 0 : i32
    %dma_wait3A_522 = tpu.memref_slice %arg4[%mul3A_512, %dma_wait3A_521] : memref<917504x128xf32, #tpu.memory_space<hbm>> -> memref<50x64xf32, #tpu.memory_space<hbm>>
    %dma_wait3A_523 = arith.constant 0 : i32
    %dma_wait3A_524 = tpu.memref_slice %arg4[%mul3A_512, %dma_wait3A_523] : memref<917504x128xf32, #tpu.memory_space<hbm>> -> memref<50x64xf32, #tpu.memory_space<hbm>>
    %dma_wait3A_525 = arith.constant 0 : i32
    %dma_wait3A_526 = arith.constant 0 : i32
    %dma_wait3A_527 = tpu.memref_slice %arg6[%dma_wait3A_513, %dma_wait3A_525, %dma_wait3A_526] : memref<6x200x64xf32, #tpu.memory_space<vmem>> -> memref<1x200x64xf32, #tpu.memory_space<vmem>>
    %dma_wait3A_528 = tpu.memref_squeeze %dma_wait3A_527 : memref<1x200x64xf32, #tpu.memory_space<vmem>> -> memref<200x64xf32, #tpu.memory_space<vmem>>
    %dma_wait3A_529 = arith.constant 0 : i32
    %dma_wait3A_530 = arith.constant 0 : i32
    %dma_wait3A_531 = tpu.memref_slice %dma_wait3A_528[%dma_wait3A_529, %dma_wait3A_530] : memref<200x64xf32, #tpu.memory_space<vmem>> -> memref<50x64xf32, #tpu.memory_space<vmem>>
    tpu.wait_dma2 semaphore(%arg14 : memref<!tpu.dma_semaphore, #tpu.memory_space<semaphore_mem>>) src(%dma_wait3A_531 : memref<50x64xf32, #tpu.memory_space<vmem>>) dst(%dma_wait3A_524 : memref<50x64xf32, #tpu.memory_space<hbm>>)
    %add3A_532 = arith.constant 484 : i32
    %add3A_533 = arith.addi %mul3A_2, %add3A_532 : i32
    %add3A_534 = arith.constant 1 : i32
    %add3A_535 = arith.addi %add3A_533, %add3A_534 : i32
    %mul3A_536 = arith.constant 56 : i32
    %mul3A_537 = arith.muli %add3A_535, %mul3A_536 : i32
    %dma_wait3A_538 = arith.constant 1 : i32
    %dma_wait3A_539 = arith.constant 0 : i32
    %dma_wait3A_540 = arith.constant 0 : i32
    %dma_wait3A_541 = tpu.memref_slice %arg6[%dma_wait3A_538, %dma_wait3A_539, %dma_wait3A_540] : memref<6x200x64xf32, #tpu.memory_space<vmem>> -> memref<1x200x64xf32, #tpu.memory_space<vmem>>
    %dma_wait3A_542 = tpu.memref_squeeze %dma_wait3A_541 : memref<1x200x64xf32, #tpu.memory_space<vmem>> -> memref<200x64xf32, #tpu.memory_space<vmem>>
    %dma_wait3A_543 = arith.constant 50 : i32
    %dma_wait3A_544 = arith.constant 0 : i32
    %dma_wait3A_545 = tpu.memref_slice %dma_wait3A_542[%dma_wait3A_543, %dma_wait3A_544] : memref<200x64xf32, #tpu.memory_space<vmem>> -> memref<50x64xf32, #tpu.memory_space<vmem>>
    %dma_wait3A_546 = arith.constant 0 : i32
    %dma_wait3A_547 = tpu.memref_slice %arg4[%mul3A_537, %dma_wait3A_546] : memref<917504x128xf32, #tpu.memory_space<hbm>> -> memref<50x64xf32, #tpu.memory_space<hbm>>
    %dma_wait3A_548 = arith.constant 0 : i32
    %dma_wait3A_549 = tpu.memref_slice %arg4[%mul3A_537, %dma_wait3A_548] : memref<917504x128xf32, #tpu.memory_space<hbm>> -> memref<50x64xf32, #tpu.memory_space<hbm>>
    %dma_wait3A_550 = arith.constant 0 : i32
    %dma_wait3A_551 = arith.constant 0 : i32
    %dma_wait3A_552 = tpu.memref_slice %arg6[%dma_wait3A_538, %dma_wait3A_550, %dma_wait3A_551] : memref<6x200x64xf32, #tpu.memory_space<vmem>> -> memref<1x200x64xf32, #tpu.memory_space<vmem>>
    %dma_wait3A_553 = tpu.memref_squeeze %dma_wait3A_552 : memref<1x200x64xf32, #tpu.memory_space<vmem>> -> memref<200x64xf32, #tpu.memory_space<vmem>>
    %dma_wait3A_554 = arith.constant 50 : i32
    %dma_wait3A_555 = arith.constant 0 : i32
    %dma_wait3A_556 = tpu.memref_slice %dma_wait3A_553[%dma_wait3A_554, %dma_wait3A_555] : memref<200x64xf32, #tpu.memory_space<vmem>> -> memref<50x64xf32, #tpu.memory_space<vmem>>
    tpu.wait_dma2 semaphore(%arg14 : memref<!tpu.dma_semaphore, #tpu.memory_space<semaphore_mem>>) src(%dma_wait3A_556 : memref<50x64xf32, #tpu.memory_space<vmem>>) dst(%dma_wait3A_549 : memref<50x64xf32, #tpu.memory_space<hbm>>)
    %add3A_557 = arith.constant 484 : i32
    %add3A_558 = arith.addi %mul3A_2, %add3A_557 : i32
    %add3A_559 = arith.constant 2 : i32
    %add3A_560 = arith.addi %add3A_558, %add3A_559 : i32
    %mul3A_561 = arith.constant 56 : i32
    %mul3A_562 = arith.muli %add3A_560, %mul3A_561 : i32
    %dma_wait3A_563 = arith.constant 1 : i32
    %dma_wait3A_564 = arith.constant 0 : i32
    %dma_wait3A_565 = arith.constant 0 : i32
    %dma_wait3A_566 = tpu.memref_slice %arg6[%dma_wait3A_563, %dma_wait3A_564, %dma_wait3A_565] : memref<6x200x64xf32, #tpu.memory_space<vmem>> -> memref<1x200x64xf32, #tpu.memory_space<vmem>>
    %dma_wait3A_567 = tpu.memref_squeeze %dma_wait3A_566 : memref<1x200x64xf32, #tpu.memory_space<vmem>> -> memref<200x64xf32, #tpu.memory_space<vmem>>
    %dma_wait3A_568 = arith.constant 100 : i32
    %dma_wait3A_569 = arith.constant 0 : i32
    %dma_wait3A_570 = tpu.memref_slice %dma_wait3A_567[%dma_wait3A_568, %dma_wait3A_569] : memref<200x64xf32, #tpu.memory_space<vmem>> -> memref<50x64xf32, #tpu.memory_space<vmem>>
    %dma_wait3A_571 = arith.constant 0 : i32
    %dma_wait3A_572 = tpu.memref_slice %arg4[%mul3A_562, %dma_wait3A_571] : memref<917504x128xf32, #tpu.memory_space<hbm>> -> memref<50x64xf32, #tpu.memory_space<hbm>>
    %dma_wait3A_573 = arith.constant 0 : i32
    %dma_wait3A_574 = tpu.memref_slice %arg4[%mul3A_562, %dma_wait3A_573] : memref<917504x128xf32, #tpu.memory_space<hbm>> -> memref<50x64xf32, #tpu.memory_space<hbm>>
    %dma_wait3A_575 = arith.constant 0 : i32
    %dma_wait3A_576 = arith.constant 0 : i32
    %dma_wait3A_577 = tpu.memref_slice %arg6[%dma_wait3A_563, %dma_wait3A_575, %dma_wait3A_576] : memref<6x200x64xf32, #tpu.memory_space<vmem>> -> memref<1x200x64xf32, #tpu.memory_space<vmem>>
    %dma_wait3A_578 = tpu.memref_squeeze %dma_wait3A_577 : memref<1x200x64xf32, #tpu.memory_space<vmem>> -> memref<200x64xf32, #tpu.memory_space<vmem>>
    %dma_wait3A_579 = arith.constant 100 : i32
    %dma_wait3A_580 = arith.constant 0 : i32
    %dma_wait3A_581 = tpu.memref_slice %dma_wait3A_578[%dma_wait3A_579, %dma_wait3A_580] : memref<200x64xf32, #tpu.memory_space<vmem>> -> memref<50x64xf32, #tpu.memory_space<vmem>>
    tpu.wait_dma2 semaphore(%arg14 : memref<!tpu.dma_semaphore, #tpu.memory_space<semaphore_mem>>) src(%dma_wait3A_581 : memref<50x64xf32, #tpu.memory_space<vmem>>) dst(%dma_wait3A_574 : memref<50x64xf32, #tpu.memory_space<hbm>>)
    %add3A_582 = arith.constant 484 : i32
    %add3A_583 = arith.addi %mul3A_2, %add3A_582 : i32
    %add3A_584 = arith.constant 3 : i32
    %add3A_585 = arith.addi %add3A_583, %add3A_584 : i32
    %mul3A_586 = arith.constant 56 : i32
    %mul3A_587 = arith.muli %add3A_585, %mul3A_586 : i32
    %dma_wait3A_588 = arith.constant 1 : i32
    %dma_wait3A_589 = arith.constant 0 : i32
    %dma_wait3A_590 = arith.constant 0 : i32
    %dma_wait3A_591 = tpu.memref_slice %arg6[%dma_wait3A_588, %dma_wait3A_589, %dma_wait3A_590] : memref<6x200x64xf32, #tpu.memory_space<vmem>> -> memref<1x200x64xf32, #tpu.memory_space<vmem>>
    %dma_wait3A_592 = tpu.memref_squeeze %dma_wait3A_591 : memref<1x200x64xf32, #tpu.memory_space<vmem>> -> memref<200x64xf32, #tpu.memory_space<vmem>>
    %dma_wait3A_593 = arith.constant 150 : i32
    %dma_wait3A_594 = arith.constant 0 : i32
    %dma_wait3A_595 = tpu.memref_slice %dma_wait3A_592[%dma_wait3A_593, %dma_wait3A_594] : memref<200x64xf32, #tpu.memory_space<vmem>> -> memref<50x64xf32, #tpu.memory_space<vmem>>
    %dma_wait3A_596 = arith.constant 0 : i32
    %dma_wait3A_597 = tpu.memref_slice %arg4[%mul3A_587, %dma_wait3A_596] : memref<917504x128xf32, #tpu.memory_space<hbm>> -> memref<50x64xf32, #tpu.memory_space<hbm>>
    %dma_wait3A_598 = arith.constant 0 : i32
    %dma_wait3A_599 = tpu.memref_slice %arg4[%mul3A_587, %dma_wait3A_598] : memref<917504x128xf32, #tpu.memory_space<hbm>> -> memref<50x64xf32, #tpu.memory_space<hbm>>
    %dma_wait3A_600 = arith.constant 0 : i32
    %dma_wait3A_601 = arith.constant 0 : i32
    %dma_wait3A_602 = tpu.memref_slice %arg6[%dma_wait3A_588, %dma_wait3A_600, %dma_wait3A_601] : memref<6x200x64xf32, #tpu.memory_space<vmem>> -> memref<1x200x64xf32, #tpu.memory_space<vmem>>
    %dma_wait3A_603 = tpu.memref_squeeze %dma_wait3A_602 : memref<1x200x64xf32, #tpu.memory_space<vmem>> -> memref<200x64xf32, #tpu.memory_space<vmem>>
    %dma_wait3A_604 = arith.constant 150 : i32
    %dma_wait3A_605 = arith.constant 0 : i32
    %dma_wait3A_606 = tpu.memref_slice %dma_wait3A_603[%dma_wait3A_604, %dma_wait3A_605] : memref<200x64xf32, #tpu.memory_space<vmem>> -> memref<50x64xf32, #tpu.memory_space<vmem>>
    tpu.wait_dma2 semaphore(%arg14 : memref<!tpu.dma_semaphore, #tpu.memory_space<semaphore_mem>>) src(%dma_wait3A_606 : memref<50x64xf32, #tpu.memory_space<vmem>>) dst(%dma_wait3A_599 : memref<50x64xf32, #tpu.memory_space<hbm>>)
    %dma_start3A_607 = arith.constant 1 : i32
    %dma_start3A_608 = arith.constant 0 : i32
    %dma_start3A_609 = arith.constant 0 : i32
    %dma_start3A_610 = tpu.memref_slice %arg6[%dma_start3A_607, %dma_start3A_608, %dma_start3A_609] : memref<6x200x64xf32, #tpu.memory_space<vmem>> -> memref<1x200x64xf32, #tpu.memory_space<vmem>>
    %dma_start3A_611 = tpu.memref_squeeze %dma_start3A_610 : memref<1x200x64xf32, #tpu.memory_space<vmem>> -> memref<200x64xf32, #tpu.memory_space<vmem>>
    %dma_start3A_612 = arith.constant 25400 : i32
    %dma_start3A_613 = tpu.memref_slice %arg5[%dma_start3A_612] : memref<25600xi32, #tpu.memory_space<vmem>> -> memref<200xi32, #tpu.memory_space<vmem>>
    %dma_start3A_614 = arith.constant 0 : i32
    %dma_start3A_615 = arith.constant 0 : i32
    %dma_start3A_616 = tpu.memref_slice %arg3[%dma_start3A_614, %dma_start3A_615] : memref<1000000x64xf32, #tpu.memory_space<hbm>> -> memref<1000000x64xf32, #tpu.memory_space<hbm>>
    tpu.enqueue_indirect_dma source(%dma_start3A_616 : memref<1000000x64xf32, #tpu.memory_space<hbm>>) target(%dma_start3A_611 : memref<200x64xf32, #tpu.memory_space<vmem>>) offsets(%dma_start3A_613 : memref<200xi32, #tpu.memory_space<vmem>>) semaphore(%arg8 : memref<!tpu.dma_semaphore, #tpu.memory_space<semaphore_mem>>)
    %dma_wait3A_617 = arith.constant 3 : i32
    %dma_wait3A_618 = arith.constant 0 : i32
    %dma_wait3A_619 = arith.constant 0 : i32
    %dma_wait3A_620 = tpu.memref_slice %arg6[%dma_wait3A_617, %dma_wait3A_618, %dma_wait3A_619] : memref<6x200x64xf32, #tpu.memory_space<vmem>> -> memref<1x200x64xf32, #tpu.memory_space<vmem>>
    %dma_wait3A_621 = tpu.memref_squeeze %dma_wait3A_620 : memref<1x200x64xf32, #tpu.memory_space<vmem>> -> memref<200x64xf32, #tpu.memory_space<vmem>>
    %dma_wait3A_622 = arith.constant 24600 : i32
    %dma_wait3A_623 = tpu.memref_slice %arg5[%dma_wait3A_622] : memref<25600xi32, #tpu.memory_space<vmem>> -> memref<200xi32, #tpu.memory_space<vmem>>
    %dma_wait3A_624 = arith.constant 0 : i32
    %dma_wait3A_625 = arith.constant 0 : i32
    %dma_wait3A_626 = tpu.memref_slice %arg3[%dma_wait3A_624, %dma_wait3A_625] : memref<1000000x64xf32, #tpu.memory_space<hbm>> -> memref<1000000x64xf32, #tpu.memory_space<hbm>>
    tpu.wait_indirect_dma semaphore(%arg10 : memref<!tpu.dma_semaphore, #tpu.memory_space<semaphore_mem>>) src(%dma_wait3A_626 : memref<1000000x64xf32, #tpu.memory_space<hbm>>) dst(%dma_wait3A_621 : memref<200x64xf32, #tpu.memory_space<vmem>>)
    %add3A_627 = arith.constant 492 : i32
    %add3A_628 = arith.addi %mul3A_2, %add3A_627 : i32
    %add3A_629 = arith.constant 0 : i32
    %add3A_630 = arith.addi %add3A_628, %add3A_629 : i32
    %mul3A_631 = arith.constant 56 : i32
    %mul3A_632 = arith.muli %add3A_630, %mul3A_631 : i32
    %dma_start3A_633 = arith.constant 3 : i32
    %dma_start3A_634 = arith.constant 0 : i32
    %dma_start3A_635 = arith.constant 0 : i32
    %dma_start3A_636 = tpu.memref_slice %arg6[%dma_start3A_633, %dma_start3A_634, %dma_start3A_635] : memref<6x200x64xf32, #tpu.memory_space<vmem>> -> memref<1x200x64xf32, #tpu.memory_space<vmem>>
    %dma_start3A_637 = tpu.memref_squeeze %dma_start3A_636 : memref<1x200x64xf32, #tpu.memory_space<vmem>> -> memref<200x64xf32, #tpu.memory_space<vmem>>
    %dma_start3A_638 = arith.constant 0 : i32
    %dma_start3A_639 = arith.constant 0 : i32
    %dma_start3A_640 = tpu.memref_slice %dma_start3A_637[%dma_start3A_638, %dma_start3A_639] : memref<200x64xf32, #tpu.memory_space<vmem>> -> memref<50x64xf32, #tpu.memory_space<vmem>>
    %dma_start3A_641 = arith.constant 0 : i32
    %dma_start3A_642 = tpu.memref_slice %arg4[%mul3A_632, %dma_start3A_641] : memref<917504x128xf32, #tpu.memory_space<hbm>> -> memref<50x64xf32, #tpu.memory_space<hbm>>
    %dma_start3A_643 = arith.constant 0 : i32
    %dma_start3A_644 = tpu.memref_slice %arg4[%mul3A_632, %dma_start3A_643] : memref<917504x128xf32, #tpu.memory_space<hbm>> -> memref<50x64xf32, #tpu.memory_space<hbm>>
    %dma_start3A_645 = arith.constant 0 : i32
    %dma_start3A_646 = arith.constant 0 : i32
    %dma_start3A_647 = tpu.memref_slice %arg6[%dma_start3A_633, %dma_start3A_645, %dma_start3A_646] : memref<6x200x64xf32, #tpu.memory_space<vmem>> -> memref<1x200x64xf32, #tpu.memory_space<vmem>>
    %dma_start3A_648 = tpu.memref_squeeze %dma_start3A_647 : memref<1x200x64xf32, #tpu.memory_space<vmem>> -> memref<200x64xf32, #tpu.memory_space<vmem>>
    %dma_start3A_649 = arith.constant 0 : i32
    %dma_start3A_650 = arith.constant 0 : i32
    %dma_start3A_651 = tpu.memref_slice %dma_start3A_648[%dma_start3A_649, %dma_start3A_650] : memref<200x64xf32, #tpu.memory_space<vmem>> -> memref<50x64xf32, #tpu.memory_space<vmem>>
    tpu.enqueue_dma source(%dma_start3A_651 : memref<50x64xf32, #tpu.memory_space<vmem>>) target(%dma_start3A_644 : memref<50x64xf32, #tpu.memory_space<hbm>>) target_semaphore(%arg16 : memref<!tpu.dma_semaphore, #tpu.memory_space<semaphore_mem>>)
    %add3A_652 = arith.constant 492 : i32
    %add3A_653 = arith.addi %mul3A_2, %add3A_652 : i32
    %add3A_654 = arith.constant 1 : i32
    %add3A_655 = arith.addi %add3A_653, %add3A_654 : i32
    %mul3A_656 = arith.constant 56 : i32
    %mul3A_657 = arith.muli %add3A_655, %mul3A_656 : i32
    %dma_start3A_658 = arith.constant 3 : i32
    %dma_start3A_659 = arith.constant 0 : i32
    %dma_start3A_660 = arith.constant 0 : i32
    %dma_start3A_661 = tpu.memref_slice %arg6[%dma_start3A_658, %dma_start3A_659, %dma_start3A_660] : memref<6x200x64xf32, #tpu.memory_space<vmem>> -> memref<1x200x64xf32, #tpu.memory_space<vmem>>
    %dma_start3A_662 = tpu.memref_squeeze %dma_start3A_661 : memref<1x200x64xf32, #tpu.memory_space<vmem>> -> memref<200x64xf32, #tpu.memory_space<vmem>>
    %dma_start3A_663 = arith.constant 50 : i32
    %dma_start3A_664 = arith.constant 0 : i32
    %dma_start3A_665 = tpu.memref_slice %dma_start3A_662[%dma_start3A_663, %dma_start3A_664] : memref<200x64xf32, #tpu.memory_space<vmem>> -> memref<50x64xf32, #tpu.memory_space<vmem>>
    %dma_start3A_666 = arith.constant 0 : i32
    %dma_start3A_667 = tpu.memref_slice %arg4[%mul3A_657, %dma_start3A_666] : memref<917504x128xf32, #tpu.memory_space<hbm>> -> memref<50x64xf32, #tpu.memory_space<hbm>>
    %dma_start3A_668 = arith.constant 0 : i32
    %dma_start3A_669 = tpu.memref_slice %arg4[%mul3A_657, %dma_start3A_668] : memref<917504x128xf32, #tpu.memory_space<hbm>> -> memref<50x64xf32, #tpu.memory_space<hbm>>
    %dma_start3A_670 = arith.constant 0 : i32
    %dma_start3A_671 = arith.constant 0 : i32
    %dma_start3A_672 = tpu.memref_slice %arg6[%dma_start3A_658, %dma_start3A_670, %dma_start3A_671] : memref<6x200x64xf32, #tpu.memory_space<vmem>> -> memref<1x200x64xf32, #tpu.memory_space<vmem>>
    %dma_start3A_673 = tpu.memref_squeeze %dma_start3A_672 : memref<1x200x64xf32, #tpu.memory_space<vmem>> -> memref<200x64xf32, #tpu.memory_space<vmem>>
    %dma_start3A_674 = arith.constant 50 : i32
    %dma_start3A_675 = arith.constant 0 : i32
    %dma_start3A_676 = tpu.memref_slice %dma_start3A_673[%dma_start3A_674, %dma_start3A_675] : memref<200x64xf32, #tpu.memory_space<vmem>> -> memref<50x64xf32, #tpu.memory_space<vmem>>
    tpu.enqueue_dma source(%dma_start3A_676 : memref<50x64xf32, #tpu.memory_space<vmem>>) target(%dma_start3A_669 : memref<50x64xf32, #tpu.memory_space<hbm>>) target_semaphore(%arg16 : memref<!tpu.dma_semaphore, #tpu.memory_space<semaphore_mem>>)
    %add3A_677 = arith.constant 492 : i32
    %add3A_678 = arith.addi %mul3A_2, %add3A_677 : i32
    %add3A_679 = arith.constant 2 : i32
    %add3A_680 = arith.addi %add3A_678, %add3A_679 : i32
    %mul3A_681 = arith.constant 56 : i32
    %mul3A_682 = arith.muli %add3A_680, %mul3A_681 : i32
    %dma_start3A_683 = arith.constant 3 : i32
    %dma_start3A_684 = arith.constant 0 : i32
    %dma_start3A_685 = arith.constant 0 : i32
    %dma_start3A_686 = tpu.memref_slice %arg6[%dma_start3A_683, %dma_start3A_684, %dma_start3A_685] : memref<6x200x64xf32, #tpu.memory_space<vmem>> -> memref<1x200x64xf32, #tpu.memory_space<vmem>>
    %dma_start3A_687 = tpu.memref_squeeze %dma_start3A_686 : memref<1x200x64xf32, #tpu.memory_space<vmem>> -> memref<200x64xf32, #tpu.memory_space<vmem>>
    %dma_start3A_688 = arith.constant 100 : i32
    %dma_start3A_689 = arith.constant 0 : i32
    %dma_start3A_690 = tpu.memref_slice %dma_start3A_687[%dma_start3A_688, %dma_start3A_689] : memref<200x64xf32, #tpu.memory_space<vmem>> -> memref<50x64xf32, #tpu.memory_space<vmem>>
    %dma_start3A_691 = arith.constant 0 : i32
    %dma_start3A_692 = tpu.memref_slice %arg4[%mul3A_682, %dma_start3A_691] : memref<917504x128xf32, #tpu.memory_space<hbm>> -> memref<50x64xf32, #tpu.memory_space<hbm>>
    %dma_start3A_693 = arith.constant 0 : i32
    %dma_start3A_694 = tpu.memref_slice %arg4[%mul3A_682, %dma_start3A_693] : memref<917504x128xf32, #tpu.memory_space<hbm>> -> memref<50x64xf32, #tpu.memory_space<hbm>>
    %dma_start3A_695 = arith.constant 0 : i32
    %dma_start3A_696 = arith.constant 0 : i32
    %dma_start3A_697 = tpu.memref_slice %arg6[%dma_start3A_683, %dma_start3A_695, %dma_start3A_696] : memref<6x200x64xf32, #tpu.memory_space<vmem>> -> memref<1x200x64xf32, #tpu.memory_space<vmem>>
    %dma_start3A_698 = tpu.memref_squeeze %dma_start3A_697 : memref<1x200x64xf32, #tpu.memory_space<vmem>> -> memref<200x64xf32, #tpu.memory_space<vmem>>
    %dma_start3A_699 = arith.constant 100 : i32
    %dma_start3A_700 = arith.constant 0 : i32
    %dma_start3A_701 = tpu.memref_slice %dma_start3A_698[%dma_start3A_699, %dma_start3A_700] : memref<200x64xf32, #tpu.memory_space<vmem>> -> memref<50x64xf32, #tpu.memory_space<vmem>>
    tpu.enqueue_dma source(%dma_start3A_701 : memref<50x64xf32, #tpu.memory_space<vmem>>) target(%dma_start3A_694 : memref<50x64xf32, #tpu.memory_space<hbm>>) target_semaphore(%arg16 : memref<!tpu.dma_semaphore, #tpu.memory_space<semaphore_mem>>)
    %add3A_702 = arith.constant 492 : i32
    %add3A_703 = arith.addi %mul3A_2, %add3A_702 : i32
    %add3A_704 = arith.constant 3 : i32
    %add3A_705 = arith.addi %add3A_703, %add3A_704 : i32
    %mul3A_706 = arith.constant 56 : i32
    %mul3A_707 = arith.muli %add3A_705, %mul3A_706 : i32
    %dma_start3A_708 = arith.constant 3 : i32
    %dma_start3A_709 = arith.constant 0 : i32
    %dma_start3A_710 = arith.constant 0 : i32
    %dma_start3A_711 = tpu.memref_slice %arg6[%dma_start3A_708, %dma_start3A_709, %dma_start3A_710] : memref<6x200x64xf32, #tpu.memory_space<vmem>> -> memref<1x200x64xf32, #tpu.memory_space<vmem>>
    %dma_start3A_712 = tpu.memref_squeeze %dma_start3A_711 : memref<1x200x64xf32, #tpu.memory_space<vmem>> -> memref<200x64xf32, #tpu.memory_space<vmem>>
    %dma_start3A_713 = arith.constant 150 : i32
    %dma_start3A_714 = arith.constant 0 : i32
    %dma_start3A_715 = tpu.memref_slice %dma_start3A_712[%dma_start3A_713, %dma_start3A_714] : memref<200x64xf32, #tpu.memory_space<vmem>> -> memref<50x64xf32, #tpu.memory_space<vmem>>
    %dma_start3A_716 = arith.constant 0 : i32
    %dma_start3A_717 = tpu.memref_slice %arg4[%mul3A_707, %dma_start3A_716] : memref<917504x128xf32, #tpu.memory_space<hbm>> -> memref<50x64xf32, #tpu.memory_space<hbm>>
    %dma_start3A_718 = arith.constant 0 : i32
    %dma_start3A_719 = tpu.memref_slice %arg4[%mul3A_707, %dma_start3A_718] : memref<917504x128xf32, #tpu.memory_space<hbm>> -> memref<50x64xf32, #tpu.memory_space<hbm>>
    %dma_start3A_720 = arith.constant 0 : i32
    %dma_start3A_721 = arith.constant 0 : i32
    %dma_start3A_722 = tpu.memref_slice %arg6[%dma_start3A_708, %dma_start3A_720, %dma_start3A_721] : memref<6x200x64xf32, #tpu.memory_space<vmem>> -> memref<1x200x64xf32, #tpu.memory_space<vmem>>
    %dma_start3A_723 = tpu.memref_squeeze %dma_start3A_722 : memref<1x200x64xf32, #tpu.memory_space<vmem>> -> memref<200x64xf32, #tpu.memory_space<vmem>>
    %dma_start3A_724 = arith.constant 150 : i32
    %dma_start3A_725 = arith.constant 0 : i32
    %dma_start3A_726 = tpu.memref_slice %dma_start3A_723[%dma_start3A_724, %dma_start3A_725] : memref<200x64xf32, #tpu.memory_space<vmem>> -> memref<50x64xf32, #tpu.memory_space<vmem>>
    tpu.enqueue_dma source(%dma_start3A_726 : memref<50x64xf32, #tpu.memory_space<vmem>>) target(%dma_start3A_719 : memref<50x64xf32, #tpu.memory_space<hbm>>) target_semaphore(%arg16 : memref<!tpu.dma_semaphore, #tpu.memory_space<semaphore_mem>>)
    %add3A_727 = arith.constant 488 : i32
    %add3A_728 = arith.addi %mul3A_2, %add3A_727 : i32
    %add3A_729 = arith.constant 0 : i32
    %add3A_730 = arith.addi %add3A_728, %add3A_729 : i32
    %mul3A_731 = arith.constant 56 : i32
    %mul3A_732 = arith.muli %add3A_730, %mul3A_731 : i32
    %dma_wait3A_733 = arith.constant 2 : i32
    %dma_wait3A_734 = arith.constant 0 : i32
    %dma_wait3A_735 = arith.constant 0 : i32
    %dma_wait3A_736 = tpu.memref_slice %arg6[%dma_wait3A_733, %dma_wait3A_734, %dma_wait3A_735] : memref<6x200x64xf32, #tpu.memory_space<vmem>> -> memref<1x200x64xf32, #tpu.memory_space<vmem>>
    %dma_wait3A_737 = tpu.memref_squeeze %dma_wait3A_736 : memref<1x200x64xf32, #tpu.memory_space<vmem>> -> memref<200x64xf32, #tpu.memory_space<vmem>>
    %dma_wait3A_738 = arith.constant 0 : i32
    %dma_wait3A_739 = arith.constant 0 : i32
    %dma_wait3A_740 = tpu.memref_slice %dma_wait3A_737[%dma_wait3A_738, %dma_wait3A_739] : memref<200x64xf32, #tpu.memory_space<vmem>> -> memref<50x64xf32, #tpu.memory_space<vmem>>
    %dma_wait3A_741 = arith.constant 0 : i32
    %dma_wait3A_742 = tpu.memref_slice %arg4[%mul3A_732, %dma_wait3A_741] : memref<917504x128xf32, #tpu.memory_space<hbm>> -> memref<50x64xf32, #tpu.memory_space<hbm>>
    %dma_wait3A_743 = arith.constant 0 : i32
    %dma_wait3A_744 = tpu.memref_slice %arg4[%mul3A_732, %dma_wait3A_743] : memref<917504x128xf32, #tpu.memory_space<hbm>> -> memref<50x64xf32, #tpu.memory_space<hbm>>
    %dma_wait3A_745 = arith.constant 0 : i32
    %dma_wait3A_746 = arith.constant 0 : i32
    %dma_wait3A_747 = tpu.memref_slice %arg6[%dma_wait3A_733, %dma_wait3A_745, %dma_wait3A_746] : memref<6x200x64xf32, #tpu.memory_space<vmem>> -> memref<1x200x64xf32, #tpu.memory_space<vmem>>
    %dma_wait3A_748 = tpu.memref_squeeze %dma_wait3A_747 : memref<1x200x64xf32, #tpu.memory_space<vmem>> -> memref<200x64xf32, #tpu.memory_space<vmem>>
    %dma_wait3A_749 = arith.constant 0 : i32
    %dma_wait3A_750 = arith.constant 0 : i32
    %dma_wait3A_751 = tpu.memref_slice %dma_wait3A_748[%dma_wait3A_749, %dma_wait3A_750] : memref<200x64xf32, #tpu.memory_space<vmem>> -> memref<50x64xf32, #tpu.memory_space<vmem>>
    tpu.wait_dma2 semaphore(%arg15 : memref<!tpu.dma_semaphore, #tpu.memory_space<semaphore_mem>>) src(%dma_wait3A_751 : memref<50x64xf32, #tpu.memory_space<vmem>>) dst(%dma_wait3A_744 : memref<50x64xf32, #tpu.memory_space<hbm>>)
    %add3A_752 = arith.constant 488 : i32
    %add3A_753 = arith.addi %mul3A_2, %add3A_752 : i32
    %add3A_754 = arith.constant 1 : i32
    %add3A_755 = arith.addi %add3A_753, %add3A_754 : i32
    %mul3A_756 = arith.constant 56 : i32
    %mul3A_757 = arith.muli %add3A_755, %mul3A_756 : i32
    %dma_wait3A_758 = arith.constant 2 : i32
    %dma_wait3A_759 = arith.constant 0 : i32
    %dma_wait3A_760 = arith.constant 0 : i32
    %dma_wait3A_761 = tpu.memref_slice %arg6[%dma_wait3A_758, %dma_wait3A_759, %dma_wait3A_760] : memref<6x200x64xf32, #tpu.memory_space<vmem>> -> memref<1x200x64xf32, #tpu.memory_space<vmem>>
    %dma_wait3A_762 = tpu.memref_squeeze %dma_wait3A_761 : memref<1x200x64xf32, #tpu.memory_space<vmem>> -> memref<200x64xf32, #tpu.memory_space<vmem>>
    %dma_wait3A_763 = arith.constant 50 : i32
    %dma_wait3A_764 = arith.constant 0 : i32
    %dma_wait3A_765 = tpu.memref_slice %dma_wait3A_762[%dma_wait3A_763, %dma_wait3A_764] : memref<200x64xf32, #tpu.memory_space<vmem>> -> memref<50x64xf32, #tpu.memory_space<vmem>>
    %dma_wait3A_766 = arith.constant 0 : i32
    %dma_wait3A_767 = tpu.memref_slice %arg4[%mul3A_757, %dma_wait3A_766] : memref<917504x128xf32, #tpu.memory_space<hbm>> -> memref<50x64xf32, #tpu.memory_space<hbm>>
    %dma_wait3A_768 = arith.constant 0 : i32
    %dma_wait3A_769 = tpu.memref_slice %arg4[%mul3A_757, %dma_wait3A_768] : memref<917504x128xf32, #tpu.memory_space<hbm>> -> memref<50x64xf32, #tpu.memory_space<hbm>>
    %dma_wait3A_770 = arith.constant 0 : i32
    %dma_wait3A_771 = arith.constant 0 : i32
    %dma_wait3A_772 = tpu.memref_slice %arg6[%dma_wait3A_758, %dma_wait3A_770, %dma_wait3A_771] : memref<6x200x64xf32, #tpu.memory_space<vmem>> -> memref<1x200x64xf32, #tpu.memory_space<vmem>>
    %dma_wait3A_773 = tpu.memref_squeeze %dma_wait3A_772 : memref<1x200x64xf32, #tpu.memory_space<vmem>> -> memref<200x64xf32, #tpu.memory_space<vmem>>
    %dma_wait3A_774 = arith.constant 50 : i32
    %dma_wait3A_775 = arith.constant 0 : i32
    %dma_wait3A_776 = tpu.memref_slice %dma_wait3A_773[%dma_wait3A_774, %dma_wait3A_775] : memref<200x64xf32, #tpu.memory_space<vmem>> -> memref<50x64xf32, #tpu.memory_space<vmem>>
    tpu.wait_dma2 semaphore(%arg15 : memref<!tpu.dma_semaphore, #tpu.memory_space<semaphore_mem>>) src(%dma_wait3A_776 : memref<50x64xf32, #tpu.memory_space<vmem>>) dst(%dma_wait3A_769 : memref<50x64xf32, #tpu.memory_space<hbm>>)
    %add3A_777 = arith.constant 488 : i32
    %add3A_778 = arith.addi %mul3A_2, %add3A_777 : i32
    %add3A_779 = arith.constant 2 : i32
    %add3A_780 = arith.addi %add3A_778, %add3A_779 : i32
    %mul3A_781 = arith.constant 56 : i32
    %mul3A_782 = arith.muli %add3A_780, %mul3A_781 : i32
    %dma_wait3A_783 = arith.constant 2 : i32
    %dma_wait3A_784 = arith.constant 0 : i32
    %dma_wait3A_785 = arith.constant 0 : i32
    %dma_wait3A_786 = tpu.memref_slice %arg6[%dma_wait3A_783, %dma_wait3A_784, %dma_wait3A_785] : memref<6x200x64xf32, #tpu.memory_space<vmem>> -> memref<1x200x64xf32, #tpu.memory_space<vmem>>
    %dma_wait3A_787 = tpu.memref_squeeze %dma_wait3A_786 : memref<1x200x64xf32, #tpu.memory_space<vmem>> -> memref<200x64xf32, #tpu.memory_space<vmem>>
    %dma_wait3A_788 = arith.constant 100 : i32
    %dma_wait3A_789 = arith.constant 0 : i32
    %dma_wait3A_790 = tpu.memref_slice %dma_wait3A_787[%dma_wait3A_788, %dma_wait3A_789] : memref<200x64xf32, #tpu.memory_space<vmem>> -> memref<50x64xf32, #tpu.memory_space<vmem>>
    %dma_wait3A_791 = arith.constant 0 : i32
    %dma_wait3A_792 = tpu.memref_slice %arg4[%mul3A_782, %dma_wait3A_791] : memref<917504x128xf32, #tpu.memory_space<hbm>> -> memref<50x64xf32, #tpu.memory_space<hbm>>
    %dma_wait3A_793 = arith.constant 0 : i32
    %dma_wait3A_794 = tpu.memref_slice %arg4[%mul3A_782, %dma_wait3A_793] : memref<917504x128xf32, #tpu.memory_space<hbm>> -> memref<50x64xf32, #tpu.memory_space<hbm>>
    %dma_wait3A_795 = arith.constant 0 : i32
    %dma_wait3A_796 = arith.constant 0 : i32
    %dma_wait3A_797 = tpu.memref_slice %arg6[%dma_wait3A_783, %dma_wait3A_795, %dma_wait3A_796] : memref<6x200x64xf32, #tpu.memory_space<vmem>> -> memref<1x200x64xf32, #tpu.memory_space<vmem>>
    %dma_wait3A_798 = tpu.memref_squeeze %dma_wait3A_797 : memref<1x200x64xf32, #tpu.memory_space<vmem>> -> memref<200x64xf32, #tpu.memory_space<vmem>>
    %dma_wait3A_799 = arith.constant 100 : i32
    %dma_wait3A_800 = arith.constant 0 : i32
    %dma_wait3A_801 = tpu.memref_slice %dma_wait3A_798[%dma_wait3A_799, %dma_wait3A_800] : memref<200x64xf32, #tpu.memory_space<vmem>> -> memref<50x64xf32, #tpu.memory_space<vmem>>
    tpu.wait_dma2 semaphore(%arg15 : memref<!tpu.dma_semaphore, #tpu.memory_space<semaphore_mem>>) src(%dma_wait3A_801 : memref<50x64xf32, #tpu.memory_space<vmem>>) dst(%dma_wait3A_794 : memref<50x64xf32, #tpu.memory_space<hbm>>)
    %add3A_802 = arith.constant 488 : i32
    %add3A_803 = arith.addi %mul3A_2, %add3A_802 : i32
    %add3A_804 = arith.constant 3 : i32
    %add3A_805 = arith.addi %add3A_803, %add3A_804 : i32
    %mul3A_806 = arith.constant 56 : i32
    %mul3A_807 = arith.muli %add3A_805, %mul3A_806 : i32
    %dma_wait3A_808 = arith.constant 2 : i32
    %dma_wait3A_809 = arith.constant 0 : i32
    %dma_wait3A_810 = arith.constant 0 : i32
    %dma_wait3A_811 = tpu.memref_slice %arg6[%dma_wait3A_808, %dma_wait3A_809, %dma_wait3A_810] : memref<6x200x64xf32, #tpu.memory_space<vmem>> -> memref<1x200x64xf32, #tpu.memory_space<vmem>>
    %dma_wait3A_812 = tpu.memref_squeeze %dma_wait3A_811 : memref<1x200x64xf32, #tpu.memory_space<vmem>> -> memref<200x64xf32, #tpu.memory_space<vmem>>
    %dma_wait3A_813 = arith.constant 150 : i32
    %dma_wait3A_814 = arith.constant 0 : i32
    %dma_wait3A_815 = tpu.memref_slice %dma_wait3A_812[%dma_wait3A_813, %dma_wait3A_814] : memref<200x64xf32, #tpu.memory_space<vmem>> -> memref<50x64xf32, #tpu.memory_space<vmem>>
    %dma_wait3A_816 = arith.constant 0 : i32
    %dma_wait3A_817 = tpu.memref_slice %arg4[%mul3A_807, %dma_wait3A_816] : memref<917504x128xf32, #tpu.memory_space<hbm>> -> memref<50x64xf32, #tpu.memory_space<hbm>>
    %dma_wait3A_818 = arith.constant 0 : i32
    %dma_wait3A_819 = tpu.memref_slice %arg4[%mul3A_807, %dma_wait3A_818] : memref<917504x128xf32, #tpu.memory_space<hbm>> -> memref<50x64xf32, #tpu.memory_space<hbm>>
    %dma_wait3A_820 = arith.constant 0 : i32
    %dma_wait3A_821 = arith.constant 0 : i32
    %dma_wait3A_822 = tpu.memref_slice %arg6[%dma_wait3A_808, %dma_wait3A_820, %dma_wait3A_821] : memref<6x200x64xf32, #tpu.memory_space<vmem>> -> memref<1x200x64xf32, #tpu.memory_space<vmem>>
    %dma_wait3A_823 = tpu.memref_squeeze %dma_wait3A_822 : memref<1x200x64xf32, #tpu.memory_space<vmem>> -> memref<200x64xf32, #tpu.memory_space<vmem>>
    %dma_wait3A_824 = arith.constant 150 : i32
    %dma_wait3A_825 = arith.constant 0 : i32
    %dma_wait3A_826 = tpu.memref_slice %dma_wait3A_823[%dma_wait3A_824, %dma_wait3A_825] : memref<200x64xf32, #tpu.memory_space<vmem>> -> memref<50x64xf32, #tpu.memory_space<vmem>>
    tpu.wait_dma2 semaphore(%arg15 : memref<!tpu.dma_semaphore, #tpu.memory_space<semaphore_mem>>) src(%dma_wait3A_826 : memref<50x64xf32, #tpu.memory_space<vmem>>) dst(%dma_wait3A_819 : memref<50x64xf32, #tpu.memory_space<hbm>>)
    %dma_wait3A_827 = arith.constant 4 : i32
    %dma_wait3A_828 = arith.constant 0 : i32
    %dma_wait3A_829 = arith.constant 0 : i32
    %dma_wait3A_830 = tpu.memref_slice %arg6[%dma_wait3A_827, %dma_wait3A_828, %dma_wait3A_829] : memref<6x200x64xf32, #tpu.memory_space<vmem>> -> memref<1x200x64xf32, #tpu.memory_space<vmem>>
    %dma_wait3A_831 = tpu.memref_squeeze %dma_wait3A_830 : memref<1x200x64xf32, #tpu.memory_space<vmem>> -> memref<200x64xf32, #tpu.memory_space<vmem>>
    %dma_wait3A_832 = arith.constant 24800 : i32
    %dma_wait3A_833 = tpu.memref_slice %arg5[%dma_wait3A_832] : memref<25600xi32, #tpu.memory_space<vmem>> -> memref<200xi32, #tpu.memory_space<vmem>>
    %dma_wait3A_834 = arith.constant 0 : i32
    %dma_wait3A_835 = arith.constant 0 : i32
    %dma_wait3A_836 = tpu.memref_slice %arg3[%dma_wait3A_834, %dma_wait3A_835] : memref<1000000x64xf32, #tpu.memory_space<hbm>> -> memref<1000000x64xf32, #tpu.memory_space<hbm>>
    tpu.wait_indirect_dma semaphore(%arg11 : memref<!tpu.dma_semaphore, #tpu.memory_space<semaphore_mem>>) src(%dma_wait3A_836 : memref<1000000x64xf32, #tpu.memory_space<hbm>>) dst(%dma_wait3A_831 : memref<200x64xf32, #tpu.memory_space<vmem>>)
    %add3A_837 = arith.constant 496 : i32
    %add3A_838 = arith.addi %mul3A_2, %add3A_837 : i32
    %add3A_839 = arith.constant 0 : i32
    %add3A_840 = arith.addi %add3A_838, %add3A_839 : i32
    %mul3A_841 = arith.constant 56 : i32
    %mul3A_842 = arith.muli %add3A_840, %mul3A_841 : i32
    %dma_start3A_843 = arith.constant 4 : i32
    %dma_start3A_844 = arith.constant 0 : i32
    %dma_start3A_845 = arith.constant 0 : i32
    %dma_start3A_846 = tpu.memref_slice %arg6[%dma_start3A_843, %dma_start3A_844, %dma_start3A_845] : memref<6x200x64xf32, #tpu.memory_space<vmem>> -> memref<1x200x64xf32, #tpu.memory_space<vmem>>
    %dma_start3A_847 = tpu.memref_squeeze %dma_start3A_846 : memref<1x200x64xf32, #tpu.memory_space<vmem>> -> memref<200x64xf32, #tpu.memory_space<vmem>>
    %dma_start3A_848 = arith.constant 0 : i32
    %dma_start3A_849 = arith.constant 0 : i32
    %dma_start3A_850 = tpu.memref_slice %dma_start3A_847[%dma_start3A_848, %dma_start3A_849] : memref<200x64xf32, #tpu.memory_space<vmem>> -> memref<50x64xf32, #tpu.memory_space<vmem>>
    %dma_start3A_851 = arith.constant 0 : i32
    %dma_start3A_852 = tpu.memref_slice %arg4[%mul3A_842, %dma_start3A_851] : memref<917504x128xf32, #tpu.memory_space<hbm>> -> memref<50x64xf32, #tpu.memory_space<hbm>>
    %dma_start3A_853 = arith.constant 0 : i32
    %dma_start3A_854 = tpu.memref_slice %arg4[%mul3A_842, %dma_start3A_853] : memref<917504x128xf32, #tpu.memory_space<hbm>> -> memref<50x64xf32, #tpu.memory_space<hbm>>
    %dma_start3A_855 = arith.constant 0 : i32
    %dma_start3A_856 = arith.constant 0 : i32
    %dma_start3A_857 = tpu.memref_slice %arg6[%dma_start3A_843, %dma_start3A_855, %dma_start3A_856] : memref<6x200x64xf32, #tpu.memory_space<vmem>> -> memref<1x200x64xf32, #tpu.memory_space<vmem>>
    %dma_start3A_858 = tpu.memref_squeeze %dma_start3A_857 : memref<1x200x64xf32, #tpu.memory_space<vmem>> -> memref<200x64xf32, #tpu.memory_space<vmem>>
    %dma_start3A_859 = arith.constant 0 : i32
    %dma_start3A_860 = arith.constant 0 : i32
    %dma_start3A_861 = tpu.memref_slice %dma_start3A_858[%dma_start3A_859, %dma_start3A_860] : memref<200x64xf32, #tpu.memory_space<vmem>> -> memref<50x64xf32, #tpu.memory_space<vmem>>
    tpu.enqueue_dma source(%dma_start3A_861 : memref<50x64xf32, #tpu.memory_space<vmem>>) target(%dma_start3A_854 : memref<50x64xf32, #tpu.memory_space<hbm>>) target_semaphore(%arg17 : memref<!tpu.dma_semaphore, #tpu.memory_space<semaphore_mem>>)
    %add3A_862 = arith.constant 496 : i32
    %add3A_863 = arith.addi %mul3A_2, %add3A_862 : i32
    %add3A_864 = arith.constant 1 : i32
    %add3A_865 = arith.addi %add3A_863, %add3A_864 : i32
    %mul3A_866 = arith.constant 56 : i32
    %mul3A_867 = arith.muli %add3A_865, %mul3A_866 : i32
    %dma_start3A_868 = arith.constant 4 : i32
    %dma_start3A_869 = arith.constant 0 : i32
    %dma_start3A_870 = arith.constant 0 : i32
    %dma_start3A_871 = tpu.memref_slice %arg6[%dma_start3A_868, %dma_start3A_869, %dma_start3A_870] : memref<6x200x64xf32, #tpu.memory_space<vmem>> -> memref<1x200x64xf32, #tpu.memory_space<vmem>>
    %dma_start3A_872 = tpu.memref_squeeze %dma_start3A_871 : memref<1x200x64xf32, #tpu.memory_space<vmem>> -> memref<200x64xf32, #tpu.memory_space<vmem>>
    %dma_start3A_873 = arith.constant 50 : i32
    %dma_start3A_874 = arith.constant 0 : i32
    %dma_start3A_875 = tpu.memref_slice %dma_start3A_872[%dma_start3A_873, %dma_start3A_874] : memref<200x64xf32, #tpu.memory_space<vmem>> -> memref<50x64xf32, #tpu.memory_space<vmem>>
    %dma_start3A_876 = arith.constant 0 : i32
    %dma_start3A_877 = tpu.memref_slice %arg4[%mul3A_867, %dma_start3A_876] : memref<917504x128xf32, #tpu.memory_space<hbm>> -> memref<50x64xf32, #tpu.memory_space<hbm>>
    %dma_start3A_878 = arith.constant 0 : i32
    %dma_start3A_879 = tpu.memref_slice %arg4[%mul3A_867, %dma_start3A_878] : memref<917504x128xf32, #tpu.memory_space<hbm>> -> memref<50x64xf32, #tpu.memory_space<hbm>>
    %dma_start3A_880 = arith.constant 0 : i32
    %dma_start3A_881 = arith.constant 0 : i32
    %dma_start3A_882 = tpu.memref_slice %arg6[%dma_start3A_868, %dma_start3A_880, %dma_start3A_881] : memref<6x200x64xf32, #tpu.memory_space<vmem>> -> memref<1x200x64xf32, #tpu.memory_space<vmem>>
    %dma_start3A_883 = tpu.memref_squeeze %dma_start3A_882 : memref<1x200x64xf32, #tpu.memory_space<vmem>> -> memref<200x64xf32, #tpu.memory_space<vmem>>
    %dma_start3A_884 = arith.constant 50 : i32
    %dma_start3A_885 = arith.constant 0 : i32
    %dma_start3A_886 = tpu.memref_slice %dma_start3A_883[%dma_start3A_884, %dma_start3A_885] : memref<200x64xf32, #tpu.memory_space<vmem>> -> memref<50x64xf32, #tpu.memory_space<vmem>>
    tpu.enqueue_dma source(%dma_start3A_886 : memref<50x64xf32, #tpu.memory_space<vmem>>) target(%dma_start3A_879 : memref<50x64xf32, #tpu.memory_space<hbm>>) target_semaphore(%arg17 : memref<!tpu.dma_semaphore, #tpu.memory_space<semaphore_mem>>)
    %add3A_887 = arith.constant 496 : i32
    %add3A_888 = arith.addi %mul3A_2, %add3A_887 : i32
    %add3A_889 = arith.constant 2 : i32
    %add3A_890 = arith.addi %add3A_888, %add3A_889 : i32
    %mul3A_891 = arith.constant 56 : i32
    %mul3A_892 = arith.muli %add3A_890, %mul3A_891 : i32
    %dma_start3A_893 = arith.constant 4 : i32
    %dma_start3A_894 = arith.constant 0 : i32
    %dma_start3A_895 = arith.constant 0 : i32
    %dma_start3A_896 = tpu.memref_slice %arg6[%dma_start3A_893, %dma_start3A_894, %dma_start3A_895] : memref<6x200x64xf32, #tpu.memory_space<vmem>> -> memref<1x200x64xf32, #tpu.memory_space<vmem>>
    %dma_start3A_897 = tpu.memref_squeeze %dma_start3A_896 : memref<1x200x64xf32, #tpu.memory_space<vmem>> -> memref<200x64xf32, #tpu.memory_space<vmem>>
    %dma_start3A_898 = arith.constant 100 : i32
    %dma_start3A_899 = arith.constant 0 : i32
    %dma_start3A_900 = tpu.memref_slice %dma_start3A_897[%dma_start3A_898, %dma_start3A_899] : memref<200x64xf32, #tpu.memory_space<vmem>> -> memref<50x64xf32, #tpu.memory_space<vmem>>
    %dma_start3A_901 = arith.constant 0 : i32
    %dma_start3A_902 = tpu.memref_slice %arg4[%mul3A_892, %dma_start3A_901] : memref<917504x128xf32, #tpu.memory_space<hbm>> -> memref<50x64xf32, #tpu.memory_space<hbm>>
    %dma_start3A_903 = arith.constant 0 : i32
    %dma_start3A_904 = tpu.memref_slice %arg4[%mul3A_892, %dma_start3A_903] : memref<917504x128xf32, #tpu.memory_space<hbm>> -> memref<50x64xf32, #tpu.memory_space<hbm>>
    %dma_start3A_905 = arith.constant 0 : i32
    %dma_start3A_906 = arith.constant 0 : i32
    %dma_start3A_907 = tpu.memref_slice %arg6[%dma_start3A_893, %dma_start3A_905, %dma_start3A_906] : memref<6x200x64xf32, #tpu.memory_space<vmem>> -> memref<1x200x64xf32, #tpu.memory_space<vmem>>
    %dma_start3A_908 = tpu.memref_squeeze %dma_start3A_907 : memref<1x200x64xf32, #tpu.memory_space<vmem>> -> memref<200x64xf32, #tpu.memory_space<vmem>>
    %dma_start3A_909 = arith.constant 100 : i32
    %dma_start3A_910 = arith.constant 0 : i32
    %dma_start3A_911 = tpu.memref_slice %dma_start3A_908[%dma_start3A_909, %dma_start3A_910] : memref<200x64xf32, #tpu.memory_space<vmem>> -> memref<50x64xf32, #tpu.memory_space<vmem>>
    tpu.enqueue_dma source(%dma_start3A_911 : memref<50x64xf32, #tpu.memory_space<vmem>>) target(%dma_start3A_904 : memref<50x64xf32, #tpu.memory_space<hbm>>) target_semaphore(%arg17 : memref<!tpu.dma_semaphore, #tpu.memory_space<semaphore_mem>>)
    %add3A_912 = arith.constant 496 : i32
    %add3A_913 = arith.addi %mul3A_2, %add3A_912 : i32
    %add3A_914 = arith.constant 3 : i32
    %add3A_915 = arith.addi %add3A_913, %add3A_914 : i32
    %mul3A_916 = arith.constant 56 : i32
    %mul3A_917 = arith.muli %add3A_915, %mul3A_916 : i32
    %dma_start3A_918 = arith.constant 4 : i32
    %dma_start3A_919 = arith.constant 0 : i32
    %dma_start3A_920 = arith.constant 0 : i32
    %dma_start3A_921 = tpu.memref_slice %arg6[%dma_start3A_918, %dma_start3A_919, %dma_start3A_920] : memref<6x200x64xf32, #tpu.memory_space<vmem>> -> memref<1x200x64xf32, #tpu.memory_space<vmem>>
    %dma_start3A_922 = tpu.memref_squeeze %dma_start3A_921 : memref<1x200x64xf32, #tpu.memory_space<vmem>> -> memref<200x64xf32, #tpu.memory_space<vmem>>
    %dma_start3A_923 = arith.constant 150 : i32
    %dma_start3A_924 = arith.constant 0 : i32
    %dma_start3A_925 = tpu.memref_slice %dma_start3A_922[%dma_start3A_923, %dma_start3A_924] : memref<200x64xf32, #tpu.memory_space<vmem>> -> memref<50x64xf32, #tpu.memory_space<vmem>>
    %dma_start3A_926 = arith.constant 0 : i32
    %dma_start3A_927 = tpu.memref_slice %arg4[%mul3A_917, %dma_start3A_926] : memref<917504x128xf32, #tpu.memory_space<hbm>> -> memref<50x64xf32, #tpu.memory_space<hbm>>
    %dma_start3A_928 = arith.constant 0 : i32
    %dma_start3A_929 = tpu.memref_slice %arg4[%mul3A_917, %dma_start3A_928] : memref<917504x128xf32, #tpu.memory_space<hbm>> -> memref<50x64xf32, #tpu.memory_space<hbm>>
    %dma_start3A_930 = arith.constant 0 : i32
    %dma_start3A_931 = arith.constant 0 : i32
    %dma_start3A_932 = tpu.memref_slice %arg6[%dma_start3A_918, %dma_start3A_930, %dma_start3A_931] : memref<6x200x64xf32, #tpu.memory_space<vmem>> -> memref<1x200x64xf32, #tpu.memory_space<vmem>>
    %dma_start3A_933 = tpu.memref_squeeze %dma_start3A_932 : memref<1x200x64xf32, #tpu.memory_space<vmem>> -> memref<200x64xf32, #tpu.memory_space<vmem>>
    %dma_start3A_934 = arith.constant 150 : i32
    %dma_start3A_935 = arith.constant 0 : i32
    %dma_start3A_936 = tpu.memref_slice %dma_start3A_933[%dma_start3A_934, %dma_start3A_935] : memref<200x64xf32, #tpu.memory_space<vmem>> -> memref<50x64xf32, #tpu.memory_space<vmem>>
    tpu.enqueue_dma source(%dma_start3A_936 : memref<50x64xf32, #tpu.memory_space<vmem>>) target(%dma_start3A_929 : memref<50x64xf32, #tpu.memory_space<hbm>>) target_semaphore(%arg17 : memref<!tpu.dma_semaphore, #tpu.memory_space<semaphore_mem>>)
    %add3A_937 = arith.constant 492 : i32
    %add3A_938 = arith.addi %mul3A_2, %add3A_937 : i32
    %add3A_939 = arith.constant 0 : i32
    %add3A_940 = arith.addi %add3A_938, %add3A_939 : i32
    %mul3A_941 = arith.constant 56 : i32
    %mul3A_942 = arith.muli %add3A_940, %mul3A_941 : i32
    %dma_wait3A_943 = arith.constant 3 : i32
    %dma_wait3A_944 = arith.constant 0 : i32
    %dma_wait3A_945 = arith.constant 0 : i32
    %dma_wait3A_946 = tpu.memref_slice %arg6[%dma_wait3A_943, %dma_wait3A_944, %dma_wait3A_945] : memref<6x200x64xf32, #tpu.memory_space<vmem>> -> memref<1x200x64xf32, #tpu.memory_space<vmem>>
    %dma_wait3A_947 = tpu.memref_squeeze %dma_wait3A_946 : memref<1x200x64xf32, #tpu.memory_space<vmem>> -> memref<200x64xf32, #tpu.memory_space<vmem>>
    %dma_wait3A_948 = arith.constant 0 : i32
    %dma_wait3A_949 = arith.constant 0 : i32
    %dma_wait3A_950 = tpu.memref_slice %dma_wait3A_947[%dma_wait3A_948, %dma_wait3A_949] : memref<200x64xf32, #tpu.memory_space<vmem>> -> memref<50x64xf32, #tpu.memory_space<vmem>>
    %dma_wait3A_951 = arith.constant 0 : i32
    %dma_wait3A_952 = tpu.memref_slice %arg4[%mul3A_942, %dma_wait3A_951] : memref<917504x128xf32, #tpu.memory_space<hbm>> -> memref<50x64xf32, #tpu.memory_space<hbm>>
    %dma_wait3A_953 = arith.constant 0 : i32
    %dma_wait3A_954 = tpu.memref_slice %arg4[%mul3A_942, %dma_wait3A_953] : memref<917504x128xf32, #tpu.memory_space<hbm>> -> memref<50x64xf32, #tpu.memory_space<hbm>>
    %dma_wait3A_955 = arith.constant 0 : i32
    %dma_wait3A_956 = arith.constant 0 : i32
    %dma_wait3A_957 = tpu.memref_slice %arg6[%dma_wait3A_943, %dma_wait3A_955, %dma_wait3A_956] : memref<6x200x64xf32, #tpu.memory_space<vmem>> -> memref<1x200x64xf32, #tpu.memory_space<vmem>>
    %dma_wait3A_958 = tpu.memref_squeeze %dma_wait3A_957 : memref<1x200x64xf32, #tpu.memory_space<vmem>> -> memref<200x64xf32, #tpu.memory_space<vmem>>
    %dma_wait3A_959 = arith.constant 0 : i32
    %dma_wait3A_960 = arith.constant 0 : i32
    %dma_wait3A_961 = tpu.memref_slice %dma_wait3A_958[%dma_wait3A_959, %dma_wait3A_960] : memref<200x64xf32, #tpu.memory_space<vmem>> -> memref<50x64xf32, #tpu.memory_space<vmem>>
    tpu.wait_dma2 semaphore(%arg16 : memref<!tpu.dma_semaphore, #tpu.memory_space<semaphore_mem>>) src(%dma_wait3A_961 : memref<50x64xf32, #tpu.memory_space<vmem>>) dst(%dma_wait3A_954 : memref<50x64xf32, #tpu.memory_space<hbm>>)
    %add3A_962 = arith.constant 492 : i32
    %add3A_963 = arith.addi %mul3A_2, %add3A_962 : i32
    %add3A_964 = arith.constant 1 : i32
    %add3A_965 = arith.addi %add3A_963, %add3A_964 : i32
    %mul3A_966 = arith.constant 56 : i32
    %mul3A_967 = arith.muli %add3A_965, %mul3A_966 : i32
    %dma_wait3A_968 = arith.constant 3 : i32
    %dma_wait3A_969 = arith.constant 0 : i32
    %dma_wait3A_970 = arith.constant 0 : i32
    %dma_wait3A_971 = tpu.memref_slice %arg6[%dma_wait3A_968, %dma_wait3A_969, %dma_wait3A_970] : memref<6x200x64xf32, #tpu.memory_space<vmem>> -> memref<1x200x64xf32, #tpu.memory_space<vmem>>
    %dma_wait3A_972 = tpu.memref_squeeze %dma_wait3A_971 : memref<1x200x64xf32, #tpu.memory_space<vmem>> -> memref<200x64xf32, #tpu.memory_space<vmem>>
    %dma_wait3A_973 = arith.constant 50 : i32
    %dma_wait3A_974 = arith.constant 0 : i32
    %dma_wait3A_975 = tpu.memref_slice %dma_wait3A_972[%dma_wait3A_973, %dma_wait3A_974] : memref<200x64xf32, #tpu.memory_space<vmem>> -> memref<50x64xf32, #tpu.memory_space<vmem>>
    %dma_wait3A_976 = arith.constant 0 : i32
    %dma_wait3A_977 = tpu.memref_slice %arg4[%mul3A_967, %dma_wait3A_976] : memref<917504x128xf32, #tpu.memory_space<hbm>> -> memref<50x64xf32, #tpu.memory_space<hbm>>
    %dma_wait3A_978 = arith.constant 0 : i32
    %dma_wait3A_979 = tpu.memref_slice %arg4[%mul3A_967, %dma_wait3A_978] : memref<917504x128xf32, #tpu.memory_space<hbm>> -> memref<50x64xf32, #tpu.memory_space<hbm>>
    %dma_wait3A_980 = arith.constant 0 : i32
    %dma_wait3A_981 = arith.constant 0 : i32
    %dma_wait3A_982 = tpu.memref_slice %arg6[%dma_wait3A_968, %dma_wait3A_980, %dma_wait3A_981] : memref<6x200x64xf32, #tpu.memory_space<vmem>> -> memref<1x200x64xf32, #tpu.memory_space<vmem>>
    %dma_wait3A_983 = tpu.memref_squeeze %dma_wait3A_982 : memref<1x200x64xf32, #tpu.memory_space<vmem>> -> memref<200x64xf32, #tpu.memory_space<vmem>>
    %dma_wait3A_984 = arith.constant 50 : i32
    %dma_wait3A_985 = arith.constant 0 : i32
    %dma_wait3A_986 = tpu.memref_slice %dma_wait3A_983[%dma_wait3A_984, %dma_wait3A_985] : memref<200x64xf32, #tpu.memory_space<vmem>> -> memref<50x64xf32, #tpu.memory_space<vmem>>
    tpu.wait_dma2 semaphore(%arg16 : memref<!tpu.dma_semaphore, #tpu.memory_space<semaphore_mem>>) src(%dma_wait3A_986 : memref<50x64xf32, #tpu.memory_space<vmem>>) dst(%dma_wait3A_979 : memref<50x64xf32, #tpu.memory_space<hbm>>)
    %add3A_987 = arith.constant 492 : i32
    %add3A_988 = arith.addi %mul3A_2, %add3A_987 : i32
    %add3A_989 = arith.constant 2 : i32
    %add3A_990 = arith.addi %add3A_988, %add3A_989 : i32
    %mul3A_991 = arith.constant 56 : i32
    %mul3A_992 = arith.muli %add3A_990, %mul3A_991 : i32
    %dma_wait3A_993 = arith.constant 3 : i32
    %dma_wait3A_994 = arith.constant 0 : i32
    %dma_wait3A_995 = arith.constant 0 : i32
    %dma_wait3A_996 = tpu.memref_slice %arg6[%dma_wait3A_993, %dma_wait3A_994, %dma_wait3A_995] : memref<6x200x64xf32, #tpu.memory_space<vmem>> -> memref<1x200x64xf32, #tpu.memory_space<vmem>>
    %dma_wait3A_997 = tpu.memref_squeeze %dma_wait3A_996 : memref<1x200x64xf32, #tpu.memory_space<vmem>> -> memref<200x64xf32, #tpu.memory_space<vmem>>
    %dma_wait3A_998 = arith.constant 100 : i32
    %dma_wait3A_999 = arith.constant 0 : i32
    %dma_wait3A_1000 = tpu.memref_slice %dma_wait3A_997[%dma_wait3A_998, %dma_wait3A_999] : memref<200x64xf32, #tpu.memory_space<vmem>> -> memref<50x64xf32, #tpu.memory_space<vmem>>
    %dma_wait3A_1001 = arith.constant 0 : i32
    %dma_wait3A_1002 = tpu.memref_slice %arg4[%mul3A_992, %dma_wait3A_1001] : memref<917504x128xf32, #tpu.memory_space<hbm>> -> memref<50x64xf32, #tpu.memory_space<hbm>>
    %dma_wait3A_1003 = arith.constant 0 : i32
    %dma_wait3A_1004 = tpu.memref_slice %arg4[%mul3A_992, %dma_wait3A_1003] : memref<917504x128xf32, #tpu.memory_space<hbm>> -> memref<50x64xf32, #tpu.memory_space<hbm>>
    %dma_wait3A_1005 = arith.constant 0 : i32
    %dma_wait3A_1006 = arith.constant 0 : i32
    %dma_wait3A_1007 = tpu.memref_slice %arg6[%dma_wait3A_993, %dma_wait3A_1005, %dma_wait3A_1006] : memref<6x200x64xf32, #tpu.memory_space<vmem>> -> memref<1x200x64xf32, #tpu.memory_space<vmem>>
    %dma_wait3A_1008 = tpu.memref_squeeze %dma_wait3A_1007 : memref<1x200x64xf32, #tpu.memory_space<vmem>> -> memref<200x64xf32, #tpu.memory_space<vmem>>
    %dma_wait3A_1009 = arith.constant 100 : i32
    %dma_wait3A_1010 = arith.constant 0 : i32
    %dma_wait3A_1011 = tpu.memref_slice %dma_wait3A_1008[%dma_wait3A_1009, %dma_wait3A_1010] : memref<200x64xf32, #tpu.memory_space<vmem>> -> memref<50x64xf32, #tpu.memory_space<vmem>>
    tpu.wait_dma2 semaphore(%arg16 : memref<!tpu.dma_semaphore, #tpu.memory_space<semaphore_mem>>) src(%dma_wait3A_1011 : memref<50x64xf32, #tpu.memory_space<vmem>>) dst(%dma_wait3A_1004 : memref<50x64xf32, #tpu.memory_space<hbm>>)
    %add3A_1012 = arith.constant 492 : i32
    %add3A_1013 = arith.addi %mul3A_2, %add3A_1012 : i32
    %add3A_1014 = arith.constant 3 : i32
    %add3A_1015 = arith.addi %add3A_1013, %add3A_1014 : i32
    %mul3A_1016 = arith.constant 56 : i32
    %mul3A_1017 = arith.muli %add3A_1015, %mul3A_1016 : i32
    %dma_wait3A_1018 = arith.constant 3 : i32
    %dma_wait3A_1019 = arith.constant 0 : i32
    %dma_wait3A_1020 = arith.constant 0 : i32
    %dma_wait3A_1021 = tpu.memref_slice %arg6[%dma_wait3A_1018, %dma_wait3A_1019, %dma_wait3A_1020] : memref<6x200x64xf32, #tpu.memory_space<vmem>> -> memref<1x200x64xf32, #tpu.memory_space<vmem>>
    %dma_wait3A_1022 = tpu.memref_squeeze %dma_wait3A_1021 : memref<1x200x64xf32, #tpu.memory_space<vmem>> -> memref<200x64xf32, #tpu.memory_space<vmem>>
    %dma_wait3A_1023 = arith.constant 150 : i32
    %dma_wait3A_1024 = arith.constant 0 : i32
    %dma_wait3A_1025 = tpu.memref_slice %dma_wait3A_1022[%dma_wait3A_1023, %dma_wait3A_1024] : memref<200x64xf32, #tpu.memory_space<vmem>> -> memref<50x64xf32, #tpu.memory_space<vmem>>
    %dma_wait3A_1026 = arith.constant 0 : i32
    %dma_wait3A_1027 = tpu.memref_slice %arg4[%mul3A_1017, %dma_wait3A_1026] : memref<917504x128xf32, #tpu.memory_space<hbm>> -> memref<50x64xf32, #tpu.memory_space<hbm>>
    %dma_wait3A_1028 = arith.constant 0 : i32
    %dma_wait3A_1029 = tpu.memref_slice %arg4[%mul3A_1017, %dma_wait3A_1028] : memref<917504x128xf32, #tpu.memory_space<hbm>> -> memref<50x64xf32, #tpu.memory_space<hbm>>
    %dma_wait3A_1030 = arith.constant 0 : i32
    %dma_wait3A_1031 = arith.constant 0 : i32
    %dma_wait3A_1032 = tpu.memref_slice %arg6[%dma_wait3A_1018, %dma_wait3A_1030, %dma_wait3A_1031] : memref<6x200x64xf32, #tpu.memory_space<vmem>> -> memref<1x200x64xf32, #tpu.memory_space<vmem>>
    %dma_wait3A_1033 = tpu.memref_squeeze %dma_wait3A_1032 : memref<1x200x64xf32, #tpu.memory_space<vmem>> -> memref<200x64xf32, #tpu.memory_space<vmem>>
    %dma_wait3A_1034 = arith.constant 150 : i32
    %dma_wait3A_1035 = arith.constant 0 : i32
    %dma_wait3A_1036 = tpu.memref_slice %dma_wait3A_1033[%dma_wait3A_1034, %dma_wait3A_1035] : memref<200x64xf32, #tpu.memory_space<vmem>> -> memref<50x64xf32, #tpu.memory_space<vmem>>
    tpu.wait_dma2 semaphore(%arg16 : memref<!tpu.dma_semaphore, #tpu.memory_space<semaphore_mem>>) src(%dma_wait3A_1036 : memref<50x64xf32, #tpu.memory_space<vmem>>) dst(%dma_wait3A_1029 : memref<50x64xf32, #tpu.memory_space<hbm>>)
    %dma_wait3A_1037 = arith.constant 5 : i32
    %dma_wait3A_1038 = arith.constant 0 : i32
    %dma_wait3A_1039 = arith.constant 0 : i32
    %dma_wait3A_1040 = tpu.memref_slice %arg6[%dma_wait3A_1037, %dma_wait3A_1038, %dma_wait3A_1039] : memref<6x200x64xf32, #tpu.memory_space<vmem>> -> memref<1x200x64xf32, #tpu.memory_space<vmem>>
    %dma_wait3A_1041 = tpu.memref_squeeze %dma_wait3A_1040 : memref<1x200x64xf32, #tpu.memory_space<vmem>> -> memref<200x64xf32, #tpu.memory_space<vmem>>
    %dma_wait3A_1042 = arith.constant 25000 : i32
    %dma_wait3A_1043 = tpu.memref_slice %arg5[%dma_wait3A_1042] : memref<25600xi32, #tpu.memory_space<vmem>> -> memref<200xi32, #tpu.memory_space<vmem>>
    %dma_wait3A_1044 = arith.constant 0 : i32
    %dma_wait3A_1045 = arith.constant 0 : i32
    %dma_wait3A_1046 = tpu.memref_slice %arg3[%dma_wait3A_1044, %dma_wait3A_1045] : memref<1000000x64xf32, #tpu.memory_space<hbm>> -> memref<1000000x64xf32, #tpu.memory_space<hbm>>
    tpu.wait_indirect_dma semaphore(%arg12 : memref<!tpu.dma_semaphore, #tpu.memory_space<semaphore_mem>>) src(%dma_wait3A_1046 : memref<1000000x64xf32, #tpu.memory_space<hbm>>) dst(%dma_wait3A_1041 : memref<200x64xf32, #tpu.memory_space<vmem>>)
    %add3A_1047 = arith.constant 500 : i32
    %add3A_1048 = arith.addi %mul3A_2, %add3A_1047 : i32
    %add3A_1049 = arith.constant 0 : i32
    %add3A_1050 = arith.addi %add3A_1048, %add3A_1049 : i32
    %mul3A_1051 = arith.constant 56 : i32
    %mul3A_1052 = arith.muli %add3A_1050, %mul3A_1051 : i32
    %dma_start3A_1053 = arith.constant 5 : i32
    %dma_start3A_1054 = arith.constant 0 : i32
    %dma_start3A_1055 = arith.constant 0 : i32
    %dma_start3A_1056 = tpu.memref_slice %arg6[%dma_start3A_1053, %dma_start3A_1054, %dma_start3A_1055] : memref<6x200x64xf32, #tpu.memory_space<vmem>> -> memref<1x200x64xf32, #tpu.memory_space<vmem>>
    %dma_start3A_1057 = tpu.memref_squeeze %dma_start3A_1056 : memref<1x200x64xf32, #tpu.memory_space<vmem>> -> memref<200x64xf32, #tpu.memory_space<vmem>>
    %dma_start3A_1058 = arith.constant 0 : i32
    %dma_start3A_1059 = arith.constant 0 : i32
    %dma_start3A_1060 = tpu.memref_slice %dma_start3A_1057[%dma_start3A_1058, %dma_start3A_1059] : memref<200x64xf32, #tpu.memory_space<vmem>> -> memref<50x64xf32, #tpu.memory_space<vmem>>
    %dma_start3A_1061 = arith.constant 0 : i32
    %dma_start3A_1062 = tpu.memref_slice %arg4[%mul3A_1052, %dma_start3A_1061] : memref<917504x128xf32, #tpu.memory_space<hbm>> -> memref<50x64xf32, #tpu.memory_space<hbm>>
    %dma_start3A_1063 = arith.constant 0 : i32
    %dma_start3A_1064 = tpu.memref_slice %arg4[%mul3A_1052, %dma_start3A_1063] : memref<917504x128xf32, #tpu.memory_space<hbm>> -> memref<50x64xf32, #tpu.memory_space<hbm>>
    %dma_start3A_1065 = arith.constant 0 : i32
    %dma_start3A_1066 = arith.constant 0 : i32
    %dma_start3A_1067 = tpu.memref_slice %arg6[%dma_start3A_1053, %dma_start3A_1065, %dma_start3A_1066] : memref<6x200x64xf32, #tpu.memory_space<vmem>> -> memref<1x200x64xf32, #tpu.memory_space<vmem>>
    %dma_start3A_1068 = tpu.memref_squeeze %dma_start3A_1067 : memref<1x200x64xf32, #tpu.memory_space<vmem>> -> memref<200x64xf32, #tpu.memory_space<vmem>>
    %dma_start3A_1069 = arith.constant 0 : i32
    %dma_start3A_1070 = arith.constant 0 : i32
    %dma_start3A_1071 = tpu.memref_slice %dma_start3A_1068[%dma_start3A_1069, %dma_start3A_1070] : memref<200x64xf32, #tpu.memory_space<vmem>> -> memref<50x64xf32, #tpu.memory_space<vmem>>
    tpu.enqueue_dma source(%dma_start3A_1071 : memref<50x64xf32, #tpu.memory_space<vmem>>) target(%dma_start3A_1064 : memref<50x64xf32, #tpu.memory_space<hbm>>) target_semaphore(%arg18 : memref<!tpu.dma_semaphore, #tpu.memory_space<semaphore_mem>>)
    %add3A_1072 = arith.constant 500 : i32
    %add3A_1073 = arith.addi %mul3A_2, %add3A_1072 : i32
    %add3A_1074 = arith.constant 1 : i32
    %add3A_1075 = arith.addi %add3A_1073, %add3A_1074 : i32
    %mul3A_1076 = arith.constant 56 : i32
    %mul3A_1077 = arith.muli %add3A_1075, %mul3A_1076 : i32
    %dma_start3A_1078 = arith.constant 5 : i32
    %dma_start3A_1079 = arith.constant 0 : i32
    %dma_start3A_1080 = arith.constant 0 : i32
    %dma_start3A_1081 = tpu.memref_slice %arg6[%dma_start3A_1078, %dma_start3A_1079, %dma_start3A_1080] : memref<6x200x64xf32, #tpu.memory_space<vmem>> -> memref<1x200x64xf32, #tpu.memory_space<vmem>>
    %dma_start3A_1082 = tpu.memref_squeeze %dma_start3A_1081 : memref<1x200x64xf32, #tpu.memory_space<vmem>> -> memref<200x64xf32, #tpu.memory_space<vmem>>
    %dma_start3A_1083 = arith.constant 50 : i32
    %dma_start3A_1084 = arith.constant 0 : i32
    %dma_start3A_1085 = tpu.memref_slice %dma_start3A_1082[%dma_start3A_1083, %dma_start3A_1084] : memref<200x64xf32, #tpu.memory_space<vmem>> -> memref<50x64xf32, #tpu.memory_space<vmem>>
    %dma_start3A_1086 = arith.constant 0 : i32
    %dma_start3A_1087 = tpu.memref_slice %arg4[%mul3A_1077, %dma_start3A_1086] : memref<917504x128xf32, #tpu.memory_space<hbm>> -> memref<50x64xf32, #tpu.memory_space<hbm>>
    %dma_start3A_1088 = arith.constant 0 : i32
    %dma_start3A_1089 = tpu.memref_slice %arg4[%mul3A_1077, %dma_start3A_1088] : memref<917504x128xf32, #tpu.memory_space<hbm>> -> memref<50x64xf32, #tpu.memory_space<hbm>>
    %dma_start3A_1090 = arith.constant 0 : i32
    %dma_start3A_1091 = arith.constant 0 : i32
    %dma_start3A_1092 = tpu.memref_slice %arg6[%dma_start3A_1078, %dma_start3A_1090, %dma_start3A_1091] : memref<6x200x64xf32, #tpu.memory_space<vmem>> -> memref<1x200x64xf32, #tpu.memory_space<vmem>>
    %dma_start3A_1093 = tpu.memref_squeeze %dma_start3A_1092 : memref<1x200x64xf32, #tpu.memory_space<vmem>> -> memref<200x64xf32, #tpu.memory_space<vmem>>
    %dma_start3A_1094 = arith.constant 50 : i32
    %dma_start3A_1095 = arith.constant 0 : i32
    %dma_start3A_1096 = tpu.memref_slice %dma_start3A_1093[%dma_start3A_1094, %dma_start3A_1095] : memref<200x64xf32, #tpu.memory_space<vmem>> -> memref<50x64xf32, #tpu.memory_space<vmem>>
    tpu.enqueue_dma source(%dma_start3A_1096 : memref<50x64xf32, #tpu.memory_space<vmem>>) target(%dma_start3A_1089 : memref<50x64xf32, #tpu.memory_space<hbm>>) target_semaphore(%arg18 : memref<!tpu.dma_semaphore, #tpu.memory_space<semaphore_mem>>)
    %add3A_1097 = arith.constant 500 : i32
    %add3A_1098 = arith.addi %mul3A_2, %add3A_1097 : i32
    %add3A_1099 = arith.constant 2 : i32
    %add3A_1100 = arith.addi %add3A_1098, %add3A_1099 : i32
    %mul3A_1101 = arith.constant 56 : i32
    %mul3A_1102 = arith.muli %add3A_1100, %mul3A_1101 : i32
    %dma_start3A_1103 = arith.constant 5 : i32
    %dma_start3A_1104 = arith.constant 0 : i32
    %dma_start3A_1105 = arith.constant 0 : i32
    %dma_start3A_1106 = tpu.memref_slice %arg6[%dma_start3A_1103, %dma_start3A_1104, %dma_start3A_1105] : memref<6x200x64xf32, #tpu.memory_space<vmem>> -> memref<1x200x64xf32, #tpu.memory_space<vmem>>
    %dma_start3A_1107 = tpu.memref_squeeze %dma_start3A_1106 : memref<1x200x64xf32, #tpu.memory_space<vmem>> -> memref<200x64xf32, #tpu.memory_space<vmem>>
    %dma_start3A_1108 = arith.constant 100 : i32
    %dma_start3A_1109 = arith.constant 0 : i32
    %dma_start3A_1110 = tpu.memref_slice %dma_start3A_1107[%dma_start3A_1108, %dma_start3A_1109] : memref<200x64xf32, #tpu.memory_space<vmem>> -> memref<50x64xf32, #tpu.memory_space<vmem>>
    %dma_start3A_1111 = arith.constant 0 : i32
    %dma_start3A_1112 = tpu.memref_slice %arg4[%mul3A_1102, %dma_start3A_1111] : memref<917504x128xf32, #tpu.memory_space<hbm>> -> memref<50x64xf32, #tpu.memory_space<hbm>>
    %dma_start3A_1113 = arith.constant 0 : i32
    %dma_start3A_1114 = tpu.memref_slice %arg4[%mul3A_1102, %dma_start3A_1113] : memref<917504x128xf32, #tpu.memory_space<hbm>> -> memref<50x64xf32, #tpu.memory_space<hbm>>
    %dma_start3A_1115 = arith.constant 0 : i32
    %dma_start3A_1116 = arith.constant 0 : i32
    %dma_start3A_1117 = tpu.memref_slice %arg6[%dma_start3A_1103, %dma_start3A_1115, %dma_start3A_1116] : memref<6x200x64xf32, #tpu.memory_space<vmem>> -> memref<1x200x64xf32, #tpu.memory_space<vmem>>
    %dma_start3A_1118 = tpu.memref_squeeze %dma_start3A_1117 : memref<1x200x64xf32, #tpu.memory_space<vmem>> -> memref<200x64xf32, #tpu.memory_space<vmem>>
    %dma_start3A_1119 = arith.constant 100 : i32
    %dma_start3A_1120 = arith.constant 0 : i32
    %dma_start3A_1121 = tpu.memref_slice %dma_start3A_1118[%dma_start3A_1119, %dma_start3A_1120] : memref<200x64xf32, #tpu.memory_space<vmem>> -> memref<50x64xf32, #tpu.memory_space<vmem>>
    tpu.enqueue_dma source(%dma_start3A_1121 : memref<50x64xf32, #tpu.memory_space<vmem>>) target(%dma_start3A_1114 : memref<50x64xf32, #tpu.memory_space<hbm>>) target_semaphore(%arg18 : memref<!tpu.dma_semaphore, #tpu.memory_space<semaphore_mem>>)
    %add3A_1122 = arith.constant 500 : i32
    %add3A_1123 = arith.addi %mul3A_2, %add3A_1122 : i32
    %add3A_1124 = arith.constant 3 : i32
    %add3A_1125 = arith.addi %add3A_1123, %add3A_1124 : i32
    %mul3A_1126 = arith.constant 56 : i32
    %mul3A_1127 = arith.muli %add3A_1125, %mul3A_1126 : i32
    %dma_start3A_1128 = arith.constant 5 : i32
    %dma_start3A_1129 = arith.constant 0 : i32
    %dma_start3A_1130 = arith.constant 0 : i32
    %dma_start3A_1131 = tpu.memref_slice %arg6[%dma_start3A_1128, %dma_start3A_1129, %dma_start3A_1130] : memref<6x200x64xf32, #tpu.memory_space<vmem>> -> memref<1x200x64xf32, #tpu.memory_space<vmem>>
    %dma_start3A_1132 = tpu.memref_squeeze %dma_start3A_1131 : memref<1x200x64xf32, #tpu.memory_space<vmem>> -> memref<200x64xf32, #tpu.memory_space<vmem>>
    %dma_start3A_1133 = arith.constant 150 : i32
    %dma_start3A_1134 = arith.constant 0 : i32
    %dma_start3A_1135 = tpu.memref_slice %dma_start3A_1132[%dma_start3A_1133, %dma_start3A_1134] : memref<200x64xf32, #tpu.memory_space<vmem>> -> memref<50x64xf32, #tpu.memory_space<vmem>>
    %dma_start3A_1136 = arith.constant 0 : i32
    %dma_start3A_1137 = tpu.memref_slice %arg4[%mul3A_1127, %dma_start3A_1136] : memref<917504x128xf32, #tpu.memory_space<hbm>> -> memref<50x64xf32, #tpu.memory_space<hbm>>
    %dma_start3A_1138 = arith.constant 0 : i32
    %dma_start3A_1139 = tpu.memref_slice %arg4[%mul3A_1127, %dma_start3A_1138] : memref<917504x128xf32, #tpu.memory_space<hbm>> -> memref<50x64xf32, #tpu.memory_space<hbm>>
    %dma_start3A_1140 = arith.constant 0 : i32
    %dma_start3A_1141 = arith.constant 0 : i32
    %dma_start3A_1142 = tpu.memref_slice %arg6[%dma_start3A_1128, %dma_start3A_1140, %dma_start3A_1141] : memref<6x200x64xf32, #tpu.memory_space<vmem>> -> memref<1x200x64xf32, #tpu.memory_space<vmem>>
    %dma_start3A_1143 = tpu.memref_squeeze %dma_start3A_1142 : memref<1x200x64xf32, #tpu.memory_space<vmem>> -> memref<200x64xf32, #tpu.memory_space<vmem>>
    %dma_start3A_1144 = arith.constant 150 : i32
    %dma_start3A_1145 = arith.constant 0 : i32
    %dma_start3A_1146 = tpu.memref_slice %dma_start3A_1143[%dma_start3A_1144, %dma_start3A_1145] : memref<200x64xf32, #tpu.memory_space<vmem>> -> memref<50x64xf32, #tpu.memory_space<vmem>>
    tpu.enqueue_dma source(%dma_start3A_1146 : memref<50x64xf32, #tpu.memory_space<vmem>>) target(%dma_start3A_1139 : memref<50x64xf32, #tpu.memory_space<hbm>>) target_semaphore(%arg18 : memref<!tpu.dma_semaphore, #tpu.memory_space<semaphore_mem>>)
    %add3A_1147 = arith.constant 496 : i32
    %add3A_1148 = arith.addi %mul3A_2, %add3A_1147 : i32
    %add3A_1149 = arith.constant 0 : i32
    %add3A_1150 = arith.addi %add3A_1148, %add3A_1149 : i32
    %mul3A_1151 = arith.constant 56 : i32
    %mul3A_1152 = arith.muli %add3A_1150, %mul3A_1151 : i32
    %dma_wait3A_1153 = arith.constant 4 : i32
    %dma_wait3A_1154 = arith.constant 0 : i32
    %dma_wait3A_1155 = arith.constant 0 : i32
    %dma_wait3A_1156 = tpu.memref_slice %arg6[%dma_wait3A_1153, %dma_wait3A_1154, %dma_wait3A_1155] : memref<6x200x64xf32, #tpu.memory_space<vmem>> -> memref<1x200x64xf32, #tpu.memory_space<vmem>>
    %dma_wait3A_1157 = tpu.memref_squeeze %dma_wait3A_1156 : memref<1x200x64xf32, #tpu.memory_space<vmem>> -> memref<200x64xf32, #tpu.memory_space<vmem>>
    %dma_wait3A_1158 = arith.constant 0 : i32
    %dma_wait3A_1159 = arith.constant 0 : i32
    %dma_wait3A_1160 = tpu.memref_slice %dma_wait3A_1157[%dma_wait3A_1158, %dma_wait3A_1159] : memref<200x64xf32, #tpu.memory_space<vmem>> -> memref<50x64xf32, #tpu.memory_space<vmem>>
    %dma_wait3A_1161 = arith.constant 0 : i32
    %dma_wait3A_1162 = tpu.memref_slice %arg4[%mul3A_1152, %dma_wait3A_1161] : memref<917504x128xf32, #tpu.memory_space<hbm>> -> memref<50x64xf32, #tpu.memory_space<hbm>>
    %dma_wait3A_1163 = arith.constant 0 : i32
    %dma_wait3A_1164 = tpu.memref_slice %arg4[%mul3A_1152, %dma_wait3A_1163] : memref<917504x128xf32, #tpu.memory_space<hbm>> -> memref<50x64xf32, #tpu.memory_space<hbm>>
    %dma_wait3A_1165 = arith.constant 0 : i32
    %dma_wait3A_1166 = arith.constant 0 : i32
    %dma_wait3A_1167 = tpu.memref_slice %arg6[%dma_wait3A_1153, %dma_wait3A_1165, %dma_wait3A_1166] : memref<6x200x64xf32, #tpu.memory_space<vmem>> -> memref<1x200x64xf32, #tpu.memory_space<vmem>>
    %dma_wait3A_1168 = tpu.memref_squeeze %dma_wait3A_1167 : memref<1x200x64xf32, #tpu.memory_space<vmem>> -> memref<200x64xf32, #tpu.memory_space<vmem>>
    %dma_wait3A_1169 = arith.constant 0 : i32
    %dma_wait3A_1170 = arith.constant 0 : i32
    %dma_wait3A_1171 = tpu.memref_slice %dma_wait3A_1168[%dma_wait3A_1169, %dma_wait3A_1170] : memref<200x64xf32, #tpu.memory_space<vmem>> -> memref<50x64xf32, #tpu.memory_space<vmem>>
    tpu.wait_dma2 semaphore(%arg17 : memref<!tpu.dma_semaphore, #tpu.memory_space<semaphore_mem>>) src(%dma_wait3A_1171 : memref<50x64xf32, #tpu.memory_space<vmem>>) dst(%dma_wait3A_1164 : memref<50x64xf32, #tpu.memory_space<hbm>>)
    %add3A_1172 = arith.constant 496 : i32
    %add3A_1173 = arith.addi %mul3A_2, %add3A_1172 : i32
    %add3A_1174 = arith.constant 1 : i32
    %add3A_1175 = arith.addi %add3A_1173, %add3A_1174 : i32
    %mul3A_1176 = arith.constant 56 : i32
    %mul3A_1177 = arith.muli %add3A_1175, %mul3A_1176 : i32
    %dma_wait3A_1178 = arith.constant 4 : i32
    %dma_wait3A_1179 = arith.constant 0 : i32
    %dma_wait3A_1180 = arith.constant 0 : i32
    %dma_wait3A_1181 = tpu.memref_slice %arg6[%dma_wait3A_1178, %dma_wait3A_1179, %dma_wait3A_1180] : memref<6x200x64xf32, #tpu.memory_space<vmem>> -> memref<1x200x64xf32, #tpu.memory_space<vmem>>
    %dma_wait3A_1182 = tpu.memref_squeeze %dma_wait3A_1181 : memref<1x200x64xf32, #tpu.memory_space<vmem>> -> memref<200x64xf32, #tpu.memory_space<vmem>>
    %dma_wait3A_1183 = arith.constant 50 : i32
    %dma_wait3A_1184 = arith.constant 0 : i32
    %dma_wait3A_1185 = tpu.memref_slice %dma_wait3A_1182[%dma_wait3A_1183, %dma_wait3A_1184] : memref<200x64xf32, #tpu.memory_space<vmem>> -> memref<50x64xf32, #tpu.memory_space<vmem>>
    %dma_wait3A_1186 = arith.constant 0 : i32
    %dma_wait3A_1187 = tpu.memref_slice %arg4[%mul3A_1177, %dma_wait3A_1186] : memref<917504x128xf32, #tpu.memory_space<hbm>> -> memref<50x64xf32, #tpu.memory_space<hbm>>
    %dma_wait3A_1188 = arith.constant 0 : i32
    %dma_wait3A_1189 = tpu.memref_slice %arg4[%mul3A_1177, %dma_wait3A_1188] : memref<917504x128xf32, #tpu.memory_space<hbm>> -> memref<50x64xf32, #tpu.memory_space<hbm>>
    %dma_wait3A_1190 = arith.constant 0 : i32
    %dma_wait3A_1191 = arith.constant 0 : i32
    %dma_wait3A_1192 = tpu.memref_slice %arg6[%dma_wait3A_1178, %dma_wait3A_1190, %dma_wait3A_1191] : memref<6x200x64xf32, #tpu.memory_space<vmem>> -> memref<1x200x64xf32, #tpu.memory_space<vmem>>
    %dma_wait3A_1193 = tpu.memref_squeeze %dma_wait3A_1192 : memref<1x200x64xf32, #tpu.memory_space<vmem>> -> memref<200x64xf32, #tpu.memory_space<vmem>>
    %dma_wait3A_1194 = arith.constant 50 : i32
    %dma_wait3A_1195 = arith.constant 0 : i32
    %dma_wait3A_1196 = tpu.memref_slice %dma_wait3A_1193[%dma_wait3A_1194, %dma_wait3A_1195] : memref<200x64xf32, #tpu.memory_space<vmem>> -> memref<50x64xf32, #tpu.memory_space<vmem>>
    tpu.wait_dma2 semaphore(%arg17 : memref<!tpu.dma_semaphore, #tpu.memory_space<semaphore_mem>>) src(%dma_wait3A_1196 : memref<50x64xf32, #tpu.memory_space<vmem>>) dst(%dma_wait3A_1189 : memref<50x64xf32, #tpu.memory_space<hbm>>)
    %add3A_1197 = arith.constant 496 : i32
    %add3A_1198 = arith.addi %mul3A_2, %add3A_1197 : i32
    %add3A_1199 = arith.constant 2 : i32
    %add3A_1200 = arith.addi %add3A_1198, %add3A_1199 : i32
    %mul3A_1201 = arith.constant 56 : i32
    %mul3A_1202 = arith.muli %add3A_1200, %mul3A_1201 : i32
    %dma_wait3A_1203 = arith.constant 4 : i32
    %dma_wait3A_1204 = arith.constant 0 : i32
    %dma_wait3A_1205 = arith.constant 0 : i32
    %dma_wait3A_1206 = tpu.memref_slice %arg6[%dma_wait3A_1203, %dma_wait3A_1204, %dma_wait3A_1205] : memref<6x200x64xf32, #tpu.memory_space<vmem>> -> memref<1x200x64xf32, #tpu.memory_space<vmem>>
    %dma_wait3A_1207 = tpu.memref_squeeze %dma_wait3A_1206 : memref<1x200x64xf32, #tpu.memory_space<vmem>> -> memref<200x64xf32, #tpu.memory_space<vmem>>
    %dma_wait3A_1208 = arith.constant 100 : i32
    %dma_wait3A_1209 = arith.constant 0 : i32
    %dma_wait3A_1210 = tpu.memref_slice %dma_wait3A_1207[%dma_wait3A_1208, %dma_wait3A_1209] : memref<200x64xf32, #tpu.memory_space<vmem>> -> memref<50x64xf32, #tpu.memory_space<vmem>>
    %dma_wait3A_1211 = arith.constant 0 : i32
    %dma_wait3A_1212 = tpu.memref_slice %arg4[%mul3A_1202, %dma_wait3A_1211] : memref<917504x128xf32, #tpu.memory_space<hbm>> -> memref<50x64xf32, #tpu.memory_space<hbm>>
    %dma_wait3A_1213 = arith.constant 0 : i32
    %dma_wait3A_1214 = tpu.memref_slice %arg4[%mul3A_1202, %dma_wait3A_1213] : memref<917504x128xf32, #tpu.memory_space<hbm>> -> memref<50x64xf32, #tpu.memory_space<hbm>>
    %dma_wait3A_1215 = arith.constant 0 : i32
    %dma_wait3A_1216 = arith.constant 0 : i32
    %dma_wait3A_1217 = tpu.memref_slice %arg6[%dma_wait3A_1203, %dma_wait3A_1215, %dma_wait3A_1216] : memref<6x200x64xf32, #tpu.memory_space<vmem>> -> memref<1x200x64xf32, #tpu.memory_space<vmem>>
    %dma_wait3A_1218 = tpu.memref_squeeze %dma_wait3A_1217 : memref<1x200x64xf32, #tpu.memory_space<vmem>> -> memref<200x64xf32, #tpu.memory_space<vmem>>
    %dma_wait3A_1219 = arith.constant 100 : i32
    %dma_wait3A_1220 = arith.constant 0 : i32
    %dma_wait3A_1221 = tpu.memref_slice %dma_wait3A_1218[%dma_wait3A_1219, %dma_wait3A_1220] : memref<200x64xf32, #tpu.memory_space<vmem>> -> memref<50x64xf32, #tpu.memory_space<vmem>>
    tpu.wait_dma2 semaphore(%arg17 : memref<!tpu.dma_semaphore, #tpu.memory_space<semaphore_mem>>) src(%dma_wait3A_1221 : memref<50x64xf32, #tpu.memory_space<vmem>>) dst(%dma_wait3A_1214 : memref<50x64xf32, #tpu.memory_space<hbm>>)
    %add3A_1222 = arith.constant 496 : i32
    %add3A_1223 = arith.addi %mul3A_2, %add3A_1222 : i32
    %add3A_1224 = arith.constant 3 : i32
    %add3A_1225 = arith.addi %add3A_1223, %add3A_1224 : i32
    %mul3A_1226 = arith.constant 56 : i32
    %mul3A_1227 = arith.muli %add3A_1225, %mul3A_1226 : i32
    %dma_wait3A_1228 = arith.constant 4 : i32
    %dma_wait3A_1229 = arith.constant 0 : i32
    %dma_wait3A_1230 = arith.constant 0 : i32
    %dma_wait3A_1231 = tpu.memref_slice %arg6[%dma_wait3A_1228, %dma_wait3A_1229, %dma_wait3A_1230] : memref<6x200x64xf32, #tpu.memory_space<vmem>> -> memref<1x200x64xf32, #tpu.memory_space<vmem>>
    %dma_wait3A_1232 = tpu.memref_squeeze %dma_wait3A_1231 : memref<1x200x64xf32, #tpu.memory_space<vmem>> -> memref<200x64xf32, #tpu.memory_space<vmem>>
    %dma_wait3A_1233 = arith.constant 150 : i32
    %dma_wait3A_1234 = arith.constant 0 : i32
    %dma_wait3A_1235 = tpu.memref_slice %dma_wait3A_1232[%dma_wait3A_1233, %dma_wait3A_1234] : memref<200x64xf32, #tpu.memory_space<vmem>> -> memref<50x64xf32, #tpu.memory_space<vmem>>
    %dma_wait3A_1236 = arith.constant 0 : i32
    %dma_wait3A_1237 = tpu.memref_slice %arg4[%mul3A_1227, %dma_wait3A_1236] : memref<917504x128xf32, #tpu.memory_space<hbm>> -> memref<50x64xf32, #tpu.memory_space<hbm>>
    %dma_wait3A_1238 = arith.constant 0 : i32
    %dma_wait3A_1239 = tpu.memref_slice %arg4[%mul3A_1227, %dma_wait3A_1238] : memref<917504x128xf32, #tpu.memory_space<hbm>> -> memref<50x64xf32, #tpu.memory_space<hbm>>
    %dma_wait3A_1240 = arith.constant 0 : i32
    %dma_wait3A_1241 = arith.constant 0 : i32
    %dma_wait3A_1242 = tpu.memref_slice %arg6[%dma_wait3A_1228, %dma_wait3A_1240, %dma_wait3A_1241] : memref<6x200x64xf32, #tpu.memory_space<vmem>> -> memref<1x200x64xf32, #tpu.memory_space<vmem>>
    %dma_wait3A_1243 = tpu.memref_squeeze %dma_wait3A_1242 : memref<1x200x64xf32, #tpu.memory_space<vmem>> -> memref<200x64xf32, #tpu.memory_space<vmem>>
    %dma_wait3A_1244 = arith.constant 150 : i32
    %dma_wait3A_1245 = arith.constant 0 : i32
    %dma_wait3A_1246 = tpu.memref_slice %dma_wait3A_1243[%dma_wait3A_1244, %dma_wait3A_1245] : memref<200x64xf32, #tpu.memory_space<vmem>> -> memref<50x64xf32, #tpu.memory_space<vmem>>
    tpu.wait_dma2 semaphore(%arg17 : memref<!tpu.dma_semaphore, #tpu.memory_space<semaphore_mem>>) src(%dma_wait3A_1246 : memref<50x64xf32, #tpu.memory_space<vmem>>) dst(%dma_wait3A_1239 : memref<50x64xf32, #tpu.memory_space<hbm>>)
    %dma_wait3A_1247 = arith.constant 0 : i32
    %dma_wait3A_1248 = arith.constant 0 : i32
    %dma_wait3A_1249 = arith.constant 0 : i32
    %dma_wait3A_1250 = tpu.memref_slice %arg6[%dma_wait3A_1247, %dma_wait3A_1248, %dma_wait3A_1249] : memref<6x200x64xf32, #tpu.memory_space<vmem>> -> memref<1x200x64xf32, #tpu.memory_space<vmem>>
    %dma_wait3A_1251 = tpu.memref_squeeze %dma_wait3A_1250 : memref<1x200x64xf32, #tpu.memory_space<vmem>> -> memref<200x64xf32, #tpu.memory_space<vmem>>
    %dma_wait3A_1252 = arith.constant 25200 : i32
    %dma_wait3A_1253 = tpu.memref_slice %arg5[%dma_wait3A_1252] : memref<25600xi32, #tpu.memory_space<vmem>> -> memref<200xi32, #tpu.memory_space<vmem>>
    %dma_wait3A_1254 = arith.constant 0 : i32
    %dma_wait3A_1255 = arith.constant 0 : i32
    %dma_wait3A_1256 = tpu.memref_slice %arg3[%dma_wait3A_1254, %dma_wait3A_1255] : memref<1000000x64xf32, #tpu.memory_space<hbm>> -> memref<1000000x64xf32, #tpu.memory_space<hbm>>
    tpu.wait_indirect_dma semaphore(%arg7 : memref<!tpu.dma_semaphore, #tpu.memory_space<semaphore_mem>>) src(%dma_wait3A_1256 : memref<1000000x64xf32, #tpu.memory_space<hbm>>) dst(%dma_wait3A_1251 : memref<200x64xf32, #tpu.memory_space<vmem>>)
    %add3A_1257 = arith.constant 504 : i32
    %add3A_1258 = arith.addi %mul3A_2, %add3A_1257 : i32
    %add3A_1259 = arith.constant 0 : i32
    %add3A_1260 = arith.addi %add3A_1258, %add3A_1259 : i32
    %mul3A_1261 = arith.constant 56 : i32
    %mul3A_1262 = arith.muli %add3A_1260, %mul3A_1261 : i32
    %dma_start3A_1263 = arith.constant 0 : i32
    %dma_start3A_1264 = arith.constant 0 : i32
    %dma_start3A_1265 = arith.constant 0 : i32
    %dma_start3A_1266 = tpu.memref_slice %arg6[%dma_start3A_1263, %dma_start3A_1264, %dma_start3A_1265] : memref<6x200x64xf32, #tpu.memory_space<vmem>> -> memref<1x200x64xf32, #tpu.memory_space<vmem>>
    %dma_start3A_1267 = tpu.memref_squeeze %dma_start3A_1266 : memref<1x200x64xf32, #tpu.memory_space<vmem>> -> memref<200x64xf32, #tpu.memory_space<vmem>>
    %dma_start3A_1268 = arith.constant 0 : i32
    %dma_start3A_1269 = arith.constant 0 : i32
    %dma_start3A_1270 = tpu.memref_slice %dma_start3A_1267[%dma_start3A_1268, %dma_start3A_1269] : memref<200x64xf32, #tpu.memory_space<vmem>> -> memref<50x64xf32, #tpu.memory_space<vmem>>
    %dma_start3A_1271 = arith.constant 0 : i32
    %dma_start3A_1272 = tpu.memref_slice %arg4[%mul3A_1262, %dma_start3A_1271] : memref<917504x128xf32, #tpu.memory_space<hbm>> -> memref<50x64xf32, #tpu.memory_space<hbm>>
    %dma_start3A_1273 = arith.constant 0 : i32
    %dma_start3A_1274 = tpu.memref_slice %arg4[%mul3A_1262, %dma_start3A_1273] : memref<917504x128xf32, #tpu.memory_space<hbm>> -> memref<50x64xf32, #tpu.memory_space<hbm>>
    %dma_start3A_1275 = arith.constant 0 : i32
    %dma_start3A_1276 = arith.constant 0 : i32
    %dma_start3A_1277 = tpu.memref_slice %arg6[%dma_start3A_1263, %dma_start3A_1275, %dma_start3A_1276] : memref<6x200x64xf32, #tpu.memory_space<vmem>> -> memref<1x200x64xf32, #tpu.memory_space<vmem>>
    %dma_start3A_1278 = tpu.memref_squeeze %dma_start3A_1277 : memref<1x200x64xf32, #tpu.memory_space<vmem>> -> memref<200x64xf32, #tpu.memory_space<vmem>>
    %dma_start3A_1279 = arith.constant 0 : i32
    %dma_start3A_1280 = arith.constant 0 : i32
    %dma_start3A_1281 = tpu.memref_slice %dma_start3A_1278[%dma_start3A_1279, %dma_start3A_1280] : memref<200x64xf32, #tpu.memory_space<vmem>> -> memref<50x64xf32, #tpu.memory_space<vmem>>
    tpu.enqueue_dma source(%dma_start3A_1281 : memref<50x64xf32, #tpu.memory_space<vmem>>) target(%dma_start3A_1274 : memref<50x64xf32, #tpu.memory_space<hbm>>) target_semaphore(%arg13 : memref<!tpu.dma_semaphore, #tpu.memory_space<semaphore_mem>>)
    %add3A_1282 = arith.constant 504 : i32
    %add3A_1283 = arith.addi %mul3A_2, %add3A_1282 : i32
    %add3A_1284 = arith.constant 1 : i32
    %add3A_1285 = arith.addi %add3A_1283, %add3A_1284 : i32
    %mul3A_1286 = arith.constant 56 : i32
    %mul3A_1287 = arith.muli %add3A_1285, %mul3A_1286 : i32
    %dma_start3A_1288 = arith.constant 0 : i32
    %dma_start3A_1289 = arith.constant 0 : i32
    %dma_start3A_1290 = arith.constant 0 : i32
    %dma_start3A_1291 = tpu.memref_slice %arg6[%dma_start3A_1288, %dma_start3A_1289, %dma_start3A_1290] : memref<6x200x64xf32, #tpu.memory_space<vmem>> -> memref<1x200x64xf32, #tpu.memory_space<vmem>>
    %dma_start3A_1292 = tpu.memref_squeeze %dma_start3A_1291 : memref<1x200x64xf32, #tpu.memory_space<vmem>> -> memref<200x64xf32, #tpu.memory_space<vmem>>
    %dma_start3A_1293 = arith.constant 50 : i32
    %dma_start3A_1294 = arith.constant 0 : i32
    %dma_start3A_1295 = tpu.memref_slice %dma_start3A_1292[%dma_start3A_1293, %dma_start3A_1294] : memref<200x64xf32, #tpu.memory_space<vmem>> -> memref<50x64xf32, #tpu.memory_space<vmem>>
    %dma_start3A_1296 = arith.constant 0 : i32
    %dma_start3A_1297 = tpu.memref_slice %arg4[%mul3A_1287, %dma_start3A_1296] : memref<917504x128xf32, #tpu.memory_space<hbm>> -> memref<50x64xf32, #tpu.memory_space<hbm>>
    %dma_start3A_1298 = arith.constant 0 : i32
    %dma_start3A_1299 = tpu.memref_slice %arg4[%mul3A_1287, %dma_start3A_1298] : memref<917504x128xf32, #tpu.memory_space<hbm>> -> memref<50x64xf32, #tpu.memory_space<hbm>>
    %dma_start3A_1300 = arith.constant 0 : i32
    %dma_start3A_1301 = arith.constant 0 : i32
    %dma_start3A_1302 = tpu.memref_slice %arg6[%dma_start3A_1288, %dma_start3A_1300, %dma_start3A_1301] : memref<6x200x64xf32, #tpu.memory_space<vmem>> -> memref<1x200x64xf32, #tpu.memory_space<vmem>>
    %dma_start3A_1303 = tpu.memref_squeeze %dma_start3A_1302 : memref<1x200x64xf32, #tpu.memory_space<vmem>> -> memref<200x64xf32, #tpu.memory_space<vmem>>
    %dma_start3A_1304 = arith.constant 50 : i32
    %dma_start3A_1305 = arith.constant 0 : i32
    %dma_start3A_1306 = tpu.memref_slice %dma_start3A_1303[%dma_start3A_1304, %dma_start3A_1305] : memref<200x64xf32, #tpu.memory_space<vmem>> -> memref<50x64xf32, #tpu.memory_space<vmem>>
    tpu.enqueue_dma source(%dma_start3A_1306 : memref<50x64xf32, #tpu.memory_space<vmem>>) target(%dma_start3A_1299 : memref<50x64xf32, #tpu.memory_space<hbm>>) target_semaphore(%arg13 : memref<!tpu.dma_semaphore, #tpu.memory_space<semaphore_mem>>)
    %add3A_1307 = arith.constant 504 : i32
    %add3A_1308 = arith.addi %mul3A_2, %add3A_1307 : i32
    %add3A_1309 = arith.constant 2 : i32
    %add3A_1310 = arith.addi %add3A_1308, %add3A_1309 : i32
    %mul3A_1311 = arith.constant 56 : i32
    %mul3A_1312 = arith.muli %add3A_1310, %mul3A_1311 : i32
    %dma_start3A_1313 = arith.constant 0 : i32
    %dma_start3A_1314 = arith.constant 0 : i32
    %dma_start3A_1315 = arith.constant 0 : i32
    %dma_start3A_1316 = tpu.memref_slice %arg6[%dma_start3A_1313, %dma_start3A_1314, %dma_start3A_1315] : memref<6x200x64xf32, #tpu.memory_space<vmem>> -> memref<1x200x64xf32, #tpu.memory_space<vmem>>
    %dma_start3A_1317 = tpu.memref_squeeze %dma_start3A_1316 : memref<1x200x64xf32, #tpu.memory_space<vmem>> -> memref<200x64xf32, #tpu.memory_space<vmem>>
    %dma_start3A_1318 = arith.constant 100 : i32
    %dma_start3A_1319 = arith.constant 0 : i32
    %dma_start3A_1320 = tpu.memref_slice %dma_start3A_1317[%dma_start3A_1318, %dma_start3A_1319] : memref<200x64xf32, #tpu.memory_space<vmem>> -> memref<50x64xf32, #tpu.memory_space<vmem>>
    %dma_start3A_1321 = arith.constant 0 : i32
    %dma_start3A_1322 = tpu.memref_slice %arg4[%mul3A_1312, %dma_start3A_1321] : memref<917504x128xf32, #tpu.memory_space<hbm>> -> memref<50x64xf32, #tpu.memory_space<hbm>>
    %dma_start3A_1323 = arith.constant 0 : i32
    %dma_start3A_1324 = tpu.memref_slice %arg4[%mul3A_1312, %dma_start3A_1323] : memref<917504x128xf32, #tpu.memory_space<hbm>> -> memref<50x64xf32, #tpu.memory_space<hbm>>
    %dma_start3A_1325 = arith.constant 0 : i32
    %dma_start3A_1326 = arith.constant 0 : i32
    %dma_start3A_1327 = tpu.memref_slice %arg6[%dma_start3A_1313, %dma_start3A_1325, %dma_start3A_1326] : memref<6x200x64xf32, #tpu.memory_space<vmem>> -> memref<1x200x64xf32, #tpu.memory_space<vmem>>
    %dma_start3A_1328 = tpu.memref_squeeze %dma_start3A_1327 : memref<1x200x64xf32, #tpu.memory_space<vmem>> -> memref<200x64xf32, #tpu.memory_space<vmem>>
    %dma_start3A_1329 = arith.constant 100 : i32
    %dma_start3A_1330 = arith.constant 0 : i32
    %dma_start3A_1331 = tpu.memref_slice %dma_start3A_1328[%dma_start3A_1329, %dma_start3A_1330] : memref<200x64xf32, #tpu.memory_space<vmem>> -> memref<50x64xf32, #tpu.memory_space<vmem>>
    tpu.enqueue_dma source(%dma_start3A_1331 : memref<50x64xf32, #tpu.memory_space<vmem>>) target(%dma_start3A_1324 : memref<50x64xf32, #tpu.memory_space<hbm>>) target_semaphore(%arg13 : memref<!tpu.dma_semaphore, #tpu.memory_space<semaphore_mem>>)
    %add3A_1332 = arith.constant 504 : i32
    %add3A_1333 = arith.addi %mul3A_2, %add3A_1332 : i32
    %add3A_1334 = arith.constant 3 : i32
    %add3A_1335 = arith.addi %add3A_1333, %add3A_1334 : i32
    %mul3A_1336 = arith.constant 56 : i32
    %mul3A_1337 = arith.muli %add3A_1335, %mul3A_1336 : i32
    %dma_start3A_1338 = arith.constant 0 : i32
    %dma_start3A_1339 = arith.constant 0 : i32
    %dma_start3A_1340 = arith.constant 0 : i32
    %dma_start3A_1341 = tpu.memref_slice %arg6[%dma_start3A_1338, %dma_start3A_1339, %dma_start3A_1340] : memref<6x200x64xf32, #tpu.memory_space<vmem>> -> memref<1x200x64xf32, #tpu.memory_space<vmem>>
    %dma_start3A_1342 = tpu.memref_squeeze %dma_start3A_1341 : memref<1x200x64xf32, #tpu.memory_space<vmem>> -> memref<200x64xf32, #tpu.memory_space<vmem>>
    %dma_start3A_1343 = arith.constant 150 : i32
    %dma_start3A_1344 = arith.constant 0 : i32
    %dma_start3A_1345 = tpu.memref_slice %dma_start3A_1342[%dma_start3A_1343, %dma_start3A_1344] : memref<200x64xf32, #tpu.memory_space<vmem>> -> memref<50x64xf32, #tpu.memory_space<vmem>>
    %dma_start3A_1346 = arith.constant 0 : i32
    %dma_start3A_1347 = tpu.memref_slice %arg4[%mul3A_1337, %dma_start3A_1346] : memref<917504x128xf32, #tpu.memory_space<hbm>> -> memref<50x64xf32, #tpu.memory_space<hbm>>
    %dma_start3A_1348 = arith.constant 0 : i32
    %dma_start3A_1349 = tpu.memref_slice %arg4[%mul3A_1337, %dma_start3A_1348] : memref<917504x128xf32, #tpu.memory_space<hbm>> -> memref<50x64xf32, #tpu.memory_space<hbm>>
    %dma_start3A_1350 = arith.constant 0 : i32
    %dma_start3A_1351 = arith.constant 0 : i32
    %dma_start3A_1352 = tpu.memref_slice %arg6[%dma_start3A_1338, %dma_start3A_1350, %dma_start3A_1351] : memref<6x200x64xf32, #tpu.memory_space<vmem>> -> memref<1x200x64xf32, #tpu.memory_space<vmem>>
    %dma_start3A_1353 = tpu.memref_squeeze %dma_start3A_1352 : memref<1x200x64xf32, #tpu.memory_space<vmem>> -> memref<200x64xf32, #tpu.memory_space<vmem>>
    %dma_start3A_1354 = arith.constant 150 : i32
    %dma_start3A_1355 = arith.constant 0 : i32
    %dma_start3A_1356 = tpu.memref_slice %dma_start3A_1353[%dma_start3A_1354, %dma_start3A_1355] : memref<200x64xf32, #tpu.memory_space<vmem>> -> memref<50x64xf32, #tpu.memory_space<vmem>>
    tpu.enqueue_dma source(%dma_start3A_1356 : memref<50x64xf32, #tpu.memory_space<vmem>>) target(%dma_start3A_1349 : memref<50x64xf32, #tpu.memory_space<hbm>>) target_semaphore(%arg13 : memref<!tpu.dma_semaphore, #tpu.memory_space<semaphore_mem>>)
    %add3A_1357 = arith.constant 500 : i32
    %add3A_1358 = arith.addi %mul3A_2, %add3A_1357 : i32
    %add3A_1359 = arith.constant 0 : i32
    %add3A_1360 = arith.addi %add3A_1358, %add3A_1359 : i32
    %mul3A_1361 = arith.constant 56 : i32
    %mul3A_1362 = arith.muli %add3A_1360, %mul3A_1361 : i32
    %dma_wait3A_1363 = arith.constant 5 : i32
    %dma_wait3A_1364 = arith.constant 0 : i32
    %dma_wait3A_1365 = arith.constant 0 : i32
    %dma_wait3A_1366 = tpu.memref_slice %arg6[%dma_wait3A_1363, %dma_wait3A_1364, %dma_wait3A_1365] : memref<6x200x64xf32, #tpu.memory_space<vmem>> -> memref<1x200x64xf32, #tpu.memory_space<vmem>>
    %dma_wait3A_1367 = tpu.memref_squeeze %dma_wait3A_1366 : memref<1x200x64xf32, #tpu.memory_space<vmem>> -> memref<200x64xf32, #tpu.memory_space<vmem>>
    %dma_wait3A_1368 = arith.constant 0 : i32
    %dma_wait3A_1369 = arith.constant 0 : i32
    %dma_wait3A_1370 = tpu.memref_slice %dma_wait3A_1367[%dma_wait3A_1368, %dma_wait3A_1369] : memref<200x64xf32, #tpu.memory_space<vmem>> -> memref<50x64xf32, #tpu.memory_space<vmem>>
    %dma_wait3A_1371 = arith.constant 0 : i32
    %dma_wait3A_1372 = tpu.memref_slice %arg4[%mul3A_1362, %dma_wait3A_1371] : memref<917504x128xf32, #tpu.memory_space<hbm>> -> memref<50x64xf32, #tpu.memory_space<hbm>>
    %dma_wait3A_1373 = arith.constant 0 : i32
    %dma_wait3A_1374 = tpu.memref_slice %arg4[%mul3A_1362, %dma_wait3A_1373] : memref<917504x128xf32, #tpu.memory_space<hbm>> -> memref<50x64xf32, #tpu.memory_space<hbm>>
    %dma_wait3A_1375 = arith.constant 0 : i32
    %dma_wait3A_1376 = arith.constant 0 : i32
    %dma_wait3A_1377 = tpu.memref_slice %arg6[%dma_wait3A_1363, %dma_wait3A_1375, %dma_wait3A_1376] : memref<6x200x64xf32, #tpu.memory_space<vmem>> -> memref<1x200x64xf32, #tpu.memory_space<vmem>>
    %dma_wait3A_1378 = tpu.memref_squeeze %dma_wait3A_1377 : memref<1x200x64xf32, #tpu.memory_space<vmem>> -> memref<200x64xf32, #tpu.memory_space<vmem>>
    %dma_wait3A_1379 = arith.constant 0 : i32
    %dma_wait3A_1380 = arith.constant 0 : i32
    %dma_wait3A_1381 = tpu.memref_slice %dma_wait3A_1378[%dma_wait3A_1379, %dma_wait3A_1380] : memref<200x64xf32, #tpu.memory_space<vmem>> -> memref<50x64xf32, #tpu.memory_space<vmem>>
    tpu.wait_dma2 semaphore(%arg18 : memref<!tpu.dma_semaphore, #tpu.memory_space<semaphore_mem>>) src(%dma_wait3A_1381 : memref<50x64xf32, #tpu.memory_space<vmem>>) dst(%dma_wait3A_1374 : memref<50x64xf32, #tpu.memory_space<hbm>>)
    %add3A_1382 = arith.constant 500 : i32
    %add3A_1383 = arith.addi %mul3A_2, %add3A_1382 : i32
    %add3A_1384 = arith.constant 1 : i32
    %add3A_1385 = arith.addi %add3A_1383, %add3A_1384 : i32
    %mul3A_1386 = arith.constant 56 : i32
    %mul3A_1387 = arith.muli %add3A_1385, %mul3A_1386 : i32
    %dma_wait3A_1388 = arith.constant 5 : i32
    %dma_wait3A_1389 = arith.constant 0 : i32
    %dma_wait3A_1390 = arith.constant 0 : i32
    %dma_wait3A_1391 = tpu.memref_slice %arg6[%dma_wait3A_1388, %dma_wait3A_1389, %dma_wait3A_1390] : memref<6x200x64xf32, #tpu.memory_space<vmem>> -> memref<1x200x64xf32, #tpu.memory_space<vmem>>
    %dma_wait3A_1392 = tpu.memref_squeeze %dma_wait3A_1391 : memref<1x200x64xf32, #tpu.memory_space<vmem>> -> memref<200x64xf32, #tpu.memory_space<vmem>>
    %dma_wait3A_1393 = arith.constant 50 : i32
    %dma_wait3A_1394 = arith.constant 0 : i32
    %dma_wait3A_1395 = tpu.memref_slice %dma_wait3A_1392[%dma_wait3A_1393, %dma_wait3A_1394] : memref<200x64xf32, #tpu.memory_space<vmem>> -> memref<50x64xf32, #tpu.memory_space<vmem>>
    %dma_wait3A_1396 = arith.constant 0 : i32
    %dma_wait3A_1397 = tpu.memref_slice %arg4[%mul3A_1387, %dma_wait3A_1396] : memref<917504x128xf32, #tpu.memory_space<hbm>> -> memref<50x64xf32, #tpu.memory_space<hbm>>
    %dma_wait3A_1398 = arith.constant 0 : i32
    %dma_wait3A_1399 = tpu.memref_slice %arg4[%mul3A_1387, %dma_wait3A_1398] : memref<917504x128xf32, #tpu.memory_space<hbm>> -> memref<50x64xf32, #tpu.memory_space<hbm>>
    %dma_wait3A_1400 = arith.constant 0 : i32
    %dma_wait3A_1401 = arith.constant 0 : i32
    %dma_wait3A_1402 = tpu.memref_slice %arg6[%dma_wait3A_1388, %dma_wait3A_1400, %dma_wait3A_1401] : memref<6x200x64xf32, #tpu.memory_space<vmem>> -> memref<1x200x64xf32, #tpu.memory_space<vmem>>
    %dma_wait3A_1403 = tpu.memref_squeeze %dma_wait3A_1402 : memref<1x200x64xf32, #tpu.memory_space<vmem>> -> memref<200x64xf32, #tpu.memory_space<vmem>>
    %dma_wait3A_1404 = arith.constant 50 : i32
    %dma_wait3A_1405 = arith.constant 0 : i32
    %dma_wait3A_1406 = tpu.memref_slice %dma_wait3A_1403[%dma_wait3A_1404, %dma_wait3A_1405] : memref<200x64xf32, #tpu.memory_space<vmem>> -> memref<50x64xf32, #tpu.memory_space<vmem>>
    tpu.wait_dma2 semaphore(%arg18 : memref<!tpu.dma_semaphore, #tpu.memory_space<semaphore_mem>>) src(%dma_wait3A_1406 : memref<50x64xf32, #tpu.memory_space<vmem>>) dst(%dma_wait3A_1399 : memref<50x64xf32, #tpu.memory_space<hbm>>)
    %add3A_1407 = arith.constant 500 : i32
    %add3A_1408 = arith.addi %mul3A_2, %add3A_1407 : i32
    %add3A_1409 = arith.constant 2 : i32
    %add3A_1410 = arith.addi %add3A_1408, %add3A_1409 : i32
    %mul3A_1411 = arith.constant 56 : i32
    %mul3A_1412 = arith.muli %add3A_1410, %mul3A_1411 : i32
    %dma_wait3A_1413 = arith.constant 5 : i32
    %dma_wait3A_1414 = arith.constant 0 : i32
    %dma_wait3A_1415 = arith.constant 0 : i32
    %dma_wait3A_1416 = tpu.memref_slice %arg6[%dma_wait3A_1413, %dma_wait3A_1414, %dma_wait3A_1415] : memref<6x200x64xf32, #tpu.memory_space<vmem>> -> memref<1x200x64xf32, #tpu.memory_space<vmem>>
    %dma_wait3A_1417 = tpu.memref_squeeze %dma_wait3A_1416 : memref<1x200x64xf32, #tpu.memory_space<vmem>> -> memref<200x64xf32, #tpu.memory_space<vmem>>
    %dma_wait3A_1418 = arith.constant 100 : i32
    %dma_wait3A_1419 = arith.constant 0 : i32
    %dma_wait3A_1420 = tpu.memref_slice %dma_wait3A_1417[%dma_wait3A_1418, %dma_wait3A_1419] : memref<200x64xf32, #tpu.memory_space<vmem>> -> memref<50x64xf32, #tpu.memory_space<vmem>>
    %dma_wait3A_1421 = arith.constant 0 : i32
    %dma_wait3A_1422 = tpu.memref_slice %arg4[%mul3A_1412, %dma_wait3A_1421] : memref<917504x128xf32, #tpu.memory_space<hbm>> -> memref<50x64xf32, #tpu.memory_space<hbm>>
    %dma_wait3A_1423 = arith.constant 0 : i32
    %dma_wait3A_1424 = tpu.memref_slice %arg4[%mul3A_1412, %dma_wait3A_1423] : memref<917504x128xf32, #tpu.memory_space<hbm>> -> memref<50x64xf32, #tpu.memory_space<hbm>>
    %dma_wait3A_1425 = arith.constant 0 : i32
    %dma_wait3A_1426 = arith.constant 0 : i32
    %dma_wait3A_1427 = tpu.memref_slice %arg6[%dma_wait3A_1413, %dma_wait3A_1425, %dma_wait3A_1426] : memref<6x200x64xf32, #tpu.memory_space<vmem>> -> memref<1x200x64xf32, #tpu.memory_space<vmem>>
    %dma_wait3A_1428 = tpu.memref_squeeze %dma_wait3A_1427 : memref<1x200x64xf32, #tpu.memory_space<vmem>> -> memref<200x64xf32, #tpu.memory_space<vmem>>
    %dma_wait3A_1429 = arith.constant 100 : i32
    %dma_wait3A_1430 = arith.constant 0 : i32
    %dma_wait3A_1431 = tpu.memref_slice %dma_wait3A_1428[%dma_wait3A_1429, %dma_wait3A_1430] : memref<200x64xf32, #tpu.memory_space<vmem>> -> memref<50x64xf32, #tpu.memory_space<vmem>>
    tpu.wait_dma2 semaphore(%arg18 : memref<!tpu.dma_semaphore, #tpu.memory_space<semaphore_mem>>) src(%dma_wait3A_1431 : memref<50x64xf32, #tpu.memory_space<vmem>>) dst(%dma_wait3A_1424 : memref<50x64xf32, #tpu.memory_space<hbm>>)
    %add3A_1432 = arith.constant 500 : i32
    %add3A_1433 = arith.addi %mul3A_2, %add3A_1432 : i32
    %add3A_1434 = arith.constant 3 : i32
    %add3A_1435 = arith.addi %add3A_1433, %add3A_1434 : i32
    %mul3A_1436 = arith.constant 56 : i32
    %mul3A_1437 = arith.muli %add3A_1435, %mul3A_1436 : i32
    %dma_wait3A_1438 = arith.constant 5 : i32
    %dma_wait3A_1439 = arith.constant 0 : i32
    %dma_wait3A_1440 = arith.constant 0 : i32
    %dma_wait3A_1441 = tpu.memref_slice %arg6[%dma_wait3A_1438, %dma_wait3A_1439, %dma_wait3A_1440] : memref<6x200x64xf32, #tpu.memory_space<vmem>> -> memref<1x200x64xf32, #tpu.memory_space<vmem>>
    %dma_wait3A_1442 = tpu.memref_squeeze %dma_wait3A_1441 : memref<1x200x64xf32, #tpu.memory_space<vmem>> -> memref<200x64xf32, #tpu.memory_space<vmem>>
    %dma_wait3A_1443 = arith.constant 150 : i32
    %dma_wait3A_1444 = arith.constant 0 : i32
    %dma_wait3A_1445 = tpu.memref_slice %dma_wait3A_1442[%dma_wait3A_1443, %dma_wait3A_1444] : memref<200x64xf32, #tpu.memory_space<vmem>> -> memref<50x64xf32, #tpu.memory_space<vmem>>
    %dma_wait3A_1446 = arith.constant 0 : i32
    %dma_wait3A_1447 = tpu.memref_slice %arg4[%mul3A_1437, %dma_wait3A_1446] : memref<917504x128xf32, #tpu.memory_space<hbm>> -> memref<50x64xf32, #tpu.memory_space<hbm>>
    %dma_wait3A_1448 = arith.constant 0 : i32
    %dma_wait3A_1449 = tpu.memref_slice %arg4[%mul3A_1437, %dma_wait3A_1448] : memref<917504x128xf32, #tpu.memory_space<hbm>> -> memref<50x64xf32, #tpu.memory_space<hbm>>
    %dma_wait3A_1450 = arith.constant 0 : i32
    %dma_wait3A_1451 = arith.constant 0 : i32
    %dma_wait3A_1452 = tpu.memref_slice %arg6[%dma_wait3A_1438, %dma_wait3A_1450, %dma_wait3A_1451] : memref<6x200x64xf32, #tpu.memory_space<vmem>> -> memref<1x200x64xf32, #tpu.memory_space<vmem>>
    %dma_wait3A_1453 = tpu.memref_squeeze %dma_wait3A_1452 : memref<1x200x64xf32, #tpu.memory_space<vmem>> -> memref<200x64xf32, #tpu.memory_space<vmem>>
    %dma_wait3A_1454 = arith.constant 150 : i32
    %dma_wait3A_1455 = arith.constant 0 : i32
    %dma_wait3A_1456 = tpu.memref_slice %dma_wait3A_1453[%dma_wait3A_1454, %dma_wait3A_1455] : memref<200x64xf32, #tpu.memory_space<vmem>> -> memref<50x64xf32, #tpu.memory_space<vmem>>
    tpu.wait_dma2 semaphore(%arg18 : memref<!tpu.dma_semaphore, #tpu.memory_space<semaphore_mem>>) src(%dma_wait3A_1456 : memref<50x64xf32, #tpu.memory_space<vmem>>) dst(%dma_wait3A_1449 : memref<50x64xf32, #tpu.memory_space<hbm>>)
    %dma_wait3A_1457 = arith.constant 1 : i32
    %dma_wait3A_1458 = arith.constant 0 : i32
    %dma_wait3A_1459 = arith.constant 0 : i32
    %dma_wait3A_1460 = tpu.memref_slice %arg6[%dma_wait3A_1457, %dma_wait3A_1458, %dma_wait3A_1459] : memref<6x200x64xf32, #tpu.memory_space<vmem>> -> memref<1x200x64xf32, #tpu.memory_space<vmem>>
    %dma_wait3A_1461 = tpu.memref_squeeze %dma_wait3A_1460 : memref<1x200x64xf32, #tpu.memory_space<vmem>> -> memref<200x64xf32, #tpu.memory_space<vmem>>
    %dma_wait3A_1462 = arith.constant 25400 : i32
    %dma_wait3A_1463 = tpu.memref_slice %arg5[%dma_wait3A_1462] : memref<25600xi32, #tpu.memory_space<vmem>> -> memref<200xi32, #tpu.memory_space<vmem>>
    %dma_wait3A_1464 = arith.constant 0 : i32
    %dma_wait3A_1465 = arith.constant 0 : i32
    %dma_wait3A_1466 = tpu.memref_slice %arg3[%dma_wait3A_1464, %dma_wait3A_1465] : memref<1000000x64xf32, #tpu.memory_space<hbm>> -> memref<1000000x64xf32, #tpu.memory_space<hbm>>
    tpu.wait_indirect_dma semaphore(%arg8 : memref<!tpu.dma_semaphore, #tpu.memory_space<semaphore_mem>>) src(%dma_wait3A_1466 : memref<1000000x64xf32, #tpu.memory_space<hbm>>) dst(%dma_wait3A_1461 : memref<200x64xf32, #tpu.memory_space<vmem>>)
    %add3A_1467 = arith.constant 508 : i32
    %add3A_1468 = arith.addi %mul3A_2, %add3A_1467 : i32
    %add3A_1469 = arith.constant 0 : i32
    %add3A_1470 = arith.addi %add3A_1468, %add3A_1469 : i32
    %mul3A_1471 = arith.constant 56 : i32
    %mul3A_1472 = arith.muli %add3A_1470, %mul3A_1471 : i32
    %dma_start3A_1473 = arith.constant 1 : i32
    %dma_start3A_1474 = arith.constant 0 : i32
    %dma_start3A_1475 = arith.constant 0 : i32
    %dma_start3A_1476 = tpu.memref_slice %arg6[%dma_start3A_1473, %dma_start3A_1474, %dma_start3A_1475] : memref<6x200x64xf32, #tpu.memory_space<vmem>> -> memref<1x200x64xf32, #tpu.memory_space<vmem>>
    %dma_start3A_1477 = tpu.memref_squeeze %dma_start3A_1476 : memref<1x200x64xf32, #tpu.memory_space<vmem>> -> memref<200x64xf32, #tpu.memory_space<vmem>>
    %dma_start3A_1478 = arith.constant 0 : i32
    %dma_start3A_1479 = arith.constant 0 : i32
    %dma_start3A_1480 = tpu.memref_slice %dma_start3A_1477[%dma_start3A_1478, %dma_start3A_1479] : memref<200x64xf32, #tpu.memory_space<vmem>> -> memref<50x64xf32, #tpu.memory_space<vmem>>
    %dma_start3A_1481 = arith.constant 0 : i32
    %dma_start3A_1482 = tpu.memref_slice %arg4[%mul3A_1472, %dma_start3A_1481] : memref<917504x128xf32, #tpu.memory_space<hbm>> -> memref<50x64xf32, #tpu.memory_space<hbm>>
    %dma_start3A_1483 = arith.constant 0 : i32
    %dma_start3A_1484 = tpu.memref_slice %arg4[%mul3A_1472, %dma_start3A_1483] : memref<917504x128xf32, #tpu.memory_space<hbm>> -> memref<50x64xf32, #tpu.memory_space<hbm>>
    %dma_start3A_1485 = arith.constant 0 : i32
    %dma_start3A_1486 = arith.constant 0 : i32
    %dma_start3A_1487 = tpu.memref_slice %arg6[%dma_start3A_1473, %dma_start3A_1485, %dma_start3A_1486] : memref<6x200x64xf32, #tpu.memory_space<vmem>> -> memref<1x200x64xf32, #tpu.memory_space<vmem>>
    %dma_start3A_1488 = tpu.memref_squeeze %dma_start3A_1487 : memref<1x200x64xf32, #tpu.memory_space<vmem>> -> memref<200x64xf32, #tpu.memory_space<vmem>>
    %dma_start3A_1489 = arith.constant 0 : i32
    %dma_start3A_1490 = arith.constant 0 : i32
    %dma_start3A_1491 = tpu.memref_slice %dma_start3A_1488[%dma_start3A_1489, %dma_start3A_1490] : memref<200x64xf32, #tpu.memory_space<vmem>> -> memref<50x64xf32, #tpu.memory_space<vmem>>
    tpu.enqueue_dma source(%dma_start3A_1491 : memref<50x64xf32, #tpu.memory_space<vmem>>) target(%dma_start3A_1484 : memref<50x64xf32, #tpu.memory_space<hbm>>) target_semaphore(%arg14 : memref<!tpu.dma_semaphore, #tpu.memory_space<semaphore_mem>>)
    %add3A_1492 = arith.constant 508 : i32
    %add3A_1493 = arith.addi %mul3A_2, %add3A_1492 : i32
    %add3A_1494 = arith.constant 1 : i32
    %add3A_1495 = arith.addi %add3A_1493, %add3A_1494 : i32
    %mul3A_1496 = arith.constant 56 : i32
    %mul3A_1497 = arith.muli %add3A_1495, %mul3A_1496 : i32
    %dma_start3A_1498 = arith.constant 1 : i32
    %dma_start3A_1499 = arith.constant 0 : i32
    %dma_start3A_1500 = arith.constant 0 : i32
    %dma_start3A_1501 = tpu.memref_slice %arg6[%dma_start3A_1498, %dma_start3A_1499, %dma_start3A_1500] : memref<6x200x64xf32, #tpu.memory_space<vmem>> -> memref<1x200x64xf32, #tpu.memory_space<vmem>>
    %dma_start3A_1502 = tpu.memref_squeeze %dma_start3A_1501 : memref<1x200x64xf32, #tpu.memory_space<vmem>> -> memref<200x64xf32, #tpu.memory_space<vmem>>
    %dma_start3A_1503 = arith.constant 50 : i32
    %dma_start3A_1504 = arith.constant 0 : i32
    %dma_start3A_1505 = tpu.memref_slice %dma_start3A_1502[%dma_start3A_1503, %dma_start3A_1504] : memref<200x64xf32, #tpu.memory_space<vmem>> -> memref<50x64xf32, #tpu.memory_space<vmem>>
    %dma_start3A_1506 = arith.constant 0 : i32
    %dma_start3A_1507 = tpu.memref_slice %arg4[%mul3A_1497, %dma_start3A_1506] : memref<917504x128xf32, #tpu.memory_space<hbm>> -> memref<50x64xf32, #tpu.memory_space<hbm>>
    %dma_start3A_1508 = arith.constant 0 : i32
    %dma_start3A_1509 = tpu.memref_slice %arg4[%mul3A_1497, %dma_start3A_1508] : memref<917504x128xf32, #tpu.memory_space<hbm>> -> memref<50x64xf32, #tpu.memory_space<hbm>>
    %dma_start3A_1510 = arith.constant 0 : i32
    %dma_start3A_1511 = arith.constant 0 : i32
    %dma_start3A_1512 = tpu.memref_slice %arg6[%dma_start3A_1498, %dma_start3A_1510, %dma_start3A_1511] : memref<6x200x64xf32, #tpu.memory_space<vmem>> -> memref<1x200x64xf32, #tpu.memory_space<vmem>>
    %dma_start3A_1513 = tpu.memref_squeeze %dma_start3A_1512 : memref<1x200x64xf32, #tpu.memory_space<vmem>> -> memref<200x64xf32, #tpu.memory_space<vmem>>
    %dma_start3A_1514 = arith.constant 50 : i32
    %dma_start3A_1515 = arith.constant 0 : i32
    %dma_start3A_1516 = tpu.memref_slice %dma_start3A_1513[%dma_start3A_1514, %dma_start3A_1515] : memref<200x64xf32, #tpu.memory_space<vmem>> -> memref<50x64xf32, #tpu.memory_space<vmem>>
    tpu.enqueue_dma source(%dma_start3A_1516 : memref<50x64xf32, #tpu.memory_space<vmem>>) target(%dma_start3A_1509 : memref<50x64xf32, #tpu.memory_space<hbm>>) target_semaphore(%arg14 : memref<!tpu.dma_semaphore, #tpu.memory_space<semaphore_mem>>)
    %add3A_1517 = arith.constant 508 : i32
    %add3A_1518 = arith.addi %mul3A_2, %add3A_1517 : i32
    %add3A_1519 = arith.constant 2 : i32
    %add3A_1520 = arith.addi %add3A_1518, %add3A_1519 : i32
    %mul3A_1521 = arith.constant 56 : i32
    %mul3A_1522 = arith.muli %add3A_1520, %mul3A_1521 : i32
    %dma_start3A_1523 = arith.constant 1 : i32
    %dma_start3A_1524 = arith.constant 0 : i32
    %dma_start3A_1525 = arith.constant 0 : i32
    %dma_start3A_1526 = tpu.memref_slice %arg6[%dma_start3A_1523, %dma_start3A_1524, %dma_start3A_1525] : memref<6x200x64xf32, #tpu.memory_space<vmem>> -> memref<1x200x64xf32, #tpu.memory_space<vmem>>
    %dma_start3A_1527 = tpu.memref_squeeze %dma_start3A_1526 : memref<1x200x64xf32, #tpu.memory_space<vmem>> -> memref<200x64xf32, #tpu.memory_space<vmem>>
    %dma_start3A_1528 = arith.constant 100 : i32
    %dma_start3A_1529 = arith.constant 0 : i32
    %dma_start3A_1530 = tpu.memref_slice %dma_start3A_1527[%dma_start3A_1528, %dma_start3A_1529] : memref<200x64xf32, #tpu.memory_space<vmem>> -> memref<50x64xf32, #tpu.memory_space<vmem>>
    %dma_start3A_1531 = arith.constant 0 : i32
    %dma_start3A_1532 = tpu.memref_slice %arg4[%mul3A_1522, %dma_start3A_1531] : memref<917504x128xf32, #tpu.memory_space<hbm>> -> memref<50x64xf32, #tpu.memory_space<hbm>>
    %dma_start3A_1533 = arith.constant 0 : i32
    %dma_start3A_1534 = tpu.memref_slice %arg4[%mul3A_1522, %dma_start3A_1533] : memref<917504x128xf32, #tpu.memory_space<hbm>> -> memref<50x64xf32, #tpu.memory_space<hbm>>
    %dma_start3A_1535 = arith.constant 0 : i32
    %dma_start3A_1536 = arith.constant 0 : i32
    %dma_start3A_1537 = tpu.memref_slice %arg6[%dma_start3A_1523, %dma_start3A_1535, %dma_start3A_1536] : memref<6x200x64xf32, #tpu.memory_space<vmem>> -> memref<1x200x64xf32, #tpu.memory_space<vmem>>
    %dma_start3A_1538 = tpu.memref_squeeze %dma_start3A_1537 : memref<1x200x64xf32, #tpu.memory_space<vmem>> -> memref<200x64xf32, #tpu.memory_space<vmem>>
    %dma_start3A_1539 = arith.constant 100 : i32
    %dma_start3A_1540 = arith.constant 0 : i32
    %dma_start3A_1541 = tpu.memref_slice %dma_start3A_1538[%dma_start3A_1539, %dma_start3A_1540] : memref<200x64xf32, #tpu.memory_space<vmem>> -> memref<50x64xf32, #tpu.memory_space<vmem>>
    tpu.enqueue_dma source(%dma_start3A_1541 : memref<50x64xf32, #tpu.memory_space<vmem>>) target(%dma_start3A_1534 : memref<50x64xf32, #tpu.memory_space<hbm>>) target_semaphore(%arg14 : memref<!tpu.dma_semaphore, #tpu.memory_space<semaphore_mem>>)
    %add3A_1542 = arith.constant 508 : i32
    %add3A_1543 = arith.addi %mul3A_2, %add3A_1542 : i32
    %add3A_1544 = arith.constant 3 : i32
    %add3A_1545 = arith.addi %add3A_1543, %add3A_1544 : i32
    %mul3A_1546 = arith.constant 56 : i32
    %mul3A_1547 = arith.muli %add3A_1545, %mul3A_1546 : i32
    %dma_start3A_1548 = arith.constant 1 : i32
    %dma_start3A_1549 = arith.constant 0 : i32
    %dma_start3A_1550 = arith.constant 0 : i32
    %dma_start3A_1551 = tpu.memref_slice %arg6[%dma_start3A_1548, %dma_start3A_1549, %dma_start3A_1550] : memref<6x200x64xf32, #tpu.memory_space<vmem>> -> memref<1x200x64xf32, #tpu.memory_space<vmem>>
    %dma_start3A_1552 = tpu.memref_squeeze %dma_start3A_1551 : memref<1x200x64xf32, #tpu.memory_space<vmem>> -> memref<200x64xf32, #tpu.memory_space<vmem>>
    %dma_start3A_1553 = arith.constant 150 : i32
    %dma_start3A_1554 = arith.constant 0 : i32
    %dma_start3A_1555 = tpu.memref_slice %dma_start3A_1552[%dma_start3A_1553, %dma_start3A_1554] : memref<200x64xf32, #tpu.memory_space<vmem>> -> memref<50x64xf32, #tpu.memory_space<vmem>>
    %dma_start3A_1556 = arith.constant 0 : i32
    %dma_start3A_1557 = tpu.memref_slice %arg4[%mul3A_1547, %dma_start3A_1556] : memref<917504x128xf32, #tpu.memory_space<hbm>> -> memref<50x64xf32, #tpu.memory_space<hbm>>
    %dma_start3A_1558 = arith.constant 0 : i32
    %dma_start3A_1559 = tpu.memref_slice %arg4[%mul3A_1547, %dma_start3A_1558] : memref<917504x128xf32, #tpu.memory_space<hbm>> -> memref<50x64xf32, #tpu.memory_space<hbm>>
    %dma_start3A_1560 = arith.constant 0 : i32
    %dma_start3A_1561 = arith.constant 0 : i32
    %dma_start3A_1562 = tpu.memref_slice %arg6[%dma_start3A_1548, %dma_start3A_1560, %dma_start3A_1561] : memref<6x200x64xf32, #tpu.memory_space<vmem>> -> memref<1x200x64xf32, #tpu.memory_space<vmem>>
    %dma_start3A_1563 = tpu.memref_squeeze %dma_start3A_1562 : memref<1x200x64xf32, #tpu.memory_space<vmem>> -> memref<200x64xf32, #tpu.memory_space<vmem>>
    %dma_start3A_1564 = arith.constant 150 : i32
    %dma_start3A_1565 = arith.constant 0 : i32
    %dma_start3A_1566 = tpu.memref_slice %dma_start3A_1563[%dma_start3A_1564, %dma_start3A_1565] : memref<200x64xf32, #tpu.memory_space<vmem>> -> memref<50x64xf32, #tpu.memory_space<vmem>>
    tpu.enqueue_dma source(%dma_start3A_1566 : memref<50x64xf32, #tpu.memory_space<vmem>>) target(%dma_start3A_1559 : memref<50x64xf32, #tpu.memory_space<hbm>>) target_semaphore(%arg14 : memref<!tpu.dma_semaphore, #tpu.memory_space<semaphore_mem>>)
    %add3A_1567 = arith.constant 504 : i32
    %add3A_1568 = arith.addi %mul3A_2, %add3A_1567 : i32
    %add3A_1569 = arith.constant 0 : i32
    %add3A_1570 = arith.addi %add3A_1568, %add3A_1569 : i32
    %mul3A_1571 = arith.constant 56 : i32
    %mul3A_1572 = arith.muli %add3A_1570, %mul3A_1571 : i32
    %dma_wait3A_1573 = arith.constant 0 : i32
    %dma_wait3A_1574 = arith.constant 0 : i32
    %dma_wait3A_1575 = arith.constant 0 : i32
    %dma_wait3A_1576 = tpu.memref_slice %arg6[%dma_wait3A_1573, %dma_wait3A_1574, %dma_wait3A_1575] : memref<6x200x64xf32, #tpu.memory_space<vmem>> -> memref<1x200x64xf32, #tpu.memory_space<vmem>>
    %dma_wait3A_1577 = tpu.memref_squeeze %dma_wait3A_1576 : memref<1x200x64xf32, #tpu.memory_space<vmem>> -> memref<200x64xf32, #tpu.memory_space<vmem>>
    %dma_wait3A_1578 = arith.constant 0 : i32
    %dma_wait3A_1579 = arith.constant 0 : i32
    %dma_wait3A_1580 = tpu.memref_slice %dma_wait3A_1577[%dma_wait3A_1578, %dma_wait3A_1579] : memref<200x64xf32, #tpu.memory_space<vmem>> -> memref<50x64xf32, #tpu.memory_space<vmem>>
    %dma_wait3A_1581 = arith.constant 0 : i32
    %dma_wait3A_1582 = tpu.memref_slice %arg4[%mul3A_1572, %dma_wait3A_1581] : memref<917504x128xf32, #tpu.memory_space<hbm>> -> memref<50x64xf32, #tpu.memory_space<hbm>>
    %dma_wait3A_1583 = arith.constant 0 : i32
    %dma_wait3A_1584 = tpu.memref_slice %arg4[%mul3A_1572, %dma_wait3A_1583] : memref<917504x128xf32, #tpu.memory_space<hbm>> -> memref<50x64xf32, #tpu.memory_space<hbm>>
    %dma_wait3A_1585 = arith.constant 0 : i32
    %dma_wait3A_1586 = arith.constant 0 : i32
    %dma_wait3A_1587 = tpu.memref_slice %arg6[%dma_wait3A_1573, %dma_wait3A_1585, %dma_wait3A_1586] : memref<6x200x64xf32, #tpu.memory_space<vmem>> -> memref<1x200x64xf32, #tpu.memory_space<vmem>>
    %dma_wait3A_1588 = tpu.memref_squeeze %dma_wait3A_1587 : memref<1x200x64xf32, #tpu.memory_space<vmem>> -> memref<200x64xf32, #tpu.memory_space<vmem>>
    %dma_wait3A_1589 = arith.constant 0 : i32
    %dma_wait3A_1590 = arith.constant 0 : i32
    %dma_wait3A_1591 = tpu.memref_slice %dma_wait3A_1588[%dma_wait3A_1589, %dma_wait3A_1590] : memref<200x64xf32, #tpu.memory_space<vmem>> -> memref<50x64xf32, #tpu.memory_space<vmem>>
    tpu.wait_dma2 semaphore(%arg13 : memref<!tpu.dma_semaphore, #tpu.memory_space<semaphore_mem>>) src(%dma_wait3A_1591 : memref<50x64xf32, #tpu.memory_space<vmem>>) dst(%dma_wait3A_1584 : memref<50x64xf32, #tpu.memory_space<hbm>>)
    %add3A_1592 = arith.constant 504 : i32
    %add3A_1593 = arith.addi %mul3A_2, %add3A_1592 : i32
    %add3A_1594 = arith.constant 1 : i32
    %add3A_1595 = arith.addi %add3A_1593, %add3A_1594 : i32
    %mul3A_1596 = arith.constant 56 : i32
    %mul3A_1597 = arith.muli %add3A_1595, %mul3A_1596 : i32
    %dma_wait3A_1598 = arith.constant 0 : i32
    %dma_wait3A_1599 = arith.constant 0 : i32
    %dma_wait3A_1600 = arith.constant 0 : i32
    %dma_wait3A_1601 = tpu.memref_slice %arg6[%dma_wait3A_1598, %dma_wait3A_1599, %dma_wait3A_1600] : memref<6x200x64xf32, #tpu.memory_space<vmem>> -> memref<1x200x64xf32, #tpu.memory_space<vmem>>
    %dma_wait3A_1602 = tpu.memref_squeeze %dma_wait3A_1601 : memref<1x200x64xf32, #tpu.memory_space<vmem>> -> memref<200x64xf32, #tpu.memory_space<vmem>>
    %dma_wait3A_1603 = arith.constant 50 : i32
    %dma_wait3A_1604 = arith.constant 0 : i32
    %dma_wait3A_1605 = tpu.memref_slice %dma_wait3A_1602[%dma_wait3A_1603, %dma_wait3A_1604] : memref<200x64xf32, #tpu.memory_space<vmem>> -> memref<50x64xf32, #tpu.memory_space<vmem>>
    %dma_wait3A_1606 = arith.constant 0 : i32
    %dma_wait3A_1607 = tpu.memref_slice %arg4[%mul3A_1597, %dma_wait3A_1606] : memref<917504x128xf32, #tpu.memory_space<hbm>> -> memref<50x64xf32, #tpu.memory_space<hbm>>
    %dma_wait3A_1608 = arith.constant 0 : i32
    %dma_wait3A_1609 = tpu.memref_slice %arg4[%mul3A_1597, %dma_wait3A_1608] : memref<917504x128xf32, #tpu.memory_space<hbm>> -> memref<50x64xf32, #tpu.memory_space<hbm>>
    %dma_wait3A_1610 = arith.constant 0 : i32
    %dma_wait3A_1611 = arith.constant 0 : i32
    %dma_wait3A_1612 = tpu.memref_slice %arg6[%dma_wait3A_1598, %dma_wait3A_1610, %dma_wait3A_1611] : memref<6x200x64xf32, #tpu.memory_space<vmem>> -> memref<1x200x64xf32, #tpu.memory_space<vmem>>
    %dma_wait3A_1613 = tpu.memref_squeeze %dma_wait3A_1612 : memref<1x200x64xf32, #tpu.memory_space<vmem>> -> memref<200x64xf32, #tpu.memory_space<vmem>>
    %dma_wait3A_1614 = arith.constant 50 : i32
    %dma_wait3A_1615 = arith.constant 0 : i32
    %dma_wait3A_1616 = tpu.memref_slice %dma_wait3A_1613[%dma_wait3A_1614, %dma_wait3A_1615] : memref<200x64xf32, #tpu.memory_space<vmem>> -> memref<50x64xf32, #tpu.memory_space<vmem>>
    tpu.wait_dma2 semaphore(%arg13 : memref<!tpu.dma_semaphore, #tpu.memory_space<semaphore_mem>>) src(%dma_wait3A_1616 : memref<50x64xf32, #tpu.memory_space<vmem>>) dst(%dma_wait3A_1609 : memref<50x64xf32, #tpu.memory_space<hbm>>)
    %add3A_1617 = arith.constant 504 : i32
    %add3A_1618 = arith.addi %mul3A_2, %add3A_1617 : i32
    %add3A_1619 = arith.constant 2 : i32
    %add3A_1620 = arith.addi %add3A_1618, %add3A_1619 : i32
    %mul3A_1621 = arith.constant 56 : i32
    %mul3A_1622 = arith.muli %add3A_1620, %mul3A_1621 : i32
    %dma_wait3A_1623 = arith.constant 0 : i32
    %dma_wait3A_1624 = arith.constant 0 : i32
    %dma_wait3A_1625 = arith.constant 0 : i32
    %dma_wait3A_1626 = tpu.memref_slice %arg6[%dma_wait3A_1623, %dma_wait3A_1624, %dma_wait3A_1625] : memref<6x200x64xf32, #tpu.memory_space<vmem>> -> memref<1x200x64xf32, #tpu.memory_space<vmem>>
    %dma_wait3A_1627 = tpu.memref_squeeze %dma_wait3A_1626 : memref<1x200x64xf32, #tpu.memory_space<vmem>> -> memref<200x64xf32, #tpu.memory_space<vmem>>
    %dma_wait3A_1628 = arith.constant 100 : i32
    %dma_wait3A_1629 = arith.constant 0 : i32
    %dma_wait3A_1630 = tpu.memref_slice %dma_wait3A_1627[%dma_wait3A_1628, %dma_wait3A_1629] : memref<200x64xf32, #tpu.memory_space<vmem>> -> memref<50x64xf32, #tpu.memory_space<vmem>>
    %dma_wait3A_1631 = arith.constant 0 : i32
    %dma_wait3A_1632 = tpu.memref_slice %arg4[%mul3A_1622, %dma_wait3A_1631] : memref<917504x128xf32, #tpu.memory_space<hbm>> -> memref<50x64xf32, #tpu.memory_space<hbm>>
    %dma_wait3A_1633 = arith.constant 0 : i32
    %dma_wait3A_1634 = tpu.memref_slice %arg4[%mul3A_1622, %dma_wait3A_1633] : memref<917504x128xf32, #tpu.memory_space<hbm>> -> memref<50x64xf32, #tpu.memory_space<hbm>>
    %dma_wait3A_1635 = arith.constant 0 : i32
    %dma_wait3A_1636 = arith.constant 0 : i32
    %dma_wait3A_1637 = tpu.memref_slice %arg6[%dma_wait3A_1623, %dma_wait3A_1635, %dma_wait3A_1636] : memref<6x200x64xf32, #tpu.memory_space<vmem>> -> memref<1x200x64xf32, #tpu.memory_space<vmem>>
    %dma_wait3A_1638 = tpu.memref_squeeze %dma_wait3A_1637 : memref<1x200x64xf32, #tpu.memory_space<vmem>> -> memref<200x64xf32, #tpu.memory_space<vmem>>
    %dma_wait3A_1639 = arith.constant 100 : i32
    %dma_wait3A_1640 = arith.constant 0 : i32
    %dma_wait3A_1641 = tpu.memref_slice %dma_wait3A_1638[%dma_wait3A_1639, %dma_wait3A_1640] : memref<200x64xf32, #tpu.memory_space<vmem>> -> memref<50x64xf32, #tpu.memory_space<vmem>>
    tpu.wait_dma2 semaphore(%arg13 : memref<!tpu.dma_semaphore, #tpu.memory_space<semaphore_mem>>) src(%dma_wait3A_1641 : memref<50x64xf32, #tpu.memory_space<vmem>>) dst(%dma_wait3A_1634 : memref<50x64xf32, #tpu.memory_space<hbm>>)
    %add3A_1642 = arith.constant 504 : i32
    %add3A_1643 = arith.addi %mul3A_2, %add3A_1642 : i32
    %add3A_1644 = arith.constant 3 : i32
    %add3A_1645 = arith.addi %add3A_1643, %add3A_1644 : i32
    %mul3A_1646 = arith.constant 56 : i32
    %mul3A_1647 = arith.muli %add3A_1645, %mul3A_1646 : i32
    %dma_wait3A_1648 = arith.constant 0 : i32
    %dma_wait3A_1649 = arith.constant 0 : i32
    %dma_wait3A_1650 = arith.constant 0 : i32
    %dma_wait3A_1651 = tpu.memref_slice %arg6[%dma_wait3A_1648, %dma_wait3A_1649, %dma_wait3A_1650] : memref<6x200x64xf32, #tpu.memory_space<vmem>> -> memref<1x200x64xf32, #tpu.memory_space<vmem>>
    %dma_wait3A_1652 = tpu.memref_squeeze %dma_wait3A_1651 : memref<1x200x64xf32, #tpu.memory_space<vmem>> -> memref<200x64xf32, #tpu.memory_space<vmem>>
    %dma_wait3A_1653 = arith.constant 150 : i32
    %dma_wait3A_1654 = arith.constant 0 : i32
    %dma_wait3A_1655 = tpu.memref_slice %dma_wait3A_1652[%dma_wait3A_1653, %dma_wait3A_1654] : memref<200x64xf32, #tpu.memory_space<vmem>> -> memref<50x64xf32, #tpu.memory_space<vmem>>
    %dma_wait3A_1656 = arith.constant 0 : i32
    %dma_wait3A_1657 = tpu.memref_slice %arg4[%mul3A_1647, %dma_wait3A_1656] : memref<917504x128xf32, #tpu.memory_space<hbm>> -> memref<50x64xf32, #tpu.memory_space<hbm>>
    %dma_wait3A_1658 = arith.constant 0 : i32
    %dma_wait3A_1659 = tpu.memref_slice %arg4[%mul3A_1647, %dma_wait3A_1658] : memref<917504x128xf32, #tpu.memory_space<hbm>> -> memref<50x64xf32, #tpu.memory_space<hbm>>
    %dma_wait3A_1660 = arith.constant 0 : i32
    %dma_wait3A_1661 = arith.constant 0 : i32
    %dma_wait3A_1662 = tpu.memref_slice %arg6[%dma_wait3A_1648, %dma_wait3A_1660, %dma_wait3A_1661] : memref<6x200x64xf32, #tpu.memory_space<vmem>> -> memref<1x200x64xf32, #tpu.memory_space<vmem>>
    %dma_wait3A_1663 = tpu.memref_squeeze %dma_wait3A_1662 : memref<1x200x64xf32, #tpu.memory_space<vmem>> -> memref<200x64xf32, #tpu.memory_space<vmem>>
    %dma_wait3A_1664 = arith.constant 150 : i32
    %dma_wait3A_1665 = arith.constant 0 : i32
    %dma_wait3A_1666 = tpu.memref_slice %dma_wait3A_1663[%dma_wait3A_1664, %dma_wait3A_1665] : memref<200x64xf32, #tpu.memory_space<vmem>> -> memref<50x64xf32, #tpu.memory_space<vmem>>
    tpu.wait_dma2 semaphore(%arg13 : memref<!tpu.dma_semaphore, #tpu.memory_space<semaphore_mem>>) src(%dma_wait3A_1666 : memref<50x64xf32, #tpu.memory_space<vmem>>) dst(%dma_wait3A_1659 : memref<50x64xf32, #tpu.memory_space<hbm>>)
    %add3A_1667 = arith.constant 508 : i32
    %add3A_1668 = arith.addi %mul3A_2, %add3A_1667 : i32
    %add3A_1669 = arith.constant 0 : i32
    %add3A_1670 = arith.addi %add3A_1668, %add3A_1669 : i32
    %mul3A_1671 = arith.constant 56 : i32
    %mul3A_1672 = arith.muli %add3A_1670, %mul3A_1671 : i32
    %dma_wait3A_1673 = arith.constant 1 : i32
    %dma_wait3A_1674 = arith.constant 0 : i32
    %dma_wait3A_1675 = arith.constant 0 : i32
    %dma_wait3A_1676 = tpu.memref_slice %arg6[%dma_wait3A_1673, %dma_wait3A_1674, %dma_wait3A_1675] : memref<6x200x64xf32, #tpu.memory_space<vmem>> -> memref<1x200x64xf32, #tpu.memory_space<vmem>>
    %dma_wait3A_1677 = tpu.memref_squeeze %dma_wait3A_1676 : memref<1x200x64xf32, #tpu.memory_space<vmem>> -> memref<200x64xf32, #tpu.memory_space<vmem>>
    %dma_wait3A_1678 = arith.constant 0 : i32
    %dma_wait3A_1679 = arith.constant 0 : i32
    %dma_wait3A_1680 = tpu.memref_slice %dma_wait3A_1677[%dma_wait3A_1678, %dma_wait3A_1679] : memref<200x64xf32, #tpu.memory_space<vmem>> -> memref<50x64xf32, #tpu.memory_space<vmem>>
    %dma_wait3A_1681 = arith.constant 0 : i32
    %dma_wait3A_1682 = tpu.memref_slice %arg4[%mul3A_1672, %dma_wait3A_1681] : memref<917504x128xf32, #tpu.memory_space<hbm>> -> memref<50x64xf32, #tpu.memory_space<hbm>>
    %dma_wait3A_1683 = arith.constant 0 : i32
    %dma_wait3A_1684 = tpu.memref_slice %arg4[%mul3A_1672, %dma_wait3A_1683] : memref<917504x128xf32, #tpu.memory_space<hbm>> -> memref<50x64xf32, #tpu.memory_space<hbm>>
    %dma_wait3A_1685 = arith.constant 0 : i32
    %dma_wait3A_1686 = arith.constant 0 : i32
    %dma_wait3A_1687 = tpu.memref_slice %arg6[%dma_wait3A_1673, %dma_wait3A_1685, %dma_wait3A_1686] : memref<6x200x64xf32, #tpu.memory_space<vmem>> -> memref<1x200x64xf32, #tpu.memory_space<vmem>>
    %dma_wait3A_1688 = tpu.memref_squeeze %dma_wait3A_1687 : memref<1x200x64xf32, #tpu.memory_space<vmem>> -> memref<200x64xf32, #tpu.memory_space<vmem>>
    %dma_wait3A_1689 = arith.constant 0 : i32
    %dma_wait3A_1690 = arith.constant 0 : i32
    %dma_wait3A_1691 = tpu.memref_slice %dma_wait3A_1688[%dma_wait3A_1689, %dma_wait3A_1690] : memref<200x64xf32, #tpu.memory_space<vmem>> -> memref<50x64xf32, #tpu.memory_space<vmem>>
    tpu.wait_dma2 semaphore(%arg14 : memref<!tpu.dma_semaphore, #tpu.memory_space<semaphore_mem>>) src(%dma_wait3A_1691 : memref<50x64xf32, #tpu.memory_space<vmem>>) dst(%dma_wait3A_1684 : memref<50x64xf32, #tpu.memory_space<hbm>>)
    %add3A_1692 = arith.constant 508 : i32
    %add3A_1693 = arith.addi %mul3A_2, %add3A_1692 : i32
    %add3A_1694 = arith.constant 1 : i32
    %add3A_1695 = arith.addi %add3A_1693, %add3A_1694 : i32
    %mul3A_1696 = arith.constant 56 : i32
    %mul3A_1697 = arith.muli %add3A_1695, %mul3A_1696 : i32
    %dma_wait3A_1698 = arith.constant 1 : i32
    %dma_wait3A_1699 = arith.constant 0 : i32
    %dma_wait3A_1700 = arith.constant 0 : i32
    %dma_wait3A_1701 = tpu.memref_slice %arg6[%dma_wait3A_1698, %dma_wait3A_1699, %dma_wait3A_1700] : memref<6x200x64xf32, #tpu.memory_space<vmem>> -> memref<1x200x64xf32, #tpu.memory_space<vmem>>
    %dma_wait3A_1702 = tpu.memref_squeeze %dma_wait3A_1701 : memref<1x200x64xf32, #tpu.memory_space<vmem>> -> memref<200x64xf32, #tpu.memory_space<vmem>>
    %dma_wait3A_1703 = arith.constant 50 : i32
    %dma_wait3A_1704 = arith.constant 0 : i32
    %dma_wait3A_1705 = tpu.memref_slice %dma_wait3A_1702[%dma_wait3A_1703, %dma_wait3A_1704] : memref<200x64xf32, #tpu.memory_space<vmem>> -> memref<50x64xf32, #tpu.memory_space<vmem>>
    %dma_wait3A_1706 = arith.constant 0 : i32
    %dma_wait3A_1707 = tpu.memref_slice %arg4[%mul3A_1697, %dma_wait3A_1706] : memref<917504x128xf32, #tpu.memory_space<hbm>> -> memref<50x64xf32, #tpu.memory_space<hbm>>
    %dma_wait3A_1708 = arith.constant 0 : i32
    %dma_wait3A_1709 = tpu.memref_slice %arg4[%mul3A_1697, %dma_wait3A_1708] : memref<917504x128xf32, #tpu.memory_space<hbm>> -> memref<50x64xf32, #tpu.memory_space<hbm>>
    %dma_wait3A_1710 = arith.constant 0 : i32
    %dma_wait3A_1711 = arith.constant 0 : i32
    %dma_wait3A_1712 = tpu.memref_slice %arg6[%dma_wait3A_1698, %dma_wait3A_1710, %dma_wait3A_1711] : memref<6x200x64xf32, #tpu.memory_space<vmem>> -> memref<1x200x64xf32, #tpu.memory_space<vmem>>
    %dma_wait3A_1713 = tpu.memref_squeeze %dma_wait3A_1712 : memref<1x200x64xf32, #tpu.memory_space<vmem>> -> memref<200x64xf32, #tpu.memory_space<vmem>>
    %dma_wait3A_1714 = arith.constant 50 : i32
    %dma_wait3A_1715 = arith.constant 0 : i32
    %dma_wait3A_1716 = tpu.memref_slice %dma_wait3A_1713[%dma_wait3A_1714, %dma_wait3A_1715] : memref<200x64xf32, #tpu.memory_space<vmem>> -> memref<50x64xf32, #tpu.memory_space<vmem>>
    tpu.wait_dma2 semaphore(%arg14 : memref<!tpu.dma_semaphore, #tpu.memory_space<semaphore_mem>>) src(%dma_wait3A_1716 : memref<50x64xf32, #tpu.memory_space<vmem>>) dst(%dma_wait3A_1709 : memref<50x64xf32, #tpu.memory_space<hbm>>)
    %add3A_1717 = arith.constant 508 : i32
    %add3A_1718 = arith.addi %mul3A_2, %add3A_1717 : i32
    %add3A_1719 = arith.constant 2 : i32
    %add3A_1720 = arith.addi %add3A_1718, %add3A_1719 : i32
    %mul3A_1721 = arith.constant 56 : i32
    %mul3A_1722 = arith.muli %add3A_1720, %mul3A_1721 : i32
    %dma_wait3A_1723 = arith.constant 1 : i32
    %dma_wait3A_1724 = arith.constant 0 : i32
    %dma_wait3A_1725 = arith.constant 0 : i32
    %dma_wait3A_1726 = tpu.memref_slice %arg6[%dma_wait3A_1723, %dma_wait3A_1724, %dma_wait3A_1725] : memref<6x200x64xf32, #tpu.memory_space<vmem>> -> memref<1x200x64xf32, #tpu.memory_space<vmem>>
    %dma_wait3A_1727 = tpu.memref_squeeze %dma_wait3A_1726 : memref<1x200x64xf32, #tpu.memory_space<vmem>> -> memref<200x64xf32, #tpu.memory_space<vmem>>
    %dma_wait3A_1728 = arith.constant 100 : i32
    %dma_wait3A_1729 = arith.constant 0 : i32
    %dma_wait3A_1730 = tpu.memref_slice %dma_wait3A_1727[%dma_wait3A_1728, %dma_wait3A_1729] : memref<200x64xf32, #tpu.memory_space<vmem>> -> memref<50x64xf32, #tpu.memory_space<vmem>>
    %dma_wait3A_1731 = arith.constant 0 : i32
    %dma_wait3A_1732 = tpu.memref_slice %arg4[%mul3A_1722, %dma_wait3A_1731] : memref<917504x128xf32, #tpu.memory_space<hbm>> -> memref<50x64xf32, #tpu.memory_space<hbm>>
    %dma_wait3A_1733 = arith.constant 0 : i32
    %dma_wait3A_1734 = tpu.memref_slice %arg4[%mul3A_1722, %dma_wait3A_1733] : memref<917504x128xf32, #tpu.memory_space<hbm>> -> memref<50x64xf32, #tpu.memory_space<hbm>>
    %dma_wait3A_1735 = arith.constant 0 : i32
    %dma_wait3A_1736 = arith.constant 0 : i32
    %dma_wait3A_1737 = tpu.memref_slice %arg6[%dma_wait3A_1723, %dma_wait3A_1735, %dma_wait3A_1736] : memref<6x200x64xf32, #tpu.memory_space<vmem>> -> memref<1x200x64xf32, #tpu.memory_space<vmem>>
    %dma_wait3A_1738 = tpu.memref_squeeze %dma_wait3A_1737 : memref<1x200x64xf32, #tpu.memory_space<vmem>> -> memref<200x64xf32, #tpu.memory_space<vmem>>
    %dma_wait3A_1739 = arith.constant 100 : i32
    %dma_wait3A_1740 = arith.constant 0 : i32
    %dma_wait3A_1741 = tpu.memref_slice %dma_wait3A_1738[%dma_wait3A_1739, %dma_wait3A_1740] : memref<200x64xf32, #tpu.memory_space<vmem>> -> memref<50x64xf32, #tpu.memory_space<vmem>>
    tpu.wait_dma2 semaphore(%arg14 : memref<!tpu.dma_semaphore, #tpu.memory_space<semaphore_mem>>) src(%dma_wait3A_1741 : memref<50x64xf32, #tpu.memory_space<vmem>>) dst(%dma_wait3A_1734 : memref<50x64xf32, #tpu.memory_space<hbm>>)
    %add3A_1742 = arith.constant 508 : i32
    %add3A_1743 = arith.addi %mul3A_2, %add3A_1742 : i32
    %add3A_1744 = arith.constant 3 : i32
    %add3A_1745 = arith.addi %add3A_1743, %add3A_1744 : i32
    %mul3A_1746 = arith.constant 56 : i32
    %mul3A_1747 = arith.muli %add3A_1745, %mul3A_1746 : i32
    %dma_wait3A_1748 = arith.constant 1 : i32
    %dma_wait3A_1749 = arith.constant 0 : i32
    %dma_wait3A_1750 = arith.constant 0 : i32
    %dma_wait3A_1751 = tpu.memref_slice %arg6[%dma_wait3A_1748, %dma_wait3A_1749, %dma_wait3A_1750] : memref<6x200x64xf32, #tpu.memory_space<vmem>> -> memref<1x200x64xf32, #tpu.memory_space<vmem>>
    %dma_wait3A_1752 = tpu.memref_squeeze %dma_wait3A_1751 : memref<1x200x64xf32, #tpu.memory_space<vmem>> -> memref<200x64xf32, #tpu.memory_space<vmem>>
    %dma_wait3A_1753 = arith.constant 150 : i32
    %dma_wait3A_1754 = arith.constant 0 : i32
    %dma_wait3A_1755 = tpu.memref_slice %dma_wait3A_1752[%dma_wait3A_1753, %dma_wait3A_1754] : memref<200x64xf32, #tpu.memory_space<vmem>> -> memref<50x64xf32, #tpu.memory_space<vmem>>
    %dma_wait3A_1756 = arith.constant 0 : i32
    %dma_wait3A_1757 = tpu.memref_slice %arg4[%mul3A_1747, %dma_wait3A_1756] : memref<917504x128xf32, #tpu.memory_space<hbm>> -> memref<50x64xf32, #tpu.memory_space<hbm>>
    %dma_wait3A_1758 = arith.constant 0 : i32
    %dma_wait3A_1759 = tpu.memref_slice %arg4[%mul3A_1747, %dma_wait3A_1758] : memref<917504x128xf32, #tpu.memory_space<hbm>> -> memref<50x64xf32, #tpu.memory_space<hbm>>
    %dma_wait3A_1760 = arith.constant 0 : i32
    %dma_wait3A_1761 = arith.constant 0 : i32
    %dma_wait3A_1762 = tpu.memref_slice %arg6[%dma_wait3A_1748, %dma_wait3A_1760, %dma_wait3A_1761] : memref<6x200x64xf32, #tpu.memory_space<vmem>> -> memref<1x200x64xf32, #tpu.memory_space<vmem>>
    %dma_wait3A_1763 = tpu.memref_squeeze %dma_wait3A_1762 : memref<1x200x64xf32, #tpu.memory_space<vmem>> -> memref<200x64xf32, #tpu.memory_space<vmem>>
    %dma_wait3A_1764 = arith.constant 150 : i32
    %dma_wait3A_1765 = arith.constant 0 : i32
    %dma_wait3A_1766 = tpu.memref_slice %dma_wait3A_1763[%dma_wait3A_1764, %dma_wait3A_1765] : memref<200x64xf32, #tpu.memory_space<vmem>> -> memref<50x64xf32, #tpu.memory_space<vmem>>
    tpu.wait_dma2 semaphore(%arg14 : memref<!tpu.dma_semaphore, #tpu.memory_space<semaphore_mem>>) src(%dma_wait3A_1766 : memref<50x64xf32, #tpu.memory_space<vmem>>) dst(%dma_wait3A_1759 : memref<50x64xf32, #tpu.memory_space<hbm>>)
    return
  }
}

</mosaic_0001>

<sc_bundles>
// kernel: kernel.3.cloned.1.call-start
scs
__scs_entry_jumppad:
0x0: {  	(pc) =	sbr.rel $0x88, $3  }
0x1: {  	(tag) =	ssettag $0x0;
	lr =	simm.s32 $0x1  }
0x2: {  	[smem:$0x3F9F] =	sst lr;
	_ =	strace $0xD0000000  }
0x3: {  	_ = 	snop  }
0x4: {  	_ = 	snop  }
0x5: {  	_ = 	snop  }
0x6: {  	_ = 	snop  }
0x7: {  	_ = 	snop  }
__scs_overlays_trampoline_lowered:
0x8: {  	[smem:$0x3FAE] =	sst s0  }
0x9: {  	[smem:$0x3FAF] =	sst s1  }
0xa: {  	[smem:$0x3FB0] =	sst s2  }
0xb: {  	[smem:$0x3FB1] =	sst s3  }
0xc: {  	[smem:$0x3FB2] =	sst s4  }
0xd: {  	[smem:$0x3FB3] =	sst s5  }
0xe: {  	[smem:$0x3FB4] =	sst s6  }
0xf: {  	[smem:$0x3FB5] =	sst s7  }
0x10: {  	[smem:$0x3FB6] =	sst s8  }
0x11: {  	[smem:$0x3FB7] =	sst s9;
	s0 =	simm.s32 @!p0 $0x0  }
0x12: {  	s1 =	sld [smem:$0x3F9D];
	s0 =	simm.s32 @p0 $0x1  }
0x13: {  	[smem:$0x3FB8] =	sst s0;
	s0 =	simm.s32 @!p1 $0x0  }
0x14: {  	s2 =	sld [smem:$0x3F9C];
	s0 =	simm.s32 @p1 $0x1  }
0x15: {  	[smem:$0x3FB9] =	sst s0;
	s0 =	simm.s32 @!p2 $0x0  }
0x16: {  	s3 =	sld [smem:$0x3FDB];
	s0 =	simm.s32 @p2 $0x1  }
0x17: {  	s4 =	simm.s32 $0x1BF5;
	[smem:$0x3FBB] =	sst s0  }
0x18: {  	s0 =	sld [smem:$0x3F9E];
	_ =	swait.ge [sflag:s4], $0x0  }
0x19: {  	s7 =	sld [smem:$0x3F9F]  }
0x1a: {  	s8 =	sadd.s32 $0xFFFFE003, lr  }
0x1b: {  	s9 =	sadd.s32 $0xFFFFFEF7, lr;
	s5 =	simm.s32 $0xFFFFFFFF;
	p2 =	slt.u32 s8, $0xFFFFF086  }
0x1c: {  	p1 =	slt.u32 s9, $0xF7A;
	s5 =	simm.s32 @!p2 $0x0  }
0x1d: {  	s5 =	simm.s32 @p1 $0x1;
	p0 =	seq.s32 s7, s2  }
0x1e: {  	s7 =	smul.u32 @!p0 $0xF7A, s2;
	p2 =	seq.s32 @!p0 s5, $0x0  }
0x1f: {  	s9 =	smul.u32 $0xF7A, s1;
	s8 =	simm.s32 @!p0 $0x1BF5;
	p2 =	por !p2, p0  }
0x20: {  	[sflag:s8] =	ssyncset.s32 @!p0 $0xFFFFF086;
	s6 =	sadd.s32 @!p0 s3, s7;
	s7 =	simm.s32 @!p0 $0x108  }
0x21: {  	s3 =	sadd.s32 s3, s9;
	s6 =	sadd.s32 @!p0 $0x88, s6;
	s7 =	simm.s32 @p2 $0x1082  }
0x22: {  	[simem:s7], [sflag:s8] =	dma.local @!p0 [hbm:s6], $0xF7A  }
0x23: {  	s9 =	sor.u32 $0xD0000000, s2;
	s6 =	simm.s32 $0x108;
	_ =	swait.ge @!p0 [sflag:s8], $0x0  }
0x24: {  	s3 =	sadd.s32 $0x88, s3;
	s6 =	simm.s32 @!p1 $0x1082;
	[sflag:s4] =	ssyncset.s32 $0xFFFFF086  }
0x25: {  	[simem:s6], [sflag:s4] =	dma.local [hbm:s3], $0xF7A  }
0x26: {  	[smem:$0x3F9F] =	sst s1;
	(tag) =	ssettag s2;
	_ =	strace s9  }
0x27: {  	s1 =	sld [smem:$0x3FAF]  }
0x28: {  	s2 =	sld [smem:$0x3FB0]  }
0x29: {  	s4 =	sld [smem:$0x3FB2]  }
0x2a: {  	p0 =	seq.s32 s5, $0x0;
	s5 =	sld [smem:$0x3FB3]  }
0x2b: {  	s6 =	sld [smem:$0x3FB4]  }
0x2c: {  	s7 =	sld [smem:$0x3FB5]  }
0x2d: {  	s3 =	simm.s32 $0x108;
	s8 =	sld [smem:$0x3FB6]  }
0x2e: {  	s3 =	simm.s32 @!p0 $0x1082;
	s9 =	sld [smem:$0x3FB7]  }
0x2f: {  	lr =	sadd.s32 s0, s3;
	s0 =	sld [smem:$0x3FAE]  }
0x30: {  	s3 =	sld [smem:$0x3FB1]  }
0x31: {  	[smem:$0x3FBA] =	sst s10  }
0x32: {  	s10 =	sld [smem:$0x3FB8];
	_ =	sdelay $0x3  }
0x33: {  	p0 =	seq.s32 s10, $0x1;
	s10 =	sld [smem:$0x3FBA];
	_ =	sdelay $0x3  }
0x34: {  	[smem:$0x3FBA] =	sst s10  }
0x35: {  	s10 =	sld [smem:$0x3FB9];
	_ =	sdelay $0x3  }
0x36: {  	p1 =	seq.s32 s10, $0x1;
	s10 =	sld [smem:$0x3FBA];
	_ =	sdelay $0x3  }
0x37: {  	[smem:$0x3FBA] =	sst s10  }
0x38: {  	s10 =	sld [smem:$0x3FBB]  }
0x39: {  	_ = 	snop;
	(pc) =	sbr.ind lr, $3  }
0x3a: {  	_ = 	snop  }
0x3b: {  	_ = 	snop  }
0x3c: {  	p2 =	seq.s32 s10, $0x1;
	s10 =	sld [smem:$0x3FBA]  }
0x3d: {  	_ =	shalt  }
0x3e: {  	_ =	shalt  }
0x3f: {  	_ =	shalt  }
0x40: {  	_ =	shalt  }
0x41: {  	_ =	shalt  }
0x42: {  	_ =	shalt  }
0x43: {  	_ =	shalt  }
0x44: {  	_ =	shalt  }
0x45: {  	_ =	shalt  }
0x46: {  	_ =	shalt  }
0x47: {  	_ =	shalt  }
0x48: {  	_ =	shalt  }
0x49: {  	_ =	shalt  }
0x4a: {  	_ =	shalt  }
0x4b: {  	_ =	shalt  }
0x4c: {  	_ =	shalt  }
0x4d: {  	_ =	shalt  }
0x4e: {  	_ =	shalt  }
0x4f: {  	_ =	shalt  }
0x50: {  	_ =	shalt  }
0x51: {  	_ =	shalt  }
0x52: {  	_ =	shalt  }
0x53: {  	_ =	shalt  }
0x54: {  	_ =	shalt  }
0x55: {  	_ =	shalt  }
0x56: {  	_ =	shalt  }
0x57: {  	_ =	shalt  }
0x58: {  	_ =	shalt  }
0x59: {  	_ =	shalt  }
0x5a: {  	_ =	shalt  }
0x5b: {  	_ =	shalt  }
0x5c: {  	_ =	shalt  }
0x5d: {  	_ =	shalt  }
0x5e: {  	_ =	shalt  }
0x5f: {  	_ =	shalt  }
0x60: {  	_ =	shalt  }
0x61: {  	_ =	shalt  }
0x62: {  	_ =	shalt  }
0x63: {  	_ =	shalt  }
0x64: {  	_ =	shalt  }
0x65: {  	_ =	shalt  }
0x66: {  	_ =	shalt  }
0x67: {  	_ =	shalt  }
0x68: {  	_ =	shalt  }
0x69: {  	_ =	shalt  }
0x6a: {  	_ =	shalt  }
0x6b: {  	_ =	shalt  }
0x6c: {  	_ =	shalt  }
0x6d: {  	_ =	shalt  }
0x6e: {  	_ =	shalt  }
0x6f: {  	_ =	shalt  }
0x70: {  	_ =	shalt  }
0x71: {  	_ =	shalt  }
0x72: {  	_ =	shalt  }
0x73: {  	_ =	shalt  }
0x74: {  	_ =	shalt  }
0x75: {  	_ =	shalt  }
0x76: {  	_ =	shalt  }
0x77: {  	_ =	shalt  }
0x78: {  	_ =	shalt  }
0x79: {  	_ =	shalt  }
0x7a: {  	_ =	shalt  }
0x7b: {  	_ =	shalt  }
0x7c: {  	_ =	shalt  }
0x7d: {  	_ =	shalt  }
0x7e: {  	_ =	shalt  }
0x7f: {  	_ =	shalt  }
0x80: {  	_ =	shalt  }
0x81: {  	_ =	shalt  }
0x82: {  	_ =	shalt  }
0x83: {  	_ =	shalt  }
0x84: {  	_ =	shalt  }
0x85: {  	_ =	shalt  }
0x86: {  	_ =	shalt  }
0x87: {  	_ =	shalt  }
.Lfunc_end0:
.L_simem_size_0:
called_computation.1_lowered:
.L_overlay_start_0:
0x88: {  	s2 =	sld [smem:$0x3FD9]  }
0x89: {  	s3 =	sld [smem:$0x3FFE];
	_ =	sdelay $0x1  }
0x8a: {  	s1 =	srdreg.scid  }
0x8b: {  	s0 =	sand.u32 $0x1, s1  }
0x8c: {  	s17 =	sshll.u32 s0, $0xA;
	s2 =	sadd.s32 s3, s2  }
0x8d: {  	s2 =	sadd.s32 s2, s17  }
0x8e: {  	[smem:$0x3FC6] =	sst s2  }
0x8f: {  	_ = 	snop  }
0x90: {  	s2 =	sld [smem:$0x3FD0];
	(tm) =	ssettm $0x1  }
0x91: {  	s18 =	sld [smem:$0x3FFB];
	_ =	sdelay $0x3  }
0x92: {  	_ =	strace s18  }
0x93: {  	s3 =	sld [smem:$0x3FFC];
	_ =	sdelay $0x3  }
0x94: {  	_ =	strace s3  }
0x95: {  	s3 =	sld [smem:$0x3FFD];
	_ =	sdelay $0x3  }
0x96: {  	_ =	strace s3  }
0x97: {  	_ =	strace $0x8FFFFFFF  }
0x98: {  	s19 =	sld [smem:$0x3FDB];
	_ =	sdelay $0x1  }
0x99: {  	s4 =	simm.s32 $_scs_section_size  }
0x9a: {  	s5 =	simm.s32 $_size__tile_overlayer_lowered;
	s6 =	simm.s32 $_tile_overlayer_lowered  }
0x9b: {  	s22 =	simm.s32 $0x1BFF;
	s21 =	sshll.u32 s6, $0x1;
	s3 =	sadd.s32 s4, s19  }
0x9c: {  	s7 =	simm.s32 $0x0;
	s20 =	sshll.u32 s5, $0x1;
	s5 =	sadd.s32 s21, s3  }
0x9d: {  	[timem:s7], [sflag:s22] =	dma.local [hbm:s5], s20  }
0x9e: {  	_ =	swait.ge [sflag:s22], s20  }
0x9f: {  	s4 =	ssub.s32 $0x0, s20;
	[sflag:s22] =	ssyncset.done $0x0  }
0xa0: {  	[sflag:s22] =	ssyncadd.s32 s4;
	_ =	sdelay $0x1  }
0xa1: {  	s23 =	simm.s32 $0x1B8B  }
0xa2: {  	_ =	swait.ge [sflag:s23], $0x1  }
0xa3: {  	[sflag:s23] =	ssyncset.done $0x0  }
0xa4: {  	s25 =	simm.s32 $0x1B8E;
	s24 =	sld [smem:$0x3FFE];
	[sflag:s23] =	ssyncadd.s32 $0xFFFFFFFF  }
0xa5: {  	s26 =	simm.s32 $execute0_lowered;
	[smem:$0x3FD2] =	sst s25  }
0xa6: {  	s5 =	sshll.u32 s26, $0x1;
	_ =	strace $0x80000046;
	[dreg:$0x1] =	wrdreg $0xFFFFFFFF  }
0xa7: {  	s28 =	simm.s32 $_size_execute0_lowered;
	s3 =	sadd.s32 s3, s5;
	[dreg:$0x0] =	wrdreg $0x0  }
0xa8: {  	s5 =	sshll.u32 s28, $0x1;
	[dreg:$0x2] =	wrdreg s3  }
0xa9: {  	[dreg:$0x3] =	wrdreg s5  }
0xaa: {  	[dreg:$0x4] =	wrdreg $0xC0  }
0xab: {  	_ =	task [dreg:s7], $0x5FFFF  }
0xac: {  	[dreg:$0x1] =	wrdreg $0xFFFFFFFF  }
0xad: {  	[dreg:$0x0] =	wrdreg $0x60  }
0xae: {  	[dreg:$0x2] =	wrdreg s2  }
0xaf: {  	[dreg:$0x3] =	wrdreg s24  }
0xb0: {  	[dreg:$0x4] =	wrdreg $0x9  }
0xb1: {  	_ =	task.clear_ibuf [dreg:s7], $0x5FFFF;
	_ =	strace $0x90000046  }
0xb2: {  	s29 =	simm.s32 $0x9;
	_ =	strace $0x80000048  }
0xb3: {  	_ =	swait.ge [sflag:s29], $0x1  }
0xb4: {  	[sflag:s29] =	ssyncadd.s32 $0xFFFFFFFF  }
0xb5: {  	_ =	strace $0x90000048  }
0xb6: {  	_ =	sfence  }
0xb7: {  	s30 =	sld [smem:$0x0];
	_ =	sdelay $0x2  }
0xb8: {  	s31 =	sshll.u32 s1, $0xD;
	s1 =	sshrl.u32 s1, $0x2  }
0xb9: {  	s3 =	sand.u32 $0x4000, s31;
	s1 =	sadd.s32 s1, s30  }
0xba: {  	s0 =	sor.u32 s3, s0;
	s1 =	sshll.u32 s1, $0x11  }
0xbb: {  	s0 =	sor.u32 s1, s0  }
0xbc: {  	s0 =	sadd.s32 $0x8F2B, s0  }
0xbd: {  	[sflag:s0] =	ssyncadd.remote.s32 $0x1  }
0xbe: {  	_ =	sfence.sel $0xFFFF  }
0xbf: {  	[dreg:$0x0] =	wrdreg $0xFFFFFFFF;
	(pc) =	sbr.abs _section_cstart, $3  }
0xc0: {  	[dreg:$0x1] =	wrdreg $0xFFFFFFFF  }
0xc1: {  	_ =	task.clear_ibuf [dreg:s7], $0x2FFFF;
	_ =	strace $0x9FFFFFFF  }
0xc2: {  	(tm) =	ssettm $0x7FFFFFFF  }
0xc3: {  	_ =	shalt  }
tec
execute0_lowered:
.L_overlay_start_1:
0x0: {  	(tag) =	ssettag $0x1  }
0x1: {  	s1 =	rddreg [dreg:$0x0];
	s0 =	srdreg.scid  }
0x2: {  	s10 =	stileid.u32;
	s2 =	rddreg [dreg:$0x1]  }
0x3: {  	s3 =	simm.s32 $0x0;
	s4 =	sand.u32 $0x1, s0;
	s25 =	smul.u32 $0xE0000, s10  }
0x4: {  	s18 =	sshll.u32 s10, $0x1;
	[smem:$0x7FF] =	sst s3;
	s12 =	smul.u32 $0x380000, s4  }
0x5: {  	s0 =	sor.u32 s4, s18;
	s6 =	ssub.s32 $0x2, s4;
	s4 =	smul.u32 $0x70000, s4  }
0x6: {  	s3 =	sadd.s32 $0xF42E00, s2;
	s2 =	sadd.s32 $0xA00, s2;
	s5 =	smul.u32 $0xC80, s0  }
0x7: {  	_ =	strace $0x80000047;
	s7 =	smul.u32 $0x380000, s0;
	s8 =	sshrl.u32 s6, $0x1  }
0x8: {  	s9 =	smul.u32 $0x70000, s0;
	s0 =	ssub.s32 s6, s8;
	s1 =	sadd.s32 s1, s5  }
0x9: {  	s19 =	sshrl.u32 s7, $0x3;
	s0 =	smax.u32 s0, $0x1;
	[dreg:$0x13] =	wrdreg s1  }
0xa: {  	s8 =	sadd.s32 s2, s9;
	s5 =	sadd.s32 s25, s2;
	[smem:$0x7F6] =	sst s0  }
0xb: {  	s1 =	sadd.s32 s2, s19;
	s4 =	sadd.s32 s4, s5;
	[dreg:$0x14] =	wrdreg s8  }
0xc: {  	s20 =	sadd.s32 $0x6AC00, s1;
	[dreg:$0x3] =	wrdreg s4  }
0xd: {  	s21 =	sadd.s32 $0x6AF80, s1;
	[dreg:$0x15] =	wrdreg s20  }
0xe: {  	s22 =	sadd.s32 $0x6B300, s1;
	[dreg:$0x16] =	wrdreg s21  }
0xf: {  	s23 =	sadd.s32 $0x6B680, s1;
	[dreg:$0x17] =	wrdreg s22  }
0x10: {  	s24 =	sadd.s32 $0x6BA00, s1;
	[dreg:$0x18] =	wrdreg s23  }
0x11: {  	s6 =	sadd.s32 $0x6BD80, s1;
	[dreg:$0x19] =	wrdreg s24  }
0x12: {  	s26 =	sadd.s32 $0x6C100, s1;
	[dreg:$0x1a] =	wrdreg s6  }
0x13: {  	s30 =	smul.u32 $0x700000, s10;
	s10 =	sadd.s32 $0x6C480, s1;
	[dreg:$0x1b] =	wrdreg s26  }
0x14: {  	s11 =	sadd.s32 $0x6C800, s1;
	[dreg:$0x1c] =	wrdreg s10  }
0x15: {  	s28 =	simm.s32 $0x7;
	s13 =	sadd.s32 $0x6CB80, s1;
	[dreg:$0x1d] =	wrdreg s11  }
0x16: {  	s29 =	simm.s32 $0x3;
	s14 =	sadd.s32 $0x6CF00, s1;
	[dreg:$0x1e] =	wrdreg s13  }
0x17: {  	s31 =	simm.s32 $0xB;
	s15 =	sadd.s32 $0x6D280, s1;
	[dreg:$0x1f] =	wrdreg s14  }
0x18: {  	s16 =	sadd.s32 $0x6D600, s1;
	[smem:$0x7E9] =	sst s15;
	s6 =	sadd.s32 s12, s30  }
0x19: {  	s0 =	simm.s32 $0x8;
	[smem:$0x7EA] =	sst s16;
	s17 =	sor.u32 $0x28400, s6  }
0x1a: {  	s19 =	sor.u32 $0x26800, s6;
	s20 =	sor.u32 $0x24C00, s6;
	s24 =	sor.u32 $0x21400, s6  }
0x1b: {  	s26 =	sor.u32 $0x1F800, s6;
	s30 =	sor.u32 $0x1A400, s6;
	s10 =	sor.u32 $0x18800, s6  }
0x1c: {  	s12 =	sor.u32 $0x16C00, s6;
	s13 =	sor.u32 $0x13400, s6;
	s18 =	sshrl.u32 s17, $0x3  }
0x1d: {  	s5 =	sshrl.u32 s19, $0x3;
	s22 =	sshrl.u32 s20, $0x3;
	s25 =	sshrl.u32 s24, $0x3  }
0x1e: {  	s7 =	sshrl.u32 s30, $0x3;
	s11 =	sshrl.u32 s10, $0x3;
	s30 =	sadd.s32 $0x6D980, s1  }
0x1f: {  	s15 =	sshrl.u32 s13, $0x3;
	s13 =	sadd.s32 $0x6E080, s1;
	[smem:$0x7EB] =	sst s30  }
0x20: {  	s17 =	sor.u32 $0x11800, s6;
	s4 =	sadd.s32 s18, s2;
	[smem:$0x7ED] =	sst s13  }
0x21: {  	s19 =	sor.u32 $0x36400, s6;
	s21 =	sadd.s32 s5, s2;
	[dreg:$0x4] =	wrdreg s4  }
0x22: {  	s20 =	sor.u32 $0x34800, s6;
	s23 =	sadd.s32 s22, s2;
	[dreg:$0x5] =	wrdreg s21  }
0x23: {  	s24 =	sor.u32 $0x32C00, s6;
	s9 =	sadd.s32 s7, s2;
	[dreg:$0x6] =	wrdreg s23  }
0x24: {  	s10 =	sor.u32 $0x2D800, s6;
	s16 =	sadd.s32 s15, s2;
	[dreg:$0x9] =	wrdreg s9  }
0x25: {  	s5 =	sshrl.u32 s26, $0x3;
	s15 =	sadd.s32 $0x6E780, s1;
	[dreg:$0xc] =	wrdreg s16  }
0x26: {  	s18 =	sshrl.u32 s17, $0x3;
	s17 =	sadd.s32 $0x6EE80, s1;
	[smem:$0x7EF] =	sst s15  }
0x27: {  	s22 =	sshrl.u32 s20, $0x3;
	s20 =	sadd.s32 $0x6F900, s1;
	[smem:$0x7F1] =	sst s17  }
0x28: {  	s26 =	sor.u32 $0x2F400, s6;
	s30 =	sadd.s32 $0x1880, s8;
	[smem:$0x7F4] =	sst s20  }
0x29: {  	s13 =	simm.s32 $0xC800;
	s4 =	sadd.s32 s25, s2;
	[smem:$0x7FD] =	sst s30  }
0x2a: {  	s6 =	simm.s32 $0x0;
	s5 =	sadd.s32 s5, s2;
	[dreg:$0x7] =	wrdreg s4  }
0x2b: {  	s23 =	sadd.s32 s22, s2;
	s25 =	sshrl.u32 s24, $0x3;
	[dreg:$0x8] =	wrdreg s5  }
0x2c: {  	s16 =	sadd.s32 $0x6EB00, s1;
	s22 =	sadd.s32 $0x700, s8;
	[dreg:$0xf] =	wrdreg s23  }
0x2d: {  	s24 =	sadd.s32 $0xE00, s8;
	s15 =	simm.s32 $0x12C00;
	[smem:$0x7F0] =	sst s16  }
0x2e: {  	s17 =	simm.s32 $0x40;
	s4 =	sadd.s32 s11, s2;
	[smem:$0x7F8] =	sst s22  }
0x2f: {  	s5 =	sshrl.u32 s12, $0x3;
	s11 =	sadd.s32 $0x6DD00, s1;
	[smem:$0x7FA] =	sst s24  }
0x30: {  	s12 =	sshrl.u32 s10, $0x3;
	s23 =	sadd.s32 $0xA80, s8;
	[dreg:$0xa] =	wrdreg s4  }
0x31: {  	s10 =	simm.s32 $0xC8;
	s16 =	simm.s32 $0x1;
	[smem:$0x7EC] =	sst s11  }
0x32: {  	s22 =	simm.s32 $0x15E00;
	s14 =	sadd.s32 s5, s2;
	[smem:$0x7F9] =	sst s23  }
0x33: {  	s24 =	simm.s32 $0x6;
	s4 =	sadd.s32 s18, s2;
	[dreg:$0xb] =	wrdreg s14  }
0x34: {  	s5 =	sshrl.u32 s19, $0x3;
	s18 =	sadd.s32 $0x6F200, s1;
	[dreg:$0xd] =	wrdreg s4  }
0x35: {  	s19 =	sadd.s32 $0x6F580, s1;
	s11 =	simm.s32 $0x6400;
	[smem:$0x7F2] =	sst s18  }
0x36: {  	s23 =	simm.s32 $0x2;
	s21 =	sadd.s32 s5, s2;
	[smem:$0x7F3] =	sst s19  }
0x37: {  	s4 =	sadd.s32 s25, s2;
	s5 =	sshrl.u32 s26, $0x3;
	[dreg:$0xe] =	wrdreg s21  }
0x38: {  	s14 =	sadd.s32 $0x6E400, s1;
	s1 =	sadd.s32 $0x6FC80, s1;
	[dreg:$0x10] =	wrdreg s4  }
0x39: {  	s25 =	sadd.s32 $0x1180, s8;
	s26 =	sadd.s32 $0x1500, s8;
	[smem:$0x7EE] =	sst s14  }
0x3a: {  	s18 =	simm.s32 $0x80;
	s9 =	sadd.s32 s5, s2;
	[smem:$0x7F5] =	sst s1  }
0x3b: {  	s2 =	sadd.s32 s12, s2;
	s21 =	sadd.s32 $0x380, s8;
	[smem:$0x7FB] =	sst s25  }
0x3c: {  	[smem:$0x7FC] =	sst s26;
	s12 =	simm.s32 $0x9600;
	s14 =	simm.s32 $0xFA00  }
0x3d: {  	s26 =	simm.s32 $0xBB80;
	s8 =	simm.s32 $0x9;
	[dreg:$0x11] =	wrdreg s9  }
0x3e: {  	s5 =	simm.s32 $0x5;
	s1 =	simm.s32 $0xC;
	[dreg:$0x12] =	wrdreg s2  }
0x3f: {  	[smem:$0x7F7] =	sst s21;
	s2 =	simm.s32 $0x4;
	s21 =	simm.s32 $0xA  }
.LBB2_1:
0x40: {  	[smem:$0x7E8] =	sst s6  }
0x41: {  	s4 =	simm.s32 $0x0;
	s25 =	rddreg [dreg:$0x13];
	s30 =	simm.s32 $0xD  }
0x42: {  	[tilespmem:s4], [sflag:$0xD] =	stream.linear.gather [hbm4b:s25+s4], $0x6400, $0x38;
	[tilespmem:$0x19000] =	vst v63  }
0x43: {  	_ =	swait.ge [sflag:s30], $0x6400  }
0x44: {  	[sflag:s30] =	ssyncset.done $0x0  }
0x45: {  	[sflag:s30] =	ssyncadd.s32 $0xFFFF9C00  }
0x46: {  	[tilespmem:s11], [sflag:$0x1] =	stream.indirect.gather [hbm4b:s3+s10], $0x40, s4, s10, $0xb8;
	[tilespmem:$0x19000] =	vst v63  }
0x47: {  	_ = 	snop  }
0x48: {  	[tilespmem:s12], [sflag:$0x2] =	stream.indirect.gather [hbm4b:s3+s10], $0x40, s10, s10, $0xb8;
	[tilespmem:$0x19000] =	vst v63  }
0x49: {  	s7 =	simm.s32 $0x190  }
0x4a: {  	[tilespmem:s13], [sflag:$0x3] =	stream.indirect.gather [hbm4b:s3+s10], $0x40, s7, s10, $0xb8;
	[tilespmem:$0x19000] =	vst v63  }
0x4b: {  	s9 =	simm.s32 $0x258  }
0x4c: {  	[tilespmem:s14], [sflag:$0x4] =	stream.indirect.gather [hbm4b:s3+s10], $0x40, s9, s10, $0xb8;
	[tilespmem:$0x19000] =	vst v63  }
0x4d: {  	s19 =	simm.s32 $0x320  }
0x4e: {  	[tilespmem:s15], [sflag:$0x5] =	stream.indirect.gather [hbm4b:s3+s10], $0x40, s19, s10, $0xb8;
	[tilespmem:$0x19000] =	vst v63  }
0x4f: {  	_ =	swait.ge [sflag:s16], $0x3200  }
0x50: {  	[sflag:s16] =	ssyncset.done $0x0;
	s20 =	rddreg [dreg:$0x14]  }
0x51: {  	s25 =	sld [smem:$0x7F7];
	[sflag:s16] =	ssyncadd.s32 $0xFFFFCE00  }
0x52: {  	[hbm4b:s20+s17] =	stream.strided.scatter [tilespmem:s11], [sflag:$0x7], $0xC80, s18, s17, $0x38;
	[tilespmem:$0x19000] =	vst v63  }
0x53: {  	s9 =	simm.s32 $0x7080;
	s30 =	sld [smem:$0x7F8]  }
0x54: {  	[hbm4b:s25+s17] =	stream.strided.scatter [tilespmem:s9], [sflag:$0x7], $0xC80, s18, s17, $0x38;
	[tilespmem:$0x19000] =	vst v63  }
0x55: {  	s19 =	simm.s32 $0x7D00;
	s6 =	sld [smem:$0x7F9]  }
0x56: {  	[hbm4b:s30+s17] =	stream.strided.scatter [tilespmem:s19], [sflag:$0x7], $0xC80, s18, s17, $0x38;
	[tilespmem:$0x19000] =	vst v63  }
0x57: {  	s20 =	simm.s32 $0x8980  }
0x58: {  	[hbm4b:s6+s17] =	stream.strided.scatter [tilespmem:s20], [sflag:$0x7], $0xC80, s18, s17, $0x38;
	[tilespmem:$0x19000] =	vst v63  }
0x59: {  	s7 =	simm.s32 $0x3E8  }
0x5a: {  	[tilespmem:s22], [sflag:$0x6] =	stream.indirect.gather [hbm4b:s3+s10], $0x40, s7, s10, $0xb8;
	[tilespmem:$0x19000] =	vst v63  }
0x5b: {  	_ =	swait.ge [sflag:s23], $0x3200  }
0x5c: {  	s25 =	sld [smem:$0x7FA]  }
0x5d: {  	[sflag:s23] =	ssyncset.done $0x0  }
0x5e: {  	s30 =	sld [smem:$0x7FB];
	[sflag:s23] =	ssyncadd.s32 $0xFFFFCE00  }
0x5f: {  	[hbm4b:s25+s17] =	stream.strided.scatter [tilespmem:s12], [sflag:$0x8], $0xC80, s18, s17, $0x38;
	[tilespmem:$0x19000] =	vst v63  }
0x60: {  	s6 =	sld [smem:$0x7FC];
	s25 =	simm.s32 $0xA280  }
0x61: {  	[hbm4b:s30+s17] =	stream.strided.scatter [tilespmem:s25], [sflag:$0x8], $0xC80, s18, s17, $0x38;
	[tilespmem:$0x19000] =	vst v63  }
0x62: {  	s7 =	simm.s32 $0xAF00;
	s30 =	sld [smem:$0x7FD]  }
0x63: {  	[hbm4b:s6+s17] =	stream.strided.scatter [tilespmem:s7], [sflag:$0x8], $0xC80, s18, s17, $0x38;
	[tilespmem:$0x19000] =	vst v63  }
0x64: {  	_ = 	snop  }
0x65: {  	[hbm4b:s30+s17] =	stream.strided.scatter [tilespmem:s26], [sflag:$0x8], $0xC80, s18, s17, $0x38;
	[tilespmem:$0x19000] =	vst v63  }
0x66: {  	_ =	swait.ge [sflag:s28], $0xC80  }
0x67: {  	[sflag:s28] =	ssyncset.done $0x0  }
0x68: {  	[sflag:s28] =	ssyncadd.s32 $0xFFFFF380  }
0x69: {  	_ =	swait.ge [sflag:s28], $0xC80  }
0x6a: {  	[sflag:s28] =	ssyncset.done $0x0  }
0x6b: {  	[sflag:s28] =	ssyncadd.s32 $0xFFFFF380  }
0x6c: {  	_ =	swait.ge [sflag:s28], $0xC80  }
0x6d: {  	[sflag:s28] =	ssyncset.done $0x0  }
0x6e: {  	[sflag:s28] =	ssyncadd.s32 $0xFFFFF380  }
0x6f: {  	_ =	swait.ge [sflag:s28], $0xC80  }
0x70: {  	[sflag:s28] =	ssyncset.done $0x0  }
0x71: {  	s6 =	simm.s32 $0x4B0;
	[sflag:s28] =	ssyncadd.s32 $0xFFFFF380  }
0x72: {  	[tilespmem:s11], [sflag:$0x1] =	stream.indirect.gather [hbm4b:s3+s10], $0x40, s6, s10, $0xb8;
	[tilespmem:$0x19000] =	vst v63  }
0x73: {  	_ =	swait.ge [sflag:s29], $0x3200  }
0x74: {  	s7 =	rddreg [dreg:$0x3]  }
0x75: {  	[sflag:s29] =	ssyncset.done $0x0;
	s4 =	sadd.s32 $0x0, s7  }
0x76: {  	[sflag:s29] =	ssyncadd.s32 $0xFFFFCE00;
	s30 =	sadd.s32 $0x1C00, s4  }
0x77: {  	[hbm4b:s30+s17] =	stream.strided.scatter [tilespmem:s13], [sflag:$0x9], $0xC80, s18, s17, $0x38;
	[tilespmem:$0x19000] =	vst v63  }
0x78: {  	s6 =	rddreg [dreg:$0xd];
	s7 =	sadd.s32 $0x1F80, s4;
	s30 =	simm.s32 $0xD480  }
0x79: {  	[hbm4b:s7+s17] =	stream.strided.scatter [tilespmem:s30], [sflag:$0x9], $0xC80, s18, s17, $0x38;
	[tilespmem:$0x19000] =	vst v63  }
0x7a: {  	s6 =	sadd.s32 $0x0, s6;
	s7 =	rddreg [dreg:$0xc];
	s30 =	simm.s32 $0xE100  }
0x7b: {  	[hbm4b:s6+s17] =	stream.strided.scatter [tilespmem:s30], [sflag:$0x9], $0xC80, s18, s17, $0x38;
	[tilespmem:$0x19000] =	vst v63  }
0x7c: {  	s7 =	sadd.s32 $0x0, s7;
	s30 =	simm.s32 $0xED80  }
0x7d: {  	[hbm4b:s7+s17] =	stream.strided.scatter [tilespmem:s30], [sflag:$0x9], $0xC80, s18, s17, $0x38;
	[tilespmem:$0x19000] =	vst v63  }
0x7e: {  	_ =	swait.ge [sflag:s0], $0xC80  }
0x7f: {  	[sflag:s0] =	ssyncset.done $0x0  }
0x80: {  	[sflag:s0] =	ssyncadd.s32 $0xFFFFF380  }
0x81: {  	_ =	swait.ge [sflag:s0], $0xC80  }
0x82: {  	[sflag:s0] =	ssyncset.done $0x0  }
0x83: {  	[sflag:s0] =	ssyncadd.s32 $0xFFFFF380  }
0x84: {  	_ =	swait.ge [sflag:s0], $0xC80  }
0x85: {  	[sflag:s0] =	ssyncset.done $0x0  }
0x86: {  	[sflag:s0] =	ssyncadd.s32 $0xFFFFF380  }
0x87: {  	_ =	swait.ge [sflag:s0], $0xC80  }
0x88: {  	[sflag:s0] =	ssyncset.done $0x0  }
0x89: {  	s7 =	simm.s32 $0x578;
	[sflag:s0] =	ssyncadd.s32 $0xFFFFF380  }
0x8a: {  	[tilespmem:s12], [sflag:$0x2] =	stream.indirect.gather [hbm4b:s3+s10], $0x40, s7, s10, $0xb8;
	[tilespmem:$0x19000] =	vst v63  }
0x8b: {  	_ =	swait.ge [sflag:s2], $0x3200  }
0x8c: {  	[sflag:s2] =	ssyncset.done $0x0  }
0x8d: {  	s30 =	sadd.s32 $0x2A00, s4;
	s6 =	rddreg [dreg:$0xb];
	[sflag:s2] =	ssyncadd.s32 $0xFFFFCE00  }
0x8e: {  	[hbm4b:s30+s17] =	stream.strided.scatter [tilespmem:s14], [sflag:$0xA], $0xC80, s18, s17, $0x38;
	[tilespmem:$0x19000] =	vst v63  }
0x8f: {  	s7 =	rddreg [dreg:$0xa];
	s6 =	sadd.s32 $0x0, s6;
	s30 =	simm.s32 $0x10680  }
0x90: {  	[hbm4b:s6+s17] =	stream.strided.scatter [tilespmem:s30], [sflag:$0xA], $0xC80, s18, s17, $0x38;
	[tilespmem:$0x19000] =	vst v63  }
0x91: {  	s7 =	sadd.s32 $0x0, s7;
	s6 =	rddreg [dreg:$0x9];
	s30 =	simm.s32 $0x11300  }
0x92: {  	[hbm4b:s7+s17] =	stream.strided.scatter [tilespmem:s30], [sflag:$0xA], $0xC80, s18, s17, $0x38;
	[tilespmem:$0x19000] =	vst v63  }
0x93: {  	s6 =	sadd.s32 $0x0, s6;
	s30 =	simm.s32 $0x11F80  }
0x94: {  	[hbm4b:s6+s17] =	stream.strided.scatter [tilespmem:s30], [sflag:$0xA], $0xC80, s18, s17, $0x38;
	[tilespmem:$0x19000] =	vst v63  }
0x95: {  	_ =	swait.ge [sflag:s8], $0xC80  }
0x96: {  	[sflag:s8] =	ssyncset.done $0x0  }
0x97: {  	[sflag:s8] =	ssyncadd.s32 $0xFFFFF380  }
0x98: {  	_ =	swait.ge [sflag:s8], $0xC80  }
0x99: {  	[sflag:s8] =	ssyncset.done $0x0  }
0x9a: {  	[sflag:s8] =	ssyncadd.s32 $0xFFFFF380  }
0x9b: {  	_ =	swait.ge [sflag:s8], $0xC80  }
0x9c: {  	[sflag:s8] =	ssyncset.done $0x0  }
0x9d: {  	[sflag:s8] =	ssyncadd.s32 $0xFFFFF380  }
0x9e: {  	_ =	swait.ge [sflag:s8], $0xC80  }
0x9f: {  	[sflag:s8] =	ssyncset.done $0x0  }
0xa0: {  	s7 =	simm.s32 $0x640;
	[sflag:s8] =	ssyncadd.s32 $0xFFFFF380  }
0xa1: {  	[tilespmem:s13], [sflag:$0x3] =	stream.indirect.gather [hbm4b:s3+s10], $0x40, s7, s10, $0xb8;
	[tilespmem:$0x19000] =	vst v63  }
0xa2: {  	_ =	swait.ge [sflag:s5], $0x3200  }
0xa3: {  	[sflag:s5] =	ssyncset.done $0x0  }
0xa4: {  	s30 =	sadd.s32 $0x3800, s4;
	[sflag:s5] =	ssyncadd.s32 $0xFFFFCE00  }
0xa5: {  	[hbm4b:s30+s17] =	stream.strided.scatter [tilespmem:s15], [sflag:$0xB], $0xC80, s18, s17, $0x38;
	[tilespmem:$0x19000] =	vst v63  }
0xa6: {  	s7 =	sadd.s32 $0x3B80, s4;
	s6 =	rddreg [dreg:$0x8];
	s30 =	simm.s32 $0x13880  }
0xa7: {  	[hbm4b:s7+s17] =	stream.strided.scatter [tilespmem:s30], [sflag:$0xB], $0xC80, s18, s17, $0x38;
	[tilespmem:$0x19000] =	vst v63  }
0xa8: {  	s6 =	sadd.s32 $0x0, s6;
	s7 =	rddreg [dreg:$0x7];
	s30 =	simm.s32 $0x14500  }
0xa9: {  	[hbm4b:s6+s17] =	stream.strided.scatter [tilespmem:s30], [sflag:$0xB], $0xC80, s18, s17, $0x38;
	[tilespmem:$0x19000] =	vst v63  }
0xaa: {  	s7 =	sadd.s32 $0x0, s7;
	s30 =	simm.s32 $0x15180  }
0xab: {  	[hbm4b:s7+s17] =	stream.strided.scatter [tilespmem:s30], [sflag:$0xB], $0xC80, s18, s17, $0x38;
	[tilespmem:$0x19000] =	vst v63  }
0xac: {  	_ =	swait.ge [sflag:s21], $0xC80  }
0xad: {  	[sflag:s21] =	ssyncset.done $0x0  }
0xae: {  	[sflag:s21] =	ssyncadd.s32 $0xFFFFF380  }
0xaf: {  	_ =	swait.ge [sflag:s21], $0xC80  }
0xb0: {  	[sflag:s21] =	ssyncset.done $0x0  }
0xb1: {  	[sflag:s21] =	ssyncadd.s32 $0xFFFFF380  }
0xb2: {  	_ =	swait.ge [sflag:s21], $0xC80  }
0xb3: {  	[sflag:s21] =	ssyncset.done $0x0  }
0xb4: {  	[sflag:s21] =	ssyncadd.s32 $0xFFFFF380  }
0xb5: {  	_ =	swait.ge [sflag:s21], $0xC80  }
0xb6: {  	[sflag:s21] =	ssyncset.done $0x0  }
0xb7: {  	s7 =	simm.s32 $0x708;
	[sflag:s21] =	ssyncadd.s32 $0xFFFFF380  }
0xb8: {  	[tilespmem:s14], [sflag:$0x4] =	stream.indirect.gather [hbm4b:s3+s10], $0x40, s7, s10, $0xb8;
	[tilespmem:$0x19000] =	vst v63  }
0xb9: {  	_ =	swait.ge [sflag:s24], $0x3200  }
0xba: {  	[sflag:s24] =	ssyncset.done $0x0  }
0xbb: {  	s30 =	sadd.s32 $0x4600, s4;
	s6 =	rddreg [dreg:$0x6];
	[sflag:s24] =	ssyncadd.s32 $0xFFFFCE00  }
0xbc: {  	[hbm4b:s30+s17] =	stream.strided.scatter [tilespmem:s22], [sflag:$0xC], $0xC80, s18, s17, $0x38;
	[tilespmem:$0x19000] =	vst v63  }
0xbd: {  	s7 =	rddreg [dreg:$0x5];
	s6 =	sadd.s32 $0x0, s6;
	s30 =	simm.s32 $0x16A80  }
0xbe: {  	[hbm4b:s6+s17] =	stream.strided.scatter [tilespmem:s30], [sflag:$0xC], $0xC80, s18, s17, $0x38;
	[tilespmem:$0x19000] =	vst v63  }
0xbf: {  	s7 =	sadd.s32 $0x0, s7;
	s6 =	rddreg [dreg:$0x4];
	s30 =	simm.s32 $0x17700  }
0xc0: {  	[hbm4b:s7+s17] =	stream.strided.scatter [tilespmem:s30], [sflag:$0xC], $0xC80, s18, s17, $0x38;
	[tilespmem:$0x19000] =	vst v63  }
0xc1: {  	s6 =	sadd.s32 $0x0, s6;
	s30 =	simm.s32 $0x18380  }
0xc2: {  	[hbm4b:s6+s17] =	stream.strided.scatter [tilespmem:s30], [sflag:$0xC], $0xC80, s18, s17, $0x38;
	[tilespmem:$0x19000] =	vst v63  }
0xc3: {  	_ =	swait.ge [sflag:s31], $0xC80  }
0xc4: {  	[sflag:s31] =	ssyncset.done $0x0  }
0xc5: {  	[sflag:s31] =	ssyncadd.s32 $0xFFFFF380  }
0xc6: {  	_ =	swait.ge [sflag:s31], $0xC80  }
0xc7: {  	[sflag:s31] =	ssyncset.done $0x0  }
0xc8: {  	[sflag:s31] =	ssyncadd.s32 $0xFFFFF380  }
0xc9: {  	_ =	swait.ge [sflag:s31], $0xC80  }
0xca: {  	[sflag:s31] =	ssyncset.done $0x0  }
0xcb: {  	[sflag:s31] =	ssyncadd.s32 $0xFFFFF380  }
0xcc: {  	_ =	swait.ge [sflag:s31], $0xC80  }
0xcd: {  	[sflag:s31] =	ssyncset.done $0x0  }
0xce: {  	s30 =	simm.s32 $0x7D0;
	[sflag:s31] =	ssyncadd.s32 $0xFFFFF380  }
0xcf: {  	[tilespmem:s15], [sflag:$0x5] =	stream.indirect.gather [hbm4b:s3+s10], $0x40, s30, s10, $0xb8;
	[tilespmem:$0x19000] =	vst v63  }
0xd0: {  	_ =	swait.ge [sflag:s16], $0x3200  }
0xd1: {  	[sflag:s16] =	ssyncset.done $0x0  }
0xd2: {  	s7 =	sadd.s32 $0x5400, s4;
	[sflag:s16] =	ssyncadd.s32 $0xFFFFCE00  }
0xd3: {  	[hbm4b:s7+s17] =	stream.strided.scatter [tilespmem:s11], [sflag:$0x7], $0xC80, s18, s17, $0x38;
	[tilespmem:$0x19000] =	vst v63  }
0xd4: {  	s30 =	sadd.s32 $0x5780, s4;
	s6 =	rddreg [dreg:$0x12]  }
0xd5: {  	[hbm4b:s30+s17] =	stream.strided.scatter [tilespmem:s9], [sflag:$0x7], $0xC80, s18, s17, $0x38;
	[tilespmem:$0x19000] =	vst v63  }
0xd6: {  	s6 =	sadd.s32 $0x0, s6;
	s9 =	rddreg [dreg:$0x11]  }
0xd7: {  	[hbm4b:s6+s17] =	stream.strided.scatter [tilespmem:s19], [sflag:$0x7], $0xC80, s18, s17, $0x38;
	[tilespmem:$0x19000] =	vst v63  }
0xd8: {  	s19 =	sadd.s32 $0x0, s9  }
0xd9: {  	[hbm4b:s19+s17] =	stream.strided.scatter [tilespmem:s20], [sflag:$0x7], $0xC80, s18, s17, $0x38;
	[tilespmem:$0x19000] =	vst v63  }
0xda: {  	_ =	swait.ge [sflag:s1], $0xC80  }
0xdb: {  	[sflag:s1] =	ssyncset.done $0x0  }
0xdc: {  	[sflag:s1] =	ssyncadd.s32 $0xFFFFF380  }
0xdd: {  	_ =	swait.ge [sflag:s1], $0xC80  }
0xde: {  	[sflag:s1] =	ssyncset.done $0x0  }
0xdf: {  	[sflag:s1] =	ssyncadd.s32 $0xFFFFF380  }
0xe0: {  	_ =	swait.ge [sflag:s1], $0xC80  }
0xe1: {  	[sflag:s1] =	ssyncset.done $0x0  }
0xe2: {  	[sflag:s1] =	ssyncadd.s32 $0xFFFFF380  }
0xe3: {  	_ =	swait.ge [sflag:s1], $0xC80  }
0xe4: {  	[sflag:s1] =	ssyncset.done $0x0  }
0xe5: {  	s30 =	simm.s32 $0x898;
	[sflag:s1] =	ssyncadd.s32 $0xFFFFF380  }
0xe6: {  	[tilespmem:s22], [sflag:$0x6] =	stream.indirect.gather [hbm4b:s3+s10], $0x40, s30, s10, $0xb8;
	[tilespmem:$0x19000] =	vst v63  }
0xe7: {  	_ =	swait.ge [sflag:s23], $0x3200  }
0xe8: {  	s4 =	sadd.s32 $0x6200, s4;
	[sflag:s23] =	ssyncset.done $0x0;
	s7 =	rddreg [dreg:$0x10]  }
0xe9: {  	s6 =	simm.s32 $0xD48;
	s9 =	rddreg [dreg:$0xf];
	[sflag:s23] =	ssyncadd.s32 $0xFFFFCE00  }
0xea: {  	[hbm4b:s4+s17] =	stream.strided.scatter [tilespmem:s12], [sflag:$0x8], $0xC80, s18, s17, $0x38;
	[tilespmem:$0x19000] =	vst v63  }
0xeb: {  	s30 =	simm.s32 $0xAF00;
	s20 =	rddreg [dreg:$0xe];
	s19 =	sadd.s32 $0x0, s7  }
0xec: {  	[hbm4b:s19+s17] =	stream.strided.scatter [tilespmem:s25], [sflag:$0x8], $0xC80, s18, s17, $0x38;
	[tilespmem:$0x19000] =	vst v63  }
0xed: {  	s7 =	sadd.s32 $0x0, s20;
	s4 =	simm.s32 $0x5400;
	s25 =	sadd.s32 $0x0, s9  }
0xee: {  	[hbm4b:s25+s17] =	stream.strided.scatter [tilespmem:s30], [sflag:$0x8], $0xC80, s18, s17, $0x38;
	[tilespmem:$0x19000] =	vst v63  }
.LBB2_2:
0xef: {  	[hbm4b:s7+s17] =	stream.strided.scatter [tilespmem:s26], [sflag:$0x8], $0xC80, s18, s17, $0x38;
	[tilespmem:$0x19000] =	vst v63  }
0xf0: {  	_ =	swait.ge [sflag:s28], $0xC80  }
0xf1: {  	[sflag:s28] =	ssyncset.done $0x0  }
0xf2: {  	[sflag:s28] =	ssyncadd.s32 $0xFFFFF380  }
0xf3: {  	_ =	swait.ge [sflag:s28], $0xC80  }
0xf4: {  	[sflag:s28] =	ssyncset.done $0x0  }
0xf5: {  	[sflag:s28] =	ssyncadd.s32 $0xFFFFF380  }
0xf6: {  	_ =	swait.ge [sflag:s28], $0xC80  }
0xf7: {  	[sflag:s28] =	ssyncset.done $0x0  }
0xf8: {  	[sflag:s28] =	ssyncadd.s32 $0xFFFFF380  }
0xf9: {  	_ =	swait.ge [sflag:s28], $0xC80  }
0xfa: {  	[sflag:s28] =	ssyncset.done $0x0  }
0xfb: {  	s9 =	sadd.s32 $0xFFFFFC18, s6;
	[sflag:s28] =	ssyncadd.s32 $0xFFFFF380  }
0xfc: {  	[tilespmem:s11], [sflag:$0x1] =	stream.indirect.gather [hbm4b:s3+s10], $0x40, s9, s10, $0xb8;
	[tilespmem:$0x19000] =	vst v63  }
0xfd: {  	_ =	swait.ge [sflag:s29], $0x3200  }
0xfe: {  	s7 =	smov.u32 s4;
	s19 =	rddreg [dreg:$0x3]  }
0xff: {  	[sflag:s29] =	ssyncset.done $0x0;
	s9 =	sadd.s32 s7, s19  }
0x100: {  	[sflag:s29] =	ssyncadd.s32 $0xFFFFCE00;
	s19 =	sadd.s32 $0x1C00, s9  }
0x101: {  	[hbm4b:s19+s17] =	stream.strided.scatter [tilespmem:s13], [sflag:$0x9], $0xC80, s18, s17, $0x38;
	[tilespmem:$0x19000] =	vst v63  }
0x102: {  	s30 =	simm.s32 $0xD480;
	s20 =	rddreg [dreg:$0xd];
	s19 =	sadd.s32 $0x1F80, s9  }
0x103: {  	[hbm4b:s19+s17] =	stream.strided.scatter [tilespmem:s30], [sflag:$0x9], $0xC80, s18, s17, $0x38;
	[tilespmem:$0x19000] =	vst v63  }
0x104: {  	s25 =	rddreg [dreg:$0xc];
	s20 =	sadd.s32 s7, s20;
	s30 =	simm.s32 $0xE100  }
0x105: {  	[hbm4b:s20+s17] =	stream.strided.scatter [tilespmem:s30], [sflag:$0x9], $0xC80, s18, s17, $0x38;
	[tilespmem:$0x19000] =	vst v63  }
0x106: {  	s25 =	sadd.s32 s7, s25;
	s30 =	simm.s32 $0xED80  }
0x107: {  	[hbm4b:s25+s17] =	stream.strided.scatter [tilespmem:s30], [sflag:$0x9], $0xC80, s18, s17, $0x38;
	[tilespmem:$0x19000] =	vst v63  }
0x108: {  	_ =	swait.ge [sflag:s0], $0xC80  }
0x109: {  	[sflag:s0] =	ssyncset.done $0x0  }
0x10a: {  	[sflag:s0] =	ssyncadd.s32 $0xFFFFF380  }
0x10b: {  	_ =	swait.ge [sflag:s0], $0xC80  }
0x10c: {  	[sflag:s0] =	ssyncset.done $0x0  }
0x10d: {  	[sflag:s0] =	ssyncadd.s32 $0xFFFFF380  }
0x10e: {  	_ =	swait.ge [sflag:s0], $0xC80  }
0x10f: {  	[sflag:s0] =	ssyncset.done $0x0  }
0x110: {  	[sflag:s0] =	ssyncadd.s32 $0xFFFFF380  }
0x111: {  	_ =	swait.ge [sflag:s0], $0xC80  }
0x112: {  	[sflag:s0] =	ssyncset.done $0x0  }
0x113: {  	s25 =	sadd.s32 $0xFFFFFCE0, s6;
	[sflag:s0] =	ssyncadd.s32 $0xFFFFF380  }
0x114: {  	[tilespmem:s12], [sflag:$0x2] =	stream.indirect.gather [hbm4b:s3+s10], $0x40, s25, s10, $0xb8;
	[tilespmem:$0x19000] =	vst v63  }
0x115: {  	_ =	swait.ge [sflag:s2], $0x3200  }
0x116: {  	[sflag:s2] =	ssyncset.done $0x0  }
0x117: {  	s30 =	sadd.s32 $0x2A00, s9;
	s19 =	rddreg [dreg:$0xb];
	[sflag:s2] =	ssyncadd.s32 $0xFFFFCE00  }
0x118: {  	[hbm4b:s30+s17] =	stream.strided.scatter [tilespmem:s14], [sflag:$0xA], $0xC80, s18, s17, $0x38;
	[tilespmem:$0x19000] =	vst v63  }
0x119: {  	s25 =	rddreg [dreg:$0xa];
	s19 =	sadd.s32 s7, s19;
	s30 =	simm.s32 $0x10680  }
0x11a: {  	[hbm4b:s19+s17] =	stream.strided.scatter [tilespmem:s30], [sflag:$0xA], $0xC80, s18, s17, $0x38;
	[tilespmem:$0x19000] =	vst v63  }
0x11b: {  	s20 =	rddreg [dreg:$0x9];
	s25 =	sadd.s32 s7, s25;
	s30 =	simm.s32 $0x11300  }
0x11c: {  	[hbm4b:s25+s17] =	stream.strided.scatter [tilespmem:s30], [sflag:$0xA], $0xC80, s18, s17, $0x38;
	[tilespmem:$0x19000] =	vst v63  }
0x11d: {  	s25 =	sadd.s32 s7, s20;
	s30 =	simm.s32 $0x11F80  }
0x11e: {  	[hbm4b:s25+s17] =	stream.strided.scatter [tilespmem:s30], [sflag:$0xA], $0xC80, s18, s17, $0x38;
	[tilespmem:$0x19000] =	vst v63  }
0x11f: {  	_ =	swait.ge [sflag:s8], $0xC80  }
0x120: {  	[sflag:s8] =	ssyncset.done $0x0  }
0x121: {  	[sflag:s8] =	ssyncadd.s32 $0xFFFFF380  }
0x122: {  	_ =	swait.ge [sflag:s8], $0xC80  }
0x123: {  	[sflag:s8] =	ssyncset.done $0x0  }
0x124: {  	[sflag:s8] =	ssyncadd.s32 $0xFFFFF380  }
0x125: {  	_ =	swait.ge [sflag:s8], $0xC80  }
0x126: {  	[sflag:s8] =	ssyncset.done $0x0  }
0x127: {  	[sflag:s8] =	ssyncadd.s32 $0xFFFFF380  }
0x128: {  	_ =	swait.ge [sflag:s8], $0xC80  }
0x129: {  	[sflag:s8] =	ssyncset.done $0x0  }
0x12a: {  	s25 =	sadd.s32 $0xFFFFFDA8, s6;
	[sflag:s8] =	ssyncadd.s32 $0xFFFFF380  }
0x12b: {  	[tilespmem:s13], [sflag:$0x3] =	stream.indirect.gather [hbm4b:s3+s10], $0x40, s25, s10, $0xb8;
	[tilespmem:$0x19000] =	vst v63  }
0x12c: {  	_ =	swait.ge [sflag:s5], $0x3200  }
0x12d: {  	[sflag:s5] =	ssyncset.done $0x0  }
0x12e: {  	s30 =	sadd.s32 $0x3800, s9;
	[sflag:s5] =	ssyncadd.s32 $0xFFFFCE00  }
0x12f: {  	[hbm4b:s30+s17] =	stream.strided.scatter [tilespmem:s15], [sflag:$0xB], $0xC80, s18, s17, $0x38;
	[tilespmem:$0x19000] =	vst v63  }
0x130: {  	s19 =	sadd.s32 $0x3B80, s9;
	s20 =	rddreg [dreg:$0x8];
	s30 =	simm.s32 $0x13880  }
0x131: {  	[hbm4b:s19+s17] =	stream.strided.scatter [tilespmem:s30], [sflag:$0xB], $0xC80, s18, s17, $0x38;
	[tilespmem:$0x19000] =	vst v63  }
0x132: {  	s25 =	rddreg [dreg:$0x7];
	s20 =	sadd.s32 s7, s20;
	s30 =	simm.s32 $0x14500  }
0x133: {  	[hbm4b:s20+s17] =	stream.strided.scatter [tilespmem:s30], [sflag:$0xB], $0xC80, s18, s17, $0x38;
	[tilespmem:$0x19000] =	vst v63  }
0x134: {  	s25 =	sadd.s32 s7, s25;
	s30 =	simm.s32 $0x15180  }
0x135: {  	[hbm4b:s25+s17] =	stream.strided.scatter [tilespmem:s30], [sflag:$0xB], $0xC80, s18, s17, $0x38;
	[tilespmem:$0x19000] =	vst v63  }
0x136: {  	_ =	swait.ge [sflag:s21], $0xC80  }
0x137: {  	[sflag:s21] =	ssyncset.done $0x0  }
0x138: {  	[sflag:s21] =	ssyncadd.s32 $0xFFFFF380  }
0x139: {  	_ =	swait.ge [sflag:s21], $0xC80  }
0x13a: {  	[sflag:s21] =	ssyncset.done $0x0  }
0x13b: {  	[sflag:s21] =	ssyncadd.s32 $0xFFFFF380  }
0x13c: {  	_ =	swait.ge [sflag:s21], $0xC80  }
0x13d: {  	[sflag:s21] =	ssyncset.done $0x0  }
0x13e: {  	[sflag:s21] =	ssyncadd.s32 $0xFFFFF380  }
0x13f: {  	_ =	swait.ge [sflag:s21], $0xC80  }
0x140: {  	[sflag:s21] =	ssyncset.done $0x0  }
0x141: {  	s25 =	sadd.s32 $0xFFFFFE70, s6;
	[sflag:s21] =	ssyncadd.s32 $0xFFFFF380  }
0x142: {  	[tilespmem:s14], [sflag:$0x4] =	stream.indirect.gather [hbm4b:s3+s10], $0x40, s25, s10, $0xb8;
	[tilespmem:$0x19000] =	vst v63  }
0x143: {  	_ =	swait.ge [sflag:s24], $0x3200  }
0x144: {  	[sflag:s24] =	ssyncset.done $0x0  }
0x145: {  	s30 =	sadd.s32 $0x4600, s9;
	s19 =	rddreg [dreg:$0x6];
	[sflag:s24] =	ssyncadd.s32 $0xFFFFCE00  }
0x146: {  	[hbm4b:s30+s17] =	stream.strided.scatter [tilespmem:s22], [sflag:$0xC], $0xC80, s18, s17, $0x38;
	[tilespmem:$0x19000] =	vst v63  }
0x147: {  	s25 =	rddreg [dreg:$0x5];
	s19 =	sadd.s32 s7, s19;
	s30 =	simm.s32 $0x16A80  }
0x148: {  	[hbm4b:s19+s17] =	stream.strided.scatter [tilespmem:s30], [sflag:$0xC], $0xC80, s18, s17, $0x38;
	[tilespmem:$0x19000] =	vst v63  }
0x149: {  	s20 =	rddreg [dreg:$0x4];
	s25 =	sadd.s32 s7, s25;
	s30 =	simm.s32 $0x17700  }
0x14a: {  	[hbm4b:s25+s17] =	stream.strided.scatter [tilespmem:s30], [sflag:$0xC], $0xC80, s18, s17, $0x38;
	[tilespmem:$0x19000] =	vst v63  }
0x14b: {  	s25 =	sadd.s32 s7, s20;
	s30 =	simm.s32 $0x18380  }
0x14c: {  	[hbm4b:s25+s17] =	stream.strided.scatter [tilespmem:s30], [sflag:$0xC], $0xC80, s18, s17, $0x38;
	[tilespmem:$0x19000] =	vst v63  }
0x14d: {  	_ =	swait.ge [sflag:s31], $0xC80  }
0x14e: {  	[sflag:s31] =	ssyncset.done $0x0  }
0x14f: {  	[sflag:s31] =	ssyncadd.s32 $0xFFFFF380  }
0x150: {  	_ =	swait.ge [sflag:s31], $0xC80  }
0x151: {  	[sflag:s31] =	ssyncset.done $0x0  }
0x152: {  	[sflag:s31] =	ssyncadd.s32 $0xFFFFF380  }
0x153: {  	_ =	swait.ge [sflag:s31], $0xC80  }
0x154: {  	[sflag:s31] =	ssyncset.done $0x0  }
0x155: {  	[sflag:s31] =	ssyncadd.s32 $0xFFFFF380  }
0x156: {  	_ =	swait.ge [sflag:s31], $0xC80  }
0x157: {  	[sflag:s31] =	ssyncset.done $0x0  }
0x158: {  	s25 =	sadd.s32 $0xFFFFFF38, s6;
	[sflag:s31] =	ssyncadd.s32 $0xFFFFF380  }
0x159: {  	[tilespmem:s15], [sflag:$0x5] =	stream.indirect.gather [hbm4b:s3+s10], $0x40, s25, s10, $0xb8;
	[tilespmem:$0x19000] =	vst v63  }
0x15a: {  	_ =	swait.ge [sflag:s16], $0x3200  }
0x15b: {  	[sflag:s16] =	ssyncset.done $0x0  }
0x15c: {  	s30 =	sadd.s32 $0x5400, s9;
	[sflag:s16] =	ssyncadd.s32 $0xFFFFCE00  }
0x15d: {  	[hbm4b:s30+s17] =	stream.strided.scatter [tilespmem:s11], [sflag:$0x7], $0xC80, s18, s17, $0x38;
	[tilespmem:$0x19000] =	vst v63  }
0x15e: {  	s19 =	sadd.s32 $0x5780, s9;
	s20 =	rddreg [dreg:$0x12];
	s30 =	simm.s32 $0x7080  }
0x15f: {  	[hbm4b:s19+s17] =	stream.strided.scatter [tilespmem:s30], [sflag:$0x7], $0xC80, s18, s17, $0x38;
	[tilespmem:$0x19000] =	vst v63  }
0x160: {  	s25 =	rddreg [dreg:$0x11];
	s20 =	sadd.s32 s7, s20;
	s30 =	simm.s32 $0x7D00  }
0x161: {  	[hbm4b:s20+s17] =	stream.strided.scatter [tilespmem:s30], [sflag:$0x7], $0xC80, s18, s17, $0x38;
	[tilespmem:$0x19000] =	vst v63  }
0x162: {  	s20 =	sadd.s32 s7, s25;
	s25 =	simm.s32 $0x8980  }
0x163: {  	[hbm4b:s20+s17] =	stream.strided.scatter [tilespmem:s25], [sflag:$0x7], $0xC80, s18, s17, $0x38;
	[tilespmem:$0x19000] =	vst v63  }
0x164: {  	_ =	swait.ge [sflag:s1], $0xC80  }
0x165: {  	[sflag:s1] =	ssyncset.done $0x0  }
0x166: {  	[sflag:s1] =	ssyncadd.s32 $0xFFFFF380  }
0x167: {  	_ =	swait.ge [sflag:s1], $0xC80  }
0x168: {  	[sflag:s1] =	ssyncset.done $0x0  }
0x169: {  	[sflag:s1] =	ssyncadd.s32 $0xFFFFF380  }
0x16a: {  	_ =	swait.ge [sflag:s1], $0xC80  }
0x16b: {  	[sflag:s1] =	ssyncset.done $0x0  }
0x16c: {  	[sflag:s1] =	ssyncadd.s32 $0xFFFFF380  }
0x16d: {  	_ =	swait.ge [sflag:s1], $0xC80  }
0x16e: {  	[sflag:s1] =	ssyncset.done $0x0  }
0x16f: {  	[sflag:s1] =	ssyncadd.s32 $0xFFFFF380  }
0x170: {  	[tilespmem:s22], [sflag:$0x6] =	stream.indirect.gather [hbm4b:s3+s10], $0x40, s6, s10, $0xb8;
	[tilespmem:$0x19000] =	vst v63  }
0x171: {  	_ =	swait.ge [sflag:s23], $0x3200  }
0x172: {  	p0 =	sne.s32 s4, $0x63C00;
	s4 =	sadd.s32 $0x5400, s4;
	[sflag:s23] =	ssyncset.done $0x0  }
0x173: {  	s9 =	sadd.s32 $0x6200, s9;
	s30 =	rddreg [dreg:$0x10];
	[sflag:s23] =	ssyncadd.s32 $0xFFFFCE00  }
0x174: {  	[hbm4b:s9+s17] =	stream.strided.scatter [tilespmem:s12], [sflag:$0x8], $0xC80, s18, s17, $0x38;
	[tilespmem:$0x19000] =	vst v63  }
.Ltmp0:
0x175: {  	s6 =	sadd.s32 $0x4B0, s6;
	s20 =	rddreg [dreg:$0xf];
	(pc) =	sbr.rel @p0 .LBB2_2-.Ltmp0, $4  }
0x176: {  	s19 =	rddreg [dreg:$0xe];
	s25 =	sadd.s32 s7, s30;
	s30 =	simm.s32 $0xA280  }
0x177: {  	[hbm4b:s25+s17] =	stream.strided.scatter [tilespmem:s30], [sflag:$0x8], $0xC80, s18, s17, $0x38;
	[tilespmem:$0x19000] =	vst v63  }
0x178: {  	s25 =	sadd.s32 s7, s20;
	s30 =	simm.s32 $0xAF00;
	s7 =	sadd.s32 s7, s19  }
0x179: {  	[hbm4b:s25+s17] =	stream.strided.scatter [tilespmem:s30], [sflag:$0x8], $0xC80, s18, s17, $0x38;
	[tilespmem:$0x19000] =	vst v63  }
0x17a: {  	s9 =	simm.s32 $0xBB80  }
0x17b: {  	[hbm4b:s7+s17] =	stream.strided.scatter [tilespmem:s9], [sflag:$0x8], $0xC80, s18, s17, $0x38;
	[tilespmem:$0x19000] =	vst v63  }
0x17c: {  	_ =	swait.ge [sflag:s28], $0xC80  }
0x17d: {  	[sflag:s28] =	ssyncset.done $0x0  }
0x17e: {  	[sflag:s28] =	ssyncadd.s32 $0xFFFFF380  }
0x17f: {  	_ =	swait.ge [sflag:s28], $0xC80  }
0x180: {  	[sflag:s28] =	ssyncset.done $0x0  }
0x181: {  	[sflag:s28] =	ssyncadd.s32 $0xFFFFF380  }
0x182: {  	_ =	swait.ge [sflag:s28], $0xC80  }
0x183: {  	[sflag:s28] =	ssyncset.done $0x0  }
0x184: {  	[sflag:s28] =	ssyncadd.s32 $0xFFFFF380  }
0x185: {  	_ =	swait.ge [sflag:s28], $0xC80  }
0x186: {  	[sflag:s28] =	ssyncset.done $0x0  }
0x187: {  	s4 =	simm.s32 $0x6270;
	[sflag:s28] =	ssyncadd.s32 $0xFFFFF380  }
0x188: {  	[tilespmem:s11], [sflag:$0x1] =	stream.indirect.gather [hbm4b:s3+s10], $0x40, s4, s10, $0xb8;
	[tilespmem:$0x19000] =	vst v63  }
0x189: {  	_ =	swait.ge [sflag:s29], $0x3200  }
0x18a: {  	[sflag:s29] =	ssyncset.done $0x0  }
0x18b: {  	s20 =	rddreg [dreg:$0x15];
	[sflag:s29] =	ssyncadd.s32 $0xFFFFCE00  }
0x18c: {  	[hbm4b:s20+s17] =	stream.strided.scatter [tilespmem:s13], [sflag:$0x9], $0xC80, s18, s17, $0x38;
	[tilespmem:$0x19000] =	vst v63  }
0x18d: {  	s6 =	simm.s32 $0xD480;
	s25 =	rddreg [dreg:$0x16]  }
0x18e: {  	[hbm4b:s25+s17] =	stream.strided.scatter [tilespmem:s6], [sflag:$0x9], $0xC80, s18, s17, $0x38;
	[tilespmem:$0x19000] =	vst v63  }
0x18f: {  	s30 =	simm.s32 $0xE100;
	s26 =	rddreg [dreg:$0x17]  }
0x190: {  	[hbm4b:s26+s17] =	stream.strided.scatter [tilespmem:s30], [sflag:$0x9], $0xC80, s18, s17, $0x38;
	[tilespmem:$0x19000] =	vst v63  }
0x191: {  	s19 =	simm.s32 $0xED80;
	s7 =	rddreg [dreg:$0x18]  }
0x192: {  	[hbm4b:s7+s17] =	stream.strided.scatter [tilespmem:s19], [sflag:$0x9], $0xC80, s18, s17, $0x38;
	[tilespmem:$0x19000] =	vst v63  }
0x193: {  	_ =	swait.ge [sflag:s0], $0xC80  }
0x194: {  	[sflag:s0] =	ssyncset.done $0x0  }
0x195: {  	[sflag:s0] =	ssyncadd.s32 $0xFFFFF380  }
0x196: {  	_ =	swait.ge [sflag:s0], $0xC80  }
0x197: {  	[sflag:s0] =	ssyncset.done $0x0  }
0x198: {  	[sflag:s0] =	ssyncadd.s32 $0xFFFFF380  }
0x199: {  	_ =	swait.ge [sflag:s0], $0xC80  }
0x19a: {  	[sflag:s0] =	ssyncset.done $0x0  }
0x19b: {  	[sflag:s0] =	ssyncadd.s32 $0xFFFFF380  }
0x19c: {  	_ =	swait.ge [sflag:s0], $0xC80  }
0x19d: {  	[sflag:s0] =	ssyncset.done $0x0  }
0x19e: {  	s20 =	simm.s32 $0x6338;
	[sflag:s0] =	ssyncadd.s32 $0xFFFFF380  }
0x19f: {  	[tilespmem:s12], [sflag:$0x2] =	stream.indirect.gather [hbm4b:s3+s10], $0x40, s20, s10, $0xb8;
	[tilespmem:$0x19000] =	vst v63  }
0x1a0: {  	_ =	swait.ge [sflag:s2], $0x3200  }
0x1a1: {  	[sflag:s2] =	ssyncset.done $0x0  }
0x1a2: {  	s25 =	rddreg [dreg:$0x19];
	[sflag:s2] =	ssyncadd.s32 $0xFFFFCE00  }
0x1a3: {  	[hbm4b:s25+s17] =	stream.strided.scatter [tilespmem:s14], [sflag:$0xA], $0xC80, s18, s17, $0x38;
	[tilespmem:$0x19000] =	vst v63  }
0x1a4: {  	s30 =	simm.s32 $0x10680;
	s26 =	rddreg [dreg:$0x1a]  }
0x1a5: {  	[hbm4b:s26+s17] =	stream.strided.scatter [tilespmem:s30], [sflag:$0xA], $0xC80, s18, s17, $0x38;
	[tilespmem:$0x19000] =	vst v63  }
0x1a6: {  	s7 =	simm.s32 $0x11300;
	s6 =	rddreg [dreg:$0x1b]  }
0x1a7: {  	[hbm4b:s6+s17] =	stream.strided.scatter [tilespmem:s7], [sflag:$0xA], $0xC80, s18, s17, $0x38;
	[tilespmem:$0x19000] =	vst v63  }
0x1a8: {  	s20 =	simm.s32 $0x11F80;
	s19 =	rddreg [dreg:$0x1c]  }
0x1a9: {  	[hbm4b:s19+s17] =	stream.strided.scatter [tilespmem:s20], [sflag:$0xA], $0xC80, s18, s17, $0x38;
	[tilespmem:$0x19000] =	vst v63  }
0x1aa: {  	_ =	swait.ge [sflag:s8], $0xC80  }
0x1ab: {  	[sflag:s8] =	ssyncset.done $0x0  }
0x1ac: {  	[sflag:s8] =	ssyncadd.s32 $0xFFFFF380  }
0x1ad: {  	_ =	swait.ge [sflag:s8], $0xC80  }
0x1ae: {  	[sflag:s8] =	ssyncset.done $0x0  }
0x1af: {  	[sflag:s8] =	ssyncadd.s32 $0xFFFFF380  }
0x1b0: {  	_ =	swait.ge [sflag:s8], $0xC80  }
0x1b1: {  	[sflag:s8] =	ssyncset.done $0x0  }
0x1b2: {  	[sflag:s8] =	ssyncadd.s32 $0xFFFFF380  }
0x1b3: {  	_ =	swait.ge [sflag:s8], $0xC80  }
0x1b4: {  	[sflag:s8] =	ssyncset.done $0x0  }
0x1b5: {  	[sflag:s8] =	ssyncadd.s32 $0xFFFFF380  }
0x1b6: {  	_ =	swait.ge [sflag:s5], $0x3200  }
0x1b7: {  	[sflag:s5] =	ssyncset.done $0x0;
	s25 =	rddreg [dreg:$0x1d]  }
0x1b8: {  	s26 =	rddreg [dreg:$0x1e];
	[sflag:s5] =	ssyncadd.s32 $0xFFFFCE00  }
0x1b9: {  	[hbm4b:s25+s17] =	stream.strided.scatter [tilespmem:s15], [sflag:$0xB], $0xC80, s18, s17, $0x38;
	[tilespmem:$0x19000] =	vst v63  }
0x1ba: {  	s30 =	simm.s32 $0x13880;
	s6 =	rddreg [dreg:$0x1f]  }
0x1bb: {  	[hbm4b:s26+s17] =	stream.strided.scatter [tilespmem:s30], [sflag:$0xB], $0xC80, s18, s17, $0x38;
	[tilespmem:$0x19000] =	vst v63  }
0x1bc: {  	s7 =	simm.s32 $0x14500;
	s19 =	sld [smem:$0x7E9]  }
0x1bd: {  	[hbm4b:s6+s17] =	stream.strided.scatter [tilespmem:s7], [sflag:$0xB], $0xC80, s18, s17, $0x38;
	[tilespmem:$0x19000] =	vst v63  }
0x1be: {  	s20 =	simm.s32 $0x15180  }
0x1bf: {  	[hbm4b:s19+s17] =	stream.strided.scatter [tilespmem:s20], [sflag:$0xB], $0xC80, s18, s17, $0x38;
	[tilespmem:$0x19000] =	vst v63  }
0x1c0: {  	_ =	swait.ge [sflag:s21], $0xC80  }
0x1c1: {  	[sflag:s21] =	ssyncset.done $0x0  }
0x1c2: {  	[sflag:s21] =	ssyncadd.s32 $0xFFFFF380  }
0x1c3: {  	_ =	swait.ge [sflag:s21], $0xC80  }
0x1c4: {  	[sflag:s21] =	ssyncset.done $0x0  }
0x1c5: {  	[sflag:s21] =	ssyncadd.s32 $0xFFFFF380  }
0x1c6: {  	_ =	swait.ge [sflag:s21], $0xC80  }
0x1c7: {  	[sflag:s21] =	ssyncset.done $0x0  }
0x1c8: {  	[sflag:s21] =	ssyncadd.s32 $0xFFFFF380  }
0x1c9: {  	_ =	swait.ge [sflag:s21], $0xC80  }
0x1ca: {  	[sflag:s21] =	ssyncset.done $0x0  }
0x1cb: {  	[sflag:s21] =	ssyncadd.s32 $0xFFFFF380  }
0x1cc: {  	_ =	swait.ge [sflag:s24], $0x3200  }
0x1cd: {  	s25 =	sld [smem:$0x7EA]  }
0x1ce: {  	[sflag:s24] =	ssyncset.done $0x0  }
0x1cf: {  	s26 =	sld [smem:$0x7EB];
	[sflag:s24] =	ssyncadd.s32 $0xFFFFCE00  }
0x1d0: {  	[hbm4b:s25+s17] =	stream.strided.scatter [tilespmem:s22], [sflag:$0xC], $0xC80, s18, s17, $0x38;
	[tilespmem:$0x19000] =	vst v63  }
0x1d1: {  	s30 =	simm.s32 $0x16A80;
	s6 =	sld [smem:$0x7EC]  }
0x1d2: {  	[hbm4b:s26+s17] =	stream.strided.scatter [tilespmem:s30], [sflag:$0xC], $0xC80, s18, s17, $0x38;
	[tilespmem:$0x19000] =	vst v63  }
0x1d3: {  	s7 =	simm.s32 $0x17700;
	s19 =	sld [smem:$0x7ED]  }
0x1d4: {  	[hbm4b:s6+s17] =	stream.strided.scatter [tilespmem:s7], [sflag:$0xC], $0xC80, s18, s17, $0x38;
	[tilespmem:$0x19000] =	vst v63  }
0x1d5: {  	s20 =	simm.s32 $0x18380  }
0x1d6: {  	[hbm4b:s19+s17] =	stream.strided.scatter [tilespmem:s20], [sflag:$0xC], $0xC80, s18, s17, $0x38;
	[tilespmem:$0x19000] =	vst v63  }
0x1d7: {  	_ =	swait.ge [sflag:s31], $0xC80  }
0x1d8: {  	[sflag:s31] =	ssyncset.done $0x0  }
0x1d9: {  	[sflag:s31] =	ssyncadd.s32 $0xFFFFF380  }
0x1da: {  	_ =	swait.ge [sflag:s31], $0xC80  }
0x1db: {  	[sflag:s31] =	ssyncset.done $0x0  }
0x1dc: {  	[sflag:s31] =	ssyncadd.s32 $0xFFFFF380  }
0x1dd: {  	_ =	swait.ge [sflag:s31], $0xC80  }
0x1de: {  	[sflag:s31] =	ssyncset.done $0x0  }
0x1df: {  	[sflag:s31] =	ssyncadd.s32 $0xFFFFF380  }
0x1e0: {  	_ =	swait.ge [sflag:s31], $0xC80  }
0x1e1: {  	[sflag:s31] =	ssyncset.done $0x0  }
0x1e2: {  	[sflag:s31] =	ssyncadd.s32 $0xFFFFF380  }
0x1e3: {  	_ =	swait.ge [sflag:s16], $0x3200  }
0x1e4: {  	s25 =	sld [smem:$0x7EE]  }
0x1e5: {  	[sflag:s16] =	ssyncset.done $0x0  }
0x1e6: {  	s26 =	sld [smem:$0x7EF];
	[sflag:s16] =	ssyncadd.s32 $0xFFFFCE00  }
0x1e7: {  	[hbm4b:s25+s17] =	stream.strided.scatter [tilespmem:s11], [sflag:$0x7], $0xC80, s18, s17, $0x38;
	[tilespmem:$0x19000] =	vst v63  }
0x1e8: {  	s30 =	simm.s32 $0x7080;
	s6 =	sld [smem:$0x7F0]  }
0x1e9: {  	[hbm4b:s26+s17] =	stream.strided.scatter [tilespmem:s30], [sflag:$0x7], $0xC80, s18, s17, $0x38;
	[tilespmem:$0x19000] =	vst v63  }
0x1ea: {  	s7 =	simm.s32 $0x7D00;
	s19 =	sld [smem:$0x7F1]  }
0x1eb: {  	[hbm4b:s6+s17] =	stream.strided.scatter [tilespmem:s7], [sflag:$0x7], $0xC80, s18, s17, $0x38;
	[tilespmem:$0x19000] =	vst v63  }
0x1ec: {  	s20 =	simm.s32 $0x8980  }
0x1ed: {  	[hbm4b:s19+s17] =	stream.strided.scatter [tilespmem:s20], [sflag:$0x7], $0xC80, s18, s17, $0x38;
	[tilespmem:$0x19000] =	vst v63  }
0x1ee: {  	_ =	swait.ge [sflag:s1], $0xC80  }
0x1ef: {  	[sflag:s1] =	ssyncset.done $0x0  }
0x1f0: {  	[sflag:s1] =	ssyncadd.s32 $0xFFFFF380  }
0x1f1: {  	_ =	swait.ge [sflag:s1], $0xC80  }
0x1f2: {  	[sflag:s1] =	ssyncset.done $0x0  }
0x1f3: {  	[sflag:s1] =	ssyncadd.s32 $0xFFFFF380  }
0x1f4: {  	_ =	swait.ge [sflag:s1], $0xC80  }
0x1f5: {  	[sflag:s1] =	ssyncset.done $0x0  }
0x1f6: {  	[sflag:s1] =	ssyncadd.s32 $0xFFFFF380  }
0x1f7: {  	_ =	swait.ge [sflag:s1], $0xC80  }
0x1f8: {  	[sflag:s1] =	ssyncset.done $0x0  }
0x1f9: {  	[sflag:s1] =	ssyncadd.s32 $0xFFFFF380  }
0x1fa: {  	_ =	swait.ge [sflag:s23], $0x3200  }
0x1fb: {  	s25 =	sld [smem:$0x7F2]  }
0x1fc: {  	[sflag:s23] =	ssyncset.done $0x0  }
0x1fd: {  	s26 =	sld [smem:$0x7F3];
	[sflag:s23] =	ssyncadd.s32 $0xFFFFCE00  }
0x1fe: {  	[hbm4b:s25+s17] =	stream.strided.scatter [tilespmem:s12], [sflag:$0x8], $0xC80, s18, s17, $0x38;
	[tilespmem:$0x19000] =	vst v63  }
0x1ff: {  	s30 =	simm.s32 $0xA280;
	s7 =	sld [smem:$0x7F4]  }
0x200: {  	[hbm4b:s26+s17] =	stream.strided.scatter [tilespmem:s30], [sflag:$0x8], $0xC80, s18, s17, $0x38;
	[tilespmem:$0x19000] =	vst v63  }
0x201: {  	s19 =	simm.s32 $0xAF00;
	s20 =	sld [smem:$0x7F5]  }
0x202: {  	[hbm4b:s7+s17] =	stream.strided.scatter [tilespmem:s19], [sflag:$0x8], $0xC80, s18, s17, $0x38;
	[tilespmem:$0x19000] =	vst v63  }
0x203: {  	_ = 	snop  }
0x204: {  	[hbm4b:s20+s17] =	stream.strided.scatter [tilespmem:s9], [sflag:$0x8], $0xC80, s18, s17, $0x38;
	[tilespmem:$0x19000] =	vst v63  }
0x205: {  	_ =	swait.ge [sflag:s28], $0xC80  }
0x206: {  	[sflag:s28] =	ssyncset.done $0x0  }
0x207: {  	[sflag:s28] =	ssyncadd.s32 $0xFFFFF380  }
0x208: {  	_ =	swait.ge [sflag:s28], $0xC80  }
0x209: {  	[sflag:s28] =	ssyncset.done $0x0  }
0x20a: {  	[sflag:s28] =	ssyncadd.s32 $0xFFFFF380  }
0x20b: {  	_ =	swait.ge [sflag:s28], $0xC80  }
0x20c: {  	[sflag:s28] =	ssyncset.done $0x0  }
0x20d: {  	[sflag:s28] =	ssyncadd.s32 $0xFFFFF380  }
0x20e: {  	_ =	swait.ge [sflag:s28], $0xC80  }
0x20f: {  	[sflag:s28] =	ssyncset.done $0x0  }
0x210: {  	[sflag:s28] =	ssyncadd.s32 $0xFFFFF380  }
0x211: {  	_ =	swait.ge [sflag:s0], $0xC80  }
0x212: {  	[sflag:s0] =	ssyncset.done $0x0  }
0x213: {  	[sflag:s0] =	ssyncadd.s32 $0xFFFFF380  }
0x214: {  	_ =	swait.ge [sflag:s0], $0xC80  }
0x215: {  	[sflag:s0] =	ssyncset.done $0x0  }
0x216: {  	[sflag:s0] =	ssyncadd.s32 $0xFFFFF380  }
0x217: {  	_ =	swait.ge [sflag:s0], $0xC80  }
0x218: {  	[sflag:s0] =	ssyncset.done $0x0  }
0x219: {  	[sflag:s0] =	ssyncadd.s32 $0xFFFFF380  }
0x21a: {  	_ =	swait.ge [sflag:s0], $0xC80  }
0x21b: {  	s25 =	sld [smem:$0x7E8]  }
0x21c: {  	s30 =	sld [smem:$0x7F6];
	_ =	sdelay $0x1  }
0x21d: {  	s6 =	sadd.s32 $0x1, s25  }
0x21e: {  	p0 =	sne.s32 s6, s30  }
.Ltmp1:
0x21f: {  	_ = 	snop;
	(pc) =	sbr.rel @p0 .LBB2_1-.Ltmp1, $3  }
0x220: {  	_ =	sdelay $0x1  }
0x221: {  	[sflag:s0] =	ssyncset.done $0x0  }
0x222: {  	s26 =	simm.s32 $0xBB80;
	[sflag:s0] =	ssyncadd.s32 $0xFFFFF380  }
0x223: {  	_ =	sfence.sel $0x180000  }
0x224: {  	[bflag:$0x0] =	sbarrier.arrive $0xFFFF  }
0x225: {  	_ =	strace $0x90000047  }
0x226: {  	s0 =	stileid.u32;
	[bflag:$0x2] =	sbarrier.arrive $0xFFFF  }
0x227: {  	p0 =	sne.s32 s0, $0x0;
	s0 =	rddreg [dreg:$0x2]  }
0x228: {  	s0 =	sadd.s32 @!p0 $0x100000, s0  }
0x229: {  	[sflag:s0] =	ssyncadd.tile.s32 @!p0 $0x1;
	_ =	shalt  }
.Lfunc_end2:
_tile_overlayer_lowered:
.L_overlay_start_2:
0x22a: {  	(tag) =	ssettag $0x2  }
0x22b: {  	s0 =	rddreg [dreg:$0x0];
	s2 =	stileid.u32  }
0x22c: {  	s1 =	rddreg [dreg:$0x1];
	p0 =	sne.s32 s2, $0x0  }
0x22d: {  	s3 =	rddreg [dreg:$0x2];
	[bflag:$0x3] =	sbarrier.arrive $0xFFFF;
	s2 =	simm.s32 @!p0 $0x1C0D  }
0x22e: {  	[timem:s3], [sflag:s2] =	dma.local @!p0 [hbm:s0], s1  }
0x22f: {  	s0 =	simm.s32 @!p0 $0xD  }
0x230: {  	_ =	swait.ge @!p0 [sflag:s0], s1  }
0x231: {  	s1 =	ssub.s32 @!p0 $0x0, s1;
	[sflag:s0] =	ssyncset.done @!p0 $0x0  }
0x232: {  	[sflag:s0] =	ssyncadd.s32 @!p0 s1  }
0x233: {  	[bflag:$0x3] =	sbarrier.arrive $0xFFFF  }
0x234: {  	_ =	shalt  }

// kernel: sparse-core-data-format-call.cloned.1.call-start
scs
called_computation_lowered:
.L_overlay_start_0:
0x0: {  	s2 =	sld [smem:$0x3FD9]  }
0x1: {  	s3 =	sld [smem:$0x3FFE];
	_ =	sdelay $0x1  }
0x2: {  	s1 =	srdreg.scid  }
0x3: {  	s0 =	sand.u32 $0x1, s1  }
0x4: {  	s18 =	sshll.u32 s0, $0xA;
	s2 =	sadd.s32 s3, s2  }
0x5: {  	s2 =	sadd.s32 s2, s18  }
0x6: {  	[smem:$0x3FC6] =	sst s2  }
0x7: {  	_ = 	snop  }
0x8: {  	s2 =	sld [smem:$0x3FD0];
	(tm) =	ssettm $0x1  }
0x9: {  	s19 =	sld [smem:$0x3FFB];
	_ =	sdelay $0x3  }
0xa: {  	_ =	strace s19  }
0xb: {  	s3 =	sld [smem:$0x3FFC];
	_ =	sdelay $0x3  }
0xc: {  	_ =	strace s3  }
0xd: {  	s3 =	sld [smem:$0x3FFD];
	_ =	sdelay $0x3  }
0xe: {  	_ =	strace s3  }
0xf: {  	_ =	strace $0x8FFFFFFF  }
0x10: {  	s20 =	sld [smem:$0x3FDB];
	_ =	sdelay $0x1  }
0x11: {  	s4 =	simm.s32 $_scs_section_size  }
0x12: {  	s5 =	simm.s32 $_size__tile_overlayer_lowered;
	s6 =	simm.s32 $_tile_overlayer_lowered  }
0x13: {  	s23 =	simm.s32 $0x1BFF;
	s22 =	sshll.u32 s6, $0x1;
	s3 =	sadd.s32 s4, s20  }
0x14: {  	s7 =	simm.s32 $0x0;
	s21 =	sshll.u32 s5, $0x1;
	s5 =	sadd.s32 s22, s3  }
0x15: {  	[timem:s7], [sflag:s23] =	dma.local [hbm:s5], s21  }
0x16: {  	_ =	swait.ge [sflag:s23], s21  }
0x17: {  	s4 =	ssub.s32 $0x0, s21;
	[sflag:s23] =	ssyncset.done $0x0  }
0x18: {  	[sflag:s23] =	ssyncadd.s32 s4;
	_ =	sdelay $0x1  }
0x19: {  	s24 =	simm.s32 $0x1B8B  }
0x1a: {  	_ =	swait.ge [sflag:s24], $0x1  }
0x1b: {  	[sflag:s24] =	ssyncset.done $0x0  }
0x1c: {  	s26 =	simm.s32 $0x1B8E;
	s25 =	sld [smem:$0x3FFE];
	[sflag:s24] =	ssyncadd.s32 $0xFFFFFFFF  }
0x1d: {  	s27 =	simm.s32 $execute0_lowered;
	[smem:$0x3FD2] =	sst s26  }
0x1e: {  	s5 =	sshll.u32 s27, $0x1;
	_ =	strace $0x80000049;
	[dreg:$0x1] =	wrdreg $0xFFFFFFFF  }
0x1f: {  	s28 =	simm.s32 $_size_execute0_lowered;
	s3 =	sadd.s32 s3, s5;
	[dreg:$0x0] =	wrdreg $0x0  }
0x20: {  	s5 =	sshll.u32 s28, $0x1;
	[dreg:$0x2] =	wrdreg s3  }
0x21: {  	[dreg:$0x3] =	wrdreg s5  }
0x22: {  	[dreg:$0x4] =	wrdreg $0xC0  }
0x23: {  	_ =	task [dreg:s7], $0x5FFFF  }
0x24: {  	[dreg:$0x1] =	wrdreg $0xFFFFFFFF  }
0x25: {  	[dreg:$0x0] =	wrdreg $0x60  }
0x26: {  	[dreg:$0x2] =	wrdreg s25  }
0x27: {  	[dreg:$0x3] =	wrdreg s2  }
0x28: {  	[dreg:$0x4] =	wrdreg $0x9  }
0x29: {  	_ =	task.clear_ibuf [dreg:s7], $0x5FFFF;
	_ =	strace $0x90000049  }
0x2a: {  	s29 =	simm.s32 $0x9;
	_ =	strace $0x8000004B  }
0x2b: {  	_ =	swait.ge [sflag:s29], $0x1  }
0x2c: {  	[sflag:s29] =	ssyncadd.s32 $0xFFFFFFFF  }
0x2d: {  	_ =	strace $0x9000004B  }
0x2e: {  	_ =	sfence  }
0x2f: {  	s30 =	sld [smem:$0x0];
	_ =	sdelay $0x2  }
0x30: {  	s31 =	sshll.u32 s1, $0xD;
	s1 =	sshrl.u32 s1, $0x2  }
0x31: {  	s3 =	sand.u32 $0x4000, s31;
	s1 =	sadd.s32 s1, s30  }
0x32: {  	s0 =	sor.u32 s3, s0;
	s1 =	sshll.u32 s1, $0x11  }
0x33: {  	s0 =	sor.u32 s1, s0  }
0x34: {  	s0 =	sadd.s32 $0x8F2B, s0  }
0x35: {  	[sflag:s0] =	ssyncadd.remote.s32 $0x1  }
0x36: {  	_ =	sfence.sel $0xFFFF  }
0x37: {  	[dreg:$0x0] =	wrdreg $0xFFFFFFFF;
	(pc) =	sbr.abs _section_cstart, $3  }
0x38: {  	[dreg:$0x1] =	wrdreg $0xFFFFFFFF  }
0x39: {  	_ =	task.clear_ibuf [dreg:s7], $0x2FFFF;
	_ =	strace $0x9FFFFFFF  }
0x3a: {  	(tm) =	ssettm $0x7FFFFFFF  }
0x3b: {  	_ =	shalt  }
tec
execute0_lowered:
.L_overlay_start_1:
0x0: {  	(tag) =	ssettag $0x1  }
0x1: {  	s0 =	srdreg.scid  }
0x2: {  	s1 =	sshll.u32 s0, $0x4  }
0x3: {  	s0 =	stileid.u32;
	s1 =	sand.u32 $0x10, s1  }
0x4: {  	s1 =	sor.u32 s0, s1  }
0x5: {  	s6 =	rddreg [dreg:$0x0];
	s4 =	simm.s32 $0x1;
	s2 =	sshll.u32 s1, $0x7  }
0x6: {  	s7 =	simm.s32 $0x2;
	s12 =	simm.s32 $0x0;
	s1 =	ssub.s32 $0x4000, s2  }
0x7: {  	s8 =	simm.s32 $0x20000;
	s13 =	simm.s32 $0x0;
	s3 =	sand.u32 $0xF80, s1  }
0x8: {  	s9 =	simm.s32 $0x0;
	s5 =	sshrl.u32 s1, $0xC;
	p0 =	sne.s32 s3, $0x0  }
.Ltmp0:
0x9: {  	s1 =	rddreg [dreg:$0x2];
	s4 =	simm.s32 @!p0 $0x0;
	(pc) =	sbr.rel .LBB1_1-.Ltmp0, $4  }
0xa: {  	s11 =	simm.s32 $0x0;
	s3 =	rddreg [dreg:$0x1];
	s5 =	sadd.s32 s4, s5  }
0xb: {  	_ =	strace $0x8000004A;
	s4 =	simm.s32 $0x1;
	s5 =	smul.u32 $0x32, s5  }
0xc: {  	s6 =	sadd.s32 $0xA00, s6;
	s10 =	smov.u32 s2;
	[sflag:s4] =	ssyncpa.u1 $0x0  }
0xd: {  	p0 =	por $0x0, $0x0;
	[sflag:s7] =	ssyncpa.u1 $0x0;
	s7 =	sor.u32 $0x1, s5  }
.LBB1_4:
0xe: {  	s16 =	sshll.u32 s13, $0x3;
	s17 =	sand.u32 $0x78, s13  }
0xf: {  	s30 =	sand.u32 $0x1F800, s13;
	s12 =	sshll.u32 s12, $0x11;
	s16 =	sand.u32 $0x3C00, s16  }
0x10: {  	[tilespmem:s15+$0x810 ss:$0x81] =	vst.msk $0xffff, v2;
	s31 =	sand.u32 $0x7, s13;
	s16 =	sor.u32 s17, s16;
	s17 =	sadd.s32 s3, s30  }
0x11: {  	[tilespmem:s15+$0x1020 ss:$0x81] =	vst.msk $0xffff, v0;
	s13 =	sshll.u32 s31, $0x12;
	s12 =	sadd.s32 s12, s17;
	s16 =	sshrl.u32 s16, $0x3  }
0x12: {  	[tilespmem:s15+$0x0 ss:$0x81] =	vst.msk $0xffff, v1;
	s13 =	sor.u32 $0x400, s13;
	s12 =	sadd.s32 s16, s12  }
0x13: {  	[hbm4b:s12+s13] =	stream.strided.scatter [tilespmem:s14], [sflag:$0x2], $0x2000, s8, s13, $0x20;
	[tilespmem:$0x8080] =	vst v63  }
.LBB1_5:
0x14: {  	s14 =	sadd.s32 $0x1, s9  }
0x15: {  	s12 =	sadd.s32 $0x1000, s10;
	s16 =	smov.u32 s10;
	p2 =	sgt.s32 s14, $0x31  }
0x16: {  	s16 =	smov.u32 @p2 s12  }
0x17: {  	s14 =	simm.s32 @p2 $0x0;
	p2 =	sgt.s32 s16, $0x3FFF  }
0x18: {  	s16 =	smov.u32 @p2 s2;
	p2 =	sne.s32 s11, s7  }
.Ltmp1:
0x19: {  	p1 =	slt.u32 s11, $0x2;
	(pc) =	sbr.rel @!p2 .LBB1_6-.Ltmp1, $4  }
0x1a: {  	s15 =	simm.s32 @!p1 $0x2  }
0x1b: {  	s13 =	smov.u32 s10;
	p0 =	por !p0, !p0;
	_ =	swait.ge @!p1 [sflag:s15], $0x2000  }
0x1c: {  	s12 =	smov.u32 s9;
	[sflag:s15] =	ssyncset.done @!p1 $0x0;
	s9 =	smov.u32 s14  }
0x1d: {  	s11 =	sadd.s32 $0x1, s11;
	[sflag:s15] =	ssyncadd.s32 @!p1 $0xFFFFE000;
	s10 =	smov.u32 s16  }
.LBB1_1:
0x1e: {  	p1 =	sge.u32 s11, s5  }
0x1f: {  	s14 =	sand.u32 @!p1 $0x1FFFFFF, s9  }
0x20: {  	s15 =	smulhi.u32 @!p1 $0x4924925, s14;
	_ =	sdelay $0x1  }
0x21: {  	s15 =	smul.u32 @!p1 $0x38, s15  }
0x22: {  	s16 =	sxor.u32 @!p1 $0xFFFFFFFF, s11;
	s17 =	smul.u32 @!p1 $0x380, s10  }
0x23: {  	s31 =	sadd.s32 $0xFFFFFFFF, s11;
	s16 =	sshll.u32 @!p1 s16, $0xD;
	s14 =	ssub.s32 @!p1 s14, s15  }
0x24: {  	s15 =	sand.u32 @!p1 $0x2000, s16;
	s16 =	sadd.s32 @!p1 s6, s17;
	s14 =	sshll.u32 @!p1 s14, $0x4  }
0x25: {  	s17 =	simm.s32 @!p1 $0x1C00;
	s14 =	sadd.s32 @!p1 s14, s16;
	s16 =	simm.s32 @!p1 $0x40  }
0x26: {  	[tilespmem:s15], [sflag:$0x1] =	stream.strided.gather @!p1 [hbm4b:s14+s16], $0x2000, s17, s16, $0x38;
	[tilespmem:$0x8080] =	vst v63  }
0x27: {  	p1 =	sge.u32 s31, s5  }
.Ltmp2:
0x28: {  	_ = 	snop;
	(pc) =	sbr.rel @p1 .LBB1_5-.Ltmp2, $1  }
0x29: {  	_ =	sdelay $0x3  }
0x2a: {  	s14 =	simm.s32 $0x1  }
0x2b: {  	_ =	swait.ge [sflag:s4], $0x2000;
	s14 =	simm.s32 @!p0 $0x0  }
0x2c: {  	[sflag:s4] =	ssyncset.done $0x0;
	s15 =	sshll.u32 s14, $0xD  }
0x2d: {  	[sflag:s4] =	ssyncadd.s32 $0xFFFFE000;
	s18 =	sor.u32 $0x20, s15  }
0x2e: {  	s14 =	smul.u32 $0x8100, s14;
	v3 =	vld [tilespmem:s18+$0x10]  }
0x2f: {  	s30 =	sand.u32 $0x1, s11;
	v2 =	vld [tilespmem:s18+$0xFFFFFFF0]  }
0x30: {  	s15 =	smul.u32 $0x8100, s30;
	s14 =	sshrl.u32 s14, $0x2;
	v0 =	vld [tilespmem:s18+$0x0]  }
0x31: {  	v1 =	vld [tilespmem:s18+$0xFFFFFFE0];
	s16 =	sor.u32 $0x4000, s14  }
0x32: {  	s31 =	sshrl.u32 s15, $0x2;
	s15 =	sadd.s32 $0x0, s16  }
0x33: {  	s17 =	simm.s32 $0x4;
	s18 =	sadd.s32 $0x40, s18;
	s14 =	sor.u32 $0x4000, s31;
	[tilespmem:s15+$0x1830 ss:$0x81] =	vst.msk $0xffff, v3  }
.LBB1_3:
0x34: {  	v3 =	vld [tilespmem:s18+$0x10];
	p1 =	sne.s32 s17, $0x1FC;
	[tilespmem:s15+$0x810 ss:$0x81] =	vst.msk $0xffff, v2;
	s19 =	smov.u32 s17;
	s17 =	sadd.s32 $0x4, s17  }
.Ltmp3:
0x35: {  	v2 =	vld [tilespmem:s18+$0xFFFFFFF0];
	[tilespmem:s15+$0x1020 ss:$0x81] =	vst.msk $0xffff, v0;
	(pc) =	sbr.rel @p1 .LBB1_3-.Ltmp3, $4  }
0x36: {  	v0 =	vld [tilespmem:s18+$0x0];
	[tilespmem:s15+$0x0 ss:$0x81] =	vst.msk $0xffff, v1  }
0x37: {  	s15 =	sshra.s32 s19, $0x2;
	v1 =	vld [tilespmem:s18+$0xFFFFFFE0]  }
0x38: {  	s15 =	sadd.s32 s15, s16  }
0x39: {  	s18 =	sadd.s32 $0x40, s18;
	[tilespmem:s15+$0x1830 ss:$0x81] =	vst.msk $0xffff, v3  }
.Ltmp4:
0x3a: {  	_ = 	snop;
	(pc) =	sbr.rel .LBB1_4-.Ltmp4, $1  }
0x3b: {  	_ =	sdelay $0x3  }
.LBB1_6:
0x3c: {  	_ =	sfence.sel $0x180000  }
0x3d: {  	s2 =	simm.s32 $0x1;
	[bflag:$0x0] =	sbarrier.arrive $0xFFFF  }
0x3e: {  	s31 =	simm.s32 $0x2;
	[sflag:s2] =	ssyncpa.u1 $0x1  }
0x3f: {  	[sflag:s31] =	ssyncpa.u1 $0x1  }
0x40: {  	p0 =	sne.s32 s0, $0x0;
	_ =	strace $0x9000004A  }
0x41: {  	s0 =	sadd.s32 @!p0 $0x100000, s1;
	[bflag:$0x2] =	sbarrier.arrive $0xFFFF  }
0x42: {  	[sflag:s0] =	ssyncadd.tile.s32 @!p0 $0x1;
	_ =	shalt  }
.Lfunc_end1:
_tile_overlayer_lowered:
.L_overlay_start_2:
0x43: {  	(tag) =	ssettag $0x2  }
0x44: {  	s0 =	rddreg [dreg:$0x0];
	s2 =	stileid.u32  }
0x45: {  	s1 =	rddreg [dreg:$0x1];
	p0 =	sne.s32 s2, $0x0  }
0x46: {  	s3 =	rddreg [dreg:$0x2];
	[bflag:$0x3] =	sbarrier.arrive $0xFFFF;
	s2 =	simm.s32 @!p0 $0x1C01  }
0x47: {  	[timem:s3], [sflag:s2] =	dma.local @!p0 [hbm:s0], s1  }
0x48: {  	s0 =	simm.s32 @!p0 $0x1  }
0x49: {  	_ =	swait.ge @!p0 [sflag:s0], s1  }
0x4a: {  	s1 =	ssub.s32 @!p0 $0x0, s1;
	[sflag:s0] =	ssyncset.done @!p0 $0x0  }
0x4b: {  	[sflag:s0] =	ssyncadd.s32 @!p0 s1  }
0x4c: {  	[bflag:$0x3] =	sbarrier.arrive $0xFFFF  }
0x4d: {  	_ =	shalt  }

</sc_bundles>
